<compile_context>
chip_gen: v7x
topology: tpu7x:2x2x1
jax: 0.10.2.dev20260603
libtpu: 0.0.44.dev20260713+nightly
codegen_flags: <defaults>
</compile_context>

<pallas_src>
import functools

import jax
import jax.numpy as jnp
from jax import lax
from jax.experimental import pallas as pl
from jax.experimental.pallas import tpu as pltpu
from jax.experimental.pallas import tpu_sc as plsc

_NC = 2
_NS = 16
_NW = _NC * _NS
_LANES = 16

def _sc_mesh():
    return plsc.VectorSubcoreMesh(core_axis_name="c", subcore_axis_name="s",
                                  num_cores=_NC, num_subcores=_NS)


def _nwriters(n: int) -> int:
    nw = _NS
    while n % nw or (n // nw) % 8:
        nw -= 1
    return nw


def _pick_chunk(per_worker: int) -> int:
    for ec in range(128, 0, -8):
        if per_worker % ec == 0:
            return ec
    raise ValueError(per_worker)


@functools.lru_cache(maxsize=None)
def _build_segsum(n: int, d: int, e: int, interpret: bool = False):
    assert e % _NW == 0
    ew = e // _NW
    ec = _pick_chunk(ew)
    nchunks = ew // ec
    nwriters = _nwriters(n)
    rows_per_writer = n // nwriters

    def body(y_hbm, src_hbm, dst_hbm, zrows_hbm, zdeg_hbm, part_hbm, degp_hbm,
             sidx, didx, rows, ones, agg_sh, deg_sh, sem):
        c = lax.axis_index("c")
        s = lax.axis_index("s")
        w = s * _NC + c
        for j in range(ec // _LANES):
            ones[pl.ds(j * _LANES, _LANES)] = jnp.full((_LANES,), 1.0, jnp.float32)
        @pl.when(s < nwriters)
        def _():
            off = pl.multiple_of(s * rows_per_writer, 8)
            pltpu.sync_copy(zrows_hbm, agg_sh.at[pl.ds(off, rows_per_writer)])

        @pl.when(s == 0)
        def _():
            pltpu.sync_copy(zdeg_hbm, deg_sh)

        plsc.subcore_barrier()

        def chunk(i, carry):
            base = pl.multiple_of(w * ew + i * ec, 8)
            pltpu.sync_copy(src_hbm.at[pl.ds(base, ec)], sidx)
            pltpu.async_copy(y_hbm.at[sidx], rows, sem).wait()
            pltpu.sync_copy(dst_hbm.at[pl.ds(base, ec)], didx)
            pltpu.sync_copy(rows, agg_sh.at[didx], add=True)
            pltpu.sync_copy(ones, deg_sh.at[didx], add=True)
            return carry

        lax.fori_loop(0, nchunks, chunk, 0)
        plsc.subcore_barrier()

        @pl.when(s < nwriters)
        def _():
            off = pl.multiple_of(s * rows_per_writer, 8)
            pltpu.sync_copy(agg_sh.at[pl.ds(off, rows_per_writer)],
                            part_hbm.at[c, pl.ds(off, rows_per_writer)])

        @pl.when(s == 0)
        def _():
            pltpu.sync_copy(deg_sh, degp_hbm.at[c])

    return pl.kernel(
        body,
        out_type=(jax.ShapeDtypeStruct((_NC, n, d), jnp.float32),
                  jax.ShapeDtypeStruct((_NC, n), jnp.float32)),
        mesh=_sc_mesh(),
        scratch_types=[
            pltpu.VMEM((ec,), jnp.int32),
            pltpu.VMEM((ec,), jnp.int32),
            pltpu.VMEM((ec, d), jnp.float32),
            pltpu.VMEM((ec,), jnp.float32),
            pltpu.VMEM_SHARED((n, d), jnp.float32),
            pltpu.VMEM_SHARED((n,), jnp.float32),
            pltpu.SemaphoreType.DMA,
        ],
        compiler_params=pltpu.CompilerParams(needs_layout_passes=False),
        interpret=interpret,
    )


@functools.lru_cache(maxsize=None)
def _build_decode(n: int, d: int, ep: int, interpret: bool = False):
    assert ep % _NW == 0
    ew = ep // _NW
    ec = _pick_chunk(ew)
    nchunks = ew // ec

    def body(u_hbm, v_hbm, src_hbm, dst_hbm, wbb_hbm, out_hbm,
             sidx, didx, urows, vrows, wbv, outv, accbuf, sem):
        c = lax.axis_index("c")
        s = lax.axis_index("s")
        w = s * _NC + c
        pltpu.sync_copy(wbb_hbm, wbv)

        def chunk(i, carry):
            base = pl.multiple_of(w * ew + i * ec, 8)
            pltpu.sync_copy(src_hbm.at[pl.ds(base, ec)], sidx)
            pltpu.async_copy(u_hbm.at[sidx], urows, sem).wait()
            pltpu.sync_copy(dst_hbm.at[pl.ds(base, ec)], didx)
            pltpu.async_copy(v_hbm.at[didx], vrows, sem).wait()
            bb = wbv[pl.ds(d, _LANES)][0]
            lane = lax.iota(jnp.int32, _LANES)

            def group(g, carry2):
                for l in range(_LANES):
                    e2 = g * _LANES + l
                    acc = jnp.zeros((_LANES,), jnp.float32)
                    for j in range(d // _LANES):
                        t = jnp.maximum(
                            urows[e2, pl.ds(j * _LANES, _LANES)]
                            + vrows[e2, pl.ds(j * _LANES, _LANES)], 0.0)
                        acc = acc + t * wbv[pl.ds(j * _LANES, _LANES)]
                    accbuf[e2, :] = acc
                rowidx = g * _LANES + lane
                res = jnp.zeros((_LANES,), jnp.float32)
                for l in range(_LANES):
                    col = jnp.full((_LANES,), l, jnp.int32)
                    res = res + plsc.load_gather(accbuf, [rowidx, col])
                outv[pl.ds(g * _LANES, _LANES)] = res + bb
                return carry2

            lax.fori_loop(0, ec // _LANES, group, 0)
            pltpu.sync_copy(outv, out_hbm.at[pl.ds(base, ec)])
            return carry

        lax.fori_loop(0, nchunks, chunk, 0)

    return pl.kernel(
        body,
        out_type=jax.ShapeDtypeStruct((ep,), jnp.float32),
        mesh=_sc_mesh(),
        scratch_types=[
            pltpu.VMEM((ec,), jnp.int32),
            pltpu.VMEM((ec,), jnp.int32),
            pltpu.VMEM((ec, d), jnp.float32),
            pltpu.VMEM((ec, d), jnp.float32),
            pltpu.VMEM((d + _LANES,), jnp.float32),
            pltpu.VMEM((ec,), jnp.float32),
            pltpu.VMEM((ec, _LANES), jnp.float32),
            pltpu.SemaphoreType.DMA,
        ],
        compiler_params=pltpu.CompilerParams(needs_layout_passes=False),
        interpret=interpret,
    )


_RB = 1000


def _combine1_body(p_ref, degb_ref, x_ref, w1lt_ref, b1l_ref, w1rt_ref, o_ref):
    dsum = jnp.sum(degb_ref[...], axis=1)
    dinv = 1.0 / jnp.maximum(dsum, 1.0)
    agg = (p_ref[0] + p_ref[1]) * dinv[:, None]
    z = (jnp.dot(agg, w1lt_ref[...], preferred_element_type=jnp.float32)
         + b1l_ref[...]
         + jnp.dot(x_ref[...], w1rt_ref[...], preferred_element_type=jnp.float32))
    o_ref[...] = jnp.maximum(z, 0.0)


def _combine2_body(q_ref, degb_ref, z1_ref, w2lt_ref, b2l_ref, w2rt_ref,
                   walt_ref, ba_ref, wart_ref, u_ref, v_ref):
    dsum = jnp.sum(degb_ref[...], axis=1)
    dinv = 1.0 / jnp.maximum(dsum, 1.0)
    agg = (q_ref[0] + q_ref[1]) * dinv[:, None]
    z = (jnp.dot(agg, w2lt_ref[...], preferred_element_type=jnp.float32)
         + b2l_ref[...]
         + jnp.dot(z1_ref[...], w2rt_ref[...], preferred_element_type=jnp.float32))
    u_ref[...] = jnp.dot(z, walt_ref[...], preferred_element_type=jnp.float32) + ba_ref[...]
    v_ref[...] = jnp.dot(z, wart_ref[...], preferred_element_type=jnp.float32)


@functools.lru_cache(maxsize=None)
def _build_combine1(n: int, d: int, interpret: bool = False):
    nb = n // _RB
    return pl.pallas_call(
        _combine1_body,
        grid=(nb,),
        in_specs=[
            pl.BlockSpec((_NC, _RB, d), lambda i: (0, i, 0)),
            pl.BlockSpec((_RB, _NC), lambda i: (i, 0)),
            pl.BlockSpec((_RB, d), lambda i: (i, 0)),
            pl.BlockSpec((d, d), lambda i: (0, 0)),
            pl.BlockSpec((1, d), lambda i: (0, 0)),
            pl.BlockSpec((d, d), lambda i: (0, 0)),
        ],
        out_specs=pl.BlockSpec((_RB, d), lambda i: (i, 0)),
        out_shape=jax.ShapeDtypeStruct((n, d), jnp.float32),
        interpret=interpret,
    )


@functools.lru_cache(maxsize=None)
def _build_combine2(n: int, d: int, interpret: bool = False):
    nb = n // _RB
    return pl.pallas_call(
        _combine2_body,
        grid=(nb,),
        in_specs=[
            pl.BlockSpec((_NC, _RB, d), lambda i: (0, i, 0)),
            pl.BlockSpec((_RB, _NC), lambda i: (i, 0)),
            pl.BlockSpec((_RB, d), lambda i: (i, 0)),
            pl.BlockSpec((d, d), lambda i: (0, 0)),
            pl.BlockSpec((1, d), lambda i: (0, 0)),
            pl.BlockSpec((d, d), lambda i: (0, 0)),
            pl.BlockSpec((d, d), lambda i: (0, 0)),
            pl.BlockSpec((1, d), lambda i: (0, 0)),
            pl.BlockSpec((d, d), lambda i: (0, 0)),
        ],
        out_specs=[pl.BlockSpec((_RB, d), lambda i: (i, 0)),
                   pl.BlockSpec((_RB, d), lambda i: (i, 0))],
        out_shape=[jax.ShapeDtypeStruct((n, d), jnp.float32),
                   jax.ShapeDtypeStruct((n, d), jnp.float32)],
        interpret=interpret,
    )


def _run(x, W1l, b1l, W1r, W2l, b2l, W2r, Wa, ba, Wb, bb,
         edge_index, pos_edge_index, neg_edge_index, interpret=False):
    n, d = x.shape
    e = edge_index.shape[1]
    pe = pos_edge_index.shape[1]
    segsum = _build_segsum(n, d, e, interpret)
    combine1 = _build_combine1(n, d, interpret)
    combine2 = _build_combine2(n, d, interpret)

    src = edge_index[0]
    dst = edge_index[1]
    zrows = jnp.zeros((n // _nwriters(n), d), jnp.float32)
    zdeg = jnp.zeros((n,), jnp.float32)

    part1, degp = segsum(x, src, dst, zrows, zdeg)
    degb = degp.T
    z1 = combine1(part1, degb, x, W1l.T, b1l[None, :], W1r.T)
    part2, _ = segsum(z1, src, dst, zrows, zdeg)
    u, v = combine2(part2, degb, z1, W2l.T, b2l[None, :], W2r.T,
                    Wa[:, :d].T, ba[None, :], Wa[:, d:].T)

    ntot = 2 * pe
    ep = ((ntot + 8 * _NW - 1) // (8 * _NW)) * (8 * _NW)
    pad = jnp.zeros((ep - ntot,), src.dtype)
    srcp = jnp.concatenate([pos_edge_index[0], neg_edge_index[0], pad])
    dstp = jnp.concatenate([pos_edge_index[1], neg_edge_index[1], pad])
    wbb = jnp.concatenate([Wb[0], jnp.full((_LANES,), bb[0], jnp.float32)])
    decode = _build_decode(n, d, ep, interpret)
    preds = decode(u, v, srcp, dstp, wbb)
    return preds[:pe], preds[pe:2 * pe]


def kernel(x, W1l, b1l, W1r, W2l, b2l, W2r, Wa, ba, Wb, bb,
           edge_index, pos_edge_index, neg_edge_index):
    return _run(x, W1l, b1l, W1r, W2l, b2l, W2r, Wa, ba, Wb, bb,
                edge_index, pos_edge_index, neg_edge_index)

# --- scband reference (transcript-rebuilt; emitter-appended) ---
"""Pipeline reference for scband-graph-sagelink-predictor-7387343749817 (READ-ONLY COPY).

The authoritative reference and input builder live on the scoring server;
editing this copy changes nothing except your own understanding.
"""

import jax, jax.numpy as jnp
import numpy as np

N = 10000
E = 320000
PE = 100000
DIN = 128
DH = 128
DOUT = 128


def setup_inputs(seed: int = 0) -> dict:
    key = jax.random.key(seed)
    ks = jax.random.split(key, 16)
    x = jax.random.normal(ks[0], (N, DIN), dtype=jnp.float32)
    edge_index = jax.random.randint(ks[1], (2, E), 0, N)
    pos_edge_index = jax.random.randint(ks[2], (2, PE), 0, N)
    neg_edge_index = jax.random.randint(ks[3], (2, PE), 0, N)
    s1 = 1.0 / np.sqrt(DIN)
    s2 = 1.0 / np.sqrt(DH)
    sa = 1.0 / np.sqrt(2 * DOUT)
    sb = 1.0 / np.sqrt(DH)
    W1l = jax.random.normal(ks[4], (DH, DIN), dtype=jnp.float32) * s1
    b1l = jnp.zeros((DH,), dtype=jnp.float32)
    W1r = jax.random.normal(ks[5], (DH, DIN), dtype=jnp.float32) * s1
    W2l = jax.random.normal(ks[6], (DOUT, DH), dtype=jnp.float32) * s2
    b2l = jnp.zeros((DOUT,), dtype=jnp.float32)
    W2r = jax.random.normal(ks[7], (DOUT, DH), dtype=jnp.float32) * s2
    Wa = jax.random.normal(ks[8], (DH, 2 * DOUT), dtype=jnp.float32) * sa
    ba = jnp.zeros((DH,), dtype=jnp.float32)
    Wb = jax.random.normal(ks[9], (1, DH), dtype=jnp.float32) * sb
    bb = jnp.zeros((1,), dtype=jnp.float32)
    return {"x": x, "W1l": W1l, "b1l": b1l, "W1r": W1r, "W2l": W2l, "b2l": b2l, "W2r": W2r,
            "Wa": Wa, "ba": ba, "Wb": Wb, "bb": bb,
            "edge_index": edge_index, "pos_edge_index": pos_edge_index, "neg_edge_index": neg_edge_index}


def _sage_conv(x, edge_index, Wl, bl, Wr):
    # PyG SAGEConv (mean aggr): out = lin_l(mean_{j in N(i)} x_j) + lin_r(x_i)
    src = edge_index[0]
    dst = edge_index[1]
    msg = jnp.take(x, src, axis=0)
    agg_sum = jax.ops.segment_sum(msg, dst, num_segments=N)
    deg = jax.ops.segment_sum(jnp.ones((edge_index.shape[1],), dtype=x.dtype), dst, num_segments=N)
    agg = agg_sum / jnp.clip(deg, 1.0)[:, None]
    return agg @ Wl.T + bl + x @ Wr.T


def _decode(z, edge_index, Wa, ba, Wb, bb):
    z_src = jnp.take(z, edge_index[0], axis=0)
    z_dst = jnp.take(z, edge_index[1], axis=0)
    z_comb = jnp.concatenate([z_src, z_dst], axis=1)
    h = jax.nn.relu(z_comb @ Wa.T + ba)
    return (h @ Wb.T + bb).squeeze(-1)


def reference(x, W1l, b1l, W1r, W2l, b2l, W2r, Wa, ba, Wb, bb, edge_index, pos_edge_index, neg_edge_index):
    z = _sage_conv(x, edge_index, W1l, b1l, W1r)
    z = jax.nn.relu(z)
    # dropout p=0.2 is identity in eval mode
    z = _sage_conv(z, edge_index, W2l, b2l, W2r)
    pos_pred = _decode(z, pos_edge_index, Wa, ba, Wb, bb)
    neg_pred = _decode(z, neg_edge_index, Wa, ba, Wb, bb)
    return (pos_pred, neg_pred)

if __name__ == "__main__":
    import jax
    _d = setup_inputs()
    print(jax.jit(kernel)(*tuple(_d.values())))

</pallas_src>

<mosaic_0001>
#map = affine_map<(d0, d1) -> (0, 0)>
#map1 = affine_map<(d0, d1) -> (0)>
#map2 = affine_map<(d0, d1) -> (0, 0, 0)>
module attributes {stable_mosaic.version = 14 : i64} {
  func.func @body(%arg0: i32, %arg1: i32, %arg2: memref<10000x128xf32, #tpu.memory_space<hbm>>, %arg3: memref<320000xi32, #tpu.memory_space<hbm>>, %arg4: memref<320000xi32, #tpu.memory_space<hbm>>, %arg5: memref<1000x128xf32, #tpu.memory_space<hbm>>, %arg6: memref<10000xf32, #tpu.memory_space<hbm>>, %arg7: memref<2x10000x128xf32, #tpu.memory_space<hbm>>, %arg8: memref<2x10000xf32, #tpu.memory_space<hbm>>, %arg9: memref<80xi32, #tpu.memory_space<vmem>>, %arg10: memref<80xi32, #tpu.memory_space<vmem>>, %arg11: memref<80x128xf32, #tpu.memory_space<vmem>>, %arg12: memref<80xf32, #tpu.memory_space<vmem>>, %arg13: memref<10000x128xf32, #tpu.memory_space<vmem_shared>>, %arg14: memref<10000xf32, #tpu.memory_space<vmem_shared>>, %arg15: memref<!tpu.dma_semaphore, #tpu.memory_space<semaphore_mem>>) attributes {dimension_semantics = [#tpu.dimension_semantics<core_parallel>, #tpu.dimension_semantics<subcore_parallel>], iteration_bounds = array<i64: 2, 16>, scalar_prefetch = 0 : i64, scratch_operands = 7 : i64, tpu.core_type = #tpu.core_type<sc_vector_subcore>, window_params = [{transform_indices = #map}, {transform_indices = #map1}, {transform_indices = #map1}, {transform_indices = #map}, {transform_indices = #map1}, {transform_indices = #map2}, {transform_indices = #map}]} {
    %mul3A = arith.constant 2 : i32
    %mul3A_0 = arith.muli %arg1, %mul3A : i32
    %add3A = arith.addi %mul3A_0, %arg0 : i32
    %broadcast_in_dim3A = arith.constant 1.000000e+00 : f32
    %broadcast_in_dim3A_1 = vector.broadcast %broadcast_in_dim3A : f32 to vector<16xf32>
    %swap3A = arith.constant 0 : index
    %swap3A_2 = tpu.vector_load %arg12[%swap3A] {strides = array<i32>} : memref<80xf32, #tpu.memory_space<vmem>>, vector<16xf32>,
    tpu.vector_store %arg12[%swap3A], %broadcast_in_dim3A_1 {strides = array<i32>} : memref<80xf32, #tpu.memory_space<vmem>>, vector<16xf32>,
    %broadcast_in_dim3A_3 = arith.constant 1.000000e+00 : f32
    %broadcast_in_dim3A_4 = vector.broadcast %broadcast_in_dim3A_3 : f32 to vector<16xf32>
    %swap3A_5 = arith.constant 16 : index
    %swap3A_6 = tpu.vector_load %arg12[%swap3A_5] {strides = array<i32>} : memref<80xf32, #tpu.memory_space<vmem>>, vector<16xf32>,
    tpu.vector_store %arg12[%swap3A_5], %broadcast_in_dim3A_4 {strides = array<i32>} : memref<80xf32, #tpu.memory_space<vmem>>, vector<16xf32>,
    %broadcast_in_dim3A_7 = arith.constant 1.000000e+00 : f32
    %broadcast_in_dim3A_8 = vector.broadcast %broadcast_in_dim3A_7 : f32 to vector<16xf32>
    %swap3A_9 = arith.constant 32 : index
    %swap3A_10 = tpu.vector_load %arg12[%swap3A_9] {strides = array<i32>} : memref<80xf32, #tpu.memory_space<vmem>>, vector<16xf32>,
    tpu.vector_store %arg12[%swap3A_9], %broadcast_in_dim3A_8 {strides = array<i32>} : memref<80xf32, #tpu.memory_space<vmem>>, vector<16xf32>,
    %broadcast_in_dim3A_11 = arith.constant 1.000000e+00 : f32
    %broadcast_in_dim3A_12 = vector.broadcast %broadcast_in_dim3A_11 : f32 to vector<16xf32>
    %swap3A_13 = arith.constant 48 : index
    %swap3A_14 = tpu.vector_load %arg12[%swap3A_13] {strides = array<i32>} : memref<80xf32, #tpu.memory_space<vmem>>, vector<16xf32>,
    tpu.vector_store %arg12[%swap3A_13], %broadcast_in_dim3A_12 {strides = array<i32>} : memref<80xf32, #tpu.memory_space<vmem>>, vector<16xf32>,
    %broadcast_in_dim3A_15 = arith.constant 1.000000e+00 : f32
    %broadcast_in_dim3A_16 = vector.broadcast %broadcast_in_dim3A_15 : f32 to vector<16xf32>
    %swap3A_17 = arith.constant 64 : index
    %swap3A_18 = tpu.vector_load %arg12[%swap3A_17] {strides = array<i32>} : memref<80xf32, #tpu.memory_space<vmem>>, vector<16xf32>,
    tpu.vector_store %arg12[%swap3A_17], %broadcast_in_dim3A_16 {strides = array<i32>} : memref<80xf32, #tpu.memory_space<vmem>>, vector<16xf32>,
    %lt3A = arith.constant 10 : i32
    %lt3A_19 = arith.cmpi slt, %arg1, %lt3A : i32
    %convert_element_type3A = arith.extui %lt3A_19 : i1 to i32
    %cond3A = arith.constant 0 : i32
    %cond3A_20 = arith.cmpi ne, %convert_element_type3A, %cond3A : i32
    scf.if %cond3A_20 {
      %mul3A_41 = arith.constant 1000 : i32
      %mul3A_42 = arith.muli %arg1, %mul3A_41 : i32
      %multiple_of3A = tpu.assume_multiple %mul3A_42, 8 : i32
      "tpu.region"() ({
        %run_scoped3A = tpu.sem_alloc : memref<!tpu.dma_semaphore, #tpu.memory_space<semaphore_mem>>
        %dma_start3A = arith.constant 0 : i32
        %dma_start3A_43 = tpu.memref_slice %arg13[%multiple_of3A, %dma_start3A] : memref<10000x128xf32, #tpu.memory_space<vmem_shared>> -> memref<1000x128xf32, #tpu.memory_space<vmem_shared>>
        tpu.enqueue_dma source(%arg5 : memref<1000x128xf32, #tpu.memory_space<hbm>>) target(%dma_start3A_43 : memref<1000x128xf32, #tpu.memory_space<vmem_shared>>) target_semaphore(%run_scoped3A : memref<!tpu.dma_semaphore, #tpu.memory_space<semaphore_mem>>)
        %dma_wait3A = arith.constant 0 : i32
        %dma_wait3A_44 = tpu.memref_slice %arg13[%multiple_of3A, %dma_wait3A] : memref<10000x128xf32, #tpu.memory_space<vmem_shared>> -> memref<1000x128xf32, #tpu.memory_space<vmem_shared>>
        tpu.wait_dma2 semaphore(%run_scoped3A : memref<!tpu.dma_semaphore, #tpu.memory_space<semaphore_mem>>) src(%arg5 : memref<1000x128xf32, #tpu.memory_space<hbm>>) dst(%dma_wait3A_44 : memref<1000x128xf32, #tpu.memory_space<vmem_shared>>)
        tpu.yield
      }) : () -> ()
    } else {
    }
    %eq3A = arith.constant 0 : i32
    %eq3A_21 = arith.cmpi eq, %arg1, %eq3A : i32
    %convert_element_type3A_22 = arith.extui %eq3A_21 : i1 to i32
    %cond3A_23 = arith.constant 0 : i32
    %cond3A_24 = arith.cmpi ne, %convert_element_type3A_22, %cond3A_23 : i32
    scf.if %cond3A_24 {
      "tpu.region"() ({
        %run_scoped3A = tpu.sem_alloc : memref<!tpu.dma_semaphore, #tpu.memory_space<semaphore_mem>>
        tpu.enqueue_dma source(%arg6 : memref<10000xf32, #tpu.memory_space<hbm>>) target(%arg14 : memref<10000xf32, #tpu.memory_space<vmem_shared>>) target_semaphore(%run_scoped3A : memref<!tpu.dma_semaphore, #tpu.memory_space<semaphore_mem>>)
        tpu.wait_dma2 semaphore(%run_scoped3A : memref<!tpu.dma_semaphore, #tpu.memory_space<semaphore_mem>>) src(%arg6 : memref<10000xf32, #tpu.memory_space<hbm>>) dst(%arg14 : memref<10000xf32, #tpu.memory_space<vmem_shared>>)
        tpu.yield
      }) : () -> ()
    } else {
    }
    %barrier3A = arith.constant 0 : index
    tpu.barrier barrier_id(%barrier3A)
    %scan3A = arith.constant 0 : i32
    %scan3A_25 = arith.constant 0 : i32
    %scan3A_26 = arith.constant 125 : i32
    %scan3A_27 = arith.addi %scan3A_25, %scan3A_26 : i32
    %scan3A_28 = arith.constant 1 : i32
    scf.for %scan3A_41 = %scan3A_25 to %scan3A_27 step %scan3A_28  : i32 {
      %mul3A_42 = arith.constant 10000 : i32
      %mul3A_43 = arith.muli %add3A, %mul3A_42 : i32
      %mul3A_44 = arith.constant 80 : i32
      %mul3A_45 = arith.muli %scan3A_41, %mul3A_44 : i32
      %add3A_46 = arith.addi %mul3A_43, %mul3A_45 : i32
      %multiple_of3A = tpu.assume_multiple %add3A_46, 8 : i32
      "tpu.region"() ({
        %run_scoped3A = tpu.sem_alloc : memref<!tpu.dma_semaphore, #tpu.memory_space<semaphore_mem>>
        %dma_start3A_51 = tpu.memref_slice %arg3[%multiple_of3A] : memref<320000xi32, #tpu.memory_space<hbm>> -> memref<80xi32, #tpu.memory_space<hbm>>
        %dma_start3A_52 = tpu.memref_slice %arg3[%multiple_of3A] : memref<320000xi32, #tpu.memory_space<hbm>> -> memref<80xi32, #tpu.memory_space<hbm>>
        tpu.enqueue_dma source(%dma_start3A_52 : memref<80xi32, #tpu.memory_space<hbm>>) target(%arg9 : memref<80xi32, #tpu.memory_space<vmem>>) target_semaphore(%run_scoped3A : memref<!tpu.dma_semaphore, #tpu.memory_space<semaphore_mem>>)
        %dma_wait3A_53 = tpu.memref_slice %arg3[%multiple_of3A] : memref<320000xi32, #tpu.memory_space<hbm>> -> memref<80xi32, #tpu.memory_space<hbm>>
        %dma_wait3A_54 = tpu.memref_slice %arg3[%multiple_of3A] : memref<320000xi32, #tpu.memory_space<hbm>> -> memref<80xi32, #tpu.memory_space<hbm>>
        tpu.wait_dma2 semaphore(%run_scoped3A : memref<!tpu.dma_semaphore, #tpu.memory_space<semaphore_mem>>) src(%dma_wait3A_54 : memref<80xi32, #tpu.memory_space<hbm>>) dst(%arg9 : memref<80xi32, #tpu.memory_space<vmem>>)
        tpu.yield
      }) : () -> ()
      %dma_start3A = arith.constant 0 : i32
      %dma_start3A_47 = arith.constant 0 : i32
      %dma_start3A_48 = tpu.memref_slice %arg2[%dma_start3A, %dma_start3A_47] : memref<10000x128xf32, #tpu.memory_space<hbm>> -> memref<10000x128xf32, #tpu.memory_space<hbm>>
      tpu.enqueue_indirect_dma source(%dma_start3A_48 : memref<10000x128xf32, #tpu.memory_space<hbm>>) target(%arg11 : memref<80x128xf32, #tpu.memory_space<vmem>>) offsets(%arg9 : memref<80xi32, #tpu.memory_space<vmem>>) semaphore(%arg15 : memref<!tpu.dma_semaphore, #tpu.memory_space<semaphore_mem>>)
      %dma_wait3A = arith.constant 0 : i32
      %dma_wait3A_49 = arith.constant 0 : i32
      %dma_wait3A_50 = tpu.memref_slice %arg2[%dma_wait3A, %dma_wait3A_49] : memref<10000x128xf32, #tpu.memory_space<hbm>> -> memref<10000x128xf32, #tpu.memory_space<hbm>>
      tpu.wait_indirect_dma semaphore(%arg15 : memref<!tpu.dma_semaphore, #tpu.memory_space<semaphore_mem>>) src(%dma_wait3A_50 : memref<10000x128xf32, #tpu.memory_space<hbm>>) dst(%arg11 : memref<80x128xf32, #tpu.memory_space<vmem>>)
      "tpu.region"() ({
        %run_scoped3A = tpu.sem_alloc : memref<!tpu.dma_semaphore, #tpu.memory_space<semaphore_mem>>
        %dma_start3A_51 = tpu.memref_slice %arg4[%multiple_of3A] : memref<320000xi32, #tpu.memory_space<hbm>> -> memref<80xi32, #tpu.memory_space<hbm>>
        %dma_start3A_52 = tpu.memref_slice %arg4[%multiple_of3A] : memref<320000xi32, #tpu.memory_space<hbm>> -> memref<80xi32, #tpu.memory_space<hbm>>
        tpu.enqueue_dma source(%dma_start3A_52 : memref<80xi32, #tpu.memory_space<hbm>>) target(%arg10 : memref<80xi32, #tpu.memory_space<vmem>>) target_semaphore(%run_scoped3A : memref<!tpu.dma_semaphore, #tpu.memory_space<semaphore_mem>>)
        %dma_wait3A_53 = tpu.memref_slice %arg4[%multiple_of3A] : memref<320000xi32, #tpu.memory_space<hbm>> -> memref<80xi32, #tpu.memory_space<hbm>>
        %dma_wait3A_54 = tpu.memref_slice %arg4[%multiple_of3A] : memref<320000xi32, #tpu.memory_space<hbm>> -> memref<80xi32, #tpu.memory_space<hbm>>
        tpu.wait_dma2 semaphore(%run_scoped3A : memref<!tpu.dma_semaphore, #tpu.memory_space<semaphore_mem>>) src(%dma_wait3A_54 : memref<80xi32, #tpu.memory_space<hbm>>) dst(%arg10 : memref<80xi32, #tpu.memory_space<vmem>>)
        tpu.yield
      }) : () -> ()
      "tpu.region"() ({
        %run_scoped3A = tpu.sem_alloc : memref<!tpu.dma_semaphore, #tpu.memory_space<semaphore_mem>>
        %dma_start3A_51 = arith.constant 0 : i32
        %dma_start3A_52 = arith.constant 0 : i32
        %dma_start3A_53 = tpu.memref_slice %arg13[%dma_start3A_51, %dma_start3A_52] : memref<10000x128xf32, #tpu.memory_space<vmem_shared>> -> memref<10000x128xf32, #tpu.memory_space<vmem_shared>>
        tpu.enqueue_indirect_dma source(%arg11 : memref<80x128xf32, #tpu.memory_space<vmem>>) target(%dma_start3A_53 : memref<10000x128xf32, #tpu.memory_space<vmem_shared>>) offsets(%arg10 : memref<80xi32, #tpu.memory_space<vmem>>) semaphore(%run_scoped3A : memref<!tpu.dma_semaphore, #tpu.memory_space<semaphore_mem>>) {add = true}
        %dma_wait3A_54 = arith.constant 0 : i32
        %dma_wait3A_55 = arith.constant 0 : i32
        %dma_wait3A_56 = tpu.memref_slice %arg13[%dma_wait3A_54, %dma_wait3A_55] : memref<10000x128xf32, #tpu.memory_space<vmem_shared>> -> memref<10000x128xf32, #tpu.memory_space<vmem_shared>>
        tpu.wait_indirect_dma semaphore(%run_scoped3A : memref<!tpu.dma_semaphore, #tpu.memory_space<semaphore_mem>>) src(%arg11 : memref<80x128xf32, #tpu.memory_space<vmem>>) dst(%dma_wait3A_56 : memref<10000x128xf32, #tpu.memory_space<vmem_shared>>)
        tpu.yield
      }) : () -> ()
      "tpu.region"() ({
        %run_scoped3A = tpu.sem_alloc : memref<!tpu.dma_semaphore, #tpu.memory_space<semaphore_mem>>
        %dma_start3A_51 = arith.constant 0 : i32
        %dma_start3A_52 = tpu.memref_slice %arg14[%dma_start3A_51] : memref<10000xf32, #tpu.memory_space<vmem_shared>> -> memref<10000xf32, #tpu.memory_space<vmem_shared>>
        tpu.enqueue_indirect_dma source(%arg12 : memref<80xf32, #tpu.memory_space<vmem>>) target(%dma_start3A_52 : memref<10000xf32, #tpu.memory_space<vmem_shared>>) offsets(%arg10 : memref<80xi32, #tpu.memory_space<vmem>>) semaphore(%run_scoped3A : memref<!tpu.dma_semaphore, #tpu.memory_space<semaphore_mem>>) {add = true}
        %dma_wait3A_53 = arith.constant 0 : i32
        %dma_wait3A_54 = tpu.memref_slice %arg14[%dma_wait3A_53] : memref<10000xf32, #tpu.memory_space<vmem_shared>> -> memref<10000xf32, #tpu.memory_space<vmem_shared>>
        tpu.wait_indirect_dma semaphore(%run_scoped3A : memref<!tpu.dma_semaphore, #tpu.memory_space<semaphore_mem>>) src(%arg12 : memref<80xf32, #tpu.memory_space<vmem>>) dst(%dma_wait3A_54 : memref<10000xf32, #tpu.memory_space<vmem_shared>>)
        tpu.yield
      }) : () -> ()
    }
    %scan3A_29 = arith.constant 125 : i32
    %barrier3A_30 = arith.constant 0 : index
    tpu.barrier barrier_id(%barrier3A_30)
    %lt3A_31 = arith.constant 10 : i32
    %lt3A_32 = arith.cmpi slt, %arg1, %lt3A_31 : i32
    %convert_element_type3A_33 = arith.extui %lt3A_32 : i1 to i32
    %cond3A_34 = arith.constant 0 : i32
    %cond3A_35 = arith.cmpi ne, %convert_element_type3A_33, %cond3A_34 : i32
    scf.if %cond3A_35 {
      %mul3A_41 = arith.constant 1000 : i32
      %mul3A_42 = arith.muli %arg1, %mul3A_41 : i32
      %multiple_of3A = tpu.assume_multiple %mul3A_42, 8 : i32
      "tpu.region"() ({
        %run_scoped3A = tpu.sem_alloc : memref<!tpu.dma_semaphore, #tpu.memory_space<semaphore_mem>>
        %dma_start3A = arith.constant 0 : i32
        %dma_start3A_43 = tpu.memref_slice %arg7[%arg0, %multiple_of3A, %dma_start3A] : memref<2x10000x128xf32, #tpu.memory_space<hbm>> -> memref<1x1000x128xf32, #tpu.memory_space<hbm>>
        %dma_start3A_44 = tpu.memref_squeeze %dma_start3A_43 : memref<1x1000x128xf32, #tpu.memory_space<hbm>> -> memref<1000x128xf32, #tpu.memory_space<hbm>>
        %dma_start3A_45 = arith.constant 0 : i32
        %dma_start3A_46 = tpu.memref_slice %arg13[%multiple_of3A, %dma_start3A_45] : memref<10000x128xf32, #tpu.memory_space<vmem_shared>> -> memref<1000x128xf32, #tpu.memory_space<vmem_shared>>
        tpu.enqueue_dma source(%dma_start3A_46 : memref<1000x128xf32, #tpu.memory_space<vmem_shared>>) target(%dma_start3A_44 : memref<1000x128xf32, #tpu.memory_space<hbm>>) target_semaphore(%run_scoped3A : memref<!tpu.dma_semaphore, #tpu.memory_space<semaphore_mem>>)
        %dma_wait3A = arith.constant 0 : i32
        %dma_wait3A_47 = tpu.memref_slice %arg7[%arg0, %multiple_of3A, %dma_wait3A] : memref<2x10000x128xf32, #tpu.memory_space<hbm>> -> memref<1x1000x128xf32, #tpu.memory_space<hbm>>
        %dma_wait3A_48 = tpu.memref_squeeze %dma_wait3A_47 : memref<1x1000x128xf32, #tpu.memory_space<hbm>> -> memref<1000x128xf32, #tpu.memory_space<hbm>>
        %dma_wait3A_49 = arith.constant 0 : i32
        %dma_wait3A_50 = tpu.memref_slice %arg13[%multiple_of3A, %dma_wait3A_49] : memref<10000x128xf32, #tpu.memory_space<vmem_shared>> -> memref<1000x128xf32, #tpu.memory_space<vmem_shared>>
        tpu.wait_dma2 semaphore(%run_scoped3A : memref<!tpu.dma_semaphore, #tpu.memory_space<semaphore_mem>>) src(%dma_wait3A_50 : memref<1000x128xf32, #tpu.memory_space<vmem_shared>>) dst(%dma_wait3A_48 : memref<1000x128xf32, #tpu.memory_space<hbm>>)
        tpu.yield
      }) : () -> ()
    } else {
    }
    %eq3A_36 = arith.constant 0 : i32
    %eq3A_37 = arith.cmpi eq, %arg1, %eq3A_36 : i32
    %convert_element_type3A_38 = arith.extui %eq3A_37 : i1 to i32
    %cond3A_39 = arith.constant 0 : i32
    %cond3A_40 = arith.cmpi ne, %convert_element_type3A_38, %cond3A_39 : i32
    scf.if %cond3A_40 {
      "tpu.region"() ({
        %run_scoped3A = tpu.sem_alloc : memref<!tpu.dma_semaphore, #tpu.memory_space<semaphore_mem>>
        %dma_start3A = arith.constant 0 : i32
        %dma_start3A_41 = tpu.memref_slice %arg8[%arg0, %dma_start3A] : memref<2x10000xf32, #tpu.memory_space<hbm>> -> memref<1x10000xf32, #tpu.memory_space<hbm>>
        %dma_start3A_42 = tpu.memref_squeeze %dma_start3A_41 : memref<1x10000xf32, #tpu.memory_space<hbm>> -> memref<10000xf32, #tpu.memory_space<hbm>>
        tpu.enqueue_dma source(%arg14 : memref<10000xf32, #tpu.memory_space<vmem_shared>>) target(%dma_start3A_42 : memref<10000xf32, #tpu.memory_space<hbm>>) target_semaphore(%run_scoped3A : memref<!tpu.dma_semaphore, #tpu.memory_space<semaphore_mem>>)
        %dma_wait3A = arith.constant 0 : i32
        %dma_wait3A_43 = tpu.memref_slice %arg8[%arg0, %dma_wait3A] : memref<2x10000xf32, #tpu.memory_space<hbm>> -> memref<1x10000xf32, #tpu.memory_space<hbm>>
        %dma_wait3A_44 = tpu.memref_squeeze %dma_wait3A_43 : memref<1x10000xf32, #tpu.memory_space<hbm>> -> memref<10000xf32, #tpu.memory_space<hbm>>
        tpu.wait_dma2 semaphore(%run_scoped3A : memref<!tpu.dma_semaphore, #tpu.memory_space<semaphore_mem>>) src(%arg14 : memref<10000xf32, #tpu.memory_space<vmem_shared>>) dst(%dma_wait3A_44 : memref<10000xf32, #tpu.memory_space<hbm>>)
        tpu.yield
      }) : () -> ()
    } else {
    }
    return
  }
}

#map = affine_map<(d0, d1) -> (0, 0)>
#map1 = affine_map<(d0, d1) -> (0)>
#map2 = affine_map<(d0, d1) -> (0, 0, 0)>
module attributes {stable_mosaic.version = 14 : i64} {
  func.func @body(%arg0: i32, %arg1: i32, %arg2: memref<10000x128xf32, #tpu.memory_space<hbm>>, %arg3: memref<320000xi32, #tpu.memory_space<hbm>>, %arg4: memref<320000xi32, #tpu.memory_space<hbm>>, %arg5: memref<1000x128xf32, #tpu.memory_space<hbm>>, %arg6: memref<10000xf32, #tpu.memory_space<hbm>>, %arg7: memref<2x10000x128xf32, #tpu.memory_space<hbm>>, %arg8: memref<2x10000xf32, #tpu.memory_space<hbm>>, %arg9: memref<80xi32, #tpu.memory_space<vmem>>, %arg10: memref<80xi32, #tpu.memory_space<vmem>>, %arg11: memref<80x128xf32, #tpu.memory_space<vmem>>, %arg12: memref<80xf32, #tpu.memory_space<vmem>>, %arg13: memref<10000x128xf32, #tpu.memory_space<vmem_shared>>, %arg14: memref<10000xf32, #tpu.memory_space<vmem_shared>>, %arg15: memref<!tpu.dma_semaphore, #tpu.memory_space<semaphore_mem>>) attributes {dimension_semantics = [#tpu.dimension_semantics<core_parallel>, #tpu.dimension_semantics<subcore_parallel>], iteration_bounds = array<i64: 2, 16>, scalar_prefetch = 0 : i64, scratch_operands = 7 : i64, tpu.core_type = #tpu.core_type<sc_vector_subcore>, window_params = [{transform_indices = #map}, {transform_indices = #map1}, {transform_indices = #map1}, {transform_indices = #map}, {transform_indices = #map1}, {transform_indices = #map2}, {transform_indices = #map}]} {
    %mul3A = arith.constant 2 : i32
    %mul3A_0 = arith.muli %arg1, %mul3A : i32
    %add3A = arith.addi %mul3A_0, %arg0 : i32
    %broadcast_in_dim3A = arith.constant 1.000000e+00 : f32
    %broadcast_in_dim3A_1 = vector.broadcast %broadcast_in_dim3A : f32 to vector<16xf32>
    %swap3A = arith.constant 0 : index
    %swap3A_2 = tpu.vector_load %arg12[%swap3A] {strides = array<i32>} : memref<80xf32, #tpu.memory_space<vmem>>, vector<16xf32>,
    tpu.vector_store %arg12[%swap3A], %broadcast_in_dim3A_1 {strides = array<i32>} : memref<80xf32, #tpu.memory_space<vmem>>, vector<16xf32>,
    %broadcast_in_dim3A_3 = arith.constant 1.000000e+00 : f32
    %broadcast_in_dim3A_4 = vector.broadcast %broadcast_in_dim3A_3 : f32 to vector<16xf32>
    %swap3A_5 = arith.constant 16 : index
    %swap3A_6 = tpu.vector_load %arg12[%swap3A_5] {strides = array<i32>} : memref<80xf32, #tpu.memory_space<vmem>>, vector<16xf32>,
    tpu.vector_store %arg12[%swap3A_5], %broadcast_in_dim3A_4 {strides = array<i32>} : memref<80xf32, #tpu.memory_space<vmem>>, vector<16xf32>,
    %broadcast_in_dim3A_7 = arith.constant 1.000000e+00 : f32
    %broadcast_in_dim3A_8 = vector.broadcast %broadcast_in_dim3A_7 : f32 to vector<16xf32>
    %swap3A_9 = arith.constant 32 : index
    %swap3A_10 = tpu.vector_load %arg12[%swap3A_9] {strides = array<i32>} : memref<80xf32, #tpu.memory_space<vmem>>, vector<16xf32>,
    tpu.vector_store %arg12[%swap3A_9], %broadcast_in_dim3A_8 {strides = array<i32>} : memref<80xf32, #tpu.memory_space<vmem>>, vector<16xf32>,
    %broadcast_in_dim3A_11 = arith.constant 1.000000e+00 : f32
    %broadcast_in_dim3A_12 = vector.broadcast %broadcast_in_dim3A_11 : f32 to vector<16xf32>
    %swap3A_13 = arith.constant 48 : index
    %swap3A_14 = tpu.vector_load %arg12[%swap3A_13] {strides = array<i32>} : memref<80xf32, #tpu.memory_space<vmem>>, vector<16xf32>,
    tpu.vector_store %arg12[%swap3A_13], %broadcast_in_dim3A_12 {strides = array<i32>} : memref<80xf32, #tpu.memory_space<vmem>>, vector<16xf32>,
    %broadcast_in_dim3A_15 = arith.constant 1.000000e+00 : f32
    %broadcast_in_dim3A_16 = vector.broadcast %broadcast_in_dim3A_15 : f32 to vector<16xf32>
    %swap3A_17 = arith.constant 64 : index
    %swap3A_18 = tpu.vector_load %arg12[%swap3A_17] {strides = array<i32>} : memref<80xf32, #tpu.memory_space<vmem>>, vector<16xf32>,
    tpu.vector_store %arg12[%swap3A_17], %broadcast_in_dim3A_16 {strides = array<i32>} : memref<80xf32, #tpu.memory_space<vmem>>, vector<16xf32>,
    %lt3A = arith.constant 10 : i32
    %lt3A_19 = arith.cmpi slt, %arg1, %lt3A : i32
    %convert_element_type3A = arith.extui %lt3A_19 : i1 to i32
    %cond3A = arith.constant 0 : i32
    %cond3A_20 = arith.cmpi ne, %convert_element_type3A, %cond3A : i32
    scf.if %cond3A_20 {
      %mul3A_41 = arith.constant 1000 : i32
      %mul3A_42 = arith.muli %arg1, %mul3A_41 : i32
      %multiple_of3A = tpu.assume_multiple %mul3A_42, 8 : i32
      "tpu.region"() ({
        %run_scoped3A = tpu.sem_alloc : memref<!tpu.dma_semaphore, #tpu.memory_space<semaphore_mem>>
        %dma_start3A = arith.constant 0 : i32
        %dma_start3A_43 = tpu.memref_slice %arg13[%multiple_of3A, %dma_start3A] : memref<10000x128xf32, #tpu.memory_space<vmem_shared>> -> memref<1000x128xf32, #tpu.memory_space<vmem_shared>>
        tpu.enqueue_dma source(%arg5 : memref<1000x128xf32, #tpu.memory_space<hbm>>) target(%dma_start3A_43 : memref<1000x128xf32, #tpu.memory_space<vmem_shared>>) target_semaphore(%run_scoped3A : memref<!tpu.dma_semaphore, #tpu.memory_space<semaphore_mem>>)
        %dma_wait3A = arith.constant 0 : i32
        %dma_wait3A_44 = tpu.memref_slice %arg13[%multiple_of3A, %dma_wait3A] : memref<10000x128xf32, #tpu.memory_space<vmem_shared>> -> memref<1000x128xf32, #tpu.memory_space<vmem_shared>>
        tpu.wait_dma2 semaphore(%run_scoped3A : memref<!tpu.dma_semaphore, #tpu.memory_space<semaphore_mem>>) src(%arg5 : memref<1000x128xf32, #tpu.memory_space<hbm>>) dst(%dma_wait3A_44 : memref<1000x128xf32, #tpu.memory_space<vmem_shared>>)
        tpu.yield
      }) : () -> ()
    } else {
    }
    %eq3A = arith.constant 0 : i32
    %eq3A_21 = arith.cmpi eq, %arg1, %eq3A : i32
    %convert_element_type3A_22 = arith.extui %eq3A_21 : i1 to i32
    %cond3A_23 = arith.constant 0 : i32
    %cond3A_24 = arith.cmpi ne, %convert_element_type3A_22, %cond3A_23 : i32
    scf.if %cond3A_24 {
      "tpu.region"() ({
        %run_scoped3A = tpu.sem_alloc : memref<!tpu.dma_semaphore, #tpu.memory_space<semaphore_mem>>
        tpu.enqueue_dma source(%arg6 : memref<10000xf32, #tpu.memory_space<hbm>>) target(%arg14 : memref<10000xf32, #tpu.memory_space<vmem_shared>>) target_semaphore(%run_scoped3A : memref<!tpu.dma_semaphore, #tpu.memory_space<semaphore_mem>>)
        tpu.wait_dma2 semaphore(%run_scoped3A : memref<!tpu.dma_semaphore, #tpu.memory_space<semaphore_mem>>) src(%arg6 : memref<10000xf32, #tpu.memory_space<hbm>>) dst(%arg14 : memref<10000xf32, #tpu.memory_space<vmem_shared>>)
        tpu.yield
      }) : () -> ()
    } else {
    }
    %barrier3A = arith.constant 0 : index
    tpu.barrier barrier_id(%barrier3A)
    %scan3A = arith.constant 0 : i32
    %scan3A_25 = arith.constant 0 : i32
    %scan3A_26 = arith.constant 125 : i32
    %scan3A_27 = arith.addi %scan3A_25, %scan3A_26 : i32
    %scan3A_28 = arith.constant 1 : i32
    scf.for %scan3A_41 = %scan3A_25 to %scan3A_27 step %scan3A_28  : i32 {
      %mul3A_42 = arith.constant 10000 : i32
      %mul3A_43 = arith.muli %add3A, %mul3A_42 : i32
      %mul3A_44 = arith.constant 80 : i32
      %mul3A_45 = arith.muli %scan3A_41, %mul3A_44 : i32
      %add3A_46 = arith.addi %mul3A_43, %mul3A_45 : i32
      %multiple_of3A = tpu.assume_multiple %add3A_46, 8 : i32
      "tpu.region"() ({
        %run_scoped3A = tpu.sem_alloc : memref<!tpu.dma_semaphore, #tpu.memory_space<semaphore_mem>>
        %dma_start3A_51 = tpu.memref_slice %arg3[%multiple_of3A] : memref<320000xi32, #tpu.memory_space<hbm>> -> memref<80xi32, #tpu.memory_space<hbm>>
        %dma_start3A_52 = tpu.memref_slice %arg3[%multiple_of3A] : memref<320000xi32, #tpu.memory_space<hbm>> -> memref<80xi32, #tpu.memory_space<hbm>>
        tpu.enqueue_dma source(%dma_start3A_52 : memref<80xi32, #tpu.memory_space<hbm>>) target(%arg9 : memref<80xi32, #tpu.memory_space<vmem>>) target_semaphore(%run_scoped3A : memref<!tpu.dma_semaphore, #tpu.memory_space<semaphore_mem>>)
        %dma_wait3A_53 = tpu.memref_slice %arg3[%multiple_of3A] : memref<320000xi32, #tpu.memory_space<hbm>> -> memref<80xi32, #tpu.memory_space<hbm>>
        %dma_wait3A_54 = tpu.memref_slice %arg3[%multiple_of3A] : memref<320000xi32, #tpu.memory_space<hbm>> -> memref<80xi32, #tpu.memory_space<hbm>>
        tpu.wait_dma2 semaphore(%run_scoped3A : memref<!tpu.dma_semaphore, #tpu.memory_space<semaphore_mem>>) src(%dma_wait3A_54 : memref<80xi32, #tpu.memory_space<hbm>>) dst(%arg9 : memref<80xi32, #tpu.memory_space<vmem>>)
        tpu.yield
      }) : () -> ()
      %dma_start3A = arith.constant 0 : i32
      %dma_start3A_47 = arith.constant 0 : i32
      %dma_start3A_48 = tpu.memref_slice %arg2[%dma_start3A, %dma_start3A_47] : memref<10000x128xf32, #tpu.memory_space<hbm>> -> memref<10000x128xf32, #tpu.memory_space<hbm>>
      tpu.enqueue_indirect_dma source(%dma_start3A_48 : memref<10000x128xf32, #tpu.memory_space<hbm>>) target(%arg11 : memref<80x128xf32, #tpu.memory_space<vmem>>) offsets(%arg9 : memref<80xi32, #tpu.memory_space<vmem>>) semaphore(%arg15 : memref<!tpu.dma_semaphore, #tpu.memory_space<semaphore_mem>>)
      %dma_wait3A = arith.constant 0 : i32
      %dma_wait3A_49 = arith.constant 0 : i32
      %dma_wait3A_50 = tpu.memref_slice %arg2[%dma_wait3A, %dma_wait3A_49] : memref<10000x128xf32, #tpu.memory_space<hbm>> -> memref<10000x128xf32, #tpu.memory_space<hbm>>
      tpu.wait_indirect_dma semaphore(%arg15 : memref<!tpu.dma_semaphore, #tpu.memory_space<semaphore_mem>>) src(%dma_wait3A_50 : memref<10000x128xf32, #tpu.memory_space<hbm>>) dst(%arg11 : memref<80x128xf32, #tpu.memory_space<vmem>>)
      "tpu.region"() ({
        %run_scoped3A = tpu.sem_alloc : memref<!tpu.dma_semaphore, #tpu.memory_space<semaphore_mem>>
        %dma_start3A_51 = tpu.memref_slice %arg4[%multiple_of3A] : memref<320000xi32, #tpu.memory_space<hbm>> -> memref<80xi32, #tpu.memory_space<hbm>>
        %dma_start3A_52 = tpu.memref_slice %arg4[%multiple_of3A] : memref<320000xi32, #tpu.memory_space<hbm>> -> memref<80xi32, #tpu.memory_space<hbm>>
        tpu.enqueue_dma source(%dma_start3A_52 : memref<80xi32, #tpu.memory_space<hbm>>) target(%arg10 : memref<80xi32, #tpu.memory_space<vmem>>) target_semaphore(%run_scoped3A : memref<!tpu.dma_semaphore, #tpu.memory_space<semaphore_mem>>)
        %dma_wait3A_53 = tpu.memref_slice %arg4[%multiple_of3A] : memref<320000xi32, #tpu.memory_space<hbm>> -> memref<80xi32, #tpu.memory_space<hbm>>
        %dma_wait3A_54 = tpu.memref_slice %arg4[%multiple_of3A] : memref<320000xi32, #tpu.memory_space<hbm>> -> memref<80xi32, #tpu.memory_space<hbm>>
        tpu.wait_dma2 semaphore(%run_scoped3A : memref<!tpu.dma_semaphore, #tpu.memory_space<semaphore_mem>>) src(%dma_wait3A_54 : memref<80xi32, #tpu.memory_space<hbm>>) dst(%arg10 : memref<80xi32, #tpu.memory_space<vmem>>)
        tpu.yield
      }) : () -> ()
      "tpu.region"() ({
        %run_scoped3A = tpu.sem_alloc : memref<!tpu.dma_semaphore, #tpu.memory_space<semaphore_mem>>
        %dma_start3A_51 = arith.constant 0 : i32
        %dma_start3A_52 = arith.constant 0 : i32
        %dma_start3A_53 = tpu.memref_slice %arg13[%dma_start3A_51, %dma_start3A_52] : memref<10000x128xf32, #tpu.memory_space<vmem_shared>> -> memref<10000x128xf32, #tpu.memory_space<vmem_shared>>
        tpu.enqueue_indirect_dma source(%arg11 : memref<80x128xf32, #tpu.memory_space<vmem>>) target(%dma_start3A_53 : memref<10000x128xf32, #tpu.memory_space<vmem_shared>>) offsets(%arg10 : memref<80xi32, #tpu.memory_space<vmem>>) semaphore(%run_scoped3A : memref<!tpu.dma_semaphore, #tpu.memory_space<semaphore_mem>>) {add = true}
        %dma_wait3A_54 = arith.constant 0 : i32
        %dma_wait3A_55 = arith.constant 0 : i32
        %dma_wait3A_56 = tpu.memref_slice %arg13[%dma_wait3A_54, %dma_wait3A_55] : memref<10000x128xf32, #tpu.memory_space<vmem_shared>> -> memref<10000x128xf32, #tpu.memory_space<vmem_shared>>
        tpu.wait_indirect_dma semaphore(%run_scoped3A : memref<!tpu.dma_semaphore, #tpu.memory_space<semaphore_mem>>) src(%arg11 : memref<80x128xf32, #tpu.memory_space<vmem>>) dst(%dma_wait3A_56 : memref<10000x128xf32, #tpu.memory_space<vmem_shared>>)
        tpu.yield
      }) : () -> ()
      "tpu.region"() ({
        %run_scoped3A = tpu.sem_alloc : memref<!tpu.dma_semaphore, #tpu.memory_space<semaphore_mem>>
        %dma_start3A_51 = arith.constant 0 : i32
        %dma_start3A_52 = tpu.memref_slice %arg14[%dma_start3A_51] : memref<10000xf32, #tpu.memory_space<vmem_shared>> -> memref<10000xf32, #tpu.memory_space<vmem_shared>>
        tpu.enqueue_indirect_dma source(%arg12 : memref<80xf32, #tpu.memory_space<vmem>>) target(%dma_start3A_52 : memref<10000xf32, #tpu.memory_space<vmem_shared>>) offsets(%arg10 : memref<80xi32, #tpu.memory_space<vmem>>) semaphore(%run_scoped3A : memref<!tpu.dma_semaphore, #tpu.memory_space<semaphore_mem>>) {add = true}
        %dma_wait3A_53 = arith.constant 0 : i32
        %dma_wait3A_54 = tpu.memref_slice %arg14[%dma_wait3A_53] : memref<10000xf32, #tpu.memory_space<vmem_shared>> -> memref<10000xf32, #tpu.memory_space<vmem_shared>>
        tpu.wait_indirect_dma semaphore(%run_scoped3A : memref<!tpu.dma_semaphore, #tpu.memory_space<semaphore_mem>>) src(%arg12 : memref<80xf32, #tpu.memory_space<vmem>>) dst(%dma_wait3A_54 : memref<10000xf32, #tpu.memory_space<vmem_shared>>)
        tpu.yield
      }) : () -> ()
    }
    %scan3A_29 = arith.constant 125 : i32
    %barrier3A_30 = arith.constant 0 : index
    tpu.barrier barrier_id(%barrier3A_30)
    %lt3A_31 = arith.constant 10 : i32
    %lt3A_32 = arith.cmpi slt, %arg1, %lt3A_31 : i32
    %convert_element_type3A_33 = arith.extui %lt3A_32 : i1 to i32
    %cond3A_34 = arith.constant 0 : i32
    %cond3A_35 = arith.cmpi ne, %convert_element_type3A_33, %cond3A_34 : i32
    scf.if %cond3A_35 {
      %mul3A_41 = arith.constant 1000 : i32
      %mul3A_42 = arith.muli %arg1, %mul3A_41 : i32
      %multiple_of3A = tpu.assume_multiple %mul3A_42, 8 : i32
      "tpu.region"() ({
        %run_scoped3A = tpu.sem_alloc : memref<!tpu.dma_semaphore, #tpu.memory_space<semaphore_mem>>
        %dma_start3A = arith.constant 0 : i32
        %dma_start3A_43 = tpu.memref_slice %arg7[%arg0, %multiple_of3A, %dma_start3A] : memref<2x10000x128xf32, #tpu.memory_space<hbm>> -> memref<1x1000x128xf32, #tpu.memory_space<hbm>>
        %dma_start3A_44 = tpu.memref_squeeze %dma_start3A_43 : memref<1x1000x128xf32, #tpu.memory_space<hbm>> -> memref<1000x128xf32, #tpu.memory_space<hbm>>
        %dma_start3A_45 = arith.constant 0 : i32
        %dma_start3A_46 = tpu.memref_slice %arg13[%multiple_of3A, %dma_start3A_45] : memref<10000x128xf32, #tpu.memory_space<vmem_shared>> -> memref<1000x128xf32, #tpu.memory_space<vmem_shared>>
        tpu.enqueue_dma source(%dma_start3A_46 : memref<1000x128xf32, #tpu.memory_space<vmem_shared>>) target(%dma_start3A_44 : memref<1000x128xf32, #tpu.memory_space<hbm>>) target_semaphore(%run_scoped3A : memref<!tpu.dma_semaphore, #tpu.memory_space<semaphore_mem>>)
        %dma_wait3A = arith.constant 0 : i32
        %dma_wait3A_47 = tpu.memref_slice %arg7[%arg0, %multiple_of3A, %dma_wait3A] : memref<2x10000x128xf32, #tpu.memory_space<hbm>> -> memref<1x1000x128xf32, #tpu.memory_space<hbm>>
        %dma_wait3A_48 = tpu.memref_squeeze %dma_wait3A_47 : memref<1x1000x128xf32, #tpu.memory_space<hbm>> -> memref<1000x128xf32, #tpu.memory_space<hbm>>
        %dma_wait3A_49 = arith.constant 0 : i32
        %dma_wait3A_50 = tpu.memref_slice %arg13[%multiple_of3A, %dma_wait3A_49] : memref<10000x128xf32, #tpu.memory_space<vmem_shared>> -> memref<1000x128xf32, #tpu.memory_space<vmem_shared>>
        tpu.wait_dma2 semaphore(%run_scoped3A : memref<!tpu.dma_semaphore, #tpu.memory_space<semaphore_mem>>) src(%dma_wait3A_50 : memref<1000x128xf32, #tpu.memory_space<vmem_shared>>) dst(%dma_wait3A_48 : memref<1000x128xf32, #tpu.memory_space<hbm>>)
        tpu.yield
      }) : () -> ()
    } else {
    }
    %eq3A_36 = arith.constant 0 : i32
    %eq3A_37 = arith.cmpi eq, %arg1, %eq3A_36 : i32
    %convert_element_type3A_38 = arith.extui %eq3A_37 : i1 to i32
    %cond3A_39 = arith.constant 0 : i32
    %cond3A_40 = arith.cmpi ne, %convert_element_type3A_38, %cond3A_39 : i32
    scf.if %cond3A_40 {
      "tpu.region"() ({
        %run_scoped3A = tpu.sem_alloc : memref<!tpu.dma_semaphore, #tpu.memory_space<semaphore_mem>>
        %dma_start3A = arith.constant 0 : i32
        %dma_start3A_41 = tpu.memref_slice %arg8[%arg0, %dma_start3A] : memref<2x10000xf32, #tpu.memory_space<hbm>> -> memref<1x10000xf32, #tpu.memory_space<hbm>>
        %dma_start3A_42 = tpu.memref_squeeze %dma_start3A_41 : memref<1x10000xf32, #tpu.memory_space<hbm>> -> memref<10000xf32, #tpu.memory_space<hbm>>
        tpu.enqueue_dma source(%arg14 : memref<10000xf32, #tpu.memory_space<vmem_shared>>) target(%dma_start3A_42 : memref<10000xf32, #tpu.memory_space<hbm>>) target_semaphore(%run_scoped3A : memref<!tpu.dma_semaphore, #tpu.memory_space<semaphore_mem>>)
        %dma_wait3A = arith.constant 0 : i32
        %dma_wait3A_43 = tpu.memref_slice %arg8[%arg0, %dma_wait3A] : memref<2x10000xf32, #tpu.memory_space<hbm>> -> memref<1x10000xf32, #tpu.memory_space<hbm>>
        %dma_wait3A_44 = tpu.memref_squeeze %dma_wait3A_43 : memref<1x10000xf32, #tpu.memory_space<hbm>> -> memref<10000xf32, #tpu.memory_space<hbm>>
        tpu.wait_dma2 semaphore(%run_scoped3A : memref<!tpu.dma_semaphore, #tpu.memory_space<semaphore_mem>>) src(%arg14 : memref<10000xf32, #tpu.memory_space<vmem_shared>>) dst(%dma_wait3A_44 : memref<10000xf32, #tpu.memory_space<hbm>>)
        tpu.yield
      }) : () -> ()
    } else {
    }
    return
  }
}

#map = affine_map<(d0, d1) -> (0, 0)>
#map1 = affine_map<(d0, d1) -> (0)>
module attributes {stable_mosaic.version = 14 : i64} {
  func.func @body(%arg0: i32, %arg1: i32, %arg2: memref<10000x128xf32, #tpu.memory_space<hbm>>, %arg3: memref<10000x128xf32, #tpu.memory_space<hbm>>, %arg4: memref<200192xi32, #tpu.memory_space<hbm>>, %arg5: memref<200192xi32, #tpu.memory_space<hbm>>, %arg6: memref<144xf32, #tpu.memory_space<hbm>>, %arg7: memref<200192xf32, #tpu.memory_space<hbm>>, %arg8: memref<16xi32, #tpu.memory_space<vmem>>, %arg9: memref<16xi32, #tpu.memory_space<vmem>>, %arg10: memref<16x128xf32, #tpu.memory_space<vmem>>, %arg11: memref<16x128xf32, #tpu.memory_space<vmem>>, %arg12: memref<144xf32, #tpu.memory_space<vmem>>, %arg13: memref<16xf32, #tpu.memory_space<vmem>>, %arg14: memref<16x16xf32, #tpu.memory_space<vmem>>, %arg15: memref<!tpu.dma_semaphore, #tpu.memory_space<semaphore_mem>>) attributes {dimension_semantics = [#tpu.dimension_semantics<core_parallel>, #tpu.dimension_semantics<subcore_parallel>], iteration_bounds = array<i64: 2, 16>, scalar_prefetch = 0 : i64, scratch_operands = 8 : i64, tpu.core_type = #tpu.core_type<sc_vector_subcore>, window_params = [{transform_indices = #map}, {transform_indices = #map}, {transform_indices = #map1}, {transform_indices = #map1}, {transform_indices = #map1}, {transform_indices = #map1}]} {
    %mul3A = arith.constant 2 : i32
    %mul3A_0 = arith.muli %arg1, %mul3A : i32
    %add3A = arith.addi %mul3A_0, %arg0 : i32
    "tpu.region"() ({
      %run_scoped3A = tpu.sem_alloc : memref<!tpu.dma_semaphore, #tpu.memory_space<semaphore_mem>>
      tpu.enqueue_dma source(%arg6 : memref<144xf32, #tpu.memory_space<hbm>>) target(%arg12 : memref<144xf32, #tpu.memory_space<vmem>>) target_semaphore(%run_scoped3A : memref<!tpu.dma_semaphore, #tpu.memory_space<semaphore_mem>>)
      tpu.wait_dma2 semaphore(%run_scoped3A : memref<!tpu.dma_semaphore, #tpu.memory_space<semaphore_mem>>) src(%arg6 : memref<144xf32, #tpu.memory_space<hbm>>) dst(%arg12 : memref<144xf32, #tpu.memory_space<vmem>>)
      tpu.yield
    }) : () -> ()
    %scan3A = arith.constant 0 : i32
    %scan3A_1 = arith.constant 0 : i32
    %scan3A_2 = arith.constant 391 : i32
    %scan3A_3 = arith.addi %scan3A_1, %scan3A_2 : i32
    %scan3A_4 = arith.constant 1 : i32
    scf.for %scan3A_6 = %scan3A_1 to %scan3A_3 step %scan3A_4  : i32 {
      %mul3A_7 = arith.constant 6256 : i32
      %mul3A_8 = arith.muli %add3A, %mul3A_7 : i32
      %mul3A_9 = arith.constant 16 : i32
      %mul3A_10 = arith.muli %scan3A_6, %mul3A_9 : i32
      %add3A_11 = arith.addi %mul3A_8, %mul3A_10 : i32
      %multiple_of3A = tpu.assume_multiple %add3A_11, 8 : i32
      "tpu.region"() ({
        %run_scoped3A = tpu.sem_alloc : memref<!tpu.dma_semaphore, #tpu.memory_space<semaphore_mem>>
        %dma_start3A_2034 = tpu.memref_slice %arg4[%multiple_of3A] : memref<200192xi32, #tpu.memory_space<hbm>> -> memref<16xi32, #tpu.memory_space<hbm>>
        %dma_start3A_2035 = tpu.memref_slice %arg4[%multiple_of3A] : memref<200192xi32, #tpu.memory_space<hbm>> -> memref<16xi32, #tpu.memory_space<hbm>>
        tpu.enqueue_dma source(%dma_start3A_2035 : memref<16xi32, #tpu.memory_space<hbm>>) target(%arg8 : memref<16xi32, #tpu.memory_space<vmem>>) target_semaphore(%run_scoped3A : memref<!tpu.dma_semaphore, #tpu.memory_space<semaphore_mem>>)
        %dma_wait3A_2036 = tpu.memref_slice %arg4[%multiple_of3A] : memref<200192xi32, #tpu.memory_space<hbm>> -> memref<16xi32, #tpu.memory_space<hbm>>
        %dma_wait3A_2037 = tpu.memref_slice %arg4[%multiple_of3A] : memref<200192xi32, #tpu.memory_space<hbm>> -> memref<16xi32, #tpu.memory_space<hbm>>
        tpu.wait_dma2 semaphore(%run_scoped3A : memref<!tpu.dma_semaphore, #tpu.memory_space<semaphore_mem>>) src(%dma_wait3A_2037 : memref<16xi32, #tpu.memory_space<hbm>>) dst(%arg8 : memref<16xi32, #tpu.memory_space<vmem>>)
        tpu.yield
      }) : () -> ()
      %dma_start3A = arith.constant 0 : i32
      %dma_start3A_12 = arith.constant 0 : i32
      %dma_start3A_13 = tpu.memref_slice %arg2[%dma_start3A, %dma_start3A_12] : memref<10000x128xf32, #tpu.memory_space<hbm>> -> memref<10000x128xf32, #tpu.memory_space<hbm>>
      tpu.enqueue_indirect_dma source(%dma_start3A_13 : memref<10000x128xf32, #tpu.memory_space<hbm>>) target(%arg10 : memref<16x128xf32, #tpu.memory_space<vmem>>) offsets(%arg8 : memref<16xi32, #tpu.memory_space<vmem>>) semaphore(%arg15 : memref<!tpu.dma_semaphore, #tpu.memory_space<semaphore_mem>>)
      %dma_wait3A = arith.constant 0 : i32
      %dma_wait3A_14 = arith.constant 0 : i32
      %dma_wait3A_15 = tpu.memref_slice %arg2[%dma_wait3A, %dma_wait3A_14] : memref<10000x128xf32, #tpu.memory_space<hbm>> -> memref<10000x128xf32, #tpu.memory_space<hbm>>
      tpu.wait_indirect_dma semaphore(%arg15 : memref<!tpu.dma_semaphore, #tpu.memory_space<semaphore_mem>>) src(%dma_wait3A_15 : memref<10000x128xf32, #tpu.memory_space<hbm>>) dst(%arg10 : memref<16x128xf32, #tpu.memory_space<vmem>>)
      "tpu.region"() ({
        %run_scoped3A = tpu.sem_alloc : memref<!tpu.dma_semaphore, #tpu.memory_space<semaphore_mem>>
        %dma_start3A_2034 = tpu.memref_slice %arg5[%multiple_of3A] : memref<200192xi32, #tpu.memory_space<hbm>> -> memref<16xi32, #tpu.memory_space<hbm>>
        %dma_start3A_2035 = tpu.memref_slice %arg5[%multiple_of3A] : memref<200192xi32, #tpu.memory_space<hbm>> -> memref<16xi32, #tpu.memory_space<hbm>>
        tpu.enqueue_dma source(%dma_start3A_2035 : memref<16xi32, #tpu.memory_space<hbm>>) target(%arg9 : memref<16xi32, #tpu.memory_space<vmem>>) target_semaphore(%run_scoped3A : memref<!tpu.dma_semaphore, #tpu.memory_space<semaphore_mem>>)
        %dma_wait3A_2036 = tpu.memref_slice %arg5[%multiple_of3A] : memref<200192xi32, #tpu.memory_space<hbm>> -> memref<16xi32, #tpu.memory_space<hbm>>
        %dma_wait3A_2037 = tpu.memref_slice %arg5[%multiple_of3A] : memref<200192xi32, #tpu.memory_space<hbm>> -> memref<16xi32, #tpu.memory_space<hbm>>
        tpu.wait_dma2 semaphore(%run_scoped3A : memref<!tpu.dma_semaphore, #tpu.memory_space<semaphore_mem>>) src(%dma_wait3A_2037 : memref<16xi32, #tpu.memory_space<hbm>>) dst(%arg9 : memref<16xi32, #tpu.memory_space<vmem>>)
        tpu.yield
      }) : () -> ()
      %dma_start3A_16 = arith.constant 0 : i32
      %dma_start3A_17 = arith.constant 0 : i32
      %dma_start3A_18 = tpu.memref_slice %arg3[%dma_start3A_16, %dma_start3A_17] : memref<10000x128xf32, #tpu.memory_space<hbm>> -> memref<10000x128xf32, #tpu.memory_space<hbm>>
      tpu.enqueue_indirect_dma source(%dma_start3A_18 : memref<10000x128xf32, #tpu.memory_space<hbm>>) target(%arg11 : memref<16x128xf32, #tpu.memory_space<vmem>>) offsets(%arg9 : memref<16xi32, #tpu.memory_space<vmem>>) semaphore(%arg15 : memref<!tpu.dma_semaphore, #tpu.memory_space<semaphore_mem>>)
      %dma_wait3A_19 = arith.constant 0 : i32
      %dma_wait3A_20 = arith.constant 0 : i32
      %dma_wait3A_21 = tpu.memref_slice %arg3[%dma_wait3A_19, %dma_wait3A_20] : memref<10000x128xf32, #tpu.memory_space<hbm>> -> memref<10000x128xf32, #tpu.memory_space<hbm>>
      tpu.wait_indirect_dma semaphore(%arg15 : memref<!tpu.dma_semaphore, #tpu.memory_space<semaphore_mem>>) src(%dma_wait3A_21 : memref<10000x128xf32, #tpu.memory_space<hbm>>) dst(%arg11 : memref<16x128xf32, #tpu.memory_space<vmem>>)
      %get3A = arith.constant 128 : index
      %get3A_22 = tpu.vector_load %arg12[%get3A] {strides = array<i32>} : memref<144xf32, #tpu.memory_space<vmem>>, vector<16xf32>,
      %slice3A = vector.extract_strided_slice %get3A_22 {offsets = [0], sizes = [1], strides = [1]} : vector<16xf32> to vector<1xf32>
      %squeeze3A = vector.extract %slice3A[0] : f32 from vector<1xf32>
      %iota3A = tpu.iota {dimensions = array<i32: 0>} : vector<16xi32>
      %scan3A_23 = arith.constant 0 : i32
      %scan3A_24 = arith.constant 0 : i32
      %mul3A_25 = arith.constant 16 : i32
      %mul3A_26 = arith.muli %scan3A_24, %mul3A_25 : i32
      %add3A_27 = arith.constant 0 : i32
      %add3A_28 = arith.addi %mul3A_26, %add3A_27 : i32
      %broadcast_in_dim3A = arith.constant 0.000000e+00 : f32
      %broadcast_in_dim3A_29 = vector.broadcast %broadcast_in_dim3A : f32 to vector<16xf32>
      %get3A_30 = arith.index_cast %add3A_28 : i32 to index
      %get3A_31 = arith.constant 0 : index
      %get3A_32 = tpu.vector_load %arg10[%get3A_30, %get3A_31] {strides = array<i32>} : memref<16x128xf32, #tpu.memory_space<vmem>>, vector<16xf32>,
      %get3A_33 = arith.index_cast %add3A_28 : i32 to index
      %get3A_34 = arith.constant 0 : index
      %get3A_35 = tpu.vector_load %arg11[%get3A_33, %get3A_34] {strides = array<i32>} : memref<16x128xf32, #tpu.memory_space<vmem>>, vector<16xf32>,
      %add3A_36 = arith.addf %get3A_32, %get3A_35 : vector<16xf32>
      %max3A = arith.constant 0.000000e+00 : f32
      %max3A_37 = vector.broadcast %max3A : f32 to vector<16xf32>
      %max3A_38 = arith.maximumf %add3A_36, %max3A_37 : vector<16xf32>
      %get3A_39 = arith.constant 0 : index
      %get3A_40 = tpu.vector_load %arg12[%get3A_39] {strides = array<i32>} : memref<144xf32, #tpu.memory_space<vmem>>, vector<16xf32>,
      %mul3A_41 = arith.mulf %max3A_38, %get3A_40 : vector<16xf32>
      %add3A_42 = arith.addf %broadcast_in_dim3A_29, %mul3A_41 : vector<16xf32>
      %get3A_43 = arith.index_cast %add3A_28 : i32 to index
      %get3A_44 = arith.constant 16 : index
      %get3A_45 = tpu.vector_load %arg10[%get3A_43, %get3A_44] {strides = array<i32>} : memref<16x128xf32, #tpu.memory_space<vmem>>, vector<16xf32>,
      %get3A_46 = arith.index_cast %add3A_28 : i32 to index
      %get3A_47 = arith.constant 16 : index
      %get3A_48 = tpu.vector_load %arg11[%get3A_46, %get3A_47] {strides = array<i32>} : memref<16x128xf32, #tpu.memory_space<vmem>>, vector<16xf32>,
      %add3A_49 = arith.addf %get3A_45, %get3A_48 : vector<16xf32>
      %max3A_50 = arith.constant 0.000000e+00 : f32
      %max3A_51 = vector.broadcast %max3A_50 : f32 to vector<16xf32>
      %max3A_52 = arith.maximumf %add3A_49, %max3A_51 : vector<16xf32>
      %get3A_53 = arith.constant 16 : index
      %get3A_54 = tpu.vector_load %arg12[%get3A_53] {strides = array<i32>} : memref<144xf32, #tpu.memory_space<vmem>>, vector<16xf32>,
      %mul3A_55 = arith.mulf %max3A_52, %get3A_54 : vector<16xf32>
      %add3A_56 = arith.addf %add3A_42, %mul3A_55 : vector<16xf32>
      %get3A_57 = arith.index_cast %add3A_28 : i32 to index
      %get3A_58 = arith.constant 32 : index
      %get3A_59 = tpu.vector_load %arg10[%get3A_57, %get3A_58] {strides = array<i32>} : memref<16x128xf32, #tpu.memory_space<vmem>>, vector<16xf32>,
      %get3A_60 = arith.index_cast %add3A_28 : i32 to index
      %get3A_61 = arith.constant 32 : index
      %get3A_62 = tpu.vector_load %arg11[%get3A_60, %get3A_61] {strides = array<i32>} : memref<16x128xf32, #tpu.memory_space<vmem>>, vector<16xf32>,
      %add3A_63 = arith.addf %get3A_59, %get3A_62 : vector<16xf32>
      %max3A_64 = arith.constant 0.000000e+00 : f32
      %max3A_65 = vector.broadcast %max3A_64 : f32 to vector<16xf32>
      %max3A_66 = arith.maximumf %add3A_63, %max3A_65 : vector<16xf32>
      %get3A_67 = arith.constant 32 : index
      %get3A_68 = tpu.vector_load %arg12[%get3A_67] {strides = array<i32>} : memref<144xf32, #tpu.memory_space<vmem>>, vector<16xf32>,
      %mul3A_69 = arith.mulf %max3A_66, %get3A_68 : vector<16xf32>
      %add3A_70 = arith.addf %add3A_56, %mul3A_69 : vector<16xf32>
      %get3A_71 = arith.index_cast %add3A_28 : i32 to index
      %get3A_72 = arith.constant 48 : index
      %get3A_73 = tpu.vector_load %arg10[%get3A_71, %get3A_72] {strides = array<i32>} : memref<16x128xf32, #tpu.memory_space<vmem>>, vector<16xf32>,
      %get3A_74 = arith.index_cast %add3A_28 : i32 to index
      %get3A_75 = arith.constant 48 : index
      %get3A_76 = tpu.vector_load %arg11[%get3A_74, %get3A_75] {strides = array<i32>} : memref<16x128xf32, #tpu.memory_space<vmem>>, vector<16xf32>,
      %add3A_77 = arith.addf %get3A_73, %get3A_76 : vector<16xf32>
      %max3A_78 = arith.constant 0.000000e+00 : f32
      %max3A_79 = vector.broadcast %max3A_78 : f32 to vector<16xf32>
      %max3A_80 = arith.maximumf %add3A_77, %max3A_79 : vector<16xf32>
      %get3A_81 = arith.constant 48 : index
      %get3A_82 = tpu.vector_load %arg12[%get3A_81] {strides = array<i32>} : memref<144xf32, #tpu.memory_space<vmem>>, vector<16xf32>,
      %mul3A_83 = arith.mulf %max3A_80, %get3A_82 : vector<16xf32>
      %add3A_84 = arith.addf %add3A_70, %mul3A_83 : vector<16xf32>
      %get3A_85 = arith.index_cast %add3A_28 : i32 to index
      %get3A_86 = arith.constant 64 : index
      %get3A_87 = tpu.vector_load %arg10[%get3A_85, %get3A_86] {strides = array<i32>} : memref<16x128xf32, #tpu.memory_space<vmem>>, vector<16xf32>,
      %get3A_88 = arith.index_cast %add3A_28 : i32 to index
      %get3A_89 = arith.constant 64 : index
      %get3A_90 = tpu.vector_load %arg11[%get3A_88, %get3A_89] {strides = array<i32>} : memref<16x128xf32, #tpu.memory_space<vmem>>, vector<16xf32>,
      %add3A_91 = arith.addf %get3A_87, %get3A_90 : vector<16xf32>
      %max3A_92 = arith.constant 0.000000e+00 : f32
      %max3A_93 = vector.broadcast %max3A_92 : f32 to vector<16xf32>
      %max3A_94 = arith.maximumf %add3A_91, %max3A_93 : vector<16xf32>
      %get3A_95 = arith.constant 64 : index
      %get3A_96 = tpu.vector_load %arg12[%get3A_95] {strides = array<i32>} : memref<144xf32, #tpu.memory_space<vmem>>, vector<16xf32>,
      %mul3A_97 = arith.mulf %max3A_94, %get3A_96 : vector<16xf32>
      %add3A_98 = arith.addf %add3A_84, %mul3A_97 : vector<16xf32>
      %get3A_99 = arith.index_cast %add3A_28 : i32 to index
      %get3A_100 = arith.constant 80 : index
      %get3A_101 = tpu.vector_load %arg10[%get3A_99, %get3A_100] {strides = array<i32>} : memref<16x128xf32, #tpu.memory_space<vmem>>, vector<16xf32>,
      %get3A_102 = arith.index_cast %add3A_28 : i32 to index
      %get3A_103 = arith.constant 80 : index
      %get3A_104 = tpu.vector_load %arg11[%get3A_102, %get3A_103] {strides = array<i32>} : memref<16x128xf32, #tpu.memory_space<vmem>>, vector<16xf32>,
      %add3A_105 = arith.addf %get3A_101, %get3A_104 : vector<16xf32>
      %max3A_106 = arith.constant 0.000000e+00 : f32
      %max3A_107 = vector.broadcast %max3A_106 : f32 to vector<16xf32>
      %max3A_108 = arith.maximumf %add3A_105, %max3A_107 : vector<16xf32>
      %get3A_109 = arith.constant 80 : index
      %get3A_110 = tpu.vector_load %arg12[%get3A_109] {strides = array<i32>} : memref<144xf32, #tpu.memory_space<vmem>>, vector<16xf32>,
      %mul3A_111 = arith.mulf %max3A_108, %get3A_110 : vector<16xf32>
      %add3A_112 = arith.addf %add3A_98, %mul3A_111 : vector<16xf32>
      %get3A_113 = arith.index_cast %add3A_28 : i32 to index
      %get3A_114 = arith.constant 96 : index
      %get3A_115 = tpu.vector_load %arg10[%get3A_113, %get3A_114] {strides = array<i32>} : memref<16x128xf32, #tpu.memory_space<vmem>>, vector<16xf32>,
      %get3A_116 = arith.index_cast %add3A_28 : i32 to index
      %get3A_117 = arith.constant 96 : index
      %get3A_118 = tpu.vector_load %arg11[%get3A_116, %get3A_117] {strides = array<i32>} : memref<16x128xf32, #tpu.memory_space<vmem>>, vector<16xf32>,
      %add3A_119 = arith.addf %get3A_115, %get3A_118 : vector<16xf32>
      %max3A_120 = arith.constant 0.000000e+00 : f32
      %max3A_121 = vector.broadcast %max3A_120 : f32 to vector<16xf32>
      %max3A_122 = arith.maximumf %add3A_119, %max3A_121 : vector<16xf32>
      %get3A_123 = arith.constant 96 : index
      %get3A_124 = tpu.vector_load %arg12[%get3A_123] {strides = array<i32>} : memref<144xf32, #tpu.memory_space<vmem>>, vector<16xf32>,
      %mul3A_125 = arith.mulf %max3A_122, %get3A_124 : vector<16xf32>
      %add3A_126 = arith.addf %add3A_112, %mul3A_125 : vector<16xf32>
      %get3A_127 = arith.index_cast %add3A_28 : i32 to index
      %get3A_128 = arith.constant 112 : index
      %get3A_129 = tpu.vector_load %arg10[%get3A_127, %get3A_128] {strides = array<i32>} : memref<16x128xf32, #tpu.memory_space<vmem>>, vector<16xf32>,
      %get3A_130 = arith.index_cast %add3A_28 : i32 to index
      %get3A_131 = arith.constant 112 : index
      %get3A_132 = tpu.vector_load %arg11[%get3A_130, %get3A_131] {strides = array<i32>} : memref<16x128xf32, #tpu.memory_space<vmem>>, vector<16xf32>,
      %add3A_133 = arith.addf %get3A_129, %get3A_132 : vector<16xf32>
      %max3A_134 = arith.constant 0.000000e+00 : f32
      %max3A_135 = vector.broadcast %max3A_134 : f32 to vector<16xf32>
      %max3A_136 = arith.maximumf %add3A_133, %max3A_135 : vector<16xf32>
      %get3A_137 = arith.constant 112 : index
      %get3A_138 = tpu.vector_load %arg12[%get3A_137] {strides = array<i32>} : memref<144xf32, #tpu.memory_space<vmem>>, vector<16xf32>,
      %mul3A_139 = arith.mulf %max3A_136, %get3A_138 : vector<16xf32>
      %add3A_140 = arith.addf %add3A_126, %mul3A_139 : vector<16xf32>
      %swap3A = arith.index_cast %add3A_28 : i32 to index
      %swap3A_141 = arith.constant 0 : index
      %swap3A_142 = tpu.vector_load %arg14[%swap3A, %swap3A_141] {strides = array<i32>} : memref<16x16xf32, #tpu.memory_space<vmem>>, vector<16xf32>,
      tpu.vector_store %arg14[%swap3A, %swap3A_141], %add3A_140 {strides = array<i32>} : memref<16x16xf32, #tpu.memory_space<vmem>>, vector<16xf32>,
      %mul3A_143 = arith.constant 16 : i32
      %mul3A_144 = arith.muli %scan3A_24, %mul3A_143 : i32
      %add3A_145 = arith.constant 1 : i32
      %add3A_146 = arith.addi %mul3A_144, %add3A_145 : i32
      %broadcast_in_dim3A_147 = arith.constant 0.000000e+00 : f32
      %broadcast_in_dim3A_148 = vector.broadcast %broadcast_in_dim3A_147 : f32 to vector<16xf32>
      %get3A_149 = arith.index_cast %add3A_146 : i32 to index
      %get3A_150 = arith.constant 0 : index
      %get3A_151 = tpu.vector_load %arg10[%get3A_149, %get3A_150] {strides = array<i32>} : memref<16x128xf32, #tpu.memory_space<vmem>>, vector<16xf32>,
      %get3A_152 = arith.index_cast %add3A_146 : i32 to index
      %get3A_153 = arith.constant 0 : index
      %get3A_154 = tpu.vector_load %arg11[%get3A_152, %get3A_153] {strides = array<i32>} : memref<16x128xf32, #tpu.memory_space<vmem>>, vector<16xf32>,
      %add3A_155 = arith.addf %get3A_151, %get3A_154 : vector<16xf32>
      %max3A_156 = arith.constant 0.000000e+00 : f32
      %max3A_157 = vector.broadcast %max3A_156 : f32 to vector<16xf32>
      %max3A_158 = arith.maximumf %add3A_155, %max3A_157 : vector<16xf32>
      %get3A_159 = arith.constant 0 : index
      %get3A_160 = tpu.vector_load %arg12[%get3A_159] {strides = array<i32>} : memref<144xf32, #tpu.memory_space<vmem>>, vector<16xf32>,
      %mul3A_161 = arith.mulf %max3A_158, %get3A_160 : vector<16xf32>
      %add3A_162 = arith.addf %broadcast_in_dim3A_148, %mul3A_161 : vector<16xf32>
      %get3A_163 = arith.index_cast %add3A_146 : i32 to index
      %get3A_164 = arith.constant 16 : index
      %get3A_165 = tpu.vector_load %arg10[%get3A_163, %get3A_164] {strides = array<i32>} : memref<16x128xf32, #tpu.memory_space<vmem>>, vector<16xf32>,
      %get3A_166 = arith.index_cast %add3A_146 : i32 to index
      %get3A_167 = arith.constant 16 : index
      %get3A_168 = tpu.vector_load %arg11[%get3A_166, %get3A_167] {strides = array<i32>} : memref<16x128xf32, #tpu.memory_space<vmem>>, vector<16xf32>,
      %add3A_169 = arith.addf %get3A_165, %get3A_168 : vector<16xf32>
      %max3A_170 = arith.constant 0.000000e+00 : f32
      %max3A_171 = vector.broadcast %max3A_170 : f32 to vector<16xf32>
      %max3A_172 = arith.maximumf %add3A_169, %max3A_171 : vector<16xf32>
      %get3A_173 = arith.constant 16 : index
      %get3A_174 = tpu.vector_load %arg12[%get3A_173] {strides = array<i32>} : memref<144xf32, #tpu.memory_space<vmem>>, vector<16xf32>,
      %mul3A_175 = arith.mulf %max3A_172, %get3A_174 : vector<16xf32>
      %add3A_176 = arith.addf %add3A_162, %mul3A_175 : vector<16xf32>
      %get3A_177 = arith.index_cast %add3A_146 : i32 to index
      %get3A_178 = arith.constant 32 : index
      %get3A_179 = tpu.vector_load %arg10[%get3A_177, %get3A_178] {strides = array<i32>} : memref<16x128xf32, #tpu.memory_space<vmem>>, vector<16xf32>,
      %get3A_180 = arith.index_cast %add3A_146 : i32 to index
      %get3A_181 = arith.constant 32 : index
      %get3A_182 = tpu.vector_load %arg11[%get3A_180, %get3A_181] {strides = array<i32>} : memref<16x128xf32, #tpu.memory_space<vmem>>, vector<16xf32>,
      %add3A_183 = arith.addf %get3A_179, %get3A_182 : vector<16xf32>
      %max3A_184 = arith.constant 0.000000e+00 : f32
      %max3A_185 = vector.broadcast %max3A_184 : f32 to vector<16xf32>
      %max3A_186 = arith.maximumf %add3A_183, %max3A_185 : vector<16xf32>
      %get3A_187 = arith.constant 32 : index
      %get3A_188 = tpu.vector_load %arg12[%get3A_187] {strides = array<i32>} : memref<144xf32, #tpu.memory_space<vmem>>, vector<16xf32>,
      %mul3A_189 = arith.mulf %max3A_186, %get3A_188 : vector<16xf32>
      %add3A_190 = arith.addf %add3A_176, %mul3A_189 : vector<16xf32>
      %get3A_191 = arith.index_cast %add3A_146 : i32 to index
      %get3A_192 = arith.constant 48 : index
      %get3A_193 = tpu.vector_load %arg10[%get3A_191, %get3A_192] {strides = array<i32>} : memref<16x128xf32, #tpu.memory_space<vmem>>, vector<16xf32>,
      %get3A_194 = arith.index_cast %add3A_146 : i32 to index
      %get3A_195 = arith.constant 48 : index
      %get3A_196 = tpu.vector_load %arg11[%get3A_194, %get3A_195] {strides = array<i32>} : memref<16x128xf32, #tpu.memory_space<vmem>>, vector<16xf32>,
      %add3A_197 = arith.addf %get3A_193, %get3A_196 : vector<16xf32>
      %max3A_198 = arith.constant 0.000000e+00 : f32
      %max3A_199 = vector.broadcast %max3A_198 : f32 to vector<16xf32>
      %max3A_200 = arith.maximumf %add3A_197, %max3A_199 : vector<16xf32>
      %get3A_201 = arith.constant 48 : index
      %get3A_202 = tpu.vector_load %arg12[%get3A_201] {strides = array<i32>} : memref<144xf32, #tpu.memory_space<vmem>>, vector<16xf32>,
      %mul3A_203 = arith.mulf %max3A_200, %get3A_202 : vector<16xf32>
      %add3A_204 = arith.addf %add3A_190, %mul3A_203 : vector<16xf32>
      %get3A_205 = arith.index_cast %add3A_146 : i32 to index
      %get3A_206 = arith.constant 64 : index
      %get3A_207 = tpu.vector_load %arg10[%get3A_205, %get3A_206] {strides = array<i32>} : memref<16x128xf32, #tpu.memory_space<vmem>>, vector<16xf32>,
      %get3A_208 = arith.index_cast %add3A_146 : i32 to index
      %get3A_209 = arith.constant 64 : index
      %get3A_210 = tpu.vector_load %arg11[%get3A_208, %get3A_209] {strides = array<i32>} : memref<16x128xf32, #tpu.memory_space<vmem>>, vector<16xf32>,
      %add3A_211 = arith.addf %get3A_207, %get3A_210 : vector<16xf32>
      %max3A_212 = arith.constant 0.000000e+00 : f32
      %max3A_213 = vector.broadcast %max3A_212 : f32 to vector<16xf32>
      %max3A_214 = arith.maximumf %add3A_211, %max3A_213 : vector<16xf32>
      %get3A_215 = arith.constant 64 : index
      %get3A_216 = tpu.vector_load %arg12[%get3A_215] {strides = array<i32>} : memref<144xf32, #tpu.memory_space<vmem>>, vector<16xf32>,
      %mul3A_217 = arith.mulf %max3A_214, %get3A_216 : vector<16xf32>
      %add3A_218 = arith.addf %add3A_204, %mul3A_217 : vector<16xf32>
      %get3A_219 = arith.index_cast %add3A_146 : i32 to index
      %get3A_220 = arith.constant 80 : index
      %get3A_221 = tpu.vector_load %arg10[%get3A_219, %get3A_220] {strides = array<i32>} : memref<16x128xf32, #tpu.memory_space<vmem>>, vector<16xf32>,
      %get3A_222 = arith.index_cast %add3A_146 : i32 to index
      %get3A_223 = arith.constant 80 : index
      %get3A_224 = tpu.vector_load %arg11[%get3A_222, %get3A_223] {strides = array<i32>} : memref<16x128xf32, #tpu.memory_space<vmem>>, vector<16xf32>,
      %add3A_225 = arith.addf %get3A_221, %get3A_224 : vector<16xf32>
      %max3A_226 = arith.constant 0.000000e+00 : f32
      %max3A_227 = vector.broadcast %max3A_226 : f32 to vector<16xf32>
      %max3A_228 = arith.maximumf %add3A_225, %max3A_227 : vector<16xf32>
      %get3A_229 = arith.constant 80 : index
      %get3A_230 = tpu.vector_load %arg12[%get3A_229] {strides = array<i32>} : memref<144xf32, #tpu.memory_space<vmem>>, vector<16xf32>,
      %mul3A_231 = arith.mulf %max3A_228, %get3A_230 : vector<16xf32>
      %add3A_232 = arith.addf %add3A_218, %mul3A_231 : vector<16xf32>
      %get3A_233 = arith.index_cast %add3A_146 : i32 to index
      %get3A_234 = arith.constant 96 : index
      %get3A_235 = tpu.vector_load %arg10[%get3A_233, %get3A_234] {strides = array<i32>} : memref<16x128xf32, #tpu.memory_space<vmem>>, vector<16xf32>,
      %get3A_236 = arith.index_cast %add3A_146 : i32 to index
      %get3A_237 = arith.constant 96 : index
      %get3A_238 = tpu.vector_load %arg11[%get3A_236, %get3A_237] {strides = array<i32>} : memref<16x128xf32, #tpu.memory_space<vmem>>, vector<16xf32>,
      %add3A_239 = arith.addf %get3A_235, %get3A_238 : vector<16xf32>
      %max3A_240 = arith.constant 0.000000e+00 : f32
      %max3A_241 = vector.broadcast %max3A_240 : f32 to vector<16xf32>
      %max3A_242 = arith.maximumf %add3A_239, %max3A_241 : vector<16xf32>
      %get3A_243 = arith.constant 96 : index
      %get3A_244 = tpu.vector_load %arg12[%get3A_243] {strides = array<i32>} : memref<144xf32, #tpu.memory_space<vmem>>, vector<16xf32>,
      %mul3A_245 = arith.mulf %max3A_242, %get3A_244 : vector<16xf32>
      %add3A_246 = arith.addf %add3A_232, %mul3A_245 : vector<16xf32>
      %get3A_247 = arith.index_cast %add3A_146 : i32 to index
      %get3A_248 = arith.constant 112 : index
      %get3A_249 = tpu.vector_load %arg10[%get3A_247, %get3A_248] {strides = array<i32>} : memref<16x128xf32, #tpu.memory_space<vmem>>, vector<16xf32>,
      %get3A_250 = arith.index_cast %add3A_146 : i32 to index
      %get3A_251 = arith.constant 112 : index
      %get3A_252 = tpu.vector_load %arg11[%get3A_250, %get3A_251] {strides = array<i32>} : memref<16x128xf32, #tpu.memory_space<vmem>>, vector<16xf32>,
      %add3A_253 = arith.addf %get3A_249, %get3A_252 : vector<16xf32>
      %max3A_254 = arith.constant 0.000000e+00 : f32
      %max3A_255 = vector.broadcast %max3A_254 : f32 to vector<16xf32>
      %max3A_256 = arith.maximumf %add3A_253, %max3A_255 : vector<16xf32>
      %get3A_257 = arith.constant 112 : index
      %get3A_258 = tpu.vector_load %arg12[%get3A_257] {strides = array<i32>} : memref<144xf32, #tpu.memory_space<vmem>>, vector<16xf32>,
      %mul3A_259 = arith.mulf %max3A_256, %get3A_258 : vector<16xf32>
      %add3A_260 = arith.addf %add3A_246, %mul3A_259 : vector<16xf32>
      %swap3A_261 = arith.index_cast %add3A_146 : i32 to index
      %swap3A_262 = arith.constant 0 : index
      %swap3A_263 = tpu.vector_load %arg14[%swap3A_261, %swap3A_262] {strides = array<i32>} : memref<16x16xf32, #tpu.memory_space<vmem>>, vector<16xf32>,
      tpu.vector_store %arg14[%swap3A_261, %swap3A_262], %add3A_260 {strides = array<i32>} : memref<16x16xf32, #tpu.memory_space<vmem>>, vector<16xf32>,
      %mul3A_264 = arith.constant 16 : i32
      %mul3A_265 = arith.muli %scan3A_24, %mul3A_264 : i32
      %add3A_266 = arith.constant 2 : i32
      %add3A_267 = arith.addi %mul3A_265, %add3A_266 : i32
      %broadcast_in_dim3A_268 = arith.constant 0.000000e+00 : f32
      %broadcast_in_dim3A_269 = vector.broadcast %broadcast_in_dim3A_268 : f32 to vector<16xf32>
      %get3A_270 = arith.index_cast %add3A_267 : i32 to index
      %get3A_271 = arith.constant 0 : index
      %get3A_272 = tpu.vector_load %arg10[%get3A_270, %get3A_271] {strides = array<i32>} : memref<16x128xf32, #tpu.memory_space<vmem>>, vector<16xf32>,
      %get3A_273 = arith.index_cast %add3A_267 : i32 to index
      %get3A_274 = arith.constant 0 : index
      %get3A_275 = tpu.vector_load %arg11[%get3A_273, %get3A_274] {strides = array<i32>} : memref<16x128xf32, #tpu.memory_space<vmem>>, vector<16xf32>,
      %add3A_276 = arith.addf %get3A_272, %get3A_275 : vector<16xf32>
      %max3A_277 = arith.constant 0.000000e+00 : f32
      %max3A_278 = vector.broadcast %max3A_277 : f32 to vector<16xf32>
      %max3A_279 = arith.maximumf %add3A_276, %max3A_278 : vector<16xf32>
      %get3A_280 = arith.constant 0 : index
      %get3A_281 = tpu.vector_load %arg12[%get3A_280] {strides = array<i32>} : memref<144xf32, #tpu.memory_space<vmem>>, vector<16xf32>,
      %mul3A_282 = arith.mulf %max3A_279, %get3A_281 : vector<16xf32>
      %add3A_283 = arith.addf %broadcast_in_dim3A_269, %mul3A_282 : vector<16xf32>
      %get3A_284 = arith.index_cast %add3A_267 : i32 to index
      %get3A_285 = arith.constant 16 : index
      %get3A_286 = tpu.vector_load %arg10[%get3A_284, %get3A_285] {strides = array<i32>} : memref<16x128xf32, #tpu.memory_space<vmem>>, vector<16xf32>,
      %get3A_287 = arith.index_cast %add3A_267 : i32 to index
      %get3A_288 = arith.constant 16 : index
      %get3A_289 = tpu.vector_load %arg11[%get3A_287, %get3A_288] {strides = array<i32>} : memref<16x128xf32, #tpu.memory_space<vmem>>, vector<16xf32>,
      %add3A_290 = arith.addf %get3A_286, %get3A_289 : vector<16xf32>
      %max3A_291 = arith.constant 0.000000e+00 : f32
      %max3A_292 = vector.broadcast %max3A_291 : f32 to vector<16xf32>
      %max3A_293 = arith.maximumf %add3A_290, %max3A_292 : vector<16xf32>
      %get3A_294 = arith.constant 16 : index
      %get3A_295 = tpu.vector_load %arg12[%get3A_294] {strides = array<i32>} : memref<144xf32, #tpu.memory_space<vmem>>, vector<16xf32>,
      %mul3A_296 = arith.mulf %max3A_293, %get3A_295 : vector<16xf32>
      %add3A_297 = arith.addf %add3A_283, %mul3A_296 : vector<16xf32>
      %get3A_298 = arith.index_cast %add3A_267 : i32 to index
      %get3A_299 = arith.constant 32 : index
      %get3A_300 = tpu.vector_load %arg10[%get3A_298, %get3A_299] {strides = array<i32>} : memref<16x128xf32, #tpu.memory_space<vmem>>, vector<16xf32>,
      %get3A_301 = arith.index_cast %add3A_267 : i32 to index
      %get3A_302 = arith.constant 32 : index
      %get3A_303 = tpu.vector_load %arg11[%get3A_301, %get3A_302] {strides = array<i32>} : memref<16x128xf32, #tpu.memory_space<vmem>>, vector<16xf32>,
      %add3A_304 = arith.addf %get3A_300, %get3A_303 : vector<16xf32>
      %max3A_305 = arith.constant 0.000000e+00 : f32
      %max3A_306 = vector.broadcast %max3A_305 : f32 to vector<16xf32>
      %max3A_307 = arith.maximumf %add3A_304, %max3A_306 : vector<16xf32>
      %get3A_308 = arith.constant 32 : index
      %get3A_309 = tpu.vector_load %arg12[%get3A_308] {strides = array<i32>} : memref<144xf32, #tpu.memory_space<vmem>>, vector<16xf32>,
      %mul3A_310 = arith.mulf %max3A_307, %get3A_309 : vector<16xf32>
      %add3A_311 = arith.addf %add3A_297, %mul3A_310 : vector<16xf32>
      %get3A_312 = arith.index_cast %add3A_267 : i32 to index
      %get3A_313 = arith.constant 48 : index
      %get3A_314 = tpu.vector_load %arg10[%get3A_312, %get3A_313] {strides = array<i32>} : memref<16x128xf32, #tpu.memory_space<vmem>>, vector<16xf32>,
      %get3A_315 = arith.index_cast %add3A_267 : i32 to index
      %get3A_316 = arith.constant 48 : index
      %get3A_317 = tpu.vector_load %arg11[%get3A_315, %get3A_316] {strides = array<i32>} : memref<16x128xf32, #tpu.memory_space<vmem>>, vector<16xf32>,
      %add3A_318 = arith.addf %get3A_314, %get3A_317 : vector<16xf32>
      %max3A_319 = arith.constant 0.000000e+00 : f32
      %max3A_320 = vector.broadcast %max3A_319 : f32 to vector<16xf32>
      %max3A_321 = arith.maximumf %add3A_318, %max3A_320 : vector<16xf32>
      %get3A_322 = arith.constant 48 : index
      %get3A_323 = tpu.vector_load %arg12[%get3A_322] {strides = array<i32>} : memref<144xf32, #tpu.memory_space<vmem>>, vector<16xf32>,
      %mul3A_324 = arith.mulf %max3A_321, %get3A_323 : vector<16xf32>
      %add3A_325 = arith.addf %add3A_311, %mul3A_324 : vector<16xf32>
      %get3A_326 = arith.index_cast %add3A_267 : i32 to index
      %get3A_327 = arith.constant 64 : index
      %get3A_328 = tpu.vector_load %arg10[%get3A_326, %get3A_327] {strides = array<i32>} : memref<16x128xf32, #tpu.memory_space<vmem>>, vector<16xf32>,
      %get3A_329 = arith.index_cast %add3A_267 : i32 to index
      %get3A_330 = arith.constant 64 : index
      %get3A_331 = tpu.vector_load %arg11[%get3A_329, %get3A_330] {strides = array<i32>} : memref<16x128xf32, #tpu.memory_space<vmem>>, vector<16xf32>,
      %add3A_332 = arith.addf %get3A_328, %get3A_331 : vector<16xf32>
      %max3A_333 = arith.constant 0.000000e+00 : f32
      %max3A_334 = vector.broadcast %max3A_333 : f32 to vector<16xf32>
      %max3A_335 = arith.maximumf %add3A_332, %max3A_334 : vector<16xf32>
      %get3A_336 = arith.constant 64 : index
      %get3A_337 = tpu.vector_load %arg12[%get3A_336] {strides = array<i32>} : memref<144xf32, #tpu.memory_space<vmem>>, vector<16xf32>,
      %mul3A_338 = arith.mulf %max3A_335, %get3A_337 : vector<16xf32>
      %add3A_339 = arith.addf %add3A_325, %mul3A_338 : vector<16xf32>
      %get3A_340 = arith.index_cast %add3A_267 : i32 to index
      %get3A_341 = arith.constant 80 : index
      %get3A_342 = tpu.vector_load %arg10[%get3A_340, %get3A_341] {strides = array<i32>} : memref<16x128xf32, #tpu.memory_space<vmem>>, vector<16xf32>,
      %get3A_343 = arith.index_cast %add3A_267 : i32 to index
      %get3A_344 = arith.constant 80 : index
      %get3A_345 = tpu.vector_load %arg11[%get3A_343, %get3A_344] {strides = array<i32>} : memref<16x128xf32, #tpu.memory_space<vmem>>, vector<16xf32>,
      %add3A_346 = arith.addf %get3A_342, %get3A_345 : vector<16xf32>
      %max3A_347 = arith.constant 0.000000e+00 : f32
      %max3A_348 = vector.broadcast %max3A_347 : f32 to vector<16xf32>
      %max3A_349 = arith.maximumf %add3A_346, %max3A_348 : vector<16xf32>
      %get3A_350 = arith.constant 80 : index
      %get3A_351 = tpu.vector_load %arg12[%get3A_350] {strides = array<i32>} : memref<144xf32, #tpu.memory_space<vmem>>, vector<16xf32>,
      %mul3A_352 = arith.mulf %max3A_349, %get3A_351 : vector<16xf32>
      %add3A_353 = arith.addf %add3A_339, %mul3A_352 : vector<16xf32>
      %get3A_354 = arith.index_cast %add3A_267 : i32 to index
      %get3A_355 = arith.constant 96 : index
      %get3A_356 = tpu.vector_load %arg10[%get3A_354, %get3A_355] {strides = array<i32>} : memref<16x128xf32, #tpu.memory_space<vmem>>, vector<16xf32>,
      %get3A_357 = arith.index_cast %add3A_267 : i32 to index
      %get3A_358 = arith.constant 96 : index
      %get3A_359 = tpu.vector_load %arg11[%get3A_357, %get3A_358] {strides = array<i32>} : memref<16x128xf32, #tpu.memory_space<vmem>>, vector<16xf32>,
      %add3A_360 = arith.addf %get3A_356, %get3A_359 : vector<16xf32>
      %max3A_361 = arith.constant 0.000000e+00 : f32
      %max3A_362 = vector.broadcast %max3A_361 : f32 to vector<16xf32>
      %max3A_363 = arith.maximumf %add3A_360, %max3A_362 : vector<16xf32>
      %get3A_364 = arith.constant 96 : index
      %get3A_365 = tpu.vector_load %arg12[%get3A_364] {strides = array<i32>} : memref<144xf32, #tpu.memory_space<vmem>>, vector<16xf32>,
      %mul3A_366 = arith.mulf %max3A_363, %get3A_365 : vector<16xf32>
      %add3A_367 = arith.addf %add3A_353, %mul3A_366 : vector<16xf32>
      %get3A_368 = arith.index_cast %add3A_267 : i32 to index
      %get3A_369 = arith.constant 112 : index
      %get3A_370 = tpu.vector_load %arg10[%get3A_368, %get3A_369] {strides = array<i32>} : memref<16x128xf32, #tpu.memory_space<vmem>>, vector<16xf32>,
      %get3A_371 = arith.index_cast %add3A_267 : i32 to index
      %get3A_372 = arith.constant 112 : index
      %get3A_373 = tpu.vector_load %arg11[%get3A_371, %get3A_372] {strides = array<i32>} : memref<16x128xf32, #tpu.memory_space<vmem>>, vector<16xf32>,
      %add3A_374 = arith.addf %get3A_370, %get3A_373 : vector<16xf32>
      %max3A_375 = arith.constant 0.000000e+00 : f32
      %max3A_376 = vector.broadcast %max3A_375 : f32 to vector<16xf32>
      %max3A_377 = arith.maximumf %add3A_374, %max3A_376 : vector<16xf32>
      %get3A_378 = arith.constant 112 : index
      %get3A_379 = tpu.vector_load %arg12[%get3A_378] {strides = array<i32>} : memref<144xf32, #tpu.memory_space<vmem>>, vector<16xf32>,
      %mul3A_380 = arith.mulf %max3A_377, %get3A_379 : vector<16xf32>
      %add3A_381 = arith.addf %add3A_367, %mul3A_380 : vector<16xf32>
      %swap3A_382 = arith.index_cast %add3A_267 : i32 to index
      %swap3A_383 = arith.constant 0 : index
      %swap3A_384 = tpu.vector_load %arg14[%swap3A_382, %swap3A_383] {strides = array<i32>} : memref<16x16xf32, #tpu.memory_space<vmem>>, vector<16xf32>,
      tpu.vector_store %arg14[%swap3A_382, %swap3A_383], %add3A_381 {strides = array<i32>} : memref<16x16xf32, #tpu.memory_space<vmem>>, vector<16xf32>,
      %mul3A_385 = arith.constant 16 : i32
      %mul3A_386 = arith.muli %scan3A_24, %mul3A_385 : i32
      %add3A_387 = arith.constant 3 : i32
      %add3A_388 = arith.addi %mul3A_386, %add3A_387 : i32
      %broadcast_in_dim3A_389 = arith.constant 0.000000e+00 : f32
      %broadcast_in_dim3A_390 = vector.broadcast %broadcast_in_dim3A_389 : f32 to vector<16xf32>
      %get3A_391 = arith.index_cast %add3A_388 : i32 to index
      %get3A_392 = arith.constant 0 : index
      %get3A_393 = tpu.vector_load %arg10[%get3A_391, %get3A_392] {strides = array<i32>} : memref<16x128xf32, #tpu.memory_space<vmem>>, vector<16xf32>,
      %get3A_394 = arith.index_cast %add3A_388 : i32 to index
      %get3A_395 = arith.constant 0 : index
      %get3A_396 = tpu.vector_load %arg11[%get3A_394, %get3A_395] {strides = array<i32>} : memref<16x128xf32, #tpu.memory_space<vmem>>, vector<16xf32>,
      %add3A_397 = arith.addf %get3A_393, %get3A_396 : vector<16xf32>
      %max3A_398 = arith.constant 0.000000e+00 : f32
      %max3A_399 = vector.broadcast %max3A_398 : f32 to vector<16xf32>
      %max3A_400 = arith.maximumf %add3A_397, %max3A_399 : vector<16xf32>
      %get3A_401 = arith.constant 0 : index
      %get3A_402 = tpu.vector_load %arg12[%get3A_401] {strides = array<i32>} : memref<144xf32, #tpu.memory_space<vmem>>, vector<16xf32>,
      %mul3A_403 = arith.mulf %max3A_400, %get3A_402 : vector<16xf32>
      %add3A_404 = arith.addf %broadcast_in_dim3A_390, %mul3A_403 : vector<16xf32>
      %get3A_405 = arith.index_cast %add3A_388 : i32 to index
      %get3A_406 = arith.constant 16 : index
      %get3A_407 = tpu.vector_load %arg10[%get3A_405, %get3A_406] {strides = array<i32>} : memref<16x128xf32, #tpu.memory_space<vmem>>, vector<16xf32>,
      %get3A_408 = arith.index_cast %add3A_388 : i32 to index
      %get3A_409 = arith.constant 16 : index
      %get3A_410 = tpu.vector_load %arg11[%get3A_408, %get3A_409] {strides = array<i32>} : memref<16x128xf32, #tpu.memory_space<vmem>>, vector<16xf32>,
      %add3A_411 = arith.addf %get3A_407, %get3A_410 : vector<16xf32>
      %max3A_412 = arith.constant 0.000000e+00 : f32
      %max3A_413 = vector.broadcast %max3A_412 : f32 to vector<16xf32>
      %max3A_414 = arith.maximumf %add3A_411, %max3A_413 : vector<16xf32>
      %get3A_415 = arith.constant 16 : index
      %get3A_416 = tpu.vector_load %arg12[%get3A_415] {strides = array<i32>} : memref<144xf32, #tpu.memory_space<vmem>>, vector<16xf32>,
      %mul3A_417 = arith.mulf %max3A_414, %get3A_416 : vector<16xf32>
      %add3A_418 = arith.addf %add3A_404, %mul3A_417 : vector<16xf32>
      %get3A_419 = arith.index_cast %add3A_388 : i32 to index
      %get3A_420 = arith.constant 32 : index
      %get3A_421 = tpu.vector_load %arg10[%get3A_419, %get3A_420] {strides = array<i32>} : memref<16x128xf32, #tpu.memory_space<vmem>>, vector<16xf32>,
      %get3A_422 = arith.index_cast %add3A_388 : i32 to index
      %get3A_423 = arith.constant 32 : index
      %get3A_424 = tpu.vector_load %arg11[%get3A_422, %get3A_423] {strides = array<i32>} : memref<16x128xf32, #tpu.memory_space<vmem>>, vector<16xf32>,
      %add3A_425 = arith.addf %get3A_421, %get3A_424 : vector<16xf32>
      %max3A_426 = arith.constant 0.000000e+00 : f32
      %max3A_427 = vector.broadcast %max3A_426 : f32 to vector<16xf32>
      %max3A_428 = arith.maximumf %add3A_425, %max3A_427 : vector<16xf32>
      %get3A_429 = arith.constant 32 : index
      %get3A_430 = tpu.vector_load %arg12[%get3A_429] {strides = array<i32>} : memref<144xf32, #tpu.memory_space<vmem>>, vector<16xf32>,
      %mul3A_431 = arith.mulf %max3A_428, %get3A_430 : vector<16xf32>
      %add3A_432 = arith.addf %add3A_418, %mul3A_431 : vector<16xf32>
      %get3A_433 = arith.index_cast %add3A_388 : i32 to index
      %get3A_434 = arith.constant 48 : index
      %get3A_435 = tpu.vector_load %arg10[%get3A_433, %get3A_434] {strides = array<i32>} : memref<16x128xf32, #tpu.memory_space<vmem>>, vector<16xf32>,
      %get3A_436 = arith.index_cast %add3A_388 : i32 to index
      %get3A_437 = arith.constant 48 : index
      %get3A_438 = tpu.vector_load %arg11[%get3A_436, %get3A_437] {strides = array<i32>} : memref<16x128xf32, #tpu.memory_space<vmem>>, vector<16xf32>,
      %add3A_439 = arith.addf %get3A_435, %get3A_438 : vector<16xf32>
      %max3A_440 = arith.constant 0.000000e+00 : f32
      %max3A_441 = vector.broadcast %max3A_440 : f32 to vector<16xf32>
      %max3A_442 = arith.maximumf %add3A_439, %max3A_441 : vector<16xf32>
      %get3A_443 = arith.constant 48 : index
      %get3A_444 = tpu.vector_load %arg12[%get3A_443] {strides = array<i32>} : memref<144xf32, #tpu.memory_space<vmem>>, vector<16xf32>,
      %mul3A_445 = arith.mulf %max3A_442, %get3A_444 : vector<16xf32>
      %add3A_446 = arith.addf %add3A_432, %mul3A_445 : vector<16xf32>
      %get3A_447 = arith.index_cast %add3A_388 : i32 to index
      %get3A_448 = arith.constant 64 : index
      %get3A_449 = tpu.vector_load %arg10[%get3A_447, %get3A_448] {strides = array<i32>} : memref<16x128xf32, #tpu.memory_space<vmem>>, vector<16xf32>,
      %get3A_450 = arith.index_cast %add3A_388 : i32 to index
      %get3A_451 = arith.constant 64 : index
      %get3A_452 = tpu.vector_load %arg11[%get3A_450, %get3A_451] {strides = array<i32>} : memref<16x128xf32, #tpu.memory_space<vmem>>, vector<16xf32>,
      %add3A_453 = arith.addf %get3A_449, %get3A_452 : vector<16xf32>
      %max3A_454 = arith.constant 0.000000e+00 : f32
      %max3A_455 = vector.broadcast %max3A_454 : f32 to vector<16xf32>
      %max3A_456 = arith.maximumf %add3A_453, %max3A_455 : vector<16xf32>
      %get3A_457 = arith.constant 64 : index
      %get3A_458 = tpu.vector_load %arg12[%get3A_457] {strides = array<i32>} : memref<144xf32, #tpu.memory_space<vmem>>, vector<16xf32>,
      %mul3A_459 = arith.mulf %max3A_456, %get3A_458 : vector<16xf32>
      %add3A_460 = arith.addf %add3A_446, %mul3A_459 : vector<16xf32>
      %get3A_461 = arith.index_cast %add3A_388 : i32 to index
      %get3A_462 = arith.constant 80 : index
      %get3A_463 = tpu.vector_load %arg10[%get3A_461, %get3A_462] {strides = array<i32>} : memref<16x128xf32, #tpu.memory_space<vmem>>, vector<16xf32>,
      %get3A_464 = arith.index_cast %add3A_388 : i32 to index
      %get3A_465 = arith.constant 80 : index
      %get3A_466 = tpu.vector_load %arg11[%get3A_464, %get3A_465] {strides = array<i32>} : memref<16x128xf32, #tpu.memory_space<vmem>>, vector<16xf32>,
      %add3A_467 = arith.addf %get3A_463, %get3A_466 : vector<16xf32>
      %max3A_468 = arith.constant 0.000000e+00 : f32
      %max3A_469 = vector.broadcast %max3A_468 : f32 to vector<16xf32>
      %max3A_470 = arith.maximumf %add3A_467, %max3A_469 : vector<16xf32>
      %get3A_471 = arith.constant 80 : index
      %get3A_472 = tpu.vector_load %arg12[%get3A_471] {strides = array<i32>} : memref<144xf32, #tpu.memory_space<vmem>>, vector<16xf32>,
      %mul3A_473 = arith.mulf %max3A_470, %get3A_472 : vector<16xf32>
      %add3A_474 = arith.addf %add3A_460, %mul3A_473 : vector<16xf32>
      %get3A_475 = arith.index_cast %add3A_388 : i32 to index
      %get3A_476 = arith.constant 96 : index
      %get3A_477 = tpu.vector_load %arg10[%get3A_475, %get3A_476] {strides = array<i32>} : memref<16x128xf32, #tpu.memory_space<vmem>>, vector<16xf32>,
      %get3A_478 = arith.index_cast %add3A_388 : i32 to index
      %get3A_479 = arith.constant 96 : index
      %get3A_480 = tpu.vector_load %arg11[%get3A_478, %get3A_479] {strides = array<i32>} : memref<16x128xf32, #tpu.memory_space<vmem>>, vector<16xf32>,
      %add3A_481 = arith.addf %get3A_477, %get3A_480 : vector<16xf32>
      %max3A_482 = arith.constant 0.000000e+00 : f32
      %max3A_483 = vector.broadcast %max3A_482 : f32 to vector<16xf32>
      %max3A_484 = arith.maximumf %add3A_481, %max3A_483 : vector<16xf32>
      %get3A_485 = arith.constant 96 : index
      %get3A_486 = tpu.vector_load %arg12[%get3A_485] {strides = array<i32>} : memref<144xf32, #tpu.memory_space<vmem>>, vector<16xf32>,
      %mul3A_487 = arith.mulf %max3A_484, %get3A_486 : vector<16xf32>
      %add3A_488 = arith.addf %add3A_474, %mul3A_487 : vector<16xf32>
      %get3A_489 = arith.index_cast %add3A_388 : i32 to index
      %get3A_490 = arith.constant 112 : index
      %get3A_491 = tpu.vector_load %arg10[%get3A_489, %get3A_490] {strides = array<i32>} : memref<16x128xf32, #tpu.memory_space<vmem>>, vector<16xf32>,
      %get3A_492 = arith.index_cast %add3A_388 : i32 to index
      %get3A_493 = arith.constant 112 : index
      %get3A_494 = tpu.vector_load %arg11[%get3A_492, %get3A_493] {strides = array<i32>} : memref<16x128xf32, #tpu.memory_space<vmem>>, vector<16xf32>,
      %add3A_495 = arith.addf %get3A_491, %get3A_494 : vector<16xf32>
      %max3A_496 = arith.constant 0.000000e+00 : f32
      %max3A_497 = vector.broadcast %max3A_496 : f32 to vector<16xf32>
      %max3A_498 = arith.maximumf %add3A_495, %max3A_497 : vector<16xf32>
      %get3A_499 = arith.constant 112 : index
      %get3A_500 = tpu.vector_load %arg12[%get3A_499] {strides = array<i32>} : memref<144xf32, #tpu.memory_space<vmem>>, vector<16xf32>,
      %mul3A_501 = arith.mulf %max3A_498, %get3A_500 : vector<16xf32>
      %add3A_502 = arith.addf %add3A_488, %mul3A_501 : vector<16xf32>
      %swap3A_503 = arith.index_cast %add3A_388 : i32 to index
      %swap3A_504 = arith.constant 0 : index
      %swap3A_505 = tpu.vector_load %arg14[%swap3A_503, %swap3A_504] {strides = array<i32>} : memref<16x16xf32, #tpu.memory_space<vmem>>, vector<16xf32>,
      tpu.vector_store %arg14[%swap3A_503, %swap3A_504], %add3A_502 {strides = array<i32>} : memref<16x16xf32, #tpu.memory_space<vmem>>, vector<16xf32>,
      %mul3A_506 = arith.constant 16 : i32
      %mul3A_507 = arith.muli %scan3A_24, %mul3A_506 : i32
      %add3A_508 = arith.constant 4 : i32
      %add3A_509 = arith.addi %mul3A_507, %add3A_508 : i32
      %broadcast_in_dim3A_510 = arith.constant 0.000000e+00 : f32
      %broadcast_in_dim3A_511 = vector.broadcast %broadcast_in_dim3A_510 : f32 to vector<16xf32>
      %get3A_512 = arith.index_cast %add3A_509 : i32 to index
      %get3A_513 = arith.constant 0 : index
      %get3A_514 = tpu.vector_load %arg10[%get3A_512, %get3A_513] {strides = array<i32>} : memref<16x128xf32, #tpu.memory_space<vmem>>, vector<16xf32>,
      %get3A_515 = arith.index_cast %add3A_509 : i32 to index
      %get3A_516 = arith.constant 0 : index
      %get3A_517 = tpu.vector_load %arg11[%get3A_515, %get3A_516] {strides = array<i32>} : memref<16x128xf32, #tpu.memory_space<vmem>>, vector<16xf32>,
      %add3A_518 = arith.addf %get3A_514, %get3A_517 : vector<16xf32>
      %max3A_519 = arith.constant 0.000000e+00 : f32
      %max3A_520 = vector.broadcast %max3A_519 : f32 to vector<16xf32>
      %max3A_521 = arith.maximumf %add3A_518, %max3A_520 : vector<16xf32>
      %get3A_522 = arith.constant 0 : index
      %get3A_523 = tpu.vector_load %arg12[%get3A_522] {strides = array<i32>} : memref<144xf32, #tpu.memory_space<vmem>>, vector<16xf32>,
      %mul3A_524 = arith.mulf %max3A_521, %get3A_523 : vector<16xf32>
      %add3A_525 = arith.addf %broadcast_in_dim3A_511, %mul3A_524 : vector<16xf32>
      %get3A_526 = arith.index_cast %add3A_509 : i32 to index
      %get3A_527 = arith.constant 16 : index
      %get3A_528 = tpu.vector_load %arg10[%get3A_526, %get3A_527] {strides = array<i32>} : memref<16x128xf32, #tpu.memory_space<vmem>>, vector<16xf32>,
      %get3A_529 = arith.index_cast %add3A_509 : i32 to index
      %get3A_530 = arith.constant 16 : index
      %get3A_531 = tpu.vector_load %arg11[%get3A_529, %get3A_530] {strides = array<i32>} : memref<16x128xf32, #tpu.memory_space<vmem>>, vector<16xf32>,
      %add3A_532 = arith.addf %get3A_528, %get3A_531 : vector<16xf32>
      %max3A_533 = arith.constant 0.000000e+00 : f32
      %max3A_534 = vector.broadcast %max3A_533 : f32 to vector<16xf32>
      %max3A_535 = arith.maximumf %add3A_532, %max3A_534 : vector<16xf32>
      %get3A_536 = arith.constant 16 : index
      %get3A_537 = tpu.vector_load %arg12[%get3A_536] {strides = array<i32>} : memref<144xf32, #tpu.memory_space<vmem>>, vector<16xf32>,
      %mul3A_538 = arith.mulf %max3A_535, %get3A_537 : vector<16xf32>
      %add3A_539 = arith.addf %add3A_525, %mul3A_538 : vector<16xf32>
      %get3A_540 = arith.index_cast %add3A_509 : i32 to index
      %get3A_541 = arith.constant 32 : index
      %get3A_542 = tpu.vector_load %arg10[%get3A_540, %get3A_541] {strides = array<i32>} : memref<16x128xf32, #tpu.memory_space<vmem>>, vector<16xf32>,
      %get3A_543 = arith.index_cast %add3A_509 : i32 to index
      %get3A_544 = arith.constant 32 : index
      %get3A_545 = tpu.vector_load %arg11[%get3A_543, %get3A_544] {strides = array<i32>} : memref<16x128xf32, #tpu.memory_space<vmem>>, vector<16xf32>,
      %add3A_546 = arith.addf %get3A_542, %get3A_545 : vector<16xf32>
      %max3A_547 = arith.constant 0.000000e+00 : f32
      %max3A_548 = vector.broadcast %max3A_547 : f32 to vector<16xf32>
      %max3A_549 = arith.maximumf %add3A_546, %max3A_548 : vector<16xf32>
      %get3A_550 = arith.constant 32 : index
      %get3A_551 = tpu.vector_load %arg12[%get3A_550] {strides = array<i32>} : memref<144xf32, #tpu.memory_space<vmem>>, vector<16xf32>,
      %mul3A_552 = arith.mulf %max3A_549, %get3A_551 : vector<16xf32>
      %add3A_553 = arith.addf %add3A_539, %mul3A_552 : vector<16xf32>
      %get3A_554 = arith.index_cast %add3A_509 : i32 to index
      %get3A_555 = arith.constant 48 : index
      %get3A_556 = tpu.vector_load %arg10[%get3A_554, %get3A_555] {strides = array<i32>} : memref<16x128xf32, #tpu.memory_space<vmem>>, vector<16xf32>,
      %get3A_557 = arith.index_cast %add3A_509 : i32 to index
      %get3A_558 = arith.constant 48 : index
      %get3A_559 = tpu.vector_load %arg11[%get3A_557, %get3A_558] {strides = array<i32>} : memref<16x128xf32, #tpu.memory_space<vmem>>, vector<16xf32>,
      %add3A_560 = arith.addf %get3A_556, %get3A_559 : vector<16xf32>
      %max3A_561 = arith.constant 0.000000e+00 : f32
      %max3A_562 = vector.broadcast %max3A_561 : f32 to vector<16xf32>
      %max3A_563 = arith.maximumf %add3A_560, %max3A_562 : vector<16xf32>
      %get3A_564 = arith.constant 48 : index
      %get3A_565 = tpu.vector_load %arg12[%get3A_564] {strides = array<i32>} : memref<144xf32, #tpu.memory_space<vmem>>, vector<16xf32>,
      %mul3A_566 = arith.mulf %max3A_563, %get3A_565 : vector<16xf32>
      %add3A_567 = arith.addf %add3A_553, %mul3A_566 : vector<16xf32>
      %get3A_568 = arith.index_cast %add3A_509 : i32 to index
      %get3A_569 = arith.constant 64 : index
      %get3A_570 = tpu.vector_load %arg10[%get3A_568, %get3A_569] {strides = array<i32>} : memref<16x128xf32, #tpu.memory_space<vmem>>, vector<16xf32>,
      %get3A_571 = arith.index_cast %add3A_509 : i32 to index
      %get3A_572 = arith.constant 64 : index
      %get3A_573 = tpu.vector_load %arg11[%get3A_571, %get3A_572] {strides = array<i32>} : memref<16x128xf32, #tpu.memory_space<vmem>>, vector<16xf32>,
      %add3A_574 = arith.addf %get3A_570, %get3A_573 : vector<16xf32>
      %max3A_575 = arith.constant 0.000000e+00 : f32
      %max3A_576 = vector.broadcast %max3A_575 : f32 to vector<16xf32>
      %max3A_577 = arith.maximumf %add3A_574, %max3A_576 : vector<16xf32>
      %get3A_578 = arith.constant 64 : index
      %get3A_579 = tpu.vector_load %arg12[%get3A_578] {strides = array<i32>} : memref<144xf32, #tpu.memory_space<vmem>>, vector<16xf32>,
      %mul3A_580 = arith.mulf %max3A_577, %get3A_579 : vector<16xf32>
      %add3A_581 = arith.addf %add3A_567, %mul3A_580 : vector<16xf32>
      %get3A_582 = arith.index_cast %add3A_509 : i32 to index
      %get3A_583 = arith.constant 80 : index
      %get3A_584 = tpu.vector_load %arg10[%get3A_582, %get3A_583] {strides = array<i32>} : memref<16x128xf32, #tpu.memory_space<vmem>>, vector<16xf32>,
      %get3A_585 = arith.index_cast %add3A_509 : i32 to index
      %get3A_586 = arith.constant 80 : index
      %get3A_587 = tpu.vector_load %arg11[%get3A_585, %get3A_586] {strides = array<i32>} : memref<16x128xf32, #tpu.memory_space<vmem>>, vector<16xf32>,
      %add3A_588 = arith.addf %get3A_584, %get3A_587 : vector<16xf32>
      %max3A_589 = arith.constant 0.000000e+00 : f32
      %max3A_590 = vector.broadcast %max3A_589 : f32 to vector<16xf32>
      %max3A_591 = arith.maximumf %add3A_588, %max3A_590 : vector<16xf32>
      %get3A_592 = arith.constant 80 : index
      %get3A_593 = tpu.vector_load %arg12[%get3A_592] {strides = array<i32>} : memref<144xf32, #tpu.memory_space<vmem>>, vector<16xf32>,
      %mul3A_594 = arith.mulf %max3A_591, %get3A_593 : vector<16xf32>
      %add3A_595 = arith.addf %add3A_581, %mul3A_594 : vector<16xf32>
      %get3A_596 = arith.index_cast %add3A_509 : i32 to index
      %get3A_597 = arith.constant 96 : index
      %get3A_598 = tpu.vector_load %arg10[%get3A_596, %get3A_597] {strides = array<i32>} : memref<16x128xf32, #tpu.memory_space<vmem>>, vector<16xf32>,
      %get3A_599 = arith.index_cast %add3A_509 : i32 to index
      %get3A_600 = arith.constant 96 : index
      %get3A_601 = tpu.vector_load %arg11[%get3A_599, %get3A_600] {strides = array<i32>} : memref<16x128xf32, #tpu.memory_space<vmem>>, vector<16xf32>,
      %add3A_602 = arith.addf %get3A_598, %get3A_601 : vector<16xf32>
      %max3A_603 = arith.constant 0.000000e+00 : f32
      %max3A_604 = vector.broadcast %max3A_603 : f32 to vector<16xf32>
      %max3A_605 = arith.maximumf %add3A_602, %max3A_604 : vector<16xf32>
      %get3A_606 = arith.constant 96 : index
      %get3A_607 = tpu.vector_load %arg12[%get3A_606] {strides = array<i32>} : memref<144xf32, #tpu.memory_space<vmem>>, vector<16xf32>,
      %mul3A_608 = arith.mulf %max3A_605, %get3A_607 : vector<16xf32>
      %add3A_609 = arith.addf %add3A_595, %mul3A_608 : vector<16xf32>
      %get3A_610 = arith.index_cast %add3A_509 : i32 to index
      %get3A_611 = arith.constant 112 : index
      %get3A_612 = tpu.vector_load %arg10[%get3A_610, %get3A_611] {strides = array<i32>} : memref<16x128xf32, #tpu.memory_space<vmem>>, vector<16xf32>,
      %get3A_613 = arith.index_cast %add3A_509 : i32 to index
      %get3A_614 = arith.constant 112 : index
      %get3A_615 = tpu.vector_load %arg11[%get3A_613, %get3A_614] {strides = array<i32>} : memref<16x128xf32, #tpu.memory_space<vmem>>, vector<16xf32>,
      %add3A_616 = arith.addf %get3A_612, %get3A_615 : vector<16xf32>
      %max3A_617 = arith.constant 0.000000e+00 : f32
      %max3A_618 = vector.broadcast %max3A_617 : f32 to vector<16xf32>
      %max3A_619 = arith.maximumf %add3A_616, %max3A_618 : vector<16xf32>
      %get3A_620 = arith.constant 112 : index
      %get3A_621 = tpu.vector_load %arg12[%get3A_620] {strides = array<i32>} : memref<144xf32, #tpu.memory_space<vmem>>, vector<16xf32>,
      %mul3A_622 = arith.mulf %max3A_619, %get3A_621 : vector<16xf32>
      %add3A_623 = arith.addf %add3A_609, %mul3A_622 : vector<16xf32>
      %swap3A_624 = arith.index_cast %add3A_509 : i32 to index
      %swap3A_625 = arith.constant 0 : index
      %swap3A_626 = tpu.vector_load %arg14[%swap3A_624, %swap3A_625] {strides = array<i32>} : memref<16x16xf32, #tpu.memory_space<vmem>>, vector<16xf32>,
      tpu.vector_store %arg14[%swap3A_624, %swap3A_625], %add3A_623 {strides = array<i32>} : memref<16x16xf32, #tpu.memory_space<vmem>>, vector<16xf32>,
      %mul3A_627 = arith.constant 16 : i32
      %mul3A_628 = arith.muli %scan3A_24, %mul3A_627 : i32
      %add3A_629 = arith.constant 5 : i32
      %add3A_630 = arith.addi %mul3A_628, %add3A_629 : i32
      %broadcast_in_dim3A_631 = arith.constant 0.000000e+00 : f32
      %broadcast_in_dim3A_632 = vector.broadcast %broadcast_in_dim3A_631 : f32 to vector<16xf32>
      %get3A_633 = arith.index_cast %add3A_630 : i32 to index
      %get3A_634 = arith.constant 0 : index
      %get3A_635 = tpu.vector_load %arg10[%get3A_633, %get3A_634] {strides = array<i32>} : memref<16x128xf32, #tpu.memory_space<vmem>>, vector<16xf32>,
      %get3A_636 = arith.index_cast %add3A_630 : i32 to index
      %get3A_637 = arith.constant 0 : index
      %get3A_638 = tpu.vector_load %arg11[%get3A_636, %get3A_637] {strides = array<i32>} : memref<16x128xf32, #tpu.memory_space<vmem>>, vector<16xf32>,
      %add3A_639 = arith.addf %get3A_635, %get3A_638 : vector<16xf32>
      %max3A_640 = arith.constant 0.000000e+00 : f32
      %max3A_641 = vector.broadcast %max3A_640 : f32 to vector<16xf32>
      %max3A_642 = arith.maximumf %add3A_639, %max3A_641 : vector<16xf32>
      %get3A_643 = arith.constant 0 : index
      %get3A_644 = tpu.vector_load %arg12[%get3A_643] {strides = array<i32>} : memref<144xf32, #tpu.memory_space<vmem>>, vector<16xf32>,
      %mul3A_645 = arith.mulf %max3A_642, %get3A_644 : vector<16xf32>
      %add3A_646 = arith.addf %broadcast_in_dim3A_632, %mul3A_645 : vector<16xf32>
      %get3A_647 = arith.index_cast %add3A_630 : i32 to index
      %get3A_648 = arith.constant 16 : index
      %get3A_649 = tpu.vector_load %arg10[%get3A_647, %get3A_648] {strides = array<i32>} : memref<16x128xf32, #tpu.memory_space<vmem>>, vector<16xf32>,
      %get3A_650 = arith.index_cast %add3A_630 : i32 to index
      %get3A_651 = arith.constant 16 : index
      %get3A_652 = tpu.vector_load %arg11[%get3A_650, %get3A_651] {strides = array<i32>} : memref<16x128xf32, #tpu.memory_space<vmem>>, vector<16xf32>,
      %add3A_653 = arith.addf %get3A_649, %get3A_652 : vector<16xf32>
      %max3A_654 = arith.constant 0.000000e+00 : f32
      %max3A_655 = vector.broadcast %max3A_654 : f32 to vector<16xf32>
      %max3A_656 = arith.maximumf %add3A_653, %max3A_655 : vector<16xf32>
      %get3A_657 = arith.constant 16 : index
      %get3A_658 = tpu.vector_load %arg12[%get3A_657] {strides = array<i32>} : memref<144xf32, #tpu.memory_space<vmem>>, vector<16xf32>,
      %mul3A_659 = arith.mulf %max3A_656, %get3A_658 : vector<16xf32>
      %add3A_660 = arith.addf %add3A_646, %mul3A_659 : vector<16xf32>
      %get3A_661 = arith.index_cast %add3A_630 : i32 to index
      %get3A_662 = arith.constant 32 : index
      %get3A_663 = tpu.vector_load %arg10[%get3A_661, %get3A_662] {strides = array<i32>} : memref<16x128xf32, #tpu.memory_space<vmem>>, vector<16xf32>,
      %get3A_664 = arith.index_cast %add3A_630 : i32 to index
      %get3A_665 = arith.constant 32 : index
      %get3A_666 = tpu.vector_load %arg11[%get3A_664, %get3A_665] {strides = array<i32>} : memref<16x128xf32, #tpu.memory_space<vmem>>, vector<16xf32>,
      %add3A_667 = arith.addf %get3A_663, %get3A_666 : vector<16xf32>
      %max3A_668 = arith.constant 0.000000e+00 : f32
      %max3A_669 = vector.broadcast %max3A_668 : f32 to vector<16xf32>
      %max3A_670 = arith.maximumf %add3A_667, %max3A_669 : vector<16xf32>
      %get3A_671 = arith.constant 32 : index
      %get3A_672 = tpu.vector_load %arg12[%get3A_671] {strides = array<i32>} : memref<144xf32, #tpu.memory_space<vmem>>, vector<16xf32>,
      %mul3A_673 = arith.mulf %max3A_670, %get3A_672 : vector<16xf32>
      %add3A_674 = arith.addf %add3A_660, %mul3A_673 : vector<16xf32>
      %get3A_675 = arith.index_cast %add3A_630 : i32 to index
      %get3A_676 = arith.constant 48 : index
      %get3A_677 = tpu.vector_load %arg10[%get3A_675, %get3A_676] {strides = array<i32>} : memref<16x128xf32, #tpu.memory_space<vmem>>, vector<16xf32>,
      %get3A_678 = arith.index_cast %add3A_630 : i32 to index
      %get3A_679 = arith.constant 48 : index
      %get3A_680 = tpu.vector_load %arg11[%get3A_678, %get3A_679] {strides = array<i32>} : memref<16x128xf32, #tpu.memory_space<vmem>>, vector<16xf32>,
      %add3A_681 = arith.addf %get3A_677, %get3A_680 : vector<16xf32>
      %max3A_682 = arith.constant 0.000000e+00 : f32
      %max3A_683 = vector.broadcast %max3A_682 : f32 to vector<16xf32>
      %max3A_684 = arith.maximumf %add3A_681, %max3A_683 : vector<16xf32>
      %get3A_685 = arith.constant 48 : index
      %get3A_686 = tpu.vector_load %arg12[%get3A_685] {strides = array<i32>} : memref<144xf32, #tpu.memory_space<vmem>>, vector<16xf32>,
      %mul3A_687 = arith.mulf %max3A_684, %get3A_686 : vector<16xf32>
      %add3A_688 = arith.addf %add3A_674, %mul3A_687 : vector<16xf32>
      %get3A_689 = arith.index_cast %add3A_630 : i32 to index
      %get3A_690 = arith.constant 64 : index
      %get3A_691 = tpu.vector_load %arg10[%get3A_689, %get3A_690] {strides = array<i32>} : memref<16x128xf32, #tpu.memory_space<vmem>>, vector<16xf32>,
      %get3A_692 = arith.index_cast %add3A_630 : i32 to index
      %get3A_693 = arith.constant 64 : index
      %get3A_694 = tpu.vector_load %arg11[%get3A_692, %get3A_693] {strides = array<i32>} : memref<16x128xf32, #tpu.memory_space<vmem>>, vector<16xf32>,
      %add3A_695 = arith.addf %get3A_691, %get3A_694 : vector<16xf32>
      %max3A_696 = arith.constant 0.000000e+00 : f32
      %max3A_697 = vector.broadcast %max3A_696 : f32 to vector<16xf32>
      %max3A_698 = arith.maximumf %add3A_695, %max3A_697 : vector<16xf32>
      %get3A_699 = arith.constant 64 : index
      %get3A_700 = tpu.vector_load %arg12[%get3A_699] {strides = array<i32>} : memref<144xf32, #tpu.memory_space<vmem>>, vector<16xf32>,
      %mul3A_701 = arith.mulf %max3A_698, %get3A_700 : vector<16xf32>
      %add3A_702 = arith.addf %add3A_688, %mul3A_701 : vector<16xf32>
      %get3A_703 = arith.index_cast %add3A_630 : i32 to index
      %get3A_704 = arith.constant 80 : index
      %get3A_705 = tpu.vector_load %arg10[%get3A_703, %get3A_704] {strides = array<i32>} : memref<16x128xf32, #tpu.memory_space<vmem>>, vector<16xf32>,
      %get3A_706 = arith.index_cast %add3A_630 : i32 to index
      %get3A_707 = arith.constant 80 : index
      %get3A_708 = tpu.vector_load %arg11[%get3A_706, %get3A_707] {strides = array<i32>} : memref<16x128xf32, #tpu.memory_space<vmem>>, vector<16xf32>,
      %add3A_709 = arith.addf %get3A_705, %get3A_708 : vector<16xf32>
      %max3A_710 = arith.constant 0.000000e+00 : f32
      %max3A_711 = vector.broadcast %max3A_710 : f32 to vector<16xf32>
      %max3A_712 = arith.maximumf %add3A_709, %max3A_711 : vector<16xf32>
      %get3A_713 = arith.constant 80 : index
      %get3A_714 = tpu.vector_load %arg12[%get3A_713] {strides = array<i32>} : memref<144xf32, #tpu.memory_space<vmem>>, vector<16xf32>,
      %mul3A_715 = arith.mulf %max3A_712, %get3A_714 : vector<16xf32>
      %add3A_716 = arith.addf %add3A_702, %mul3A_715 : vector<16xf32>
      %get3A_717 = arith.index_cast %add3A_630 : i32 to index
      %get3A_718 = arith.constant 96 : index
      %get3A_719 = tpu.vector_load %arg10[%get3A_717, %get3A_718] {strides = array<i32>} : memref<16x128xf32, #tpu.memory_space<vmem>>, vector<16xf32>,
      %get3A_720 = arith.index_cast %add3A_630 : i32 to index
      %get3A_721 = arith.constant 96 : index
      %get3A_722 = tpu.vector_load %arg11[%get3A_720, %get3A_721] {strides = array<i32>} : memref<16x128xf32, #tpu.memory_space<vmem>>, vector<16xf32>,
      %add3A_723 = arith.addf %get3A_719, %get3A_722 : vector<16xf32>
      %max3A_724 = arith.constant 0.000000e+00 : f32
      %max3A_725 = vector.broadcast %max3A_724 : f32 to vector<16xf32>
      %max3A_726 = arith.maximumf %add3A_723, %max3A_725 : vector<16xf32>
      %get3A_727 = arith.constant 96 : index
      %get3A_728 = tpu.vector_load %arg12[%get3A_727] {strides = array<i32>} : memref<144xf32, #tpu.memory_space<vmem>>, vector<16xf32>,
      %mul3A_729 = arith.mulf %max3A_726, %get3A_728 : vector<16xf32>
      %add3A_730 = arith.addf %add3A_716, %mul3A_729 : vector<16xf32>
      %get3A_731 = arith.index_cast %add3A_630 : i32 to index
      %get3A_732 = arith.constant 112 : index
      %get3A_733 = tpu.vector_load %arg10[%get3A_731, %get3A_732] {strides = array<i32>} : memref<16x128xf32, #tpu.memory_space<vmem>>, vector<16xf32>,
      %get3A_734 = arith.index_cast %add3A_630 : i32 to index
      %get3A_735 = arith.constant 112 : index
      %get3A_736 = tpu.vector_load %arg11[%get3A_734, %get3A_735] {strides = array<i32>} : memref<16x128xf32, #tpu.memory_space<vmem>>, vector<16xf32>,
      %add3A_737 = arith.addf %get3A_733, %get3A_736 : vector<16xf32>
      %max3A_738 = arith.constant 0.000000e+00 : f32
      %max3A_739 = vector.broadcast %max3A_738 : f32 to vector<16xf32>
      %max3A_740 = arith.maximumf %add3A_737, %max3A_739 : vector<16xf32>
      %get3A_741 = arith.constant 112 : index
      %get3A_742 = tpu.vector_load %arg12[%get3A_741] {strides = array<i32>} : memref<144xf32, #tpu.memory_space<vmem>>, vector<16xf32>,
      %mul3A_743 = arith.mulf %max3A_740, %get3A_742 : vector<16xf32>
      %add3A_744 = arith.addf %add3A_730, %mul3A_743 : vector<16xf32>
      %swap3A_745 = arith.index_cast %add3A_630 : i32 to index
      %swap3A_746 = arith.constant 0 : index
      %swap3A_747 = tpu.vector_load %arg14[%swap3A_745, %swap3A_746] {strides = array<i32>} : memref<16x16xf32, #tpu.memory_space<vmem>>, vector<16xf32>,
      tpu.vector_store %arg14[%swap3A_745, %swap3A_746], %add3A_744 {strides = array<i32>} : memref<16x16xf32, #tpu.memory_space<vmem>>, vector<16xf32>,
      %mul3A_748 = arith.constant 16 : i32
      %mul3A_749 = arith.muli %scan3A_24, %mul3A_748 : i32
      %add3A_750 = arith.constant 6 : i32
      %add3A_751 = arith.addi %mul3A_749, %add3A_750 : i32
      %broadcast_in_dim3A_752 = arith.constant 0.000000e+00 : f32
      %broadcast_in_dim3A_753 = vector.broadcast %broadcast_in_dim3A_752 : f32 to vector<16xf32>
      %get3A_754 = arith.index_cast %add3A_751 : i32 to index
      %get3A_755 = arith.constant 0 : index
      %get3A_756 = tpu.vector_load %arg10[%get3A_754, %get3A_755] {strides = array<i32>} : memref<16x128xf32, #tpu.memory_space<vmem>>, vector<16xf32>,
      %get3A_757 = arith.index_cast %add3A_751 : i32 to index
      %get3A_758 = arith.constant 0 : index
      %get3A_759 = tpu.vector_load %arg11[%get3A_757, %get3A_758] {strides = array<i32>} : memref<16x128xf32, #tpu.memory_space<vmem>>, vector<16xf32>,
      %add3A_760 = arith.addf %get3A_756, %get3A_759 : vector<16xf32>
      %max3A_761 = arith.constant 0.000000e+00 : f32
      %max3A_762 = vector.broadcast %max3A_761 : f32 to vector<16xf32>
      %max3A_763 = arith.maximumf %add3A_760, %max3A_762 : vector<16xf32>
      %get3A_764 = arith.constant 0 : index
      %get3A_765 = tpu.vector_load %arg12[%get3A_764] {strides = array<i32>} : memref<144xf32, #tpu.memory_space<vmem>>, vector<16xf32>,
      %mul3A_766 = arith.mulf %max3A_763, %get3A_765 : vector<16xf32>
      %add3A_767 = arith.addf %broadcast_in_dim3A_753, %mul3A_766 : vector<16xf32>
      %get3A_768 = arith.index_cast %add3A_751 : i32 to index
      %get3A_769 = arith.constant 16 : index
      %get3A_770 = tpu.vector_load %arg10[%get3A_768, %get3A_769] {strides = array<i32>} : memref<16x128xf32, #tpu.memory_space<vmem>>, vector<16xf32>,
      %get3A_771 = arith.index_cast %add3A_751 : i32 to index
      %get3A_772 = arith.constant 16 : index
      %get3A_773 = tpu.vector_load %arg11[%get3A_771, %get3A_772] {strides = array<i32>} : memref<16x128xf32, #tpu.memory_space<vmem>>, vector<16xf32>,
      %add3A_774 = arith.addf %get3A_770, %get3A_773 : vector<16xf32>
      %max3A_775 = arith.constant 0.000000e+00 : f32
      %max3A_776 = vector.broadcast %max3A_775 : f32 to vector<16xf32>
      %max3A_777 = arith.maximumf %add3A_774, %max3A_776 : vector<16xf32>
      %get3A_778 = arith.constant 16 : index
      %get3A_779 = tpu.vector_load %arg12[%get3A_778] {strides = array<i32>} : memref<144xf32, #tpu.memory_space<vmem>>, vector<16xf32>,
      %mul3A_780 = arith.mulf %max3A_777, %get3A_779 : vector<16xf32>
      %add3A_781 = arith.addf %add3A_767, %mul3A_780 : vector<16xf32>
      %get3A_782 = arith.index_cast %add3A_751 : i32 to index
      %get3A_783 = arith.constant 32 : index
      %get3A_784 = tpu.vector_load %arg10[%get3A_782, %get3A_783] {strides = array<i32>} : memref<16x128xf32, #tpu.memory_space<vmem>>, vector<16xf32>,
      %get3A_785 = arith.index_cast %add3A_751 : i32 to index
      %get3A_786 = arith.constant 32 : index
      %get3A_787 = tpu.vector_load %arg11[%get3A_785, %get3A_786] {strides = array<i32>} : memref<16x128xf32, #tpu.memory_space<vmem>>, vector<16xf32>,
      %add3A_788 = arith.addf %get3A_784, %get3A_787 : vector<16xf32>
      %max3A_789 = arith.constant 0.000000e+00 : f32
      %max3A_790 = vector.broadcast %max3A_789 : f32 to vector<16xf32>
      %max3A_791 = arith.maximumf %add3A_788, %max3A_790 : vector<16xf32>
      %get3A_792 = arith.constant 32 : index
      %get3A_793 = tpu.vector_load %arg12[%get3A_792] {strides = array<i32>} : memref<144xf32, #tpu.memory_space<vmem>>, vector<16xf32>,
      %mul3A_794 = arith.mulf %max3A_791, %get3A_793 : vector<16xf32>
      %add3A_795 = arith.addf %add3A_781, %mul3A_794 : vector<16xf32>
      %get3A_796 = arith.index_cast %add3A_751 : i32 to index
      %get3A_797 = arith.constant 48 : index
      %get3A_798 = tpu.vector_load %arg10[%get3A_796, %get3A_797] {strides = array<i32>} : memref<16x128xf32, #tpu.memory_space<vmem>>, vector<16xf32>,
      %get3A_799 = arith.index_cast %add3A_751 : i32 to index
      %get3A_800 = arith.constant 48 : index
      %get3A_801 = tpu.vector_load %arg11[%get3A_799, %get3A_800] {strides = array<i32>} : memref<16x128xf32, #tpu.memory_space<vmem>>, vector<16xf32>,
      %add3A_802 = arith.addf %get3A_798, %get3A_801 : vector<16xf32>
      %max3A_803 = arith.constant 0.000000e+00 : f32
      %max3A_804 = vector.broadcast %max3A_803 : f32 to vector<16xf32>
      %max3A_805 = arith.maximumf %add3A_802, %max3A_804 : vector<16xf32>
      %get3A_806 = arith.constant 48 : index
      %get3A_807 = tpu.vector_load %arg12[%get3A_806] {strides = array<i32>} : memref<144xf32, #tpu.memory_space<vmem>>, vector<16xf32>,
      %mul3A_808 = arith.mulf %max3A_805, %get3A_807 : vector<16xf32>
      %add3A_809 = arith.addf %add3A_795, %mul3A_808 : vector<16xf32>
      %get3A_810 = arith.index_cast %add3A_751 : i32 to index
      %get3A_811 = arith.constant 64 : index
      %get3A_812 = tpu.vector_load %arg10[%get3A_810, %get3A_811] {strides = array<i32>} : memref<16x128xf32, #tpu.memory_space<vmem>>, vector<16xf32>,
      %get3A_813 = arith.index_cast %add3A_751 : i32 to index
      %get3A_814 = arith.constant 64 : index
      %get3A_815 = tpu.vector_load %arg11[%get3A_813, %get3A_814] {strides = array<i32>} : memref<16x128xf32, #tpu.memory_space<vmem>>, vector<16xf32>,
      %add3A_816 = arith.addf %get3A_812, %get3A_815 : vector<16xf32>
      %max3A_817 = arith.constant 0.000000e+00 : f32
      %max3A_818 = vector.broadcast %max3A_817 : f32 to vector<16xf32>
      %max3A_819 = arith.maximumf %add3A_816, %max3A_818 : vector<16xf32>
      %get3A_820 = arith.constant 64 : index
      %get3A_821 = tpu.vector_load %arg12[%get3A_820] {strides = array<i32>} : memref<144xf32, #tpu.memory_space<vmem>>, vector<16xf32>,
      %mul3A_822 = arith.mulf %max3A_819, %get3A_821 : vector<16xf32>
      %add3A_823 = arith.addf %add3A_809, %mul3A_822 : vector<16xf32>
      %get3A_824 = arith.index_cast %add3A_751 : i32 to index
      %get3A_825 = arith.constant 80 : index
      %get3A_826 = tpu.vector_load %arg10[%get3A_824, %get3A_825] {strides = array<i32>} : memref<16x128xf32, #tpu.memory_space<vmem>>, vector<16xf32>,
      %get3A_827 = arith.index_cast %add3A_751 : i32 to index
      %get3A_828 = arith.constant 80 : index
      %get3A_829 = tpu.vector_load %arg11[%get3A_827, %get3A_828] {strides = array<i32>} : memref<16x128xf32, #tpu.memory_space<vmem>>, vector<16xf32>,
      %add3A_830 = arith.addf %get3A_826, %get3A_829 : vector<16xf32>
      %max3A_831 = arith.constant 0.000000e+00 : f32
      %max3A_832 = vector.broadcast %max3A_831 : f32 to vector<16xf32>
      %max3A_833 = arith.maximumf %add3A_830, %max3A_832 : vector<16xf32>
      %get3A_834 = arith.constant 80 : index
      %get3A_835 = tpu.vector_load %arg12[%get3A_834] {strides = array<i32>} : memref<144xf32, #tpu.memory_space<vmem>>, vector<16xf32>,
      %mul3A_836 = arith.mulf %max3A_833, %get3A_835 : vector<16xf32>
      %add3A_837 = arith.addf %add3A_823, %mul3A_836 : vector<16xf32>
      %get3A_838 = arith.index_cast %add3A_751 : i32 to index
      %get3A_839 = arith.constant 96 : index
      %get3A_840 = tpu.vector_load %arg10[%get3A_838, %get3A_839] {strides = array<i32>} : memref<16x128xf32, #tpu.memory_space<vmem>>, vector<16xf32>,
      %get3A_841 = arith.index_cast %add3A_751 : i32 to index
      %get3A_842 = arith.constant 96 : index
      %get3A_843 = tpu.vector_load %arg11[%get3A_841, %get3A_842] {strides = array<i32>} : memref<16x128xf32, #tpu.memory_space<vmem>>, vector<16xf32>,
      %add3A_844 = arith.addf %get3A_840, %get3A_843 : vector<16xf32>
      %max3A_845 = arith.constant 0.000000e+00 : f32
      %max3A_846 = vector.broadcast %max3A_845 : f32 to vector<16xf32>
      %max3A_847 = arith.maximumf %add3A_844, %max3A_846 : vector<16xf32>
      %get3A_848 = arith.constant 96 : index
      %get3A_849 = tpu.vector_load %arg12[%get3A_848] {strides = array<i32>} : memref<144xf32, #tpu.memory_space<vmem>>, vector<16xf32>,
      %mul3A_850 = arith.mulf %max3A_847, %get3A_849 : vector<16xf32>
      %add3A_851 = arith.addf %add3A_837, %mul3A_850 : vector<16xf32>
      %get3A_852 = arith.index_cast %add3A_751 : i32 to index
      %get3A_853 = arith.constant 112 : index
      %get3A_854 = tpu.vector_load %arg10[%get3A_852, %get3A_853] {strides = array<i32>} : memref<16x128xf32, #tpu.memory_space<vmem>>, vector<16xf32>,
      %get3A_855 = arith.index_cast %add3A_751 : i32 to index
      %get3A_856 = arith.constant 112 : index
      %get3A_857 = tpu.vector_load %arg11[%get3A_855, %get3A_856] {strides = array<i32>} : memref<16x128xf32, #tpu.memory_space<vmem>>, vector<16xf32>,
      %add3A_858 = arith.addf %get3A_854, %get3A_857 : vector<16xf32>
      %max3A_859 = arith.constant 0.000000e+00 : f32
      %max3A_860 = vector.broadcast %max3A_859 : f32 to vector<16xf32>
      %max3A_861 = arith.maximumf %add3A_858, %max3A_860 : vector<16xf32>
      %get3A_862 = arith.constant 112 : index
      %get3A_863 = tpu.vector_load %arg12[%get3A_862] {strides = array<i32>} : memref<144xf32, #tpu.memory_space<vmem>>, vector<16xf32>,
      %mul3A_864 = arith.mulf %max3A_861, %get3A_863 : vector<16xf32>
      %add3A_865 = arith.addf %add3A_851, %mul3A_864 : vector<16xf32>
      %swap3A_866 = arith.index_cast %add3A_751 : i32 to index
      %swap3A_867 = arith.constant 0 : index
      %swap3A_868 = tpu.vector_load %arg14[%swap3A_866, %swap3A_867] {strides = array<i32>} : memref<16x16xf32, #tpu.memory_space<vmem>>, vector<16xf32>,
      tpu.vector_store %arg14[%swap3A_866, %swap3A_867], %add3A_865 {strides = array<i32>} : memref<16x16xf32, #tpu.memory_space<vmem>>, vector<16xf32>,
      %mul3A_869 = arith.constant 16 : i32
      %mul3A_870 = arith.muli %scan3A_24, %mul3A_869 : i32
      %add3A_871 = arith.constant 7 : i32
      %add3A_872 = arith.addi %mul3A_870, %add3A_871 : i32
      %broadcast_in_dim3A_873 = arith.constant 0.000000e+00 : f32
      %broadcast_in_dim3A_874 = vector.broadcast %broadcast_in_dim3A_873 : f32 to vector<16xf32>
      %get3A_875 = arith.index_cast %add3A_872 : i32 to index
      %get3A_876 = arith.constant 0 : index
      %get3A_877 = tpu.vector_load %arg10[%get3A_875, %get3A_876] {strides = array<i32>} : memref<16x128xf32, #tpu.memory_space<vmem>>, vector<16xf32>,
      %get3A_878 = arith.index_cast %add3A_872 : i32 to index
      %get3A_879 = arith.constant 0 : index
      %get3A_880 = tpu.vector_load %arg11[%get3A_878, %get3A_879] {strides = array<i32>} : memref<16x128xf32, #tpu.memory_space<vmem>>, vector<16xf32>,
      %add3A_881 = arith.addf %get3A_877, %get3A_880 : vector<16xf32>
      %max3A_882 = arith.constant 0.000000e+00 : f32
      %max3A_883 = vector.broadcast %max3A_882 : f32 to vector<16xf32>
      %max3A_884 = arith.maximumf %add3A_881, %max3A_883 : vector<16xf32>
      %get3A_885 = arith.constant 0 : index
      %get3A_886 = tpu.vector_load %arg12[%get3A_885] {strides = array<i32>} : memref<144xf32, #tpu.memory_space<vmem>>, vector<16xf32>,
      %mul3A_887 = arith.mulf %max3A_884, %get3A_886 : vector<16xf32>
      %add3A_888 = arith.addf %broadcast_in_dim3A_874, %mul3A_887 : vector<16xf32>
      %get3A_889 = arith.index_cast %add3A_872 : i32 to index
      %get3A_890 = arith.constant 16 : index
      %get3A_891 = tpu.vector_load %arg10[%get3A_889, %get3A_890] {strides = array<i32>} : memref<16x128xf32, #tpu.memory_space<vmem>>, vector<16xf32>,
      %get3A_892 = arith.index_cast %add3A_872 : i32 to index
      %get3A_893 = arith.constant 16 : index
      %get3A_894 = tpu.vector_load %arg11[%get3A_892, %get3A_893] {strides = array<i32>} : memref<16x128xf32, #tpu.memory_space<vmem>>, vector<16xf32>,
      %add3A_895 = arith.addf %get3A_891, %get3A_894 : vector<16xf32>
      %max3A_896 = arith.constant 0.000000e+00 : f32
      %max3A_897 = vector.broadcast %max3A_896 : f32 to vector<16xf32>
      %max3A_898 = arith.maximumf %add3A_895, %max3A_897 : vector<16xf32>
      %get3A_899 = arith.constant 16 : index
      %get3A_900 = tpu.vector_load %arg12[%get3A_899] {strides = array<i32>} : memref<144xf32, #tpu.memory_space<vmem>>, vector<16xf32>,
      %mul3A_901 = arith.mulf %max3A_898, %get3A_900 : vector<16xf32>
      %add3A_902 = arith.addf %add3A_888, %mul3A_901 : vector<16xf32>
      %get3A_903 = arith.index_cast %add3A_872 : i32 to index
      %get3A_904 = arith.constant 32 : index
      %get3A_905 = tpu.vector_load %arg10[%get3A_903, %get3A_904] {strides = array<i32>} : memref<16x128xf32, #tpu.memory_space<vmem>>, vector<16xf32>,
      %get3A_906 = arith.index_cast %add3A_872 : i32 to index
      %get3A_907 = arith.constant 32 : index
      %get3A_908 = tpu.vector_load %arg11[%get3A_906, %get3A_907] {strides = array<i32>} : memref<16x128xf32, #tpu.memory_space<vmem>>, vector<16xf32>,
      %add3A_909 = arith.addf %get3A_905, %get3A_908 : vector<16xf32>
      %max3A_910 = arith.constant 0.000000e+00 : f32
      %max3A_911 = vector.broadcast %max3A_910 : f32 to vector<16xf32>
      %max3A_912 = arith.maximumf %add3A_909, %max3A_911 : vector<16xf32>
      %get3A_913 = arith.constant 32 : index
      %get3A_914 = tpu.vector_load %arg12[%get3A_913] {strides = array<i32>} : memref<144xf32, #tpu.memory_space<vmem>>, vector<16xf32>,
      %mul3A_915 = arith.mulf %max3A_912, %get3A_914 : vector<16xf32>
      %add3A_916 = arith.addf %add3A_902, %mul3A_915 : vector<16xf32>
      %get3A_917 = arith.index_cast %add3A_872 : i32 to index
      %get3A_918 = arith.constant 48 : index
      %get3A_919 = tpu.vector_load %arg10[%get3A_917, %get3A_918] {strides = array<i32>} : memref<16x128xf32, #tpu.memory_space<vmem>>, vector<16xf32>,
      %get3A_920 = arith.index_cast %add3A_872 : i32 to index
      %get3A_921 = arith.constant 48 : index
      %get3A_922 = tpu.vector_load %arg11[%get3A_920, %get3A_921] {strides = array<i32>} : memref<16x128xf32, #tpu.memory_space<vmem>>, vector<16xf32>,
      %add3A_923 = arith.addf %get3A_919, %get3A_922 : vector<16xf32>
      %max3A_924 = arith.constant 0.000000e+00 : f32
      %max3A_925 = vector.broadcast %max3A_924 : f32 to vector<16xf32>
      %max3A_926 = arith.maximumf %add3A_923, %max3A_925 : vector<16xf32>
      %get3A_927 = arith.constant 48 : index
      %get3A_928 = tpu.vector_load %arg12[%get3A_927] {strides = array<i32>} : memref<144xf32, #tpu.memory_space<vmem>>, vector<16xf32>,
      %mul3A_929 = arith.mulf %max3A_926, %get3A_928 : vector<16xf32>
      %add3A_930 = arith.addf %add3A_916, %mul3A_929 : vector<16xf32>
      %get3A_931 = arith.index_cast %add3A_872 : i32 to index
      %get3A_932 = arith.constant 64 : index
      %get3A_933 = tpu.vector_load %arg10[%get3A_931, %get3A_932] {strides = array<i32>} : memref<16x128xf32, #tpu.memory_space<vmem>>, vector<16xf32>,
      %get3A_934 = arith.index_cast %add3A_872 : i32 to index
      %get3A_935 = arith.constant 64 : index
      %get3A_936 = tpu.vector_load %arg11[%get3A_934, %get3A_935] {strides = array<i32>} : memref<16x128xf32, #tpu.memory_space<vmem>>, vector<16xf32>,
      %add3A_937 = arith.addf %get3A_933, %get3A_936 : vector<16xf32>
      %max3A_938 = arith.constant 0.000000e+00 : f32
      %max3A_939 = vector.broadcast %max3A_938 : f32 to vector<16xf32>
      %max3A_940 = arith.maximumf %add3A_937, %max3A_939 : vector<16xf32>
      %get3A_941 = arith.constant 64 : index
      %get3A_942 = tpu.vector_load %arg12[%get3A_941] {strides = array<i32>} : memref<144xf32, #tpu.memory_space<vmem>>, vector<16xf32>,
      %mul3A_943 = arith.mulf %max3A_940, %get3A_942 : vector<16xf32>
      %add3A_944 = arith.addf %add3A_930, %mul3A_943 : vector<16xf32>
      %get3A_945 = arith.index_cast %add3A_872 : i32 to index
      %get3A_946 = arith.constant 80 : index
      %get3A_947 = tpu.vector_load %arg10[%get3A_945, %get3A_946] {strides = array<i32>} : memref<16x128xf32, #tpu.memory_space<vmem>>, vector<16xf32>,
      %get3A_948 = arith.index_cast %add3A_872 : i32 to index
      %get3A_949 = arith.constant 80 : index
      %get3A_950 = tpu.vector_load %arg11[%get3A_948, %get3A_949] {strides = array<i32>} : memref<16x128xf32, #tpu.memory_space<vmem>>, vector<16xf32>,
      %add3A_951 = arith.addf %get3A_947, %get3A_950 : vector<16xf32>
      %max3A_952 = arith.constant 0.000000e+00 : f32
      %max3A_953 = vector.broadcast %max3A_952 : f32 to vector<16xf32>
      %max3A_954 = arith.maximumf %add3A_951, %max3A_953 : vector<16xf32>
      %get3A_955 = arith.constant 80 : index
      %get3A_956 = tpu.vector_load %arg12[%get3A_955] {strides = array<i32>} : memref<144xf32, #tpu.memory_space<vmem>>, vector<16xf32>,
      %mul3A_957 = arith.mulf %max3A_954, %get3A_956 : vector<16xf32>
      %add3A_958 = arith.addf %add3A_944, %mul3A_957 : vector<16xf32>
      %get3A_959 = arith.index_cast %add3A_872 : i32 to index
      %get3A_960 = arith.constant 96 : index
      %get3A_961 = tpu.vector_load %arg10[%get3A_959, %get3A_960] {strides = array<i32>} : memref<16x128xf32, #tpu.memory_space<vmem>>, vector<16xf32>,
      %get3A_962 = arith.index_cast %add3A_872 : i32 to index
      %get3A_963 = arith.constant 96 : index
      %get3A_964 = tpu.vector_load %arg11[%get3A_962, %get3A_963] {strides = array<i32>} : memref<16x128xf32, #tpu.memory_space<vmem>>, vector<16xf32>,
      %add3A_965 = arith.addf %get3A_961, %get3A_964 : vector<16xf32>
      %max3A_966 = arith.constant 0.000000e+00 : f32
      %max3A_967 = vector.broadcast %max3A_966 : f32 to vector<16xf32>
      %max3A_968 = arith.maximumf %add3A_965, %max3A_967 : vector<16xf32>
      %get3A_969 = arith.constant 96 : index
      %get3A_970 = tpu.vector_load %arg12[%get3A_969] {strides = array<i32>} : memref<144xf32, #tpu.memory_space<vmem>>, vector<16xf32>,
      %mul3A_971 = arith.mulf %max3A_968, %get3A_970 : vector<16xf32>
      %add3A_972 = arith.addf %add3A_958, %mul3A_971 : vector<16xf32>
      %get3A_973 = arith.index_cast %add3A_872 : i32 to index
      %get3A_974 = arith.constant 112 : index
      %get3A_975 = tpu.vector_load %arg10[%get3A_973, %get3A_974] {strides = array<i32>} : memref<16x128xf32, #tpu.memory_space<vmem>>, vector<16xf32>,
      %get3A_976 = arith.index_cast %add3A_872 : i32 to index
      %get3A_977 = arith.constant 112 : index
      %get3A_978 = tpu.vector_load %arg11[%get3A_976, %get3A_977] {strides = array<i32>} : memref<16x128xf32, #tpu.memory_space<vmem>>, vector<16xf32>,
      %add3A_979 = arith.addf %get3A_975, %get3A_978 : vector<16xf32>
      %max3A_980 = arith.constant 0.000000e+00 : f32
      %max3A_981 = vector.broadcast %max3A_980 : f32 to vector<16xf32>
      %max3A_982 = arith.maximumf %add3A_979, %max3A_981 : vector<16xf32>
      %get3A_983 = arith.constant 112 : index
      %get3A_984 = tpu.vector_load %arg12[%get3A_983] {strides = array<i32>} : memref<144xf32, #tpu.memory_space<vmem>>, vector<16xf32>,
      %mul3A_985 = arith.mulf %max3A_982, %get3A_984 : vector<16xf32>
      %add3A_986 = arith.addf %add3A_972, %mul3A_985 : vector<16xf32>
      %swap3A_987 = arith.index_cast %add3A_872 : i32 to index
      %swap3A_988 = arith.constant 0 : index
      %swap3A_989 = tpu.vector_load %arg14[%swap3A_987, %swap3A_988] {strides = array<i32>} : memref<16x16xf32, #tpu.memory_space<vmem>>, vector<16xf32>,
      tpu.vector_store %arg14[%swap3A_987, %swap3A_988], %add3A_986 {strides = array<i32>} : memref<16x16xf32, #tpu.memory_space<vmem>>, vector<16xf32>,
      %mul3A_990 = arith.constant 16 : i32
      %mul3A_991 = arith.muli %scan3A_24, %mul3A_990 : i32
      %add3A_992 = arith.constant 8 : i32
      %add3A_993 = arith.addi %mul3A_991, %add3A_992 : i32
      %broadcast_in_dim3A_994 = arith.constant 0.000000e+00 : f32
      %broadcast_in_dim3A_995 = vector.broadcast %broadcast_in_dim3A_994 : f32 to vector<16xf32>
      %get3A_996 = arith.index_cast %add3A_993 : i32 to index
      %get3A_997 = arith.constant 0 : index
      %get3A_998 = tpu.vector_load %arg10[%get3A_996, %get3A_997] {strides = array<i32>} : memref<16x128xf32, #tpu.memory_space<vmem>>, vector<16xf32>,
      %get3A_999 = arith.index_cast %add3A_993 : i32 to index
      %get3A_1000 = arith.constant 0 : index
      %get3A_1001 = tpu.vector_load %arg11[%get3A_999, %get3A_1000] {strides = array<i32>} : memref<16x128xf32, #tpu.memory_space<vmem>>, vector<16xf32>,
      %add3A_1002 = arith.addf %get3A_998, %get3A_1001 : vector<16xf32>
      %max3A_1003 = arith.constant 0.000000e+00 : f32
      %max3A_1004 = vector.broadcast %max3A_1003 : f32 to vector<16xf32>
      %max3A_1005 = arith.maximumf %add3A_1002, %max3A_1004 : vector<16xf32>
      %get3A_1006 = arith.constant 0 : index
      %get3A_1007 = tpu.vector_load %arg12[%get3A_1006] {strides = array<i32>} : memref<144xf32, #tpu.memory_space<vmem>>, vector<16xf32>,
      %mul3A_1008 = arith.mulf %max3A_1005, %get3A_1007 : vector<16xf32>
      %add3A_1009 = arith.addf %broadcast_in_dim3A_995, %mul3A_1008 : vector<16xf32>
      %get3A_1010 = arith.index_cast %add3A_993 : i32 to index
      %get3A_1011 = arith.constant 16 : index
      %get3A_1012 = tpu.vector_load %arg10[%get3A_1010, %get3A_1011] {strides = array<i32>} : memref<16x128xf32, #tpu.memory_space<vmem>>, vector<16xf32>,
      %get3A_1013 = arith.index_cast %add3A_993 : i32 to index
      %get3A_1014 = arith.constant 16 : index
      %get3A_1015 = tpu.vector_load %arg11[%get3A_1013, %get3A_1014] {strides = array<i32>} : memref<16x128xf32, #tpu.memory_space<vmem>>, vector<16xf32>,
      %add3A_1016 = arith.addf %get3A_1012, %get3A_1015 : vector<16xf32>
      %max3A_1017 = arith.constant 0.000000e+00 : f32
      %max3A_1018 = vector.broadcast %max3A_1017 : f32 to vector<16xf32>
      %max3A_1019 = arith.maximumf %add3A_1016, %max3A_1018 : vector<16xf32>
      %get3A_1020 = arith.constant 16 : index
      %get3A_1021 = tpu.vector_load %arg12[%get3A_1020] {strides = array<i32>} : memref<144xf32, #tpu.memory_space<vmem>>, vector<16xf32>,
      %mul3A_1022 = arith.mulf %max3A_1019, %get3A_1021 : vector<16xf32>
      %add3A_1023 = arith.addf %add3A_1009, %mul3A_1022 : vector<16xf32>
      %get3A_1024 = arith.index_cast %add3A_993 : i32 to index
      %get3A_1025 = arith.constant 32 : index
      %get3A_1026 = tpu.vector_load %arg10[%get3A_1024, %get3A_1025] {strides = array<i32>} : memref<16x128xf32, #tpu.memory_space<vmem>>, vector<16xf32>,
      %get3A_1027 = arith.index_cast %add3A_993 : i32 to index
      %get3A_1028 = arith.constant 32 : index
      %get3A_1029 = tpu.vector_load %arg11[%get3A_1027, %get3A_1028] {strides = array<i32>} : memref<16x128xf32, #tpu.memory_space<vmem>>, vector<16xf32>,
      %add3A_1030 = arith.addf %get3A_1026, %get3A_1029 : vector<16xf32>
      %max3A_1031 = arith.constant 0.000000e+00 : f32
      %max3A_1032 = vector.broadcast %max3A_1031 : f32 to vector<16xf32>
      %max3A_1033 = arith.maximumf %add3A_1030, %max3A_1032 : vector<16xf32>
      %get3A_1034 = arith.constant 32 : index
      %get3A_1035 = tpu.vector_load %arg12[%get3A_1034] {strides = array<i32>} : memref<144xf32, #tpu.memory_space<vmem>>, vector<16xf32>,
      %mul3A_1036 = arith.mulf %max3A_1033, %get3A_1035 : vector<16xf32>
      %add3A_1037 = arith.addf %add3A_1023, %mul3A_1036 : vector<16xf32>
      %get3A_1038 = arith.index_cast %add3A_993 : i32 to index
      %get3A_1039 = arith.constant 48 : index
      %get3A_1040 = tpu.vector_load %arg10[%get3A_1038, %get3A_1039] {strides = array<i32>} : memref<16x128xf32, #tpu.memory_space<vmem>>, vector<16xf32>,
      %get3A_1041 = arith.index_cast %add3A_993 : i32 to index
      %get3A_1042 = arith.constant 48 : index
      %get3A_1043 = tpu.vector_load %arg11[%get3A_1041, %get3A_1042] {strides = array<i32>} : memref<16x128xf32, #tpu.memory_space<vmem>>, vector<16xf32>,
      %add3A_1044 = arith.addf %get3A_1040, %get3A_1043 : vector<16xf32>
      %max3A_1045 = arith.constant 0.000000e+00 : f32
      %max3A_1046 = vector.broadcast %max3A_1045 : f32 to vector<16xf32>
      %max3A_1047 = arith.maximumf %add3A_1044, %max3A_1046 : vector<16xf32>
      %get3A_1048 = arith.constant 48 : index
      %get3A_1049 = tpu.vector_load %arg12[%get3A_1048] {strides = array<i32>} : memref<144xf32, #tpu.memory_space<vmem>>, vector<16xf32>,
      %mul3A_1050 = arith.mulf %max3A_1047, %get3A_1049 : vector<16xf32>
      %add3A_1051 = arith.addf %add3A_1037, %mul3A_1050 : vector<16xf32>
      %get3A_1052 = arith.index_cast %add3A_993 : i32 to index
      %get3A_1053 = arith.constant 64 : index
      %get3A_1054 = tpu.vector_load %arg10[%get3A_1052, %get3A_1053] {strides = array<i32>} : memref<16x128xf32, #tpu.memory_space<vmem>>, vector<16xf32>,
      %get3A_1055 = arith.index_cast %add3A_993 : i32 to index
      %get3A_1056 = arith.constant 64 : index
      %get3A_1057 = tpu.vector_load %arg11[%get3A_1055, %get3A_1056] {strides = array<i32>} : memref<16x128xf32, #tpu.memory_space<vmem>>, vector<16xf32>,
      %add3A_1058 = arith.addf %get3A_1054, %get3A_1057 : vector<16xf32>
      %max3A_1059 = arith.constant 0.000000e+00 : f32
      %max3A_1060 = vector.broadcast %max3A_1059 : f32 to vector<16xf32>
      %max3A_1061 = arith.maximumf %add3A_1058, %max3A_1060 : vector<16xf32>
      %get3A_1062 = arith.constant 64 : index
      %get3A_1063 = tpu.vector_load %arg12[%get3A_1062] {strides = array<i32>} : memref<144xf32, #tpu.memory_space<vmem>>, vector<16xf32>,
      %mul3A_1064 = arith.mulf %max3A_1061, %get3A_1063 : vector<16xf32>
      %add3A_1065 = arith.addf %add3A_1051, %mul3A_1064 : vector<16xf32>
      %get3A_1066 = arith.index_cast %add3A_993 : i32 to index
      %get3A_1067 = arith.constant 80 : index
      %get3A_1068 = tpu.vector_load %arg10[%get3A_1066, %get3A_1067] {strides = array<i32>} : memref<16x128xf32, #tpu.memory_space<vmem>>, vector<16xf32>,
      %get3A_1069 = arith.index_cast %add3A_993 : i32 to index
      %get3A_1070 = arith.constant 80 : index
      %get3A_1071 = tpu.vector_load %arg11[%get3A_1069, %get3A_1070] {strides = array<i32>} : memref<16x128xf32, #tpu.memory_space<vmem>>, vector<16xf32>,
      %add3A_1072 = arith.addf %get3A_1068, %get3A_1071 : vector<16xf32>
      %max3A_1073 = arith.constant 0.000000e+00 : f32
      %max3A_1074 = vector.broadcast %max3A_1073 : f32 to vector<16xf32>
      %max3A_1075 = arith.maximumf %add3A_1072, %max3A_1074 : vector<16xf32>
      %get3A_1076 = arith.constant 80 : index
      %get3A_1077 = tpu.vector_load %arg12[%get3A_1076] {strides = array<i32>} : memref<144xf32, #tpu.memory_space<vmem>>, vector<16xf32>,
      %mul3A_1078 = arith.mulf %max3A_1075, %get3A_1077 : vector<16xf32>
      %add3A_1079 = arith.addf %add3A_1065, %mul3A_1078 : vector<16xf32>
      %get3A_1080 = arith.index_cast %add3A_993 : i32 to index
      %get3A_1081 = arith.constant 96 : index
      %get3A_1082 = tpu.vector_load %arg10[%get3A_1080, %get3A_1081] {strides = array<i32>} : memref<16x128xf32, #tpu.memory_space<vmem>>, vector<16xf32>,
      %get3A_1083 = arith.index_cast %add3A_993 : i32 to index
      %get3A_1084 = arith.constant 96 : index
      %get3A_1085 = tpu.vector_load %arg11[%get3A_1083, %get3A_1084] {strides = array<i32>} : memref<16x128xf32, #tpu.memory_space<vmem>>, vector<16xf32>,
      %add3A_1086 = arith.addf %get3A_1082, %get3A_1085 : vector<16xf32>
      %max3A_1087 = arith.constant 0.000000e+00 : f32
      %max3A_1088 = vector.broadcast %max3A_1087 : f32 to vector<16xf32>
      %max3A_1089 = arith.maximumf %add3A_1086, %max3A_1088 : vector<16xf32>
      %get3A_1090 = arith.constant 96 : index
      %get3A_1091 = tpu.vector_load %arg12[%get3A_1090] {strides = array<i32>} : memref<144xf32, #tpu.memory_space<vmem>>, vector<16xf32>,
      %mul3A_1092 = arith.mulf %max3A_1089, %get3A_1091 : vector<16xf32>
      %add3A_1093 = arith.addf %add3A_1079, %mul3A_1092 : vector<16xf32>
      %get3A_1094 = arith.index_cast %add3A_993 : i32 to index
      %get3A_1095 = arith.constant 112 : index
      %get3A_1096 = tpu.vector_load %arg10[%get3A_1094, %get3A_1095] {strides = array<i32>} : memref<16x128xf32, #tpu.memory_space<vmem>>, vector<16xf32>,
      %get3A_1097 = arith.index_cast %add3A_993 : i32 to index
      %get3A_1098 = arith.constant 112 : index
      %get3A_1099 = tpu.vector_load %arg11[%get3A_1097, %get3A_1098] {strides = array<i32>} : memref<16x128xf32, #tpu.memory_space<vmem>>, vector<16xf32>,
      %add3A_1100 = arith.addf %get3A_1096, %get3A_1099 : vector<16xf32>
      %max3A_1101 = arith.constant 0.000000e+00 : f32
      %max3A_1102 = vector.broadcast %max3A_1101 : f32 to vector<16xf32>
      %max3A_1103 = arith.maximumf %add3A_1100, %max3A_1102 : vector<16xf32>
      %get3A_1104 = arith.constant 112 : index
      %get3A_1105 = tpu.vector_load %arg12[%get3A_1104] {strides = array<i32>} : memref<144xf32, #tpu.memory_space<vmem>>, vector<16xf32>,
      %mul3A_1106 = arith.mulf %max3A_1103, %get3A_1105 : vector<16xf32>
      %add3A_1107 = arith.addf %add3A_1093, %mul3A_1106 : vector<16xf32>
      %swap3A_1108 = arith.index_cast %add3A_993 : i32 to index
      %swap3A_1109 = arith.constant 0 : index
      %swap3A_1110 = tpu.vector_load %arg14[%swap3A_1108, %swap3A_1109] {strides = array<i32>} : memref<16x16xf32, #tpu.memory_space<vmem>>, vector<16xf32>,
      tpu.vector_store %arg14[%swap3A_1108, %swap3A_1109], %add3A_1107 {strides = array<i32>} : memref<16x16xf32, #tpu.memory_space<vmem>>, vector<16xf32>,
      %mul3A_1111 = arith.constant 16 : i32
      %mul3A_1112 = arith.muli %scan3A_24, %mul3A_1111 : i32
      %add3A_1113 = arith.constant 9 : i32
      %add3A_1114 = arith.addi %mul3A_1112, %add3A_1113 : i32
      %broadcast_in_dim3A_1115 = arith.constant 0.000000e+00 : f32
      %broadcast_in_dim3A_1116 = vector.broadcast %broadcast_in_dim3A_1115 : f32 to vector<16xf32>
      %get3A_1117 = arith.index_cast %add3A_1114 : i32 to index
      %get3A_1118 = arith.constant 0 : index
      %get3A_1119 = tpu.vector_load %arg10[%get3A_1117, %get3A_1118] {strides = array<i32>} : memref<16x128xf32, #tpu.memory_space<vmem>>, vector<16xf32>,
      %get3A_1120 = arith.index_cast %add3A_1114 : i32 to index
      %get3A_1121 = arith.constant 0 : index
      %get3A_1122 = tpu.vector_load %arg11[%get3A_1120, %get3A_1121] {strides = array<i32>} : memref<16x128xf32, #tpu.memory_space<vmem>>, vector<16xf32>,
      %add3A_1123 = arith.addf %get3A_1119, %get3A_1122 : vector<16xf32>
      %max3A_1124 = arith.constant 0.000000e+00 : f32
      %max3A_1125 = vector.broadcast %max3A_1124 : f32 to vector<16xf32>
      %max3A_1126 = arith.maximumf %add3A_1123, %max3A_1125 : vector<16xf32>
      %get3A_1127 = arith.constant 0 : index
      %get3A_1128 = tpu.vector_load %arg12[%get3A_1127] {strides = array<i32>} : memref<144xf32, #tpu.memory_space<vmem>>, vector<16xf32>,
      %mul3A_1129 = arith.mulf %max3A_1126, %get3A_1128 : vector<16xf32>
      %add3A_1130 = arith.addf %broadcast_in_dim3A_1116, %mul3A_1129 : vector<16xf32>
      %get3A_1131 = arith.index_cast %add3A_1114 : i32 to index
      %get3A_1132 = arith.constant 16 : index
      %get3A_1133 = tpu.vector_load %arg10[%get3A_1131, %get3A_1132] {strides = array<i32>} : memref<16x128xf32, #tpu.memory_space<vmem>>, vector<16xf32>,
      %get3A_1134 = arith.index_cast %add3A_1114 : i32 to index
      %get3A_1135 = arith.constant 16 : index
      %get3A_1136 = tpu.vector_load %arg11[%get3A_1134, %get3A_1135] {strides = array<i32>} : memref<16x128xf32, #tpu.memory_space<vmem>>, vector<16xf32>,
      %add3A_1137 = arith.addf %get3A_1133, %get3A_1136 : vector<16xf32>
      %max3A_1138 = arith.constant 0.000000e+00 : f32
      %max3A_1139 = vector.broadcast %max3A_1138 : f32 to vector<16xf32>
      %max3A_1140 = arith.maximumf %add3A_1137, %max3A_1139 : vector<16xf32>
      %get3A_1141 = arith.constant 16 : index
      %get3A_1142 = tpu.vector_load %arg12[%get3A_1141] {strides = array<i32>} : memref<144xf32, #tpu.memory_space<vmem>>, vector<16xf32>,
      %mul3A_1143 = arith.mulf %max3A_1140, %get3A_1142 : vector<16xf32>
      %add3A_1144 = arith.addf %add3A_1130, %mul3A_1143 : vector<16xf32>
      %get3A_1145 = arith.index_cast %add3A_1114 : i32 to index
      %get3A_1146 = arith.constant 32 : index
      %get3A_1147 = tpu.vector_load %arg10[%get3A_1145, %get3A_1146] {strides = array<i32>} : memref<16x128xf32, #tpu.memory_space<vmem>>, vector<16xf32>,
      %get3A_1148 = arith.index_cast %add3A_1114 : i32 to index
      %get3A_1149 = arith.constant 32 : index
      %get3A_1150 = tpu.vector_load %arg11[%get3A_1148, %get3A_1149] {strides = array<i32>} : memref<16x128xf32, #tpu.memory_space<vmem>>, vector<16xf32>,
      %add3A_1151 = arith.addf %get3A_1147, %get3A_1150 : vector<16xf32>
      %max3A_1152 = arith.constant 0.000000e+00 : f32
      %max3A_1153 = vector.broadcast %max3A_1152 : f32 to vector<16xf32>
      %max3A_1154 = arith.maximumf %add3A_1151, %max3A_1153 : vector<16xf32>
      %get3A_1155 = arith.constant 32 : index
      %get3A_1156 = tpu.vector_load %arg12[%get3A_1155] {strides = array<i32>} : memref<144xf32, #tpu.memory_space<vmem>>, vector<16xf32>,
      %mul3A_1157 = arith.mulf %max3A_1154, %get3A_1156 : vector<16xf32>
      %add3A_1158 = arith.addf %add3A_1144, %mul3A_1157 : vector<16xf32>
      %get3A_1159 = arith.index_cast %add3A_1114 : i32 to index
      %get3A_1160 = arith.constant 48 : index
      %get3A_1161 = tpu.vector_load %arg10[%get3A_1159, %get3A_1160] {strides = array<i32>} : memref<16x128xf32, #tpu.memory_space<vmem>>, vector<16xf32>,
      %get3A_1162 = arith.index_cast %add3A_1114 : i32 to index
      %get3A_1163 = arith.constant 48 : index
      %get3A_1164 = tpu.vector_load %arg11[%get3A_1162, %get3A_1163] {strides = array<i32>} : memref<16x128xf32, #tpu.memory_space<vmem>>, vector<16xf32>,
      %add3A_1165 = arith.addf %get3A_1161, %get3A_1164 : vector<16xf32>
      %max3A_1166 = arith.constant 0.000000e+00 : f32
      %max3A_1167 = vector.broadcast %max3A_1166 : f32 to vector<16xf32>
      %max3A_1168 = arith.maximumf %add3A_1165, %max3A_1167 : vector<16xf32>
      %get3A_1169 = arith.constant 48 : index
      %get3A_1170 = tpu.vector_load %arg12[%get3A_1169] {strides = array<i32>} : memref<144xf32, #tpu.memory_space<vmem>>, vector<16xf32>,
      %mul3A_1171 = arith.mulf %max3A_1168, %get3A_1170 : vector<16xf32>
      %add3A_1172 = arith.addf %add3A_1158, %mul3A_1171 : vector<16xf32>
      %get3A_1173 = arith.index_cast %add3A_1114 : i32 to index
      %get3A_1174 = arith.constant 64 : index
      %get3A_1175 = tpu.vector_load %arg10[%get3A_1173, %get3A_1174] {strides = array<i32>} : memref<16x128xf32, #tpu.memory_space<vmem>>, vector<16xf32>,
      %get3A_1176 = arith.index_cast %add3A_1114 : i32 to index
      %get3A_1177 = arith.constant 64 : index
      %get3A_1178 = tpu.vector_load %arg11[%get3A_1176, %get3A_1177] {strides = array<i32>} : memref<16x128xf32, #tpu.memory_space<vmem>>, vector<16xf32>,
      %add3A_1179 = arith.addf %get3A_1175, %get3A_1178 : vector<16xf32>
      %max3A_1180 = arith.constant 0.000000e+00 : f32
      %max3A_1181 = vector.broadcast %max3A_1180 : f32 to vector<16xf32>
      %max3A_1182 = arith.maximumf %add3A_1179, %max3A_1181 : vector<16xf32>
      %get3A_1183 = arith.constant 64 : index
      %get3A_1184 = tpu.vector_load %arg12[%get3A_1183] {strides = array<i32>} : memref<144xf32, #tpu.memory_space<vmem>>, vector<16xf32>,
      %mul3A_1185 = arith.mulf %max3A_1182, %get3A_1184 : vector<16xf32>
      %add3A_1186 = arith.addf %add3A_1172, %mul3A_1185 : vector<16xf32>
      %get3A_1187 = arith.index_cast %add3A_1114 : i32 to index
      %get3A_1188 = arith.constant 80 : index
      %get3A_1189 = tpu.vector_load %arg10[%get3A_1187, %get3A_1188] {strides = array<i32>} : memref<16x128xf32, #tpu.memory_space<vmem>>, vector<16xf32>,
      %get3A_1190 = arith.index_cast %add3A_1114 : i32 to index
      %get3A_1191 = arith.constant 80 : index
      %get3A_1192 = tpu.vector_load %arg11[%get3A_1190, %get3A_1191] {strides = array<i32>} : memref<16x128xf32, #tpu.memory_space<vmem>>, vector<16xf32>,
      %add3A_1193 = arith.addf %get3A_1189, %get3A_1192 : vector<16xf32>
      %max3A_1194 = arith.constant 0.000000e+00 : f32
      %max3A_1195 = vector.broadcast %max3A_1194 : f32 to vector<16xf32>
      %max3A_1196 = arith.maximumf %add3A_1193, %max3A_1195 : vector<16xf32>
      %get3A_1197 = arith.constant 80 : index
      %get3A_1198 = tpu.vector_load %arg12[%get3A_1197] {strides = array<i32>} : memref<144xf32, #tpu.memory_space<vmem>>, vector<16xf32>,
      %mul3A_1199 = arith.mulf %max3A_1196, %get3A_1198 : vector<16xf32>
      %add3A_1200 = arith.addf %add3A_1186, %mul3A_1199 : vector<16xf32>
      %get3A_1201 = arith.index_cast %add3A_1114 : i32 to index
      %get3A_1202 = arith.constant 96 : index
      %get3A_1203 = tpu.vector_load %arg10[%get3A_1201, %get3A_1202] {strides = array<i32>} : memref<16x128xf32, #tpu.memory_space<vmem>>, vector<16xf32>,
      %get3A_1204 = arith.index_cast %add3A_1114 : i32 to index
      %get3A_1205 = arith.constant 96 : index
      %get3A_1206 = tpu.vector_load %arg11[%get3A_1204, %get3A_1205] {strides = array<i32>} : memref<16x128xf32, #tpu.memory_space<vmem>>, vector<16xf32>,
      %add3A_1207 = arith.addf %get3A_1203, %get3A_1206 : vector<16xf32>
      %max3A_1208 = arith.constant 0.000000e+00 : f32
      %max3A_1209 = vector.broadcast %max3A_1208 : f32 to vector<16xf32>
      %max3A_1210 = arith.maximumf %add3A_1207, %max3A_1209 : vector<16xf32>
      %get3A_1211 = arith.constant 96 : index
      %get3A_1212 = tpu.vector_load %arg12[%get3A_1211] {strides = array<i32>} : memref<144xf32, #tpu.memory_space<vmem>>, vector<16xf32>,
      %mul3A_1213 = arith.mulf %max3A_1210, %get3A_1212 : vector<16xf32>
      %add3A_1214 = arith.addf %add3A_1200, %mul3A_1213 : vector<16xf32>
      %get3A_1215 = arith.index_cast %add3A_1114 : i32 to index
      %get3A_1216 = arith.constant 112 : index
      %get3A_1217 = tpu.vector_load %arg10[%get3A_1215, %get3A_1216] {strides = array<i32>} : memref<16x128xf32, #tpu.memory_space<vmem>>, vector<16xf32>,
      %get3A_1218 = arith.index_cast %add3A_1114 : i32 to index
      %get3A_1219 = arith.constant 112 : index
      %get3A_1220 = tpu.vector_load %arg11[%get3A_1218, %get3A_1219] {strides = array<i32>} : memref<16x128xf32, #tpu.memory_space<vmem>>, vector<16xf32>,
      %add3A_1221 = arith.addf %get3A_1217, %get3A_1220 : vector<16xf32>
      %max3A_1222 = arith.constant 0.000000e+00 : f32
      %max3A_1223 = vector.broadcast %max3A_1222 : f32 to vector<16xf32>
      %max3A_1224 = arith.maximumf %add3A_1221, %max3A_1223 : vector<16xf32>
      %get3A_1225 = arith.constant 112 : index
      %get3A_1226 = tpu.vector_load %arg12[%get3A_1225] {strides = array<i32>} : memref<144xf32, #tpu.memory_space<vmem>>, vector<16xf32>,
      %mul3A_1227 = arith.mulf %max3A_1224, %get3A_1226 : vector<16xf32>
      %add3A_1228 = arith.addf %add3A_1214, %mul3A_1227 : vector<16xf32>
      %swap3A_1229 = arith.index_cast %add3A_1114 : i32 to index
      %swap3A_1230 = arith.constant 0 : index
      %swap3A_1231 = tpu.vector_load %arg14[%swap3A_1229, %swap3A_1230] {strides = array<i32>} : memref<16x16xf32, #tpu.memory_space<vmem>>, vector<16xf32>,
      tpu.vector_store %arg14[%swap3A_1229, %swap3A_1230], %add3A_1228 {strides = array<i32>} : memref<16x16xf32, #tpu.memory_space<vmem>>, vector<16xf32>,
      %mul3A_1232 = arith.constant 16 : i32
      %mul3A_1233 = arith.muli %scan3A_24, %mul3A_1232 : i32
      %add3A_1234 = arith.constant 10 : i32
      %add3A_1235 = arith.addi %mul3A_1233, %add3A_1234 : i32
      %broadcast_in_dim3A_1236 = arith.constant 0.000000e+00 : f32
      %broadcast_in_dim3A_1237 = vector.broadcast %broadcast_in_dim3A_1236 : f32 to vector<16xf32>
      %get3A_1238 = arith.index_cast %add3A_1235 : i32 to index
      %get3A_1239 = arith.constant 0 : index
      %get3A_1240 = tpu.vector_load %arg10[%get3A_1238, %get3A_1239] {strides = array<i32>} : memref<16x128xf32, #tpu.memory_space<vmem>>, vector<16xf32>,
      %get3A_1241 = arith.index_cast %add3A_1235 : i32 to index
      %get3A_1242 = arith.constant 0 : index
      %get3A_1243 = tpu.vector_load %arg11[%get3A_1241, %get3A_1242] {strides = array<i32>} : memref<16x128xf32, #tpu.memory_space<vmem>>, vector<16xf32>,
      %add3A_1244 = arith.addf %get3A_1240, %get3A_1243 : vector<16xf32>
      %max3A_1245 = arith.constant 0.000000e+00 : f32
      %max3A_1246 = vector.broadcast %max3A_1245 : f32 to vector<16xf32>
      %max3A_1247 = arith.maximumf %add3A_1244, %max3A_1246 : vector<16xf32>
      %get3A_1248 = arith.constant 0 : index
      %get3A_1249 = tpu.vector_load %arg12[%get3A_1248] {strides = array<i32>} : memref<144xf32, #tpu.memory_space<vmem>>, vector<16xf32>,
      %mul3A_1250 = arith.mulf %max3A_1247, %get3A_1249 : vector<16xf32>
      %add3A_1251 = arith.addf %broadcast_in_dim3A_1237, %mul3A_1250 : vector<16xf32>
      %get3A_1252 = arith.index_cast %add3A_1235 : i32 to index
      %get3A_1253 = arith.constant 16 : index
      %get3A_1254 = tpu.vector_load %arg10[%get3A_1252, %get3A_1253] {strides = array<i32>} : memref<16x128xf32, #tpu.memory_space<vmem>>, vector<16xf32>,
      %get3A_1255 = arith.index_cast %add3A_1235 : i32 to index
      %get3A_1256 = arith.constant 16 : index
      %get3A_1257 = tpu.vector_load %arg11[%get3A_1255, %get3A_1256] {strides = array<i32>} : memref<16x128xf32, #tpu.memory_space<vmem>>, vector<16xf32>,
      %add3A_1258 = arith.addf %get3A_1254, %get3A_1257 : vector<16xf32>
      %max3A_1259 = arith.constant 0.000000e+00 : f32
      %max3A_1260 = vector.broadcast %max3A_1259 : f32 to vector<16xf32>
      %max3A_1261 = arith.maximumf %add3A_1258, %max3A_1260 : vector<16xf32>
      %get3A_1262 = arith.constant 16 : index
      %get3A_1263 = tpu.vector_load %arg12[%get3A_1262] {strides = array<i32>} : memref<144xf32, #tpu.memory_space<vmem>>, vector<16xf32>,
      %mul3A_1264 = arith.mulf %max3A_1261, %get3A_1263 : vector<16xf32>
      %add3A_1265 = arith.addf %add3A_1251, %mul3A_1264 : vector<16xf32>
      %get3A_1266 = arith.index_cast %add3A_1235 : i32 to index
      %get3A_1267 = arith.constant 32 : index
      %get3A_1268 = tpu.vector_load %arg10[%get3A_1266, %get3A_1267] {strides = array<i32>} : memref<16x128xf32, #tpu.memory_space<vmem>>, vector<16xf32>,
      %get3A_1269 = arith.index_cast %add3A_1235 : i32 to index
      %get3A_1270 = arith.constant 32 : index
      %get3A_1271 = tpu.vector_load %arg11[%get3A_1269, %get3A_1270] {strides = array<i32>} : memref<16x128xf32, #tpu.memory_space<vmem>>, vector<16xf32>,
      %add3A_1272 = arith.addf %get3A_1268, %get3A_1271 : vector<16xf32>
      %max3A_1273 = arith.constant 0.000000e+00 : f32
      %max3A_1274 = vector.broadcast %max3A_1273 : f32 to vector<16xf32>
      %max3A_1275 = arith.maximumf %add3A_1272, %max3A_1274 : vector<16xf32>
      %get3A_1276 = arith.constant 32 : index
      %get3A_1277 = tpu.vector_load %arg12[%get3A_1276] {strides = array<i32>} : memref<144xf32, #tpu.memory_space<vmem>>, vector<16xf32>,
      %mul3A_1278 = arith.mulf %max3A_1275, %get3A_1277 : vector<16xf32>
      %add3A_1279 = arith.addf %add3A_1265, %mul3A_1278 : vector<16xf32>
      %get3A_1280 = arith.index_cast %add3A_1235 : i32 to index
      %get3A_1281 = arith.constant 48 : index
      %get3A_1282 = tpu.vector_load %arg10[%get3A_1280, %get3A_1281] {strides = array<i32>} : memref<16x128xf32, #tpu.memory_space<vmem>>, vector<16xf32>,
      %get3A_1283 = arith.index_cast %add3A_1235 : i32 to index
      %get3A_1284 = arith.constant 48 : index
      %get3A_1285 = tpu.vector_load %arg11[%get3A_1283, %get3A_1284] {strides = array<i32>} : memref<16x128xf32, #tpu.memory_space<vmem>>, vector<16xf32>,
      %add3A_1286 = arith.addf %get3A_1282, %get3A_1285 : vector<16xf32>
      %max3A_1287 = arith.constant 0.000000e+00 : f32
      %max3A_1288 = vector.broadcast %max3A_1287 : f32 to vector<16xf32>
      %max3A_1289 = arith.maximumf %add3A_1286, %max3A_1288 : vector<16xf32>
      %get3A_1290 = arith.constant 48 : index
      %get3A_1291 = tpu.vector_load %arg12[%get3A_1290] {strides = array<i32>} : memref<144xf32, #tpu.memory_space<vmem>>, vector<16xf32>,
      %mul3A_1292 = arith.mulf %max3A_1289, %get3A_1291 : vector<16xf32>
      %add3A_1293 = arith.addf %add3A_1279, %mul3A_1292 : vector<16xf32>
      %get3A_1294 = arith.index_cast %add3A_1235 : i32 to index
      %get3A_1295 = arith.constant 64 : index
      %get3A_1296 = tpu.vector_load %arg10[%get3A_1294, %get3A_1295] {strides = array<i32>} : memref<16x128xf32, #tpu.memory_space<vmem>>, vector<16xf32>,
      %get3A_1297 = arith.index_cast %add3A_1235 : i32 to index
      %get3A_1298 = arith.constant 64 : index
      %get3A_1299 = tpu.vector_load %arg11[%get3A_1297, %get3A_1298] {strides = array<i32>} : memref<16x128xf32, #tpu.memory_space<vmem>>, vector<16xf32>,
      %add3A_1300 = arith.addf %get3A_1296, %get3A_1299 : vector<16xf32>
      %max3A_1301 = arith.constant 0.000000e+00 : f32
      %max3A_1302 = vector.broadcast %max3A_1301 : f32 to vector<16xf32>
      %max3A_1303 = arith.maximumf %add3A_1300, %max3A_1302 : vector<16xf32>
      %get3A_1304 = arith.constant 64 : index
      %get3A_1305 = tpu.vector_load %arg12[%get3A_1304] {strides = array<i32>} : memref<144xf32, #tpu.memory_space<vmem>>, vector<16xf32>,
      %mul3A_1306 = arith.mulf %max3A_1303, %get3A_1305 : vector<16xf32>
      %add3A_1307 = arith.addf %add3A_1293, %mul3A_1306 : vector<16xf32>
      %get3A_1308 = arith.index_cast %add3A_1235 : i32 to index
      %get3A_1309 = arith.constant 80 : index
      %get3A_1310 = tpu.vector_load %arg10[%get3A_1308, %get3A_1309] {strides = array<i32>} : memref<16x128xf32, #tpu.memory_space<vmem>>, vector<16xf32>,
      %get3A_1311 = arith.index_cast %add3A_1235 : i32 to index
      %get3A_1312 = arith.constant 80 : index
      %get3A_1313 = tpu.vector_load %arg11[%get3A_1311, %get3A_1312] {strides = array<i32>} : memref<16x128xf32, #tpu.memory_space<vmem>>, vector<16xf32>,
      %add3A_1314 = arith.addf %get3A_1310, %get3A_1313 : vector<16xf32>
      %max3A_1315 = arith.constant 0.000000e+00 : f32
      %max3A_1316 = vector.broadcast %max3A_1315 : f32 to vector<16xf32>
      %max3A_1317 = arith.maximumf %add3A_1314, %max3A_1316 : vector<16xf32>
      %get3A_1318 = arith.constant 80 : index
      %get3A_1319 = tpu.vector_load %arg12[%get3A_1318] {strides = array<i32>} : memref<144xf32, #tpu.memory_space<vmem>>, vector<16xf32>,
      %mul3A_1320 = arith.mulf %max3A_1317, %get3A_1319 : vector<16xf32>
      %add3A_1321 = arith.addf %add3A_1307, %mul3A_1320 : vector<16xf32>
      %get3A_1322 = arith.index_cast %add3A_1235 : i32 to index
      %get3A_1323 = arith.constant 96 : index
      %get3A_1324 = tpu.vector_load %arg10[%get3A_1322, %get3A_1323] {strides = array<i32>} : memref<16x128xf32, #tpu.memory_space<vmem>>, vector<16xf32>,
      %get3A_1325 = arith.index_cast %add3A_1235 : i32 to index
      %get3A_1326 = arith.constant 96 : index
      %get3A_1327 = tpu.vector_load %arg11[%get3A_1325, %get3A_1326] {strides = array<i32>} : memref<16x128xf32, #tpu.memory_space<vmem>>, vector<16xf32>,
      %add3A_1328 = arith.addf %get3A_1324, %get3A_1327 : vector<16xf32>
      %max3A_1329 = arith.constant 0.000000e+00 : f32
      %max3A_1330 = vector.broadcast %max3A_1329 : f32 to vector<16xf32>
      %max3A_1331 = arith.maximumf %add3A_1328, %max3A_1330 : vector<16xf32>
      %get3A_1332 = arith.constant 96 : index
      %get3A_1333 = tpu.vector_load %arg12[%get3A_1332] {strides = array<i32>} : memref<144xf32, #tpu.memory_space<vmem>>, vector<16xf32>,
      %mul3A_1334 = arith.mulf %max3A_1331, %get3A_1333 : vector<16xf32>
      %add3A_1335 = arith.addf %add3A_1321, %mul3A_1334 : vector<16xf32>
      %get3A_1336 = arith.index_cast %add3A_1235 : i32 to index
      %get3A_1337 = arith.constant 112 : index
      %get3A_1338 = tpu.vector_load %arg10[%get3A_1336, %get3A_1337] {strides = array<i32>} : memref<16x128xf32, #tpu.memory_space<vmem>>, vector<16xf32>,
      %get3A_1339 = arith.index_cast %add3A_1235 : i32 to index
      %get3A_1340 = arith.constant 112 : index
      %get3A_1341 = tpu.vector_load %arg11[%get3A_1339, %get3A_1340] {strides = array<i32>} : memref<16x128xf32, #tpu.memory_space<vmem>>, vector<16xf32>,
      %add3A_1342 = arith.addf %get3A_1338, %get3A_1341 : vector<16xf32>
      %max3A_1343 = arith.constant 0.000000e+00 : f32
      %max3A_1344 = vector.broadcast %max3A_1343 : f32 to vector<16xf32>
      %max3A_1345 = arith.maximumf %add3A_1342, %max3A_1344 : vector<16xf32>
      %get3A_1346 = arith.constant 112 : index
      %get3A_1347 = tpu.vector_load %arg12[%get3A_1346] {strides = array<i32>} : memref<144xf32, #tpu.memory_space<vmem>>, vector<16xf32>,
      %mul3A_1348 = arith.mulf %max3A_1345, %get3A_1347 : vector<16xf32>
      %add3A_1349 = arith.addf %add3A_1335, %mul3A_1348 : vector<16xf32>
      %swap3A_1350 = arith.index_cast %add3A_1235 : i32 to index
      %swap3A_1351 = arith.constant 0 : index
      %swap3A_1352 = tpu.vector_load %arg14[%swap3A_1350, %swap3A_1351] {strides = array<i32>} : memref<16x16xf32, #tpu.memory_space<vmem>>, vector<16xf32>,
      tpu.vector_store %arg14[%swap3A_1350, %swap3A_1351], %add3A_1349 {strides = array<i32>} : memref<16x16xf32, #tpu.memory_space<vmem>>, vector<16xf32>,
      %mul3A_1353 = arith.constant 16 : i32
      %mul3A_1354 = arith.muli %scan3A_24, %mul3A_1353 : i32
      %add3A_1355 = arith.constant 11 : i32
      %add3A_1356 = arith.addi %mul3A_1354, %add3A_1355 : i32
      %broadcast_in_dim3A_1357 = arith.constant 0.000000e+00 : f32
      %broadcast_in_dim3A_1358 = vector.broadcast %broadcast_in_dim3A_1357 : f32 to vector<16xf32>
      %get3A_1359 = arith.index_cast %add3A_1356 : i32 to index
      %get3A_1360 = arith.constant 0 : index
      %get3A_1361 = tpu.vector_load %arg10[%get3A_1359, %get3A_1360] {strides = array<i32>} : memref<16x128xf32, #tpu.memory_space<vmem>>, vector<16xf32>,
      %get3A_1362 = arith.index_cast %add3A_1356 : i32 to index
      %get3A_1363 = arith.constant 0 : index
      %get3A_1364 = tpu.vector_load %arg11[%get3A_1362, %get3A_1363] {strides = array<i32>} : memref<16x128xf32, #tpu.memory_space<vmem>>, vector<16xf32>,
      %add3A_1365 = arith.addf %get3A_1361, %get3A_1364 : vector<16xf32>
      %max3A_1366 = arith.constant 0.000000e+00 : f32
      %max3A_1367 = vector.broadcast %max3A_1366 : f32 to vector<16xf32>
      %max3A_1368 = arith.maximumf %add3A_1365, %max3A_1367 : vector<16xf32>
      %get3A_1369 = arith.constant 0 : index
      %get3A_1370 = tpu.vector_load %arg12[%get3A_1369] {strides = array<i32>} : memref<144xf32, #tpu.memory_space<vmem>>, vector<16xf32>,
      %mul3A_1371 = arith.mulf %max3A_1368, %get3A_1370 : vector<16xf32>
      %add3A_1372 = arith.addf %broadcast_in_dim3A_1358, %mul3A_1371 : vector<16xf32>
      %get3A_1373 = arith.index_cast %add3A_1356 : i32 to index
      %get3A_1374 = arith.constant 16 : index
      %get3A_1375 = tpu.vector_load %arg10[%get3A_1373, %get3A_1374] {strides = array<i32>} : memref<16x128xf32, #tpu.memory_space<vmem>>, vector<16xf32>,
      %get3A_1376 = arith.index_cast %add3A_1356 : i32 to index
      %get3A_1377 = arith.constant 16 : index
      %get3A_1378 = tpu.vector_load %arg11[%get3A_1376, %get3A_1377] {strides = array<i32>} : memref<16x128xf32, #tpu.memory_space<vmem>>, vector<16xf32>,
      %add3A_1379 = arith.addf %get3A_1375, %get3A_1378 : vector<16xf32>
      %max3A_1380 = arith.constant 0.000000e+00 : f32
      %max3A_1381 = vector.broadcast %max3A_1380 : f32 to vector<16xf32>
      %max3A_1382 = arith.maximumf %add3A_1379, %max3A_1381 : vector<16xf32>
      %get3A_1383 = arith.constant 16 : index
      %get3A_1384 = tpu.vector_load %arg12[%get3A_1383] {strides = array<i32>} : memref<144xf32, #tpu.memory_space<vmem>>, vector<16xf32>,
      %mul3A_1385 = arith.mulf %max3A_1382, %get3A_1384 : vector<16xf32>
      %add3A_1386 = arith.addf %add3A_1372, %mul3A_1385 : vector<16xf32>
      %get3A_1387 = arith.index_cast %add3A_1356 : i32 to index
      %get3A_1388 = arith.constant 32 : index
      %get3A_1389 = tpu.vector_load %arg10[%get3A_1387, %get3A_1388] {strides = array<i32>} : memref<16x128xf32, #tpu.memory_space<vmem>>, vector<16xf32>,
      %get3A_1390 = arith.index_cast %add3A_1356 : i32 to index
      %get3A_1391 = arith.constant 32 : index
      %get3A_1392 = tpu.vector_load %arg11[%get3A_1390, %get3A_1391] {strides = array<i32>} : memref<16x128xf32, #tpu.memory_space<vmem>>, vector<16xf32>,
      %add3A_1393 = arith.addf %get3A_1389, %get3A_1392 : vector<16xf32>
      %max3A_1394 = arith.constant 0.000000e+00 : f32
      %max3A_1395 = vector.broadcast %max3A_1394 : f32 to vector<16xf32>
      %max3A_1396 = arith.maximumf %add3A_1393, %max3A_1395 : vector<16xf32>
      %get3A_1397 = arith.constant 32 : index
      %get3A_1398 = tpu.vector_load %arg12[%get3A_1397] {strides = array<i32>} : memref<144xf32, #tpu.memory_space<vmem>>, vector<16xf32>,
      %mul3A_1399 = arith.mulf %max3A_1396, %get3A_1398 : vector<16xf32>
      %add3A_1400 = arith.addf %add3A_1386, %mul3A_1399 : vector<16xf32>
      %get3A_1401 = arith.index_cast %add3A_1356 : i32 to index
      %get3A_1402 = arith.constant 48 : index
      %get3A_1403 = tpu.vector_load %arg10[%get3A_1401, %get3A_1402] {strides = array<i32>} : memref<16x128xf32, #tpu.memory_space<vmem>>, vector<16xf32>,
      %get3A_1404 = arith.index_cast %add3A_1356 : i32 to index
      %get3A_1405 = arith.constant 48 : index
      %get3A_1406 = tpu.vector_load %arg11[%get3A_1404, %get3A_1405] {strides = array<i32>} : memref<16x128xf32, #tpu.memory_space<vmem>>, vector<16xf32>,
      %add3A_1407 = arith.addf %get3A_1403, %get3A_1406 : vector<16xf32>
      %max3A_1408 = arith.constant 0.000000e+00 : f32
      %max3A_1409 = vector.broadcast %max3A_1408 : f32 to vector<16xf32>
      %max3A_1410 = arith.maximumf %add3A_1407, %max3A_1409 : vector<16xf32>
      %get3A_1411 = arith.constant 48 : index
      %get3A_1412 = tpu.vector_load %arg12[%get3A_1411] {strides = array<i32>} : memref<144xf32, #tpu.memory_space<vmem>>, vector<16xf32>,
      %mul3A_1413 = arith.mulf %max3A_1410, %get3A_1412 : vector<16xf32>
      %add3A_1414 = arith.addf %add3A_1400, %mul3A_1413 : vector<16xf32>
      %get3A_1415 = arith.index_cast %add3A_1356 : i32 to index
      %get3A_1416 = arith.constant 64 : index
      %get3A_1417 = tpu.vector_load %arg10[%get3A_1415, %get3A_1416] {strides = array<i32>} : memref<16x128xf32, #tpu.memory_space<vmem>>, vector<16xf32>,
      %get3A_1418 = arith.index_cast %add3A_1356 : i32 to index
      %get3A_1419 = arith.constant 64 : index
      %get3A_1420 = tpu.vector_load %arg11[%get3A_1418, %get3A_1419] {strides = array<i32>} : memref<16x128xf32, #tpu.memory_space<vmem>>, vector<16xf32>,
      %add3A_1421 = arith.addf %get3A_1417, %get3A_1420 : vector<16xf32>
      %max3A_1422 = arith.constant 0.000000e+00 : f32
      %max3A_1423 = vector.broadcast %max3A_1422 : f32 to vector<16xf32>
      %max3A_1424 = arith.maximumf %add3A_1421, %max3A_1423 : vector<16xf32>
      %get3A_1425 = arith.constant 64 : index
      %get3A_1426 = tpu.vector_load %arg12[%get3A_1425] {strides = array<i32>} : memref<144xf32, #tpu.memory_space<vmem>>, vector<16xf32>,
      %mul3A_1427 = arith.mulf %max3A_1424, %get3A_1426 : vector<16xf32>
      %add3A_1428 = arith.addf %add3A_1414, %mul3A_1427 : vector<16xf32>
      %get3A_1429 = arith.index_cast %add3A_1356 : i32 to index
      %get3A_1430 = arith.constant 80 : index
      %get3A_1431 = tpu.vector_load %arg10[%get3A_1429, %get3A_1430] {strides = array<i32>} : memref<16x128xf32, #tpu.memory_space<vmem>>, vector<16xf32>,
      %get3A_1432 = arith.index_cast %add3A_1356 : i32 to index
      %get3A_1433 = arith.constant 80 : index
      %get3A_1434 = tpu.vector_load %arg11[%get3A_1432, %get3A_1433] {strides = array<i32>} : memref<16x128xf32, #tpu.memory_space<vmem>>, vector<16xf32>,
      %add3A_1435 = arith.addf %get3A_1431, %get3A_1434 : vector<16xf32>
      %max3A_1436 = arith.constant 0.000000e+00 : f32
      %max3A_1437 = vector.broadcast %max3A_1436 : f32 to vector<16xf32>
      %max3A_1438 = arith.maximumf %add3A_1435, %max3A_1437 : vector<16xf32>
      %get3A_1439 = arith.constant 80 : index
      %get3A_1440 = tpu.vector_load %arg12[%get3A_1439] {strides = array<i32>} : memref<144xf32, #tpu.memory_space<vmem>>, vector<16xf32>,
      %mul3A_1441 = arith.mulf %max3A_1438, %get3A_1440 : vector<16xf32>
      %add3A_1442 = arith.addf %add3A_1428, %mul3A_1441 : vector<16xf32>
      %get3A_1443 = arith.index_cast %add3A_1356 : i32 to index
      %get3A_1444 = arith.constant 96 : index
      %get3A_1445 = tpu.vector_load %arg10[%get3A_1443, %get3A_1444] {strides = array<i32>} : memref<16x128xf32, #tpu.memory_space<vmem>>, vector<16xf32>,
      %get3A_1446 = arith.index_cast %add3A_1356 : i32 to index
      %get3A_1447 = arith.constant 96 : index
      %get3A_1448 = tpu.vector_load %arg11[%get3A_1446, %get3A_1447] {strides = array<i32>} : memref<16x128xf32, #tpu.memory_space<vmem>>, vector<16xf32>,
      %add3A_1449 = arith.addf %get3A_1445, %get3A_1448 : vector<16xf32>
      %max3A_1450 = arith.constant 0.000000e+00 : f32
      %max3A_1451 = vector.broadcast %max3A_1450 : f32 to vector<16xf32>
      %max3A_1452 = arith.maximumf %add3A_1449, %max3A_1451 : vector<16xf32>
      %get3A_1453 = arith.constant 96 : index
      %get3A_1454 = tpu.vector_load %arg12[%get3A_1453] {strides = array<i32>} : memref<144xf32, #tpu.memory_space<vmem>>, vector<16xf32>,
      %mul3A_1455 = arith.mulf %max3A_1452, %get3A_1454 : vector<16xf32>
      %add3A_1456 = arith.addf %add3A_1442, %mul3A_1455 : vector<16xf32>
      %get3A_1457 = arith.index_cast %add3A_1356 : i32 to index
      %get3A_1458 = arith.constant 112 : index
      %get3A_1459 = tpu.vector_load %arg10[%get3A_1457, %get3A_1458] {strides = array<i32>} : memref<16x128xf32, #tpu.memory_space<vmem>>, vector<16xf32>,
      %get3A_1460 = arith.index_cast %add3A_1356 : i32 to index
      %get3A_1461 = arith.constant 112 : index
      %get3A_1462 = tpu.vector_load %arg11[%get3A_1460, %get3A_1461] {strides = array<i32>} : memref<16x128xf32, #tpu.memory_space<vmem>>, vector<16xf32>,
      %add3A_1463 = arith.addf %get3A_1459, %get3A_1462 : vector<16xf32>
      %max3A_1464 = arith.constant 0.000000e+00 : f32
      %max3A_1465 = vector.broadcast %max3A_1464 : f32 to vector<16xf32>
      %max3A_1466 = arith.maximumf %add3A_1463, %max3A_1465 : vector<16xf32>
      %get3A_1467 = arith.constant 112 : index
      %get3A_1468 = tpu.vector_load %arg12[%get3A_1467] {strides = array<i32>} : memref<144xf32, #tpu.memory_space<vmem>>, vector<16xf32>,
      %mul3A_1469 = arith.mulf %max3A_1466, %get3A_1468 : vector<16xf32>
      %add3A_1470 = arith.addf %add3A_1456, %mul3A_1469 : vector<16xf32>
      %swap3A_1471 = arith.index_cast %add3A_1356 : i32 to index
      %swap3A_1472 = arith.constant 0 : index
      %swap3A_1473 = tpu.vector_load %arg14[%swap3A_1471, %swap3A_1472] {strides = array<i32>} : memref<16x16xf32, #tpu.memory_space<vmem>>, vector<16xf32>,
      tpu.vector_store %arg14[%swap3A_1471, %swap3A_1472], %add3A_1470 {strides = array<i32>} : memref<16x16xf32, #tpu.memory_space<vmem>>, vector<16xf32>,
      %mul3A_1474 = arith.constant 16 : i32
      %mul3A_1475 = arith.muli %scan3A_24, %mul3A_1474 : i32
      %add3A_1476 = arith.constant 12 : i32
      %add3A_1477 = arith.addi %mul3A_1475, %add3A_1476 : i32
      %broadcast_in_dim3A_1478 = arith.constant 0.000000e+00 : f32
      %broadcast_in_dim3A_1479 = vector.broadcast %broadcast_in_dim3A_1478 : f32 to vector<16xf32>
      %get3A_1480 = arith.index_cast %add3A_1477 : i32 to index
      %get3A_1481 = arith.constant 0 : index
      %get3A_1482 = tpu.vector_load %arg10[%get3A_1480, %get3A_1481] {strides = array<i32>} : memref<16x128xf32, #tpu.memory_space<vmem>>, vector<16xf32>,
      %get3A_1483 = arith.index_cast %add3A_1477 : i32 to index
      %get3A_1484 = arith.constant 0 : index
      %get3A_1485 = tpu.vector_load %arg11[%get3A_1483, %get3A_1484] {strides = array<i32>} : memref<16x128xf32, #tpu.memory_space<vmem>>, vector<16xf32>,
      %add3A_1486 = arith.addf %get3A_1482, %get3A_1485 : vector<16xf32>
      %max3A_1487 = arith.constant 0.000000e+00 : f32
      %max3A_1488 = vector.broadcast %max3A_1487 : f32 to vector<16xf32>
      %max3A_1489 = arith.maximumf %add3A_1486, %max3A_1488 : vector<16xf32>
      %get3A_1490 = arith.constant 0 : index
      %get3A_1491 = tpu.vector_load %arg12[%get3A_1490] {strides = array<i32>} : memref<144xf32, #tpu.memory_space<vmem>>, vector<16xf32>,
      %mul3A_1492 = arith.mulf %max3A_1489, %get3A_1491 : vector<16xf32>
      %add3A_1493 = arith.addf %broadcast_in_dim3A_1479, %mul3A_1492 : vector<16xf32>
      %get3A_1494 = arith.index_cast %add3A_1477 : i32 to index
      %get3A_1495 = arith.constant 16 : index
      %get3A_1496 = tpu.vector_load %arg10[%get3A_1494, %get3A_1495] {strides = array<i32>} : memref<16x128xf32, #tpu.memory_space<vmem>>, vector<16xf32>,
      %get3A_1497 = arith.index_cast %add3A_1477 : i32 to index
      %get3A_1498 = arith.constant 16 : index
      %get3A_1499 = tpu.vector_load %arg11[%get3A_1497, %get3A_1498] {strides = array<i32>} : memref<16x128xf32, #tpu.memory_space<vmem>>, vector<16xf32>,
      %add3A_1500 = arith.addf %get3A_1496, %get3A_1499 : vector<16xf32>
      %max3A_1501 = arith.constant 0.000000e+00 : f32
      %max3A_1502 = vector.broadcast %max3A_1501 : f32 to vector<16xf32>
      %max3A_1503 = arith.maximumf %add3A_1500, %max3A_1502 : vector<16xf32>
      %get3A_1504 = arith.constant 16 : index
      %get3A_1505 = tpu.vector_load %arg12[%get3A_1504] {strides = array<i32>} : memref<144xf32, #tpu.memory_space<vmem>>, vector<16xf32>,
      %mul3A_1506 = arith.mulf %max3A_1503, %get3A_1505 : vector<16xf32>
      %add3A_1507 = arith.addf %add3A_1493, %mul3A_1506 : vector<16xf32>
      %get3A_1508 = arith.index_cast %add3A_1477 : i32 to index
      %get3A_1509 = arith.constant 32 : index
      %get3A_1510 = tpu.vector_load %arg10[%get3A_1508, %get3A_1509] {strides = array<i32>} : memref<16x128xf32, #tpu.memory_space<vmem>>, vector<16xf32>,
      %get3A_1511 = arith.index_cast %add3A_1477 : i32 to index
      %get3A_1512 = arith.constant 32 : index
      %get3A_1513 = tpu.vector_load %arg11[%get3A_1511, %get3A_1512] {strides = array<i32>} : memref<16x128xf32, #tpu.memory_space<vmem>>, vector<16xf32>,
      %add3A_1514 = arith.addf %get3A_1510, %get3A_1513 : vector<16xf32>
      %max3A_1515 = arith.constant 0.000000e+00 : f32
      %max3A_1516 = vector.broadcast %max3A_1515 : f32 to vector<16xf32>
      %max3A_1517 = arith.maximumf %add3A_1514, %max3A_1516 : vector<16xf32>
      %get3A_1518 = arith.constant 32 : index
      %get3A_1519 = tpu.vector_load %arg12[%get3A_1518] {strides = array<i32>} : memref<144xf32, #tpu.memory_space<vmem>>, vector<16xf32>,
      %mul3A_1520 = arith.mulf %max3A_1517, %get3A_1519 : vector<16xf32>
      %add3A_1521 = arith.addf %add3A_1507, %mul3A_1520 : vector<16xf32>
      %get3A_1522 = arith.index_cast %add3A_1477 : i32 to index
      %get3A_1523 = arith.constant 48 : index
      %get3A_1524 = tpu.vector_load %arg10[%get3A_1522, %get3A_1523] {strides = array<i32>} : memref<16x128xf32, #tpu.memory_space<vmem>>, vector<16xf32>,
      %get3A_1525 = arith.index_cast %add3A_1477 : i32 to index
      %get3A_1526 = arith.constant 48 : index
      %get3A_1527 = tpu.vector_load %arg11[%get3A_1525, %get3A_1526] {strides = array<i32>} : memref<16x128xf32, #tpu.memory_space<vmem>>, vector<16xf32>,
      %add3A_1528 = arith.addf %get3A_1524, %get3A_1527 : vector<16xf32>
      %max3A_1529 = arith.constant 0.000000e+00 : f32
      %max3A_1530 = vector.broadcast %max3A_1529 : f32 to vector<16xf32>
      %max3A_1531 = arith.maximumf %add3A_1528, %max3A_1530 : vector<16xf32>
      %get3A_1532 = arith.constant 48 : index
      %get3A_1533 = tpu.vector_load %arg12[%get3A_1532] {strides = array<i32>} : memref<144xf32, #tpu.memory_space<vmem>>, vector<16xf32>,
      %mul3A_1534 = arith.mulf %max3A_1531, %get3A_1533 : vector<16xf32>
      %add3A_1535 = arith.addf %add3A_1521, %mul3A_1534 : vector<16xf32>
      %get3A_1536 = arith.index_cast %add3A_1477 : i32 to index
      %get3A_1537 = arith.constant 64 : index
      %get3A_1538 = tpu.vector_load %arg10[%get3A_1536, %get3A_1537] {strides = array<i32>} : memref<16x128xf32, #tpu.memory_space<vmem>>, vector<16xf32>,
      %get3A_1539 = arith.index_cast %add3A_1477 : i32 to index
      %get3A_1540 = arith.constant 64 : index
      %get3A_1541 = tpu.vector_load %arg11[%get3A_1539, %get3A_1540] {strides = array<i32>} : memref<16x128xf32, #tpu.memory_space<vmem>>, vector<16xf32>,
      %add3A_1542 = arith.addf %get3A_1538, %get3A_1541 : vector<16xf32>
      %max3A_1543 = arith.constant 0.000000e+00 : f32
      %max3A_1544 = vector.broadcast %max3A_1543 : f32 to vector<16xf32>
      %max3A_1545 = arith.maximumf %add3A_1542, %max3A_1544 : vector<16xf32>
      %get3A_1546 = arith.constant 64 : index
      %get3A_1547 = tpu.vector_load %arg12[%get3A_1546] {strides = array<i32>} : memref<144xf32, #tpu.memory_space<vmem>>, vector<16xf32>,
      %mul3A_1548 = arith.mulf %max3A_1545, %get3A_1547 : vector<16xf32>
      %add3A_1549 = arith.addf %add3A_1535, %mul3A_1548 : vector<16xf32>
      %get3A_1550 = arith.index_cast %add3A_1477 : i32 to index
      %get3A_1551 = arith.constant 80 : index
      %get3A_1552 = tpu.vector_load %arg10[%get3A_1550, %get3A_1551] {strides = array<i32>} : memref<16x128xf32, #tpu.memory_space<vmem>>, vector<16xf32>,
      %get3A_1553 = arith.index_cast %add3A_1477 : i32 to index
      %get3A_1554 = arith.constant 80 : index
      %get3A_1555 = tpu.vector_load %arg11[%get3A_1553, %get3A_1554] {strides = array<i32>} : memref<16x128xf32, #tpu.memory_space<vmem>>, vector<16xf32>,
      %add3A_1556 = arith.addf %get3A_1552, %get3A_1555 : vector<16xf32>
      %max3A_1557 = arith.constant 0.000000e+00 : f32
      %max3A_1558 = vector.broadcast %max3A_1557 : f32 to vector<16xf32>
      %max3A_1559 = arith.maximumf %add3A_1556, %max3A_1558 : vector<16xf32>
      %get3A_1560 = arith.constant 80 : index
      %get3A_1561 = tpu.vector_load %arg12[%get3A_1560] {strides = array<i32>} : memref<144xf32, #tpu.memory_space<vmem>>, vector<16xf32>,
      %mul3A_1562 = arith.mulf %max3A_1559, %get3A_1561 : vector<16xf32>
      %add3A_1563 = arith.addf %add3A_1549, %mul3A_1562 : vector<16xf32>
      %get3A_1564 = arith.index_cast %add3A_1477 : i32 to index
      %get3A_1565 = arith.constant 96 : index
      %get3A_1566 = tpu.vector_load %arg10[%get3A_1564, %get3A_1565] {strides = array<i32>} : memref<16x128xf32, #tpu.memory_space<vmem>>, vector<16xf32>,
      %get3A_1567 = arith.index_cast %add3A_1477 : i32 to index
      %get3A_1568 = arith.constant 96 : index
      %get3A_1569 = tpu.vector_load %arg11[%get3A_1567, %get3A_1568] {strides = array<i32>} : memref<16x128xf32, #tpu.memory_space<vmem>>, vector<16xf32>,
      %add3A_1570 = arith.addf %get3A_1566, %get3A_1569 : vector<16xf32>
      %max3A_1571 = arith.constant 0.000000e+00 : f32
      %max3A_1572 = vector.broadcast %max3A_1571 : f32 to vector<16xf32>
      %max3A_1573 = arith.maximumf %add3A_1570, %max3A_1572 : vector<16xf32>
      %get3A_1574 = arith.constant 96 : index
      %get3A_1575 = tpu.vector_load %arg12[%get3A_1574] {strides = array<i32>} : memref<144xf32, #tpu.memory_space<vmem>>, vector<16xf32>,
      %mul3A_1576 = arith.mulf %max3A_1573, %get3A_1575 : vector<16xf32>
      %add3A_1577 = arith.addf %add3A_1563, %mul3A_1576 : vector<16xf32>
      %get3A_1578 = arith.index_cast %add3A_1477 : i32 to index
      %get3A_1579 = arith.constant 112 : index
      %get3A_1580 = tpu.vector_load %arg10[%get3A_1578, %get3A_1579] {strides = array<i32>} : memref<16x128xf32, #tpu.memory_space<vmem>>, vector<16xf32>,
      %get3A_1581 = arith.index_cast %add3A_1477 : i32 to index
      %get3A_1582 = arith.constant 112 : index
      %get3A_1583 = tpu.vector_load %arg11[%get3A_1581, %get3A_1582] {strides = array<i32>} : memref<16x128xf32, #tpu.memory_space<vmem>>, vector<16xf32>,
      %add3A_1584 = arith.addf %get3A_1580, %get3A_1583 : vector<16xf32>
      %max3A_1585 = arith.constant 0.000000e+00 : f32
      %max3A_1586 = vector.broadcast %max3A_1585 : f32 to vector<16xf32>
      %max3A_1587 = arith.maximumf %add3A_1584, %max3A_1586 : vector<16xf32>
      %get3A_1588 = arith.constant 112 : index
      %get3A_1589 = tpu.vector_load %arg12[%get3A_1588] {strides = array<i32>} : memref<144xf32, #tpu.memory_space<vmem>>, vector<16xf32>,
      %mul3A_1590 = arith.mulf %max3A_1587, %get3A_1589 : vector<16xf32>
      %add3A_1591 = arith.addf %add3A_1577, %mul3A_1590 : vector<16xf32>
      %swap3A_1592 = arith.index_cast %add3A_1477 : i32 to index
      %swap3A_1593 = arith.constant 0 : index
      %swap3A_1594 = tpu.vector_load %arg14[%swap3A_1592, %swap3A_1593] {strides = array<i32>} : memref<16x16xf32, #tpu.memory_space<vmem>>, vector<16xf32>,
      tpu.vector_store %arg14[%swap3A_1592, %swap3A_1593], %add3A_1591 {strides = array<i32>} : memref<16x16xf32, #tpu.memory_space<vmem>>, vector<16xf32>,
      %mul3A_1595 = arith.constant 16 : i32
      %mul3A_1596 = arith.muli %scan3A_24, %mul3A_1595 : i32
      %add3A_1597 = arith.constant 13 : i32
      %add3A_1598 = arith.addi %mul3A_1596, %add3A_1597 : i32
      %broadcast_in_dim3A_1599 = arith.constant 0.000000e+00 : f32
      %broadcast_in_dim3A_1600 = vector.broadcast %broadcast_in_dim3A_1599 : f32 to vector<16xf32>
      %get3A_1601 = arith.index_cast %add3A_1598 : i32 to index
      %get3A_1602 = arith.constant 0 : index
      %get3A_1603 = tpu.vector_load %arg10[%get3A_1601, %get3A_1602] {strides = array<i32>} : memref<16x128xf32, #tpu.memory_space<vmem>>, vector<16xf32>,
      %get3A_1604 = arith.index_cast %add3A_1598 : i32 to index
      %get3A_1605 = arith.constant 0 : index
      %get3A_1606 = tpu.vector_load %arg11[%get3A_1604, %get3A_1605] {strides = array<i32>} : memref<16x128xf32, #tpu.memory_space<vmem>>, vector<16xf32>,
      %add3A_1607 = arith.addf %get3A_1603, %get3A_1606 : vector<16xf32>
      %max3A_1608 = arith.constant 0.000000e+00 : f32
      %max3A_1609 = vector.broadcast %max3A_1608 : f32 to vector<16xf32>
      %max3A_1610 = arith.maximumf %add3A_1607, %max3A_1609 : vector<16xf32>
      %get3A_1611 = arith.constant 0 : index
      %get3A_1612 = tpu.vector_load %arg12[%get3A_1611] {strides = array<i32>} : memref<144xf32, #tpu.memory_space<vmem>>, vector<16xf32>,
      %mul3A_1613 = arith.mulf %max3A_1610, %get3A_1612 : vector<16xf32>
      %add3A_1614 = arith.addf %broadcast_in_dim3A_1600, %mul3A_1613 : vector<16xf32>
      %get3A_1615 = arith.index_cast %add3A_1598 : i32 to index
      %get3A_1616 = arith.constant 16 : index
      %get3A_1617 = tpu.vector_load %arg10[%get3A_1615, %get3A_1616] {strides = array<i32>} : memref<16x128xf32, #tpu.memory_space<vmem>>, vector<16xf32>,
      %get3A_1618 = arith.index_cast %add3A_1598 : i32 to index
      %get3A_1619 = arith.constant 16 : index
      %get3A_1620 = tpu.vector_load %arg11[%get3A_1618, %get3A_1619] {strides = array<i32>} : memref<16x128xf32, #tpu.memory_space<vmem>>, vector<16xf32>,
      %add3A_1621 = arith.addf %get3A_1617, %get3A_1620 : vector<16xf32>
      %max3A_1622 = arith.constant 0.000000e+00 : f32
      %max3A_1623 = vector.broadcast %max3A_1622 : f32 to vector<16xf32>
      %max3A_1624 = arith.maximumf %add3A_1621, %max3A_1623 : vector<16xf32>
      %get3A_1625 = arith.constant 16 : index
      %get3A_1626 = tpu.vector_load %arg12[%get3A_1625] {strides = array<i32>} : memref<144xf32, #tpu.memory_space<vmem>>, vector<16xf32>,
      %mul3A_1627 = arith.mulf %max3A_1624, %get3A_1626 : vector<16xf32>
      %add3A_1628 = arith.addf %add3A_1614, %mul3A_1627 : vector<16xf32>
      %get3A_1629 = arith.index_cast %add3A_1598 : i32 to index
      %get3A_1630 = arith.constant 32 : index
      %get3A_1631 = tpu.vector_load %arg10[%get3A_1629, %get3A_1630] {strides = array<i32>} : memref<16x128xf32, #tpu.memory_space<vmem>>, vector<16xf32>,
      %get3A_1632 = arith.index_cast %add3A_1598 : i32 to index
      %get3A_1633 = arith.constant 32 : index
      %get3A_1634 = tpu.vector_load %arg11[%get3A_1632, %get3A_1633] {strides = array<i32>} : memref<16x128xf32, #tpu.memory_space<vmem>>, vector<16xf32>,
      %add3A_1635 = arith.addf %get3A_1631, %get3A_1634 : vector<16xf32>
      %max3A_1636 = arith.constant 0.000000e+00 : f32
      %max3A_1637 = vector.broadcast %max3A_1636 : f32 to vector<16xf32>
      %max3A_1638 = arith.maximumf %add3A_1635, %max3A_1637 : vector<16xf32>
      %get3A_1639 = arith.constant 32 : index
      %get3A_1640 = tpu.vector_load %arg12[%get3A_1639] {strides = array<i32>} : memref<144xf32, #tpu.memory_space<vmem>>, vector<16xf32>,
      %mul3A_1641 = arith.mulf %max3A_1638, %get3A_1640 : vector<16xf32>
      %add3A_1642 = arith.addf %add3A_1628, %mul3A_1641 : vector<16xf32>
      %get3A_1643 = arith.index_cast %add3A_1598 : i32 to index
      %get3A_1644 = arith.constant 48 : index
      %get3A_1645 = tpu.vector_load %arg10[%get3A_1643, %get3A_1644] {strides = array<i32>} : memref<16x128xf32, #tpu.memory_space<vmem>>, vector<16xf32>,
      %get3A_1646 = arith.index_cast %add3A_1598 : i32 to index
      %get3A_1647 = arith.constant 48 : index
      %get3A_1648 = tpu.vector_load %arg11[%get3A_1646, %get3A_1647] {strides = array<i32>} : memref<16x128xf32, #tpu.memory_space<vmem>>, vector<16xf32>,
      %add3A_1649 = arith.addf %get3A_1645, %get3A_1648 : vector<16xf32>
      %max3A_1650 = arith.constant 0.000000e+00 : f32
      %max3A_1651 = vector.broadcast %max3A_1650 : f32 to vector<16xf32>
      %max3A_1652 = arith.maximumf %add3A_1649, %max3A_1651 : vector<16xf32>
      %get3A_1653 = arith.constant 48 : index
      %get3A_1654 = tpu.vector_load %arg12[%get3A_1653] {strides = array<i32>} : memref<144xf32, #tpu.memory_space<vmem>>, vector<16xf32>,
      %mul3A_1655 = arith.mulf %max3A_1652, %get3A_1654 : vector<16xf32>
      %add3A_1656 = arith.addf %add3A_1642, %mul3A_1655 : vector<16xf32>
      %get3A_1657 = arith.index_cast %add3A_1598 : i32 to index
      %get3A_1658 = arith.constant 64 : index
      %get3A_1659 = tpu.vector_load %arg10[%get3A_1657, %get3A_1658] {strides = array<i32>} : memref<16x128xf32, #tpu.memory_space<vmem>>, vector<16xf32>,
      %get3A_1660 = arith.index_cast %add3A_1598 : i32 to index
      %get3A_1661 = arith.constant 64 : index
      %get3A_1662 = tpu.vector_load %arg11[%get3A_1660, %get3A_1661] {strides = array<i32>} : memref<16x128xf32, #tpu.memory_space<vmem>>, vector<16xf32>,
      %add3A_1663 = arith.addf %get3A_1659, %get3A_1662 : vector<16xf32>
      %max3A_1664 = arith.constant 0.000000e+00 : f32
      %max3A_1665 = vector.broadcast %max3A_1664 : f32 to vector<16xf32>
      %max3A_1666 = arith.maximumf %add3A_1663, %max3A_1665 : vector<16xf32>
      %get3A_1667 = arith.constant 64 : index
      %get3A_1668 = tpu.vector_load %arg12[%get3A_1667] {strides = array<i32>} : memref<144xf32, #tpu.memory_space<vmem>>, vector<16xf32>,
      %mul3A_1669 = arith.mulf %max3A_1666, %get3A_1668 : vector<16xf32>
      %add3A_1670 = arith.addf %add3A_1656, %mul3A_1669 : vector<16xf32>
      %get3A_1671 = arith.index_cast %add3A_1598 : i32 to index
      %get3A_1672 = arith.constant 80 : index
      %get3A_1673 = tpu.vector_load %arg10[%get3A_1671, %get3A_1672] {strides = array<i32>} : memref<16x128xf32, #tpu.memory_space<vmem>>, vector<16xf32>,
      %get3A_1674 = arith.index_cast %add3A_1598 : i32 to index
      %get3A_1675 = arith.constant 80 : index
      %get3A_1676 = tpu.vector_load %arg11[%get3A_1674, %get3A_1675] {strides = array<i32>} : memref<16x128xf32, #tpu.memory_space<vmem>>, vector<16xf32>,
      %add3A_1677 = arith.addf %get3A_1673, %get3A_1676 : vector<16xf32>
      %max3A_1678 = arith.constant 0.000000e+00 : f32
      %max3A_1679 = vector.broadcast %max3A_1678 : f32 to vector<16xf32>
      %max3A_1680 = arith.maximumf %add3A_1677, %max3A_1679 : vector<16xf32>
      %get3A_1681 = arith.constant 80 : index
      %get3A_1682 = tpu.vector_load %arg12[%get3A_1681] {strides = array<i32>} : memref<144xf32, #tpu.memory_space<vmem>>, vector<16xf32>,
      %mul3A_1683 = arith.mulf %max3A_1680, %get3A_1682 : vector<16xf32>
      %add3A_1684 = arith.addf %add3A_1670, %mul3A_1683 : vector<16xf32>
      %get3A_1685 = arith.index_cast %add3A_1598 : i32 to index
      %get3A_1686 = arith.constant 96 : index
      %get3A_1687 = tpu.vector_load %arg10[%get3A_1685, %get3A_1686] {strides = array<i32>} : memref<16x128xf32, #tpu.memory_space<vmem>>, vector<16xf32>,
      %get3A_1688 = arith.index_cast %add3A_1598 : i32 to index
      %get3A_1689 = arith.constant 96 : index
      %get3A_1690 = tpu.vector_load %arg11[%get3A_1688, %get3A_1689] {strides = array<i32>} : memref<16x128xf32, #tpu.memory_space<vmem>>, vector<16xf32>,
      %add3A_1691 = arith.addf %get3A_1687, %get3A_1690 : vector<16xf32>
      %max3A_1692 = arith.constant 0.000000e+00 : f32
      %max3A_1693 = vector.broadcast %max3A_1692 : f32 to vector<16xf32>
      %max3A_1694 = arith.maximumf %add3A_1691, %max3A_1693 : vector<16xf32>
      %get3A_1695 = arith.constant 96 : index
      %get3A_1696 = tpu.vector_load %arg12[%get3A_1695] {strides = array<i32>} : memref<144xf32, #tpu.memory_space<vmem>>, vector<16xf32>,
      %mul3A_1697 = arith.mulf %max3A_1694, %get3A_1696 : vector<16xf32>
      %add3A_1698 = arith.addf %add3A_1684, %mul3A_1697 : vector<16xf32>
      %get3A_1699 = arith.index_cast %add3A_1598 : i32 to index
      %get3A_1700 = arith.constant 112 : index
      %get3A_1701 = tpu.vector_load %arg10[%get3A_1699, %get3A_1700] {strides = array<i32>} : memref<16x128xf32, #tpu.memory_space<vmem>>, vector<16xf32>,
      %get3A_1702 = arith.index_cast %add3A_1598 : i32 to index
      %get3A_1703 = arith.constant 112 : index
      %get3A_1704 = tpu.vector_load %arg11[%get3A_1702, %get3A_1703] {strides = array<i32>} : memref<16x128xf32, #tpu.memory_space<vmem>>, vector<16xf32>,
      %add3A_1705 = arith.addf %get3A_1701, %get3A_1704 : vector<16xf32>
      %max3A_1706 = arith.constant 0.000000e+00 : f32
      %max3A_1707 = vector.broadcast %max3A_1706 : f32 to vector<16xf32>
      %max3A_1708 = arith.maximumf %add3A_1705, %max3A_1707 : vector<16xf32>
      %get3A_1709 = arith.constant 112 : index
      %get3A_1710 = tpu.vector_load %arg12[%get3A_1709] {strides = array<i32>} : memref<144xf32, #tpu.memory_space<vmem>>, vector<16xf32>,
      %mul3A_1711 = arith.mulf %max3A_1708, %get3A_1710 : vector<16xf32>
      %add3A_1712 = arith.addf %add3A_1698, %mul3A_1711 : vector<16xf32>
      %swap3A_1713 = arith.index_cast %add3A_1598 : i32 to index
      %swap3A_1714 = arith.constant 0 : index
      %swap3A_1715 = tpu.vector_load %arg14[%swap3A_1713, %swap3A_1714] {strides = array<i32>} : memref<16x16xf32, #tpu.memory_space<vmem>>, vector<16xf32>,
      tpu.vector_store %arg14[%swap3A_1713, %swap3A_1714], %add3A_1712 {strides = array<i32>} : memref<16x16xf32, #tpu.memory_space<vmem>>, vector<16xf32>,
      %mul3A_1716 = arith.constant 16 : i32
      %mul3A_1717 = arith.muli %scan3A_24, %mul3A_1716 : i32
      %add3A_1718 = arith.constant 14 : i32
      %add3A_1719 = arith.addi %mul3A_1717, %add3A_1718 : i32
      %broadcast_in_dim3A_1720 = arith.constant 0.000000e+00 : f32
      %broadcast_in_dim3A_1721 = vector.broadcast %broadcast_in_dim3A_1720 : f32 to vector<16xf32>
      %get3A_1722 = arith.index_cast %add3A_1719 : i32 to index
      %get3A_1723 = arith.constant 0 : index
      %get3A_1724 = tpu.vector_load %arg10[%get3A_1722, %get3A_1723] {strides = array<i32>} : memref<16x128xf32, #tpu.memory_space<vmem>>, vector<16xf32>,
      %get3A_1725 = arith.index_cast %add3A_1719 : i32 to index
      %get3A_1726 = arith.constant 0 : index
      %get3A_1727 = tpu.vector_load %arg11[%get3A_1725, %get3A_1726] {strides = array<i32>} : memref<16x128xf32, #tpu.memory_space<vmem>>, vector<16xf32>,
      %add3A_1728 = arith.addf %get3A_1724, %get3A_1727 : vector<16xf32>
      %max3A_1729 = arith.constant 0.000000e+00 : f32
      %max3A_1730 = vector.broadcast %max3A_1729 : f32 to vector<16xf32>
      %max3A_1731 = arith.maximumf %add3A_1728, %max3A_1730 : vector<16xf32>
      %get3A_1732 = arith.constant 0 : index
      %get3A_1733 = tpu.vector_load %arg12[%get3A_1732] {strides = array<i32>} : memref<144xf32, #tpu.memory_space<vmem>>, vector<16xf32>,
      %mul3A_1734 = arith.mulf %max3A_1731, %get3A_1733 : vector<16xf32>
      %add3A_1735 = arith.addf %broadcast_in_dim3A_1721, %mul3A_1734 : vector<16xf32>
      %get3A_1736 = arith.index_cast %add3A_1719 : i32 to index
      %get3A_1737 = arith.constant 16 : index
      %get3A_1738 = tpu.vector_load %arg10[%get3A_1736, %get3A_1737] {strides = array<i32>} : memref<16x128xf32, #tpu.memory_space<vmem>>, vector<16xf32>,
      %get3A_1739 = arith.index_cast %add3A_1719 : i32 to index
      %get3A_1740 = arith.constant 16 : index
      %get3A_1741 = tpu.vector_load %arg11[%get3A_1739, %get3A_1740] {strides = array<i32>} : memref<16x128xf32, #tpu.memory_space<vmem>>, vector<16xf32>,
      %add3A_1742 = arith.addf %get3A_1738, %get3A_1741 : vector<16xf32>
      %max3A_1743 = arith.constant 0.000000e+00 : f32
      %max3A_1744 = vector.broadcast %max3A_1743 : f32 to vector<16xf32>
      %max3A_1745 = arith.maximumf %add3A_1742, %max3A_1744 : vector<16xf32>
      %get3A_1746 = arith.constant 16 : index
      %get3A_1747 = tpu.vector_load %arg12[%get3A_1746] {strides = array<i32>} : memref<144xf32, #tpu.memory_space<vmem>>, vector<16xf32>,
      %mul3A_1748 = arith.mulf %max3A_1745, %get3A_1747 : vector<16xf32>
      %add3A_1749 = arith.addf %add3A_1735, %mul3A_1748 : vector<16xf32>
      %get3A_1750 = arith.index_cast %add3A_1719 : i32 to index
      %get3A_1751 = arith.constant 32 : index
      %get3A_1752 = tpu.vector_load %arg10[%get3A_1750, %get3A_1751] {strides = array<i32>} : memref<16x128xf32, #tpu.memory_space<vmem>>, vector<16xf32>,
      %get3A_1753 = arith.index_cast %add3A_1719 : i32 to index
      %get3A_1754 = arith.constant 32 : index
      %get3A_1755 = tpu.vector_load %arg11[%get3A_1753, %get3A_1754] {strides = array<i32>} : memref<16x128xf32, #tpu.memory_space<vmem>>, vector<16xf32>,
      %add3A_1756 = arith.addf %get3A_1752, %get3A_1755 : vector<16xf32>
      %max3A_1757 = arith.constant 0.000000e+00 : f32
      %max3A_1758 = vector.broadcast %max3A_1757 : f32 to vector<16xf32>
      %max3A_1759 = arith.maximumf %add3A_1756, %max3A_1758 : vector<16xf32>
      %get3A_1760 = arith.constant 32 : index
      %get3A_1761 = tpu.vector_load %arg12[%get3A_1760] {strides = array<i32>} : memref<144xf32, #tpu.memory_space<vmem>>, vector<16xf32>,
      %mul3A_1762 = arith.mulf %max3A_1759, %get3A_1761 : vector<16xf32>
      %add3A_1763 = arith.addf %add3A_1749, %mul3A_1762 : vector<16xf32>
      %get3A_1764 = arith.index_cast %add3A_1719 : i32 to index
      %get3A_1765 = arith.constant 48 : index
      %get3A_1766 = tpu.vector_load %arg10[%get3A_1764, %get3A_1765] {strides = array<i32>} : memref<16x128xf32, #tpu.memory_space<vmem>>, vector<16xf32>,
      %get3A_1767 = arith.index_cast %add3A_1719 : i32 to index
      %get3A_1768 = arith.constant 48 : index
      %get3A_1769 = tpu.vector_load %arg11[%get3A_1767, %get3A_1768] {strides = array<i32>} : memref<16x128xf32, #tpu.memory_space<vmem>>, vector<16xf32>,
      %add3A_1770 = arith.addf %get3A_1766, %get3A_1769 : vector<16xf32>
      %max3A_1771 = arith.constant 0.000000e+00 : f32
      %max3A_1772 = vector.broadcast %max3A_1771 : f32 to vector<16xf32>
      %max3A_1773 = arith.maximumf %add3A_1770, %max3A_1772 : vector<16xf32>
      %get3A_1774 = arith.constant 48 : index
      %get3A_1775 = tpu.vector_load %arg12[%get3A_1774] {strides = array<i32>} : memref<144xf32, #tpu.memory_space<vmem>>, vector<16xf32>,
      %mul3A_1776 = arith.mulf %max3A_1773, %get3A_1775 : vector<16xf32>
      %add3A_1777 = arith.addf %add3A_1763, %mul3A_1776 : vector<16xf32>
      %get3A_1778 = arith.index_cast %add3A_1719 : i32 to index
      %get3A_1779 = arith.constant 64 : index
      %get3A_1780 = tpu.vector_load %arg10[%get3A_1778, %get3A_1779] {strides = array<i32>} : memref<16x128xf32, #tpu.memory_space<vmem>>, vector<16xf32>,
      %get3A_1781 = arith.index_cast %add3A_1719 : i32 to index
      %get3A_1782 = arith.constant 64 : index
      %get3A_1783 = tpu.vector_load %arg11[%get3A_1781, %get3A_1782] {strides = array<i32>} : memref<16x128xf32, #tpu.memory_space<vmem>>, vector<16xf32>,
      %add3A_1784 = arith.addf %get3A_1780, %get3A_1783 : vector<16xf32>
      %max3A_1785 = arith.constant 0.000000e+00 : f32
      %max3A_1786 = vector.broadcast %max3A_1785 : f32 to vector<16xf32>
      %max3A_1787 = arith.maximumf %add3A_1784, %max3A_1786 : vector<16xf32>
      %get3A_1788 = arith.constant 64 : index
      %get3A_1789 = tpu.vector_load %arg12[%get3A_1788] {strides = array<i32>} : memref<144xf32, #tpu.memory_space<vmem>>, vector<16xf32>,
      %mul3A_1790 = arith.mulf %max3A_1787, %get3A_1789 : vector<16xf32>
      %add3A_1791 = arith.addf %add3A_1777, %mul3A_1790 : vector<16xf32>
      %get3A_1792 = arith.index_cast %add3A_1719 : i32 to index
      %get3A_1793 = arith.constant 80 : index
      %get3A_1794 = tpu.vector_load %arg10[%get3A_1792, %get3A_1793] {strides = array<i32>} : memref<16x128xf32, #tpu.memory_space<vmem>>, vector<16xf32>,
      %get3A_1795 = arith.index_cast %add3A_1719 : i32 to index
      %get3A_1796 = arith.constant 80 : index
      %get3A_1797 = tpu.vector_load %arg11[%get3A_1795, %get3A_1796] {strides = array<i32>} : memref<16x128xf32, #tpu.memory_space<vmem>>, vector<16xf32>,
      %add3A_1798 = arith.addf %get3A_1794, %get3A_1797 : vector<16xf32>
      %max3A_1799 = arith.constant 0.000000e+00 : f32
      %max3A_1800 = vector.broadcast %max3A_1799 : f32 to vector<16xf32>
      %max3A_1801 = arith.maximumf %add3A_1798, %max3A_1800 : vector<16xf32>
      %get3A_1802 = arith.constant 80 : index
      %get3A_1803 = tpu.vector_load %arg12[%get3A_1802] {strides = array<i32>} : memref<144xf32, #tpu.memory_space<vmem>>, vector<16xf32>,
      %mul3A_1804 = arith.mulf %max3A_1801, %get3A_1803 : vector<16xf32>
      %add3A_1805 = arith.addf %add3A_1791, %mul3A_1804 : vector<16xf32>
      %get3A_1806 = arith.index_cast %add3A_1719 : i32 to index
      %get3A_1807 = arith.constant 96 : index
      %get3A_1808 = tpu.vector_load %arg10[%get3A_1806, %get3A_1807] {strides = array<i32>} : memref<16x128xf32, #tpu.memory_space<vmem>>, vector<16xf32>,
      %get3A_1809 = arith.index_cast %add3A_1719 : i32 to index
      %get3A_1810 = arith.constant 96 : index
      %get3A_1811 = tpu.vector_load %arg11[%get3A_1809, %get3A_1810] {strides = array<i32>} : memref<16x128xf32, #tpu.memory_space<vmem>>, vector<16xf32>,
      %add3A_1812 = arith.addf %get3A_1808, %get3A_1811 : vector<16xf32>
      %max3A_1813 = arith.constant 0.000000e+00 : f32
      %max3A_1814 = vector.broadcast %max3A_1813 : f32 to vector<16xf32>
      %max3A_1815 = arith.maximumf %add3A_1812, %max3A_1814 : vector<16xf32>
      %get3A_1816 = arith.constant 96 : index
      %get3A_1817 = tpu.vector_load %arg12[%get3A_1816] {strides = array<i32>} : memref<144xf32, #tpu.memory_space<vmem>>, vector<16xf32>,
      %mul3A_1818 = arith.mulf %max3A_1815, %get3A_1817 : vector<16xf32>
      %add3A_1819 = arith.addf %add3A_1805, %mul3A_1818 : vector<16xf32>
      %get3A_1820 = arith.index_cast %add3A_1719 : i32 to index
      %get3A_1821 = arith.constant 112 : index
      %get3A_1822 = tpu.vector_load %arg10[%get3A_1820, %get3A_1821] {strides = array<i32>} : memref<16x128xf32, #tpu.memory_space<vmem>>, vector<16xf32>,
      %get3A_1823 = arith.index_cast %add3A_1719 : i32 to index
      %get3A_1824 = arith.constant 112 : index
      %get3A_1825 = tpu.vector_load %arg11[%get3A_1823, %get3A_1824] {strides = array<i32>} : memref<16x128xf32, #tpu.memory_space<vmem>>, vector<16xf32>,
      %add3A_1826 = arith.addf %get3A_1822, %get3A_1825 : vector<16xf32>
      %max3A_1827 = arith.constant 0.000000e+00 : f32
      %max3A_1828 = vector.broadcast %max3A_1827 : f32 to vector<16xf32>
      %max3A_1829 = arith.maximumf %add3A_1826, %max3A_1828 : vector<16xf32>
      %get3A_1830 = arith.constant 112 : index
      %get3A_1831 = tpu.vector_load %arg12[%get3A_1830] {strides = array<i32>} : memref<144xf32, #tpu.memory_space<vmem>>, vector<16xf32>,
      %mul3A_1832 = arith.mulf %max3A_1829, %get3A_1831 : vector<16xf32>
      %add3A_1833 = arith.addf %add3A_1819, %mul3A_1832 : vector<16xf32>
      %swap3A_1834 = arith.index_cast %add3A_1719 : i32 to index
      %swap3A_1835 = arith.constant 0 : index
      %swap3A_1836 = tpu.vector_load %arg14[%swap3A_1834, %swap3A_1835] {strides = array<i32>} : memref<16x16xf32, #tpu.memory_space<vmem>>, vector<16xf32>,
      tpu.vector_store %arg14[%swap3A_1834, %swap3A_1835], %add3A_1833 {strides = array<i32>} : memref<16x16xf32, #tpu.memory_space<vmem>>, vector<16xf32>,
      %mul3A_1837 = arith.constant 16 : i32
      %mul3A_1838 = arith.muli %scan3A_24, %mul3A_1837 : i32
      %add3A_1839 = arith.constant 15 : i32
      %add3A_1840 = arith.addi %mul3A_1838, %add3A_1839 : i32
      %broadcast_in_dim3A_1841 = arith.constant 0.000000e+00 : f32
      %broadcast_in_dim3A_1842 = vector.broadcast %broadcast_in_dim3A_1841 : f32 to vector<16xf32>
      %get3A_1843 = arith.index_cast %add3A_1840 : i32 to index
      %get3A_1844 = arith.constant 0 : index
      %get3A_1845 = tpu.vector_load %arg10[%get3A_1843, %get3A_1844] {strides = array<i32>} : memref<16x128xf32, #tpu.memory_space<vmem>>, vector<16xf32>,
      %get3A_1846 = arith.index_cast %add3A_1840 : i32 to index
      %get3A_1847 = arith.constant 0 : index
      %get3A_1848 = tpu.vector_load %arg11[%get3A_1846, %get3A_1847] {strides = array<i32>} : memref<16x128xf32, #tpu.memory_space<vmem>>, vector<16xf32>,
      %add3A_1849 = arith.addf %get3A_1845, %get3A_1848 : vector<16xf32>
      %max3A_1850 = arith.constant 0.000000e+00 : f32
      %max3A_1851 = vector.broadcast %max3A_1850 : f32 to vector<16xf32>
      %max3A_1852 = arith.maximumf %add3A_1849, %max3A_1851 : vector<16xf32>
      %get3A_1853 = arith.constant 0 : index
      %get3A_1854 = tpu.vector_load %arg12[%get3A_1853] {strides = array<i32>} : memref<144xf32, #tpu.memory_space<vmem>>, vector<16xf32>,
      %mul3A_1855 = arith.mulf %max3A_1852, %get3A_1854 : vector<16xf32>
      %add3A_1856 = arith.addf %broadcast_in_dim3A_1842, %mul3A_1855 : vector<16xf32>
      %get3A_1857 = arith.index_cast %add3A_1840 : i32 to index
      %get3A_1858 = arith.constant 16 : index
      %get3A_1859 = tpu.vector_load %arg10[%get3A_1857, %get3A_1858] {strides = array<i32>} : memref<16x128xf32, #tpu.memory_space<vmem>>, vector<16xf32>,
      %get3A_1860 = arith.index_cast %add3A_1840 : i32 to index
      %get3A_1861 = arith.constant 16 : index
      %get3A_1862 = tpu.vector_load %arg11[%get3A_1860, %get3A_1861] {strides = array<i32>} : memref<16x128xf32, #tpu.memory_space<vmem>>, vector<16xf32>,
      %add3A_1863 = arith.addf %get3A_1859, %get3A_1862 : vector<16xf32>
      %max3A_1864 = arith.constant 0.000000e+00 : f32
      %max3A_1865 = vector.broadcast %max3A_1864 : f32 to vector<16xf32>
      %max3A_1866 = arith.maximumf %add3A_1863, %max3A_1865 : vector<16xf32>
      %get3A_1867 = arith.constant 16 : index
      %get3A_1868 = tpu.vector_load %arg12[%get3A_1867] {strides = array<i32>} : memref<144xf32, #tpu.memory_space<vmem>>, vector<16xf32>,
      %mul3A_1869 = arith.mulf %max3A_1866, %get3A_1868 : vector<16xf32>
      %add3A_1870 = arith.addf %add3A_1856, %mul3A_1869 : vector<16xf32>
      %get3A_1871 = arith.index_cast %add3A_1840 : i32 to index
      %get3A_1872 = arith.constant 32 : index
      %get3A_1873 = tpu.vector_load %arg10[%get3A_1871, %get3A_1872] {strides = array<i32>} : memref<16x128xf32, #tpu.memory_space<vmem>>, vector<16xf32>,
      %get3A_1874 = arith.index_cast %add3A_1840 : i32 to index
      %get3A_1875 = arith.constant 32 : index
      %get3A_1876 = tpu.vector_load %arg11[%get3A_1874, %get3A_1875] {strides = array<i32>} : memref<16x128xf32, #tpu.memory_space<vmem>>, vector<16xf32>,
      %add3A_1877 = arith.addf %get3A_1873, %get3A_1876 : vector<16xf32>
      %max3A_1878 = arith.constant 0.000000e+00 : f32
      %max3A_1879 = vector.broadcast %max3A_1878 : f32 to vector<16xf32>
      %max3A_1880 = arith.maximumf %add3A_1877, %max3A_1879 : vector<16xf32>
      %get3A_1881 = arith.constant 32 : index
      %get3A_1882 = tpu.vector_load %arg12[%get3A_1881] {strides = array<i32>} : memref<144xf32, #tpu.memory_space<vmem>>, vector<16xf32>,
      %mul3A_1883 = arith.mulf %max3A_1880, %get3A_1882 : vector<16xf32>
      %add3A_1884 = arith.addf %add3A_1870, %mul3A_1883 : vector<16xf32>
      %get3A_1885 = arith.index_cast %add3A_1840 : i32 to index
      %get3A_1886 = arith.constant 48 : index
      %get3A_1887 = tpu.vector_load %arg10[%get3A_1885, %get3A_1886] {strides = array<i32>} : memref<16x128xf32, #tpu.memory_space<vmem>>, vector<16xf32>,
      %get3A_1888 = arith.index_cast %add3A_1840 : i32 to index
      %get3A_1889 = arith.constant 48 : index
      %get3A_1890 = tpu.vector_load %arg11[%get3A_1888, %get3A_1889] {strides = array<i32>} : memref<16x128xf32, #tpu.memory_space<vmem>>, vector<16xf32>,
      %add3A_1891 = arith.addf %get3A_1887, %get3A_1890 : vector<16xf32>
      %max3A_1892 = arith.constant 0.000000e+00 : f32
      %max3A_1893 = vector.broadcast %max3A_1892 : f32 to vector<16xf32>
      %max3A_1894 = arith.maximumf %add3A_1891, %max3A_1893 : vector<16xf32>
      %get3A_1895 = arith.constant 48 : index
      %get3A_1896 = tpu.vector_load %arg12[%get3A_1895] {strides = array<i32>} : memref<144xf32, #tpu.memory_space<vmem>>, vector<16xf32>,
      %mul3A_1897 = arith.mulf %max3A_1894, %get3A_1896 : vector<16xf32>
      %add3A_1898 = arith.addf %add3A_1884, %mul3A_1897 : vector<16xf32>
      %get3A_1899 = arith.index_cast %add3A_1840 : i32 to index
      %get3A_1900 = arith.constant 64 : index
      %get3A_1901 = tpu.vector_load %arg10[%get3A_1899, %get3A_1900] {strides = array<i32>} : memref<16x128xf32, #tpu.memory_space<vmem>>, vector<16xf32>,
      %get3A_1902 = arith.index_cast %add3A_1840 : i32 to index
      %get3A_1903 = arith.constant 64 : index
      %get3A_1904 = tpu.vector_load %arg11[%get3A_1902, %get3A_1903] {strides = array<i32>} : memref<16x128xf32, #tpu.memory_space<vmem>>, vector<16xf32>,
      %add3A_1905 = arith.addf %get3A_1901, %get3A_1904 : vector<16xf32>
      %max3A_1906 = arith.constant 0.000000e+00 : f32
      %max3A_1907 = vector.broadcast %max3A_1906 : f32 to vector<16xf32>
      %max3A_1908 = arith.maximumf %add3A_1905, %max3A_1907 : vector<16xf32>
      %get3A_1909 = arith.constant 64 : index
      %get3A_1910 = tpu.vector_load %arg12[%get3A_1909] {strides = array<i32>} : memref<144xf32, #tpu.memory_space<vmem>>, vector<16xf32>,
      %mul3A_1911 = arith.mulf %max3A_1908, %get3A_1910 : vector<16xf32>
      %add3A_1912 = arith.addf %add3A_1898, %mul3A_1911 : vector<16xf32>
      %get3A_1913 = arith.index_cast %add3A_1840 : i32 to index
      %get3A_1914 = arith.constant 80 : index
      %get3A_1915 = tpu.vector_load %arg10[%get3A_1913, %get3A_1914] {strides = array<i32>} : memref<16x128xf32, #tpu.memory_space<vmem>>, vector<16xf32>,
      %get3A_1916 = arith.index_cast %add3A_1840 : i32 to index
      %get3A_1917 = arith.constant 80 : index
      %get3A_1918 = tpu.vector_load %arg11[%get3A_1916, %get3A_1917] {strides = array<i32>} : memref<16x128xf32, #tpu.memory_space<vmem>>, vector<16xf32>,
      %add3A_1919 = arith.addf %get3A_1915, %get3A_1918 : vector<16xf32>
      %max3A_1920 = arith.constant 0.000000e+00 : f32
      %max3A_1921 = vector.broadcast %max3A_1920 : f32 to vector<16xf32>
      %max3A_1922 = arith.maximumf %add3A_1919, %max3A_1921 : vector<16xf32>
      %get3A_1923 = arith.constant 80 : index
      %get3A_1924 = tpu.vector_load %arg12[%get3A_1923] {strides = array<i32>} : memref<144xf32, #tpu.memory_space<vmem>>, vector<16xf32>,
      %mul3A_1925 = arith.mulf %max3A_1922, %get3A_1924 : vector<16xf32>
      %add3A_1926 = arith.addf %add3A_1912, %mul3A_1925 : vector<16xf32>
      %get3A_1927 = arith.index_cast %add3A_1840 : i32 to index
      %get3A_1928 = arith.constant 96 : index
      %get3A_1929 = tpu.vector_load %arg10[%get3A_1927, %get3A_1928] {strides = array<i32>} : memref<16x128xf32, #tpu.memory_space<vmem>>, vector<16xf32>,
      %get3A_1930 = arith.index_cast %add3A_1840 : i32 to index
      %get3A_1931 = arith.constant 96 : index
      %get3A_1932 = tpu.vector_load %arg11[%get3A_1930, %get3A_1931] {strides = array<i32>} : memref<16x128xf32, #tpu.memory_space<vmem>>, vector<16xf32>,
      %add3A_1933 = arith.addf %get3A_1929, %get3A_1932 : vector<16xf32>
      %max3A_1934 = arith.constant 0.000000e+00 : f32
      %max3A_1935 = vector.broadcast %max3A_1934 : f32 to vector<16xf32>
      %max3A_1936 = arith.maximumf %add3A_1933, %max3A_1935 : vector<16xf32>
      %get3A_1937 = arith.constant 96 : index
      %get3A_1938 = tpu.vector_load %arg12[%get3A_1937] {strides = array<i32>} : memref<144xf32, #tpu.memory_space<vmem>>, vector<16xf32>,
      %mul3A_1939 = arith.mulf %max3A_1936, %get3A_1938 : vector<16xf32>
      %add3A_1940 = arith.addf %add3A_1926, %mul3A_1939 : vector<16xf32>
      %get3A_1941 = arith.index_cast %add3A_1840 : i32 to index
      %get3A_1942 = arith.constant 112 : index
      %get3A_1943 = tpu.vector_load %arg10[%get3A_1941, %get3A_1942] {strides = array<i32>} : memref<16x128xf32, #tpu.memory_space<vmem>>, vector<16xf32>,
      %get3A_1944 = arith.index_cast %add3A_1840 : i32 to index
      %get3A_1945 = arith.constant 112 : index
      %get3A_1946 = tpu.vector_load %arg11[%get3A_1944, %get3A_1945] {strides = array<i32>} : memref<16x128xf32, #tpu.memory_space<vmem>>, vector<16xf32>,
      %add3A_1947 = arith.addf %get3A_1943, %get3A_1946 : vector<16xf32>
      %max3A_1948 = arith.constant 0.000000e+00 : f32
      %max3A_1949 = vector.broadcast %max3A_1948 : f32 to vector<16xf32>
      %max3A_1950 = arith.maximumf %add3A_1947, %max3A_1949 : vector<16xf32>
      %get3A_1951 = arith.constant 112 : index
      %get3A_1952 = tpu.vector_load %arg12[%get3A_1951] {strides = array<i32>} : memref<144xf32, #tpu.memory_space<vmem>>, vector<16xf32>,
      %mul3A_1953 = arith.mulf %max3A_1950, %get3A_1952 : vector<16xf32>
      %add3A_1954 = arith.addf %add3A_1940, %mul3A_1953 : vector<16xf32>
      %swap3A_1955 = arith.index_cast %add3A_1840 : i32 to index
      %swap3A_1956 = arith.constant 0 : index
      %swap3A_1957 = tpu.vector_load %arg14[%swap3A_1955, %swap3A_1956] {strides = array<i32>} : memref<16x16xf32, #tpu.memory_space<vmem>>, vector<16xf32>,
      tpu.vector_store %arg14[%swap3A_1955, %swap3A_1956], %add3A_1954 {strides = array<i32>} : memref<16x16xf32, #tpu.memory_space<vmem>>, vector<16xf32>,
      %mul3A_1958 = arith.constant 16 : i32
      %mul3A_1959 = arith.muli %scan3A_24, %mul3A_1958 : i32
      %add3A_1960 = vector.broadcast %mul3A_1959 : i32 to vector<16xi32>
      %add3A_1961 = arith.addi %add3A_1960, %iota3A : vector<16xi32>
      %broadcast_in_dim3A_1962 = arith.constant 0.000000e+00 : f32
      %broadcast_in_dim3A_1963 = vector.broadcast %broadcast_in_dim3A_1962 : f32 to vector<16xf32>
      %broadcast_in_dim3A_1964 = arith.constant 0 : i32
      %broadcast_in_dim3A_1965 = vector.broadcast %broadcast_in_dim3A_1964 : i32 to vector<16xi32>
      %gather3A = tpu.vector_load_idx %arg14[%add3A_1961, %broadcast_in_dim3A_1965] : memref<16x16xf32, #tpu.memory_space<vmem>>[vector<16xi32>, vector<16xi32>], vector<16xf32>,
      %add3A_1966 = arith.addf %broadcast_in_dim3A_1963, %gather3A : vector<16xf32>
      %broadcast_in_dim3A_1967 = arith.constant 1 : i32
      %broadcast_in_dim3A_1968 = vector.broadcast %broadcast_in_dim3A_1967 : i32 to vector<16xi32>
      %gather3A_1969 = tpu.vector_load_idx %arg14[%add3A_1961, %broadcast_in_dim3A_1968] : memref<16x16xf32, #tpu.memory_space<vmem>>[vector<16xi32>, vector<16xi32>], vector<16xf32>,
      %add3A_1970 = arith.addf %add3A_1966, %gather3A_1969 : vector<16xf32>
      %broadcast_in_dim3A_1971 = arith.constant 2 : i32
      %broadcast_in_dim3A_1972 = vector.broadcast %broadcast_in_dim3A_1971 : i32 to vector<16xi32>
      %gather3A_1973 = tpu.vector_load_idx %arg14[%add3A_1961, %broadcast_in_dim3A_1972] : memref<16x16xf32, #tpu.memory_space<vmem>>[vector<16xi32>, vector<16xi32>], vector<16xf32>,
      %add3A_1974 = arith.addf %add3A_1970, %gather3A_1973 : vector<16xf32>
      %broadcast_in_dim3A_1975 = arith.constant 3 : i32
      %broadcast_in_dim3A_1976 = vector.broadcast %broadcast_in_dim3A_1975 : i32 to vector<16xi32>
      %gather3A_1977 = tpu.vector_load_idx %arg14[%add3A_1961, %broadcast_in_dim3A_1976] : memref<16x16xf32, #tpu.memory_space<vmem>>[vector<16xi32>, vector<16xi32>], vector<16xf32>,
      %add3A_1978 = arith.addf %add3A_1974, %gather3A_1977 : vector<16xf32>
      %broadcast_in_dim3A_1979 = arith.constant 4 : i32
      %broadcast_in_dim3A_1980 = vector.broadcast %broadcast_in_dim3A_1979 : i32 to vector<16xi32>
      %gather3A_1981 = tpu.vector_load_idx %arg14[%add3A_1961, %broadcast_in_dim3A_1980] : memref<16x16xf32, #tpu.memory_space<vmem>>[vector<16xi32>, vector<16xi32>], vector<16xf32>,
      %add3A_1982 = arith.addf %add3A_1978, %gather3A_1981 : vector<16xf32>
      %broadcast_in_dim3A_1983 = arith.constant 5 : i32
      %broadcast_in_dim3A_1984 = vector.broadcast %broadcast_in_dim3A_1983 : i32 to vector<16xi32>
      %gather3A_1985 = tpu.vector_load_idx %arg14[%add3A_1961, %broadcast_in_dim3A_1984] : memref<16x16xf32, #tpu.memory_space<vmem>>[vector<16xi32>, vector<16xi32>], vector<16xf32>,
      %add3A_1986 = arith.addf %add3A_1982, %gather3A_1985 : vector<16xf32>
      %broadcast_in_dim3A_1987 = arith.constant 6 : i32
      %broadcast_in_dim3A_1988 = vector.broadcast %broadcast_in_dim3A_1987 : i32 to vector<16xi32>
      %gather3A_1989 = tpu.vector_load_idx %arg14[%add3A_1961, %broadcast_in_dim3A_1988] : memref<16x16xf32, #tpu.memory_space<vmem>>[vector<16xi32>, vector<16xi32>], vector<16xf32>,
      %add3A_1990 = arith.addf %add3A_1986, %gather3A_1989 : vector<16xf32>
      %broadcast_in_dim3A_1991 = arith.constant 7 : i32
      %broadcast_in_dim3A_1992 = vector.broadcast %broadcast_in_dim3A_1991 : i32 to vector<16xi32>
      %gather3A_1993 = tpu.vector_load_idx %arg14[%add3A_1961, %broadcast_in_dim3A_1992] : memref<16x16xf32, #tpu.memory_space<vmem>>[vector<16xi32>, vector<16xi32>], vector<16xf32>,
      %add3A_1994 = arith.addf %add3A_1990, %gather3A_1993 : vector<16xf32>
      %broadcast_in_dim3A_1995 = arith.constant 8 : i32
      %broadcast_in_dim3A_1996 = vector.broadcast %broadcast_in_dim3A_1995 : i32 to vector<16xi32>
      %gather3A_1997 = tpu.vector_load_idx %arg14[%add3A_1961, %broadcast_in_dim3A_1996] : memref<16x16xf32, #tpu.memory_space<vmem>>[vector<16xi32>, vector<16xi32>], vector<16xf32>,
      %add3A_1998 = arith.addf %add3A_1994, %gather3A_1997 : vector<16xf32>
      %broadcast_in_dim3A_1999 = arith.constant 9 : i32
      %broadcast_in_dim3A_2000 = vector.broadcast %broadcast_in_dim3A_1999 : i32 to vector<16xi32>
      %gather3A_2001 = tpu.vector_load_idx %arg14[%add3A_1961, %broadcast_in_dim3A_2000] : memref<16x16xf32, #tpu.memory_space<vmem>>[vector<16xi32>, vector<16xi32>], vector<16xf32>,
      %add3A_2002 = arith.addf %add3A_1998, %gather3A_2001 : vector<16xf32>
      %broadcast_in_dim3A_2003 = arith.constant 10 : i32
      %broadcast_in_dim3A_2004 = vector.broadcast %broadcast_in_dim3A_2003 : i32 to vector<16xi32>
      %gather3A_2005 = tpu.vector_load_idx %arg14[%add3A_1961, %broadcast_in_dim3A_2004] : memref<16x16xf32, #tpu.memory_space<vmem>>[vector<16xi32>, vector<16xi32>], vector<16xf32>,
      %add3A_2006 = arith.addf %add3A_2002, %gather3A_2005 : vector<16xf32>
      %broadcast_in_dim3A_2007 = arith.constant 11 : i32
      %broadcast_in_dim3A_2008 = vector.broadcast %broadcast_in_dim3A_2007 : i32 to vector<16xi32>
      %gather3A_2009 = tpu.vector_load_idx %arg14[%add3A_1961, %broadcast_in_dim3A_2008] : memref<16x16xf32, #tpu.memory_space<vmem>>[vector<16xi32>, vector<16xi32>], vector<16xf32>,
      %add3A_2010 = arith.addf %add3A_2006, %gather3A_2009 : vector<16xf32>
      %broadcast_in_dim3A_2011 = arith.constant 12 : i32
      %broadcast_in_dim3A_2012 = vector.broadcast %broadcast_in_dim3A_2011 : i32 to vector<16xi32>
      %gather3A_2013 = tpu.vector_load_idx %arg14[%add3A_1961, %broadcast_in_dim3A_2012] : memref<16x16xf32, #tpu.memory_space<vmem>>[vector<16xi32>, vector<16xi32>], vector<16xf32>,
      %add3A_2014 = arith.addf %add3A_2010, %gather3A_2013 : vector<16xf32>
      %broadcast_in_dim3A_2015 = arith.constant 13 : i32
      %broadcast_in_dim3A_2016 = vector.broadcast %broadcast_in_dim3A_2015 : i32 to vector<16xi32>
      %gather3A_2017 = tpu.vector_load_idx %arg14[%add3A_1961, %broadcast_in_dim3A_2016] : memref<16x16xf32, #tpu.memory_space<vmem>>[vector<16xi32>, vector<16xi32>], vector<16xf32>,
      %add3A_2018 = arith.addf %add3A_2014, %gather3A_2017 : vector<16xf32>
      %broadcast_in_dim3A_2019 = arith.constant 14 : i32
      %broadcast_in_dim3A_2020 = vector.broadcast %broadcast_in_dim3A_2019 : i32 to vector<16xi32>
      %gather3A_2021 = tpu.vector_load_idx %arg14[%add3A_1961, %broadcast_in_dim3A_2020] : memref<16x16xf32, #tpu.memory_space<vmem>>[vector<16xi32>, vector<16xi32>], vector<16xf32>,
      %add3A_2022 = arith.addf %add3A_2018, %gather3A_2021 : vector<16xf32>
      %broadcast_in_dim3A_2023 = arith.constant 15 : i32
      %broadcast_in_dim3A_2024 = vector.broadcast %broadcast_in_dim3A_2023 : i32 to vector<16xi32>
      %gather3A_2025 = tpu.vector_load_idx %arg14[%add3A_1961, %broadcast_in_dim3A_2024] : memref<16x16xf32, #tpu.memory_space<vmem>>[vector<16xi32>, vector<16xi32>], vector<16xf32>,
      %add3A_2026 = arith.addf %add3A_2022, %gather3A_2025 : vector<16xf32>
      %add3A_2027 = vector.broadcast %squeeze3A : f32 to vector<16xf32>
      %add3A_2028 = arith.addf %add3A_2026, %add3A_2027 : vector<16xf32>
      %mul3A_2029 = arith.constant 16 : i32
      %mul3A_2030 = arith.muli %scan3A_24, %mul3A_2029 : i32
      %swap3A_2031 = arith.index_cast %mul3A_2030 : i32 to index
      %swap3A_2032 = tpu.vector_load %arg13[%swap3A_2031] {strides = array<i32>} : memref<16xf32, #tpu.memory_space<vmem>>, vector<16xf32>,
      tpu.vector_store %arg13[%swap3A_2031], %add3A_2028 {strides = array<i32>} : memref<16xf32, #tpu.memory_space<vmem>>, vector<16xf32>,
      %scan3A_2033 = arith.constant 1 : i32
      "tpu.region"() ({
        %run_scoped3A = tpu.sem_alloc : memref<!tpu.dma_semaphore, #tpu.memory_space<semaphore_mem>>
        %dma_start3A_2034 = tpu.memref_slice %arg7[%multiple_of3A] : memref<200192xf32, #tpu.memory_space<hbm>> -> memref<16xf32, #tpu.memory_space<hbm>>
        %dma_start3A_2035 = tpu.memref_slice %arg7[%multiple_of3A] : memref<200192xf32, #tpu.memory_space<hbm>> -> memref<16xf32, #tpu.memory_space<hbm>>
        tpu.enqueue_dma source(%arg13 : memref<16xf32, #tpu.memory_space<vmem>>) target(%dma_start3A_2035 : memref<16xf32, #tpu.memory_space<hbm>>) target_semaphore(%run_scoped3A : memref<!tpu.dma_semaphore, #tpu.memory_space<semaphore_mem>>)
        %dma_wait3A_2036 = tpu.memref_slice %arg7[%multiple_of3A] : memref<200192xf32, #tpu.memory_space<hbm>> -> memref<16xf32, #tpu.memory_space<hbm>>
        %dma_wait3A_2037 = tpu.memref_slice %arg7[%multiple_of3A] : memref<200192xf32, #tpu.memory_space<hbm>> -> memref<16xf32, #tpu.memory_space<hbm>>
        tpu.wait_dma2 semaphore(%run_scoped3A : memref<!tpu.dma_semaphore, #tpu.memory_space<semaphore_mem>>) src(%arg13 : memref<16xf32, #tpu.memory_space<vmem>>) dst(%dma_wait3A_2037 : memref<16xf32, #tpu.memory_space<hbm>>)
        tpu.yield
      }) : () -> ()
    }
    %scan3A_5 = arith.constant 391 : i32
    return
  }
}

module attributes {stable_mosaic.version = 14 : i64} {
  func.func @_combine1_body(%arg0: i32, %arg1: memref<2x1000x128xf32, #tpu.memory_space<vmem>>, %arg2: memref<1000x2xf32, #tpu.memory_space<vmem>>, %arg3: memref<1000x128xf32, #tpu.memory_space<vmem>>, %arg4: memref<128x128xf32, #tpu.memory_space<vmem>>, %arg5: memref<1x128xf32, #tpu.memory_space<vmem>>, %arg6: memref<128x128xf32, #tpu.memory_space<vmem>>, %arg7: memref<1000x128xf32, #tpu.memory_space<vmem>>) attributes {dimension_semantics = [#tpu.dimension_semantics<arbitrary>], iteration_bounds = array<i64: 10>, scalar_prefetch = 0 : i64, scratch_operands = 0 : i64, tpu.core_type = #tpu.core_type<tc>, window_params = [{transform_indices = @transform_0, window_bounds = array<i64: 2, 1000, 128>}, {transform_indices = @transform_1, window_bounds = array<i64: 1000, 2>}, {transform_indices = @transform_2, window_bounds = array<i64: 1000, 128>}, {pipeline_mode = #tpu.pipeline_mode<synchronous>, transform_indices = @transform_3, window_bounds = array<i64: 128, 128>}, {pipeline_mode = #tpu.pipeline_mode<synchronous>, transform_indices = @transform_4, window_bounds = array<i64: 1, 128>}, {pipeline_mode = #tpu.pipeline_mode<synchronous>, transform_indices = @transform_5, window_bounds = array<i64: 128, 128>}, {transform_indices = @transform_6, window_bounds = array<i64: 1000, 128>}]} {
    %get3A = arith.constant 0 : index
    %get3A_0 = arith.constant 0 : index
    %get3A_1 = vector.load %arg2[%get3A, %get3A_0] : memref<1000x2xf32, #tpu.memory_space<vmem>>, vector<1000x2xf32>
    %reduce_sum3A = arith.constant dense<0.000000e+00> : vector<1000xf32>
    %reduce_sum3A_2 = vector.multi_reduction <add>, %get3A_1, %reduce_sum3A [1] : vector<1000x2xf32> to vector<1000xf32>
    %max3A = arith.constant 1.000000e+00 : f32
    %max3A_3 = vector.broadcast %max3A : f32 to vector<1000xf32>
    %max3A_4 = arith.maximumf %reduce_sum3A_2, %max3A_3 : vector<1000xf32>
    %div3A = arith.constant 1.000000e+00 : f32
    %div3A_5 = vector.broadcast %div3A : f32 to vector<1000xf32>
    %div3A_6 = arith.divf %div3A_5, %max3A_4 : vector<1000xf32>
    %get3A_7 = arith.constant 0 : index
    %get3A_8 = arith.constant 0 : index
    %get3A_9 = arith.constant 0 : index
    %get3A_10 = vector.load %arg1[%get3A_7, %get3A_8, %get3A_9] : memref<2x1000x128xf32, #tpu.memory_space<vmem>>, vector<1x1000x128xf32>
    %get3A_11 = vector.shape_cast %get3A_10 : vector<1x1000x128xf32> to vector<1000x128xf32>
    %get3A_12 = arith.constant 1 : index
    %get3A_13 = arith.constant 0 : index
    %get3A_14 = arith.constant 0 : index
    %get3A_15 = vector.load %arg1[%get3A_12, %get3A_13, %get3A_14] : memref<2x1000x128xf32, #tpu.memory_space<vmem>>, vector<1x1000x128xf32>
    %get3A_16 = vector.shape_cast %get3A_15 : vector<1x1000x128xf32> to vector<1000x128xf32>
    %add3A = arith.addf %get3A_11, %get3A_16 : vector<1000x128xf32>
    %broadcast_in_dim3A = vector.shape_cast %div3A_6 : vector<1000xf32> to vector<1000x1xf32>
    %mul3A = vector.broadcast %broadcast_in_dim3A : vector<1000x1xf32> to vector<1000x128xf32>
    %mul3A_17 = arith.mulf %add3A, %mul3A : vector<1000x128xf32>
    %get3A_18 = arith.constant 0 : index
    %get3A_19 = arith.constant 0 : index
    %get3A_20 = vector.load %arg4[%get3A_18, %get3A_19] : memref<128x128xf32, #tpu.memory_space<vmem>>, vector<128x128xf32>
    %dot_general3A = arith.constant dense<0.000000e+00> : vector<1000x128xf32>
    %dot_general3A_21 = tpu.matmul %mul3A_17, %get3A_20, %dot_general3A {dimension_numbers = #tpu.dot_dimension_numbers<[1], [0], [0], [1], [0, 0, 1, 1], [], []>, transpose_lhs_hint = false} : vector<1000x128xf32>, vector<128x128xf32>, vector<1000x128xf32> -> vector<1000x128xf32>
    %get3A_22 = arith.constant 0 : index
    %get3A_23 = arith.constant 0 : index
    %get3A_24 = vector.load %arg5[%get3A_22, %get3A_23] : memref<1x128xf32, #tpu.memory_space<vmem>>, vector<1x128xf32>
    %add3A_25 = vector.broadcast %get3A_24 : vector<1x128xf32> to vector<1000x128xf32>
    %add3A_26 = arith.addf %dot_general3A_21, %add3A_25 : vector<1000x128xf32>
    %get3A_27 = arith.constant 0 : index
    %get3A_28 = arith.constant 0 : index
    %get3A_29 = vector.load %arg3[%get3A_27, %get3A_28] : memref<1000x128xf32, #tpu.memory_space<vmem>>, vector<1000x128xf32>
    %get3A_30 = arith.constant 0 : index
    %get3A_31 = arith.constant 0 : index
    %get3A_32 = vector.load %arg6[%get3A_30, %get3A_31] : memref<128x128xf32, #tpu.memory_space<vmem>>, vector<128x128xf32>
    %dot_general3A_33 = arith.constant dense<0.000000e+00> : vector<1000x128xf32>
    %dot_general3A_34 = tpu.matmul %get3A_29, %get3A_32, %dot_general3A_33 {dimension_numbers = #tpu.dot_dimension_numbers<[1], [0], [0], [1], [0, 0, 1, 1], [], []>, transpose_lhs_hint = false} : vector<1000x128xf32>, vector<128x128xf32>, vector<1000x128xf32> -> vector<1000x128xf32>
    %add3A_35 = arith.addf %add3A_26, %dot_general3A_34 : vector<1000x128xf32>
    %max3A_36 = arith.constant 0.000000e+00 : f32
    %max3A_37 = vector.broadcast %max3A_36 : f32 to vector<1000x128xf32>
    %max3A_38 = arith.maximumf %add3A_35, %max3A_37 : vector<1000x128xf32>
    %swap3A = arith.constant 0 : index
    %swap3A_39 = arith.constant 0 : index
    %swap3A_40 = vector.load %arg7[%swap3A, %swap3A_39] : memref<1000x128xf32, #tpu.memory_space<vmem>>, vector<1000x128xf32>
    tpu.vector_store %arg7[%swap3A, %swap3A_39], %max3A_38 {strides = array<i32>} : memref<1000x128xf32, #tpu.memory_space<vmem>>, vector<1000x128xf32>,
    return
  }
  func.func @transform_0(%arg0: i32) -> (i32, i32, i32) {
    %c0_i32 = arith.constant 0 : i32
    %c0_i32_0 = arith.constant 0 : i32
    %c0_i32_1 = arith.constant 0 : i32
    return %c0_i32, %arg0, %c0_i32_0 : i32, i32, i32
  }
  func.func @transform_1(%arg0: i32) -> (i32, i32) {
    %c0_i32 = arith.constant 0 : i32
    %c0_i32_0 = arith.constant 0 : i32
    return %arg0, %c0_i32 : i32, i32
  }
  func.func @transform_2(%arg0: i32) -> (i32, i32) {
    %c0_i32 = arith.constant 0 : i32
    %c0_i32_0 = arith.constant 0 : i32
    return %arg0, %c0_i32 : i32, i32
  }
  func.func @transform_3(%arg0: i32) -> (i32, i32) {
    %c0_i32 = arith.constant 0 : i32
    %c0_i32_0 = arith.constant 0 : i32
    %c0_i32_1 = arith.constant 0 : i32
    return %c0_i32, %c0_i32_0 : i32, i32
  }
  func.func @transform_4(%arg0: i32) -> (i32, i32) {
    %c0_i32 = arith.constant 0 : i32
    %c0_i32_0 = arith.constant 0 : i32
    %c0_i32_1 = arith.constant 0 : i32
    return %c0_i32, %c0_i32_0 : i32, i32
  }
  func.func @transform_5(%arg0: i32) -> (i32, i32) {
    %c0_i32 = arith.constant 0 : i32
    %c0_i32_0 = arith.constant 0 : i32
    %c0_i32_1 = arith.constant 0 : i32
    return %c0_i32, %c0_i32_0 : i32, i32
  }
  func.func @transform_6(%arg0: i32) -> (i32, i32) {
    %c0_i32 = arith.constant 0 : i32
    %c0_i32_0 = arith.constant 0 : i32
    return %arg0, %c0_i32 : i32, i32
  }
}

module attributes {stable_mosaic.version = 14 : i64} {
  func.func @_combine2_body(%arg0: i32, %arg1: memref<2x1000x128xf32, #tpu.memory_space<vmem>>, %arg2: memref<1000x2xf32, #tpu.memory_space<vmem>>, %arg3: memref<1000x128xf32, #tpu.memory_space<vmem>>, %arg4: memref<128x128xf32, #tpu.memory_space<vmem>>, %arg5: memref<1x128xf32, #tpu.memory_space<vmem>>, %arg6: memref<128x128xf32, #tpu.memory_space<vmem>>, %arg7: memref<128x128xf32, #tpu.memory_space<vmem>>, %arg8: memref<1x128xf32, #tpu.memory_space<vmem>>, %arg9: memref<128x128xf32, #tpu.memory_space<vmem>>, %arg10: memref<1000x128xf32, #tpu.memory_space<vmem>>, %arg11: memref<1000x128xf32, #tpu.memory_space<vmem>>) attributes {dimension_semantics = [#tpu.dimension_semantics<arbitrary>], iteration_bounds = array<i64: 10>, scalar_prefetch = 0 : i64, scratch_operands = 0 : i64, tpu.core_type = #tpu.core_type<tc>, window_params = [{transform_indices = @transform_0, window_bounds = array<i64: 2, 1000, 128>}, {transform_indices = @transform_1, window_bounds = array<i64: 1000, 2>}, {transform_indices = @transform_2, window_bounds = array<i64: 1000, 128>}, {pipeline_mode = #tpu.pipeline_mode<synchronous>, transform_indices = @transform_3, window_bounds = array<i64: 128, 128>}, {pipeline_mode = #tpu.pipeline_mode<synchronous>, transform_indices = @transform_4, window_bounds = array<i64: 1, 128>}, {pipeline_mode = #tpu.pipeline_mode<synchronous>, transform_indices = @transform_5, window_bounds = array<i64: 128, 128>}, {pipeline_mode = #tpu.pipeline_mode<synchronous>, transform_indices = @transform_6, window_bounds = array<i64: 128, 128>}, {pipeline_mode = #tpu.pipeline_mode<synchronous>, transform_indices = @transform_7, window_bounds = array<i64: 1, 128>}, {pipeline_mode = #tpu.pipeline_mode<synchronous>, transform_indices = @transform_8, window_bounds = array<i64: 128, 128>}, {transform_indices = @transform_9, window_bounds = array<i64: 1000, 128>}, {transform_indices = @transform_10, window_bounds = array<i64: 1000, 128>}]} {
    %get3A = arith.constant 0 : index
    %get3A_0 = arith.constant 0 : index
    %get3A_1 = vector.load %arg2[%get3A, %get3A_0] : memref<1000x2xf32, #tpu.memory_space<vmem>>, vector<1000x2xf32>
    %reduce_sum3A = arith.constant dense<0.000000e+00> : vector<1000xf32>
    %reduce_sum3A_2 = vector.multi_reduction <add>, %get3A_1, %reduce_sum3A [1] : vector<1000x2xf32> to vector<1000xf32>
    %max3A = arith.constant 1.000000e+00 : f32
    %max3A_3 = vector.broadcast %max3A : f32 to vector<1000xf32>
    %max3A_4 = arith.maximumf %reduce_sum3A_2, %max3A_3 : vector<1000xf32>
    %div3A = arith.constant 1.000000e+00 : f32
    %div3A_5 = vector.broadcast %div3A : f32 to vector<1000xf32>
    %div3A_6 = arith.divf %div3A_5, %max3A_4 : vector<1000xf32>
    %get3A_7 = arith.constant 0 : index
    %get3A_8 = arith.constant 0 : index
    %get3A_9 = arith.constant 0 : index
    %get3A_10 = vector.load %arg1[%get3A_7, %get3A_8, %get3A_9] : memref<2x1000x128xf32, #tpu.memory_space<vmem>>, vector<1x1000x128xf32>
    %get3A_11 = vector.shape_cast %get3A_10 : vector<1x1000x128xf32> to vector<1000x128xf32>
    %get3A_12 = arith.constant 1 : index
    %get3A_13 = arith.constant 0 : index
    %get3A_14 = arith.constant 0 : index
    %get3A_15 = vector.load %arg1[%get3A_12, %get3A_13, %get3A_14] : memref<2x1000x128xf32, #tpu.memory_space<vmem>>, vector<1x1000x128xf32>
    %get3A_16 = vector.shape_cast %get3A_15 : vector<1x1000x128xf32> to vector<1000x128xf32>
    %add3A = arith.addf %get3A_11, %get3A_16 : vector<1000x128xf32>
    %broadcast_in_dim3A = vector.shape_cast %div3A_6 : vector<1000xf32> to vector<1000x1xf32>
    %mul3A = vector.broadcast %broadcast_in_dim3A : vector<1000x1xf32> to vector<1000x128xf32>
    %mul3A_17 = arith.mulf %add3A, %mul3A : vector<1000x128xf32>
    %get3A_18 = arith.constant 0 : index
    %get3A_19 = arith.constant 0 : index
    %get3A_20 = vector.load %arg4[%get3A_18, %get3A_19] : memref<128x128xf32, #tpu.memory_space<vmem>>, vector<128x128xf32>
    %dot_general3A = arith.constant dense<0.000000e+00> : vector<1000x128xf32>
    %dot_general3A_21 = tpu.matmul %mul3A_17, %get3A_20, %dot_general3A {dimension_numbers = #tpu.dot_dimension_numbers<[1], [0], [0], [1], [0, 0, 1, 1], [], []>, transpose_lhs_hint = false} : vector<1000x128xf32>, vector<128x128xf32>, vector<1000x128xf32> -> vector<1000x128xf32>
    %get3A_22 = arith.constant 0 : index
    %get3A_23 = arith.constant 0 : index
    %get3A_24 = vector.load %arg5[%get3A_22, %get3A_23] : memref<1x128xf32, #tpu.memory_space<vmem>>, vector<1x128xf32>
    %add3A_25 = vector.broadcast %get3A_24 : vector<1x128xf32> to vector<1000x128xf32>
    %add3A_26 = arith.addf %dot_general3A_21, %add3A_25 : vector<1000x128xf32>
    %get3A_27 = arith.constant 0 : index
    %get3A_28 = arith.constant 0 : index
    %get3A_29 = vector.load %arg3[%get3A_27, %get3A_28] : memref<1000x128xf32, #tpu.memory_space<vmem>>, vector<1000x128xf32>
    %get3A_30 = arith.constant 0 : index
    %get3A_31 = arith.constant 0 : index
    %get3A_32 = vector.load %arg6[%get3A_30, %get3A_31] : memref<128x128xf32, #tpu.memory_space<vmem>>, vector<128x128xf32>
    %dot_general3A_33 = arith.constant dense<0.000000e+00> : vector<1000x128xf32>
    %dot_general3A_34 = tpu.matmul %get3A_29, %get3A_32, %dot_general3A_33 {dimension_numbers = #tpu.dot_dimension_numbers<[1], [0], [0], [1], [0, 0, 1, 1], [], []>, transpose_lhs_hint = false} : vector<1000x128xf32>, vector<128x128xf32>, vector<1000x128xf32> -> vector<1000x128xf32>
    %add3A_35 = arith.addf %add3A_26, %dot_general3A_34 : vector<1000x128xf32>
    %get3A_36 = arith.constant 0 : index
    %get3A_37 = arith.constant 0 : index
    %get3A_38 = vector.load %arg7[%get3A_36, %get3A_37] : memref<128x128xf32, #tpu.memory_space<vmem>>, vector<128x128xf32>
    %dot_general3A_39 = arith.constant dense<0.000000e+00> : vector<1000x128xf32>
    %dot_general3A_40 = tpu.matmul %add3A_35, %get3A_38, %dot_general3A_39 {dimension_numbers = #tpu.dot_dimension_numbers<[1], [0], [0], [1], [0, 0, 1, 1], [], []>, transpose_lhs_hint = false} : vector<1000x128xf32>, vector<128x128xf32>, vector<1000x128xf32> -> vector<1000x128xf32>
    %get3A_41 = arith.constant 0 : index
    %get3A_42 = arith.constant 0 : index
    %get3A_43 = vector.load %arg8[%get3A_41, %get3A_42] : memref<1x128xf32, #tpu.memory_space<vmem>>, vector<1x128xf32>
    %add3A_44 = vector.broadcast %get3A_43 : vector<1x128xf32> to vector<1000x128xf32>
    %add3A_45 = arith.addf %dot_general3A_40, %add3A_44 : vector<1000x128xf32>
    %swap3A = arith.constant 0 : index
    %swap3A_46 = arith.constant 0 : index
    %swap3A_47 = vector.load %arg10[%swap3A, %swap3A_46] : memref<1000x128xf32, #tpu.memory_space<vmem>>, vector<1000x128xf32>
    tpu.vector_store %arg10[%swap3A, %swap3A_46], %add3A_45 {strides = array<i32>} : memref<1000x128xf32, #tpu.memory_space<vmem>>, vector<1000x128xf32>,
    %get3A_48 = arith.constant 0 : index
    %get3A_49 = arith.constant 0 : index
    %get3A_50 = vector.load %arg9[%get3A_48, %get3A_49] : memref<128x128xf32, #tpu.memory_space<vmem>>, vector<128x128xf32>
    %dot_general3A_51 = arith.constant dense<0.000000e+00> : vector<1000x128xf32>
    %dot_general3A_52 = tpu.matmul %add3A_35, %get3A_50, %dot_general3A_51 {dimension_numbers = #tpu.dot_dimension_numbers<[1], [0], [0], [1], [0, 0, 1, 1], [], []>, transpose_lhs_hint = false} : vector<1000x128xf32>, vector<128x128xf32>, vector<1000x128xf32> -> vector<1000x128xf32>
    %swap3A_53 = arith.constant 0 : index
    %swap3A_54 = arith.constant 0 : index
    %swap3A_55 = vector.load %arg11[%swap3A_53, %swap3A_54] : memref<1000x128xf32, #tpu.memory_space<vmem>>, vector<1000x128xf32>
    tpu.vector_store %arg11[%swap3A_53, %swap3A_54], %dot_general3A_52 {strides = array<i32>} : memref<1000x128xf32, #tpu.memory_space<vmem>>, vector<1000x128xf32>,
    return
  }
  func.func @transform_0(%arg0: i32) -> (i32, i32, i32) {
    %c0_i32 = arith.constant 0 : i32
    %c0_i32_0 = arith.constant 0 : i32
    %c0_i32_1 = arith.constant 0 : i32
    return %c0_i32, %arg0, %c0_i32_0 : i32, i32, i32
  }
  func.func @transform_1(%arg0: i32) -> (i32, i32) {
    %c0_i32 = arith.constant 0 : i32
    %c0_i32_0 = arith.constant 0 : i32
    return %arg0, %c0_i32 : i32, i32
  }
  func.func @transform_2(%arg0: i32) -> (i32, i32) {
    %c0_i32 = arith.constant 0 : i32
    %c0_i32_0 = arith.constant 0 : i32
    return %arg0, %c0_i32 : i32, i32
  }
  func.func @transform_3(%arg0: i32) -> (i32, i32) {
    %c0_i32 = arith.constant 0 : i32
    %c0_i32_0 = arith.constant 0 : i32
    %c0_i32_1 = arith.constant 0 : i32
    return %c0_i32, %c0_i32_0 : i32, i32
  }
  func.func @transform_4(%arg0: i32) -> (i32, i32) {
    %c0_i32 = arith.constant 0 : i32
    %c0_i32_0 = arith.constant 0 : i32
    %c0_i32_1 = arith.constant 0 : i32
    return %c0_i32, %c0_i32_0 : i32, i32
  }
  func.func @transform_5(%arg0: i32) -> (i32, i32) {
    %c0_i32 = arith.constant 0 : i32
    %c0_i32_0 = arith.constant 0 : i32
    %c0_i32_1 = arith.constant 0 : i32
    return %c0_i32, %c0_i32_0 : i32, i32
  }
  func.func @transform_6(%arg0: i32) -> (i32, i32) {
    %c0_i32 = arith.constant 0 : i32
    %c0_i32_0 = arith.constant 0 : i32
    %c0_i32_1 = arith.constant 0 : i32
    return %c0_i32, %c0_i32_0 : i32, i32
  }
  func.func @transform_7(%arg0: i32) -> (i32, i32) {
    %c0_i32 = arith.constant 0 : i32
    %c0_i32_0 = arith.constant 0 : i32
    %c0_i32_1 = arith.constant 0 : i32
    return %c0_i32, %c0_i32_0 : i32, i32
  }
  func.func @transform_8(%arg0: i32) -> (i32, i32) {
    %c0_i32 = arith.constant 0 : i32
    %c0_i32_0 = arith.constant 0 : i32
    %c0_i32_1 = arith.constant 0 : i32
    return %c0_i32, %c0_i32_0 : i32, i32
  }
  func.func @transform_9(%arg0: i32) -> (i32, i32) {
    %c0_i32 = arith.constant 0 : i32
    %c0_i32_0 = arith.constant 0 : i32
    return %arg0, %c0_i32 : i32, i32
  }
  func.func @transform_10(%arg0: i32) -> (i32, i32) {
    %c0_i32 = arith.constant 0 : i32
    %c0_i32_0 = arith.constant 0 : i32
    return %arg0, %c0_i32 : i32, i32
  }
}

</mosaic_0001>

<sc_bundles>
// kernel: kernel.10.cloned.1.call-start
scs
__scs_entry_jumppad:
0x0: {  	(pc) =	sbr.rel $0x88, $3  }
0x1: {  	(tag) =	ssettag $0x0;
	lr =	simm.s32 $0x1  }
0x2: {  	[smem:$0x3F93] =	sst lr;
	_ =	strace $0xD0000000  }
0x3: {  	_ = 	snop  }
0x4: {  	_ = 	snop  }
0x5: {  	_ = 	snop  }
0x6: {  	_ = 	snop  }
0x7: {  	_ = 	snop  }
__scs_overlays_trampoline_lowered:
0x8: {  	[smem:$0x3FA2] =	sst s0  }
0x9: {  	[smem:$0x3FA3] =	sst s1  }
0xa: {  	[smem:$0x3FA4] =	sst s2  }
0xb: {  	[smem:$0x3FA5] =	sst s3  }
0xc: {  	[smem:$0x3FA6] =	sst s4  }
0xd: {  	[smem:$0x3FA7] =	sst s5  }
0xe: {  	[smem:$0x3FA8] =	sst s6  }
0xf: {  	[smem:$0x3FA9] =	sst s7  }
0x10: {  	[smem:$0x3FAA] =	sst s8  }
0x11: {  	[smem:$0x3FAB] =	sst s9;
	s0 =	simm.s32 @!p0 $0x0  }
0x12: {  	s1 =	sld [smem:$0x3F91];
	s0 =	simm.s32 @p0 $0x1  }
0x13: {  	[smem:$0x3FAC] =	sst s0;
	s0 =	simm.s32 @!p1 $0x0  }
0x14: {  	s2 =	sld [smem:$0x3F90];
	s0 =	simm.s32 @p1 $0x1  }
0x15: {  	[smem:$0x3FAD] =	sst s0;
	s0 =	simm.s32 @!p2 $0x0  }
0x16: {  	s3 =	sld [smem:$0x3FDB];
	s0 =	simm.s32 @p2 $0x1  }
0x17: {  	s4 =	simm.s32 $0x1BF5;
	[smem:$0x3FAF] =	sst s0  }
0x18: {  	s0 =	sld [smem:$0x3F92];
	_ =	swait.ge [sflag:s4], $0x0  }
0x19: {  	s7 =	sld [smem:$0x3F93]  }
0x1a: {  	s8 =	sadd.s32 $0xFFFFE003, lr  }
0x1b: {  	s9 =	sadd.s32 $0xFFFFFEF7, lr;
	s5 =	simm.s32 $0xFFFFFFFF;
	p2 =	slt.u32 s8, $0xFFFFF086  }
0x1c: {  	p1 =	slt.u32 s9, $0xF7A;
	s5 =	simm.s32 @!p2 $0x0  }
0x1d: {  	s5 =	simm.s32 @p1 $0x1;
	p0 =	seq.s32 s7, s2  }
0x1e: {  	s7 =	smul.u32 @!p0 $0xF7A, s2;
	p2 =	seq.s32 @!p0 s5, $0x0  }
0x1f: {  	s9 =	smul.u32 $0xF7A, s1;
	s8 =	simm.s32 @!p0 $0x1BF5;
	p2 =	por !p2, p0  }
0x20: {  	[sflag:s8] =	ssyncset.s32 @!p0 $0xFFFFF086;
	s6 =	sadd.s32 @!p0 s3, s7;
	s7 =	simm.s32 @!p0 $0x108  }
0x21: {  	s3 =	sadd.s32 s3, s9;
	s6 =	sadd.s32 @!p0 $0x88, s6;
	s7 =	simm.s32 @p2 $0x1082  }
0x22: {  	[simem:s7], [sflag:s8] =	dma.local @!p0 [hbm:s6], $0xF7A  }
0x23: {  	s9 =	sor.u32 $0xD0000000, s2;
	s6 =	simm.s32 $0x108;
	_ =	swait.ge @!p0 [sflag:s8], $0x0  }
0x24: {  	s3 =	sadd.s32 $0x88, s3;
	s6 =	simm.s32 @!p1 $0x1082;
	[sflag:s4] =	ssyncset.s32 $0xFFFFF086  }
0x25: {  	[simem:s6], [sflag:s4] =	dma.local [hbm:s3], $0xF7A  }
0x26: {  	[smem:$0x3F93] =	sst s1;
	(tag) =	ssettag s2;
	_ =	strace s9  }
0x27: {  	s1 =	sld [smem:$0x3FA3]  }
0x28: {  	s2 =	sld [smem:$0x3FA4]  }
0x29: {  	s4 =	sld [smem:$0x3FA6]  }
0x2a: {  	p0 =	seq.s32 s5, $0x0;
	s5 =	sld [smem:$0x3FA7]  }
0x2b: {  	s6 =	sld [smem:$0x3FA8]  }
0x2c: {  	s7 =	sld [smem:$0x3FA9]  }
0x2d: {  	s3 =	simm.s32 $0x108;
	s8 =	sld [smem:$0x3FAA]  }
0x2e: {  	s3 =	simm.s32 @!p0 $0x1082;
	s9 =	sld [smem:$0x3FAB]  }
0x2f: {  	lr =	sadd.s32 s0, s3;
	s0 =	sld [smem:$0x3FA2]  }
0x30: {  	s3 =	sld [smem:$0x3FA5]  }
0x31: {  	[smem:$0x3FAE] =	sst s10  }
0x32: {  	s10 =	sld [smem:$0x3FAC];
	_ =	sdelay $0x3  }
0x33: {  	p0 =	seq.s32 s10, $0x1;
	s10 =	sld [smem:$0x3FAE];
	_ =	sdelay $0x3  }
0x34: {  	[smem:$0x3FAE] =	sst s10  }
0x35: {  	s10 =	sld [smem:$0x3FAD];
	_ =	sdelay $0x3  }
0x36: {  	p1 =	seq.s32 s10, $0x1;
	s10 =	sld [smem:$0x3FAE];
	_ =	sdelay $0x3  }
0x37: {  	[smem:$0x3FAE] =	sst s10  }
0x38: {  	s10 =	sld [smem:$0x3FAF]  }
0x39: {  	_ = 	snop;
	(pc) =	sbr.ind lr, $3  }
0x3a: {  	_ = 	snop  }
0x3b: {  	_ = 	snop  }
0x3c: {  	p2 =	seq.s32 s10, $0x1;
	s10 =	sld [smem:$0x3FAE]  }
0x3d: {  	_ =	shalt  }
0x3e: {  	_ =	shalt  }
0x3f: {  	_ =	shalt  }
0x40: {  	_ =	shalt  }
0x41: {  	_ =	shalt  }
0x42: {  	_ =	shalt  }
0x43: {  	_ =	shalt  }
0x44: {  	_ =	shalt  }
0x45: {  	_ =	shalt  }
0x46: {  	_ =	shalt  }
0x47: {  	_ =	shalt  }
0x48: {  	_ =	shalt  }
0x49: {  	_ =	shalt  }
0x4a: {  	_ =	shalt  }
0x4b: {  	_ =	shalt  }
0x4c: {  	_ =	shalt  }
0x4d: {  	_ =	shalt  }
0x4e: {  	_ =	shalt  }
0x4f: {  	_ =	shalt  }
0x50: {  	_ =	shalt  }
0x51: {  	_ =	shalt  }
0x52: {  	_ =	shalt  }
0x53: {  	_ =	shalt  }
0x54: {  	_ =	shalt  }
0x55: {  	_ =	shalt  }
0x56: {  	_ =	shalt  }
0x57: {  	_ =	shalt  }
0x58: {  	_ =	shalt  }
0x59: {  	_ =	shalt  }
0x5a: {  	_ =	shalt  }
0x5b: {  	_ =	shalt  }
0x5c: {  	_ =	shalt  }
0x5d: {  	_ =	shalt  }
0x5e: {  	_ =	shalt  }
0x5f: {  	_ =	shalt  }
0x60: {  	_ =	shalt  }
0x61: {  	_ =	shalt  }
0x62: {  	_ =	shalt  }
0x63: {  	_ =	shalt  }
0x64: {  	_ =	shalt  }
0x65: {  	_ =	shalt  }
0x66: {  	_ =	shalt  }
0x67: {  	_ =	shalt  }
0x68: {  	_ =	shalt  }
0x69: {  	_ =	shalt  }
0x6a: {  	_ =	shalt  }
0x6b: {  	_ =	shalt  }
0x6c: {  	_ =	shalt  }
0x6d: {  	_ =	shalt  }
0x6e: {  	_ =	shalt  }
0x6f: {  	_ =	shalt  }
0x70: {  	_ =	shalt  }
0x71: {  	_ =	shalt  }
0x72: {  	_ =	shalt  }
0x73: {  	_ =	shalt  }
0x74: {  	_ =	shalt  }
0x75: {  	_ =	shalt  }
0x76: {  	_ =	shalt  }
0x77: {  	_ =	shalt  }
0x78: {  	_ =	shalt  }
0x79: {  	_ =	shalt  }
0x7a: {  	_ =	shalt  }
0x7b: {  	_ =	shalt  }
0x7c: {  	_ =	shalt  }
0x7d: {  	_ =	shalt  }
0x7e: {  	_ =	shalt  }
0x7f: {  	_ =	shalt  }
0x80: {  	_ =	shalt  }
0x81: {  	_ =	shalt  }
0x82: {  	_ =	shalt  }
0x83: {  	_ =	shalt  }
0x84: {  	_ =	shalt  }
0x85: {  	_ =	shalt  }
0x86: {  	_ =	shalt  }
0x87: {  	_ =	shalt  }
.Lfunc_end0:
.L_simem_size_0:
called_computation.1_lowered:
.L_overlay_start_0:
0x88: {  	s2 =	sld [smem:$0x3FD9]  }
0x89: {  	s3 =	sld [smem:$0x3FFE];
	_ =	sdelay $0x1  }
0x8a: {  	s1 =	srdreg.scid  }
0x8b: {  	s0 =	sand.u32 $0x1, s1  }
0x8c: {  	s14 =	sshll.u32 s0, $0xA;
	s2 =	sadd.s32 s3, s2  }
0x8d: {  	s2 =	sadd.s32 s2, s14  }
0x8e: {  	[smem:$0x3FBA] =	sst s2  }
0x8f: {  	_ = 	snop  }
0x90: {  	s2 =	sld [smem:$0x3FD0];
	_ =	sdelay $0x2  }
0x91: {  	s15 =	simm.s32 $0xA;
	s4 =	simm.s32 $0x10  }
0x92: {  	[smem:s4], [sflag:s15] =	dma.local [hbm:s2], $0x1  }
0x93: {  	_ =	swait.eq [sflag:s15], $0x1  }
0x94: {  	[sflag:s15] =	ssyncset.done $0x0  }
0x95: {  	s16 =	sld [smem:$0x10];
	[sflag:s15] =	ssyncadd.s32 $0xFFFFFFFF  }
0x96: {  	s17 =	sld [smem:$0x11];
	(tm) =	ssettm $0x1  }
0x97: {  	s18 =	sld [smem:$0x3FFB];
	_ =	sdelay $0x3  }
0x98: {  	_ =	strace s18  }
0x99: {  	s4 =	sld [smem:$0x3FFC];
	_ =	sdelay $0x3  }
0x9a: {  	_ =	strace s4  }
0x9b: {  	s4 =	sld [smem:$0x3FFD];
	_ =	sdelay $0x3  }
0x9c: {  	_ =	strace s4  }
0x9d: {  	_ =	strace $0x8FFFFFFF  }
0x9e: {  	s19 =	sld [smem:$0x3FDB];
	_ =	sdelay $0x1  }
0x9f: {  	s5 =	simm.s32 $_scs_section_size  }
0xa0: {  	s6 =	simm.s32 $_size__tile_overlayer_lowered;
	s7 =	simm.s32 $_tile_overlayer_lowered  }
0xa1: {  	s22 =	simm.s32 $0x1BFF;
	s21 =	sshll.u32 s7, $0x1;
	s4 =	sadd.s32 s5, s19  }
0xa2: {  	s8 =	simm.s32 $0x0;
	s20 =	sshll.u32 s6, $0x1;
	s6 =	sadd.s32 s21, s4  }
0xa3: {  	[timem:s8], [sflag:s22] =	dma.local [hbm:s6], s20  }
0xa4: {  	_ =	swait.ge [sflag:s22], s20  }
0xa5: {  	s5 =	ssub.s32 $0x0, s20;
	[sflag:s22] =	ssyncset.done $0x0  }
0xa6: {  	[sflag:s22] =	ssyncadd.s32 s5;
	_ =	sdelay $0x1  }
0xa7: {  	s23 =	simm.s32 $0x1B8B  }
0xa8: {  	_ =	swait.ge [sflag:s23], $0x1  }
0xa9: {  	[sflag:s23] =	ssyncset.done $0x0  }
0xaa: {  	s25 =	simm.s32 $0x1B8E;
	s24 =	sld [smem:$0x3FFE];
	[sflag:s23] =	ssyncadd.s32 $0xFFFFFFFF  }
0xab: {  	s26 =	simm.s32 $execute0_lowered;
	[smem:$0x3FD2] =	sst s25  }
0xac: {  	s6 =	sshll.u32 s26, $0x1;
	_ =	strace $0x80000049;
	[dreg:$0x1] =	wrdreg $0xFFFFFFFF  }
0xad: {  	s28 =	simm.s32 $_size_execute0_lowered;
	s4 =	sadd.s32 s4, s6;
	[dreg:$0x0] =	wrdreg $0x0  }
0xae: {  	s6 =	sshll.u32 s28, $0x1;
	[dreg:$0x2] =	wrdreg s4  }
0xaf: {  	[dreg:$0x3] =	wrdreg s6  }
0xb0: {  	[dreg:$0x4] =	wrdreg $0xC0  }
0xb1: {  	_ =	task [dreg:s8], $0x5FFFF  }
0xb2: {  	[dreg:$0x1] =	wrdreg $0xFFFFFFFF  }
0xb3: {  	[dreg:$0x0] =	wrdreg $0x60  }
0xb4: {  	[dreg:$0x2] =	wrdreg s24  }
0xb5: {  	[dreg:$0x3] =	wrdreg s17  }
0xb6: {  	[dreg:$0x4] =	wrdreg s16  }
0xb7: {  	[dreg:$0x5] =	wrdreg $0x29800  }
0xb8: {  	[dreg:$0x6] =	wrdreg $0x162000  }
0xb9: {  	[dreg:$0x7] =	wrdreg $0x9  }
0xba: {  	_ =	task.clear_ibuf [dreg:s8], $0x8FFFF;
	_ =	strace $0x90000049  }
0xbb: {  	s29 =	simm.s32 $0x9;
	_ =	strace $0x8000004B  }
0xbc: {  	_ =	swait.ge [sflag:s29], $0x1  }
0xbd: {  	[sflag:s29] =	ssyncadd.s32 $0xFFFFFFFF  }
0xbe: {  	_ =	strace $0x9000004B  }
0xbf: {  	_ =	sfence  }
0xc0: {  	s30 =	sld [smem:$0x0];
	_ =	sdelay $0x2  }
0xc1: {  	s31 =	sshll.u32 s1, $0xD;
	s1 =	sshrl.u32 s1, $0x2  }
0xc2: {  	s3 =	sand.u32 $0x4000, s31;
	s1 =	sadd.s32 s1, s30  }
0xc3: {  	s0 =	sor.u32 s3, s0;
	s1 =	sshll.u32 s1, $0x11  }
0xc4: {  	s0 =	sor.u32 s1, s0  }
0xc5: {  	s0 =	sadd.s32 $0x8F2B, s0  }
0xc6: {  	[sflag:s0] =	ssyncadd.remote.s32 $0x1  }
0xc7: {  	_ =	sfence.sel $0xFFFF  }
0xc8: {  	[dreg:$0x0] =	wrdreg $0xFFFFFFFF;
	(pc) =	sbr.abs _section_cstart, $3  }
0xc9: {  	[dreg:$0x1] =	wrdreg $0xFFFFFFFF  }
0xca: {  	_ =	task.clear_ibuf [dreg:s8], $0x2FFFF;
	_ =	strace $0x9FFFFFFF  }
0xcb: {  	(tm) =	ssettm $0x7FFFFFFF  }
tec
execute0_lowered:
.L_overlay_start_1:
0x0: {  	(tag) =	ssettag $0x1  }
0x1: {  	s8 =	rddreg [dreg:$0x0]  }
0x2: {  	s1 =	rddreg [dreg:$0x1]  }
0x3: {  	s9 =	rddreg [dreg:$0x2];
	s2 =	srdreg.scid  }
0x4: {  	s0 =	stileid.u32;
	s3 =	rddreg [dreg:$0x3]  }
0x5: {  	s4 =	rddreg [dreg:$0x4];
	s5 =	simm.s32 $0x0;
	s16 =	simm.s32 $0x2  }
0x6: {  	s17 =	simm.s32 $0x50;
	s18 =	simm.s32 $0x100;
	s6 =	smul.u32 $0x4E20, s0  }
0x7: {  	s19 =	simm.s32 $0x1;
	s20 =	simm.s32 $0x80;
	s29 =	smul.u32 $0x1F400, s0  }
0x8: {  	s21 =	simm.s32 $0x2900;
	s10 =	sand.u32 $0x1, s2;
	s14 =	smul.u32 $0x7D000, s0  }
0x9: {  	s22 =	simm.s32 $0x0;
	s2 =	rddreg [dreg:$0x5];
	s7 =	smul.u32 $0x2710, s10  }
0xa: {  	[smem:$0x7FF] =	sst s5;
	p0 =	sgt.u32 s0, $0x9;
	s11 =	smul.u32 $0x138800, s10  }
0xb: {  	_ =	strace $0x8000004A;
	s13 =	ssub.s32 $0x2, s10;
	s10 =	sshll.u32 s10, $0x4  }
0xc: {  	p2 =	sne.s32 @!p0 s0, $0x0;
	s30 =	sshrl.u32 s13, $0x1;
	s31 =	sshrl.u32 s14, $0x2  }
0xd: {  	s9 =	sadd.s32 s9, s10;
	p1 =	por p2, p0;
	p2 =	por !p2, p0  }
0xe: {  	s6 =	sadd.s32 s7, s6;
	s7 =	sadd.s32 s29, s11;
	s14 =	sadd.s32 s31, s3  }
0xf: {  	s15 =	sshrl.u32 @!p1 s4, $0x3;
	s12 =	sshrl.u32 s6, $0x3;
	s6 =	sadd.s32 $0x19E00, s8  }
0x10: {  	s11 =	sshrl.u32 s7, $0x3;
	s7 =	sadd.s32 $0x15E00, s8;
	s14 =	sshrl.u32 @!p0 s14, $0x3  }
0x11: {  	s12 =	sadd.s32 s12, s8;
	s8 =	sadd.s32 s11, s8;
	s11 =	ssub.s32 s13, s30  }
0x12: {  	s13 =	sshll.u32 @!p0 s0, $0x6;
	s8 =	sadd.s32 $0x41000, s8;
	s10 =	smax.u32 s11, $0x1  }
0x13: {  	v0 =	vimm.f32 $1.000000000e+00;
	s11 =	sadd.s32 $0x2200, s12;
	s12 =	sadd.s32 $0xC000, s12;
	s13 =	sor.u32 @!p0 $0x1C02, s13  }
.LBB2_1:
0x14: {  	[tilespmem:$0x2900] =	vst v0  }
0x15: {  	[tilespmem:$0x2910] =	vst v0  }
0x16: {  	[tilespmem:$0x2920] =	vst v0  }
0x17: {  	[tilespmem:$0x2930] =	vst v0  }
0x18: {  	[tilespmem:$0x2940] =	vst v0;
	s23 =	simm.s32 @!p0 $0x2  }
0x19: {  	[spmem:s14], [sflag:s13] =	dma.local @!p0 [hbm:s7], $0x3E80  }
0x1a: {  	_ =	swait.ge @!p0 [sflag:s23], $0x3E80  }
0x1b: {  	[sflag:s23] =	ssyncset.done @!p0 $0x0  }
0x1c: {  	[sflag:s23] =	ssyncadd.s32 @!p0 $0xFFFFC180;
	s23 =	simm.s32 @!p1 $0x1C02  }
0x1d: {  	[spmem:s15], [sflag:s23] =	dma.local @!p1 [hbm:s1], $0x4F0  }
0x1e: {  	s23 =	simm.s32 @!p1 $0x2  }
0x1f: {  	_ =	swait.ge @!p1 [sflag:s23], $0x4F0  }
0x20: {  	[sflag:s23] =	ssyncset.done @!p1 $0x0  }
0x21: {  	[sflag:s23] =	ssyncadd.s32 @!p1 $0xFFFFFB10  }
0x22: {  	s30 =	sadd.s32 $0x0, s12;
	[bflag:$0x0] =	sbarrier.arrive $0xFFFF  }
0x23: {  	[tilespmem:s5], [sflag:$0x2] =	stream.linear.gather [hbm4b:s30+s5], $0x50, $0x38;
	[tilespmem:$0x16478] =	vst v63  }
0x24: {  	_ =	swait.ge [sflag:s16], $0x50  }
0x25: {  	[sflag:s16] =	ssyncset.done $0x0  }
0x26: {  	[sflag:s16] =	ssyncadd.s32 $0xFFFFFFB0  }
0x27: {  	[tilespmem:s18], [sflag:$0x1] =	stream.indirect.gather [hbm4b:s6+s17], $0x80, s5, s17, $0xb8;
	[tilespmem:$0x16478] =	vst v63  }
0x28: {  	_ =	swait.ge [sflag:s19], $0x2800  }
0x29: {  	[sflag:s19] =	ssyncset.done $0x0  }
0x2a: {  	s31 =	sadd.s32 $0x0, s11;
	[sflag:s19] =	ssyncadd.s32 $0xFFFFD800  }
0x2b: {  	[tilespmem:s20], [sflag:$0x2] =	stream.linear.gather [hbm4b:s31+s5], $0x50, $0x38;
	[tilespmem:$0x16478] =	vst v63  }
0x2c: {  	_ =	swait.ge [sflag:s16], $0x50  }
0x2d: {  	[sflag:s16] =	ssyncset.done $0x0  }
0x2e: {  	[sflag:s16] =	ssyncadd.s32 $0xFFFFFFB0  }
0x2f: {  	[spmem:s3] =	stream.indirect.scatter.add.f32 [tilespmem:s18], [sflag:$0x2], $0x80, s20, s17, $0xb8;
	[tilespmem:$0x16478] =	vst v63  }
0x30: {  	_ =	swait.ge [sflag:s16], $0x2800  }
0x31: {  	p3 =	por @!p0 $0x0, $0x0;
	[sflag:s16] =	ssyncset.done $0x0  }
0x32: {  	p4 =	por @!p1 $0x1, $0x1;
	s24 =	simm.s32 $0x14;
	[sflag:s16] =	ssyncadd.s32 $0xFFFFD800  }
0x33: {  	[spmem:s4] =	stream.indirect.scatter.add.f32 [tilespmem:s21], [sflag:$0x2], $0x1, s20, s17, $0xb8;
	[tilespmem:$0x16478] =	vst v63  }
0x34: {  	p4 =	por @!p2 p3, p3;
	p3 =	por $0x0, $0x0;
	_ =	swait.ge [sflag:s16], $0x50  }
0x35: {  	p3 =	por @!p0 p4, p4;
	s23 =	simm.s32 $0xA;
	[sflag:s16] =	ssyncset.done $0x0  }
.LBB2_2:
0x36: {  	s25 =	sadd.s32 s23, s12  }
0x37: {  	[sflag:s16] =	ssyncadd.s32 $0xFFFFFFB0;
	s26 =	smov.u32 s24;
	s28 =	sadd.s32 $0xA, s24  }
0x38: {  	[tilespmem:s5], [sflag:$0x2] =	stream.linear.gather [hbm4b:s25+s5], $0x50, $0x38;
	[tilespmem:$0x16478] =	vst v63  }
0x39: {  	p4 =	sne.s32 s24, $0x4D8;
	_ =	swait.ge [sflag:s16], $0x50  }
0x3a: {  	[sflag:s16] =	ssyncset.done $0x0  }
0x3b: {  	[sflag:s16] =	ssyncadd.s32 $0xFFFFFFB0  }
0x3c: {  	[tilespmem:s18], [sflag:$0x1] =	stream.indirect.gather [hbm4b:s6+s17], $0x80, s5, s17, $0xb8;
	[tilespmem:$0x16478] =	vst v63  }
0x3d: {  	_ =	swait.ge [sflag:s19], $0x2800  }
0x3e: {  	[sflag:s19] =	ssyncset.done $0x0  }
0x3f: {  	s24 =	sadd.s32 s23, s11;
	s23 =	smov.u32 s26;
	[sflag:s19] =	ssyncadd.s32 $0xFFFFD800  }
0x40: {  	[tilespmem:s20], [sflag:$0x2] =	stream.linear.gather [hbm4b:s24+s5], $0x50, $0x38;
	[tilespmem:$0x16478] =	vst v63  }
0x41: {  	_ =	swait.ge [sflag:s16], $0x50  }
0x42: {  	[sflag:s16] =	ssyncset.done $0x0  }
0x43: {  	[sflag:s16] =	ssyncadd.s32 $0xFFFFFFB0  }
0x44: {  	[spmem:s3] =	stream.indirect.scatter.add.f32 [tilespmem:s18], [sflag:$0x2], $0x80, s20, s17, $0xb8;
	[tilespmem:$0x16478] =	vst v63  }
0x45: {  	_ =	swait.ge [sflag:s16], $0x2800  }
.Ltmp0:
0x46: {  	[sflag:s16] =	ssyncset.done $0x0;
	(pc) =	sbr.rel @p4 .LBB2_2-.Ltmp0, $4  }
0x47: {  	[sflag:s16] =	ssyncadd.s32 $0xFFFFD800  }
0x48: {  	[spmem:s4] =	stream.indirect.scatter.add.f32 [tilespmem:s21], [sflag:$0x2], $0x1, s20, s17, $0xb8;
	[tilespmem:$0x16478] =	vst v63  }
0x49: {  	_ =	swait.ge [sflag:s16], $0x50  }
0x4a: {  	s24 =	smov.u32 s28;
	[sflag:s16] =	ssyncset.done $0x0  }
0x4b: {  	s24 =	sadd.s32 s23, s12;
	[sflag:s16] =	ssyncadd.s32 $0xFFFFFFB0  }
0x4c: {  	[tilespmem:s5], [sflag:$0x2] =	stream.linear.gather [hbm4b:s24+s5], $0x50, $0x38;
	[tilespmem:$0x16478] =	vst v63  }
0x4d: {  	_ =	swait.ge [sflag:s16], $0x50  }
0x4e: {  	[sflag:s16] =	ssyncset.done $0x0  }
0x4f: {  	[sflag:s16] =	ssyncadd.s32 $0xFFFFFFB0  }
0x50: {  	[tilespmem:s18], [sflag:$0x1] =	stream.indirect.gather [hbm4b:s6+s17], $0x80, s5, s17, $0xb8;
	[tilespmem:$0x16478] =	vst v63  }
0x51: {  	_ =	swait.ge [sflag:s19], $0x2800  }
0x52: {  	[sflag:s19] =	ssyncset.done $0x0  }
0x53: {  	s31 =	sadd.s32 s23, s11;
	[sflag:s19] =	ssyncadd.s32 $0xFFFFD800  }
0x54: {  	[tilespmem:s20], [sflag:$0x2] =	stream.linear.gather [hbm4b:s31+s5], $0x50, $0x38;
	[tilespmem:$0x16478] =	vst v63  }
0x55: {  	_ =	swait.ge [sflag:s16], $0x50  }
0x56: {  	[sflag:s16] =	ssyncset.done $0x0  }
0x57: {  	[sflag:s16] =	ssyncadd.s32 $0xFFFFFFB0  }
0x58: {  	[spmem:s3] =	stream.indirect.scatter.add.f32 [tilespmem:s18], [sflag:$0x2], $0x80, s20, s17, $0xb8;
	[tilespmem:$0x16478] =	vst v63  }
0x59: {  	_ =	swait.ge [sflag:s16], $0x2800  }
0x5a: {  	[sflag:s16] =	ssyncset.done $0x0  }
0x5b: {  	[sflag:s16] =	ssyncadd.s32 $0xFFFFD800  }
0x5c: {  	[spmem:s4] =	stream.indirect.scatter.add.f32 [tilespmem:s21], [sflag:$0x2], $0x1, s20, s17, $0xb8;
	[tilespmem:$0x16478] =	vst v63  }
0x5d: {  	_ =	swait.ge [sflag:s16], $0x50  }
0x5e: {  	[sflag:s16] =	ssyncset.done $0x0  }
0x5f: {  	s23 =	simm.s32 @!p0 $0x2;
	[sflag:s16] =	ssyncadd.s32 $0xFFFFFFB0  }
0x60: {  	s25 =	simm.s32 @p3 $0x1;
	s26 =	simm.s32 @p3 $0x20;
	[bflag:$0x0] =	sbarrier.arrive $0xFFFF  }
0x61: {  	[hbm:s8], [sflag:s13] =	dma.local @!p0 [spmem:s14], $0x3E80  }
0x62: {  	s28 =	simm.s32 @p3 $0x10;
	s22 =	sadd.s32 $0x1, s22;
	_ =	swait.ge @!p0 [sflag:s23], $0x3E80  }
0x63: {  	s24 =	sshll.u32 @p3 s0, $0x6;
	p4 =	sne.s32 s22, s10;
	[sflag:s23] =	ssyncset.done @!p0 $0x0  }
0x64: {  	[sflag:s23] =	ssyncadd.s32 @!p0 $0xFFFFC180;
	s23 =	sor.u32 @p3 $0x1C02, s24;
	s24 =	sshrl.u32 @p3 s4, $0x3  }
0x65: {  	[hbm:s9@s26], [sflag:s23] =	dma.strided @p3 [spmem:s24@s28], $0x4F0, s25, $0x10   }
.Ltmp1:
0x66: {  	_ = 	snop;
	(pc) =	sbr.rel @p4 .LBB2_1-.Ltmp1, $4  }
0x67: {  	s23 =	simm.s32 @p3 $0x2  }
0x68: {  	_ =	swait.ge @p3 [sflag:s23], $0x4F0  }
0x69: {  	[sflag:s23] =	ssyncset.done @p3 $0x0  }
0x6a: {  	[sflag:s23] =	ssyncadd.s32 @p3 $0xFFFFFB10  }
0x6b: {  	_ =	sfence.sel $0x180000  }
0x6c: {  	[bflag:$0x0] =	sbarrier.arrive $0xFFFF  }
0x6d: {  	p0 =	sne.s32 s0, $0x0;
	_ =	strace $0x9000004A  }
0x6e: {  	s0 =	sadd.s32 @!p0 $0x100000, s2;
	[bflag:$0x2] =	sbarrier.arrive $0xFFFF  }
0x6f: {  	[sflag:s0] =	ssyncadd.tile.s32 @!p0 $0x1;
	_ =	shalt  }
.Lfunc_end2:
_tile_overlayer_lowered:
.L_overlay_start_2:
0x70: {  	(tag) =	ssettag $0x2  }
0x71: {  	s0 =	rddreg [dreg:$0x0];
	s2 =	stileid.u32  }
0x72: {  	s1 =	rddreg [dreg:$0x1];
	p0 =	sne.s32 s2, $0x0  }
0x73: {  	s3 =	rddreg [dreg:$0x2];
	[bflag:$0x3] =	sbarrier.arrive $0xFFFF;
	s2 =	simm.s32 @!p0 $0x1C02  }
0x74: {  	[timem:s3], [sflag:s2] =	dma.local @!p0 [hbm:s0], s1  }
0x75: {  	s0 =	simm.s32 @!p0 $0x2  }
0x76: {  	_ =	swait.ge @!p0 [sflag:s0], s1  }
0x77: {  	s1 =	ssub.s32 @!p0 $0x0, s1;
	[sflag:s0] =	ssyncset.done @!p0 $0x0  }
0x78: {  	[sflag:s0] =	ssyncadd.s32 @!p0 s1  }
0x79: {  	[bflag:$0x3] =	sbarrier.arrive $0xFFFF  }
0x7a: {  	_ =	shalt  }

// kernel: kernel.13.cloned.1.call-start
scs
__scs_entry_jumppad:
0x0: {  	(pc) =	sbr.rel $0x88, $3  }
0x1: {  	(tag) =	ssettag $0x0;
	lr =	simm.s32 $0x1  }
0x2: {  	[smem:$0x3F93] =	sst lr;
	_ =	strace $0xD0000000  }
0x3: {  	_ = 	snop  }
0x4: {  	_ = 	snop  }
0x5: {  	_ = 	snop  }
0x6: {  	_ = 	snop  }
0x7: {  	_ = 	snop  }
__scs_overlays_trampoline_lowered:
0x8: {  	[smem:$0x3FA2] =	sst s0  }
0x9: {  	[smem:$0x3FA3] =	sst s1  }
0xa: {  	[smem:$0x3FA4] =	sst s2  }
0xb: {  	[smem:$0x3FA5] =	sst s3  }
0xc: {  	[smem:$0x3FA6] =	sst s4  }
0xd: {  	[smem:$0x3FA7] =	sst s5  }
0xe: {  	[smem:$0x3FA8] =	sst s6  }
0xf: {  	[smem:$0x3FA9] =	sst s7  }
0x10: {  	[smem:$0x3FAA] =	sst s8  }
0x11: {  	[smem:$0x3FAB] =	sst s9;
	s0 =	simm.s32 @!p0 $0x0  }
0x12: {  	s1 =	sld [smem:$0x3F91];
	s0 =	simm.s32 @p0 $0x1  }
0x13: {  	[smem:$0x3FAC] =	sst s0;
	s0 =	simm.s32 @!p1 $0x0  }
0x14: {  	s2 =	sld [smem:$0x3F90];
	s0 =	simm.s32 @p1 $0x1  }
0x15: {  	[smem:$0x3FAD] =	sst s0;
	s0 =	simm.s32 @!p2 $0x0  }
0x16: {  	s3 =	sld [smem:$0x3FDB];
	s0 =	simm.s32 @p2 $0x1  }
0x17: {  	s4 =	simm.s32 $0x1BF5;
	[smem:$0x3FAF] =	sst s0  }
0x18: {  	s0 =	sld [smem:$0x3F92];
	_ =	swait.ge [sflag:s4], $0x0  }
0x19: {  	s7 =	sld [smem:$0x3F93]  }
0x1a: {  	s8 =	sadd.s32 $0xFFFFE003, lr  }
0x1b: {  	s9 =	sadd.s32 $0xFFFFFEF7, lr;
	s5 =	simm.s32 $0xFFFFFFFF;
	p2 =	slt.u32 s8, $0xFFFFF086  }
0x1c: {  	p1 =	slt.u32 s9, $0xF7A;
	s5 =	simm.s32 @!p2 $0x0  }
0x1d: {  	s5 =	simm.s32 @p1 $0x1;
	p0 =	seq.s32 s7, s2  }
0x1e: {  	s7 =	smul.u32 @!p0 $0xF7A, s2;
	p2 =	seq.s32 @!p0 s5, $0x0  }
0x1f: {  	s9 =	smul.u32 $0xF7A, s1;
	s8 =	simm.s32 @!p0 $0x1BF5;
	p2 =	por !p2, p0  }
0x20: {  	[sflag:s8] =	ssyncset.s32 @!p0 $0xFFFFF086;
	s6 =	sadd.s32 @!p0 s3, s7;
	s7 =	simm.s32 @!p0 $0x108  }
0x21: {  	s3 =	sadd.s32 s3, s9;
	s6 =	sadd.s32 @!p0 $0x88, s6;
	s7 =	simm.s32 @p2 $0x1082  }
0x22: {  	[simem:s7], [sflag:s8] =	dma.local @!p0 [hbm:s6], $0xF7A  }
0x23: {  	s9 =	sor.u32 $0xD0000000, s2;
	s6 =	simm.s32 $0x108;
	_ =	swait.ge @!p0 [sflag:s8], $0x0  }
0x24: {  	s3 =	sadd.s32 $0x88, s3;
	s6 =	simm.s32 @!p1 $0x1082;
	[sflag:s4] =	ssyncset.s32 $0xFFFFF086  }
0x25: {  	[simem:s6], [sflag:s4] =	dma.local [hbm:s3], $0xF7A  }
0x26: {  	[smem:$0x3F93] =	sst s1;
	(tag) =	ssettag s2;
	_ =	strace s9  }
0x27: {  	s1 =	sld [smem:$0x3FA3]  }
0x28: {  	s2 =	sld [smem:$0x3FA4]  }
0x29: {  	s4 =	sld [smem:$0x3FA6]  }
0x2a: {  	p0 =	seq.s32 s5, $0x0;
	s5 =	sld [smem:$0x3FA7]  }
0x2b: {  	s6 =	sld [smem:$0x3FA8]  }
0x2c: {  	s7 =	sld [smem:$0x3FA9]  }
0x2d: {  	s3 =	simm.s32 $0x108;
	s8 =	sld [smem:$0x3FAA]  }
0x2e: {  	s3 =	simm.s32 @!p0 $0x1082;
	s9 =	sld [smem:$0x3FAB]  }
0x2f: {  	lr =	sadd.s32 s0, s3;
	s0 =	sld [smem:$0x3FA2]  }
0x30: {  	s3 =	sld [smem:$0x3FA5]  }
0x31: {  	[smem:$0x3FAE] =	sst s10  }
0x32: {  	s10 =	sld [smem:$0x3FAC];
	_ =	sdelay $0x3  }
0x33: {  	p0 =	seq.s32 s10, $0x1;
	s10 =	sld [smem:$0x3FAE];
	_ =	sdelay $0x3  }
0x34: {  	[smem:$0x3FAE] =	sst s10  }
0x35: {  	s10 =	sld [smem:$0x3FAD];
	_ =	sdelay $0x3  }
0x36: {  	p1 =	seq.s32 s10, $0x1;
	s10 =	sld [smem:$0x3FAE];
	_ =	sdelay $0x3  }
0x37: {  	[smem:$0x3FAE] =	sst s10  }
0x38: {  	s10 =	sld [smem:$0x3FAF]  }
0x39: {  	_ = 	snop;
	(pc) =	sbr.ind lr, $3  }
0x3a: {  	_ = 	snop  }
0x3b: {  	_ = 	snop  }
0x3c: {  	p2 =	seq.s32 s10, $0x1;
	s10 =	sld [smem:$0x3FAE]  }
0x3d: {  	_ =	shalt  }
0x3e: {  	_ =	shalt  }
0x3f: {  	_ =	shalt  }
0x40: {  	_ =	shalt  }
0x41: {  	_ =	shalt  }
0x42: {  	_ =	shalt  }
0x43: {  	_ =	shalt  }
0x44: {  	_ =	shalt  }
0x45: {  	_ =	shalt  }
0x46: {  	_ =	shalt  }
0x47: {  	_ =	shalt  }
0x48: {  	_ =	shalt  }
0x49: {  	_ =	shalt  }
0x4a: {  	_ =	shalt  }
0x4b: {  	_ =	shalt  }
0x4c: {  	_ =	shalt  }
0x4d: {  	_ =	shalt  }
0x4e: {  	_ =	shalt  }
0x4f: {  	_ =	shalt  }
0x50: {  	_ =	shalt  }
0x51: {  	_ =	shalt  }
0x52: {  	_ =	shalt  }
0x53: {  	_ =	shalt  }
0x54: {  	_ =	shalt  }
0x55: {  	_ =	shalt  }
0x56: {  	_ =	shalt  }
0x57: {  	_ =	shalt  }
0x58: {  	_ =	shalt  }
0x59: {  	_ =	shalt  }
0x5a: {  	_ =	shalt  }
0x5b: {  	_ =	shalt  }
0x5c: {  	_ =	shalt  }
0x5d: {  	_ =	shalt  }
0x5e: {  	_ =	shalt  }
0x5f: {  	_ =	shalt  }
0x60: {  	_ =	shalt  }
0x61: {  	_ =	shalt  }
0x62: {  	_ =	shalt  }
0x63: {  	_ =	shalt  }
0x64: {  	_ =	shalt  }
0x65: {  	_ =	shalt  }
0x66: {  	_ =	shalt  }
0x67: {  	_ =	shalt  }
0x68: {  	_ =	shalt  }
0x69: {  	_ =	shalt  }
0x6a: {  	_ =	shalt  }
0x6b: {  	_ =	shalt  }
0x6c: {  	_ =	shalt  }
0x6d: {  	_ =	shalt  }
0x6e: {  	_ =	shalt  }
0x6f: {  	_ =	shalt  }
0x70: {  	_ =	shalt  }
0x71: {  	_ =	shalt  }
0x72: {  	_ =	shalt  }
0x73: {  	_ =	shalt  }
0x74: {  	_ =	shalt  }
0x75: {  	_ =	shalt  }
0x76: {  	_ =	shalt  }
0x77: {  	_ =	shalt  }
0x78: {  	_ =	shalt  }
0x79: {  	_ =	shalt  }
0x7a: {  	_ =	shalt  }
0x7b: {  	_ =	shalt  }
0x7c: {  	_ =	shalt  }
0x7d: {  	_ =	shalt  }
0x7e: {  	_ =	shalt  }
0x7f: {  	_ =	shalt  }
0x80: {  	_ =	shalt  }
0x81: {  	_ =	shalt  }
0x82: {  	_ =	shalt  }
0x83: {  	_ =	shalt  }
0x84: {  	_ =	shalt  }
0x85: {  	_ =	shalt  }
0x86: {  	_ =	shalt  }
0x87: {  	_ =	shalt  }
.Lfunc_end0:
.L_simem_size_0:
called_computation.2_lowered:
.L_overlay_start_0:
0x88: {  	s2 =	sld [smem:$0x3FD9]  }
0x89: {  	s3 =	sld [smem:$0x3FFE];
	_ =	sdelay $0x1  }
0x8a: {  	s1 =	srdreg.scid  }
0x8b: {  	s0 =	sand.u32 $0x1, s1  }
0x8c: {  	s16 =	sshll.u32 s0, $0xA;
	s2 =	sadd.s32 s3, s2  }
0x8d: {  	s2 =	sadd.s32 s2, s16  }
0x8e: {  	[smem:$0x3FBA] =	sst s2  }
0x8f: {  	_ = 	snop  }
0x90: {  	(tm) =	ssettm $0x1  }
0x91: {  	s17 =	sld [smem:$0x3FFB];
	_ =	sdelay $0x3  }
0x92: {  	_ =	strace s17  }
0x93: {  	s2 =	sld [smem:$0x3FFC];
	_ =	sdelay $0x3  }
0x94: {  	_ =	strace s2  }
0x95: {  	s2 =	sld [smem:$0x3FFD];
	_ =	sdelay $0x3  }
0x96: {  	_ =	strace s2  }
0x97: {  	_ =	strace $0x8FFFFFFF  }
0x98: {  	s18 =	sld [smem:$0x3FDB];
	_ =	sdelay $0x1  }
0x99: {  	s19 =	simm.s32 $_scs_section_size  }
0x9a: {  	s4 =	simm.s32 $_size__tile_overlayer_lowered;
	s5 =	simm.s32 $_tile_overlayer_lowered  }
0x9b: {  	s22 =	simm.s32 $0x1BFF;
	s21 =	sshll.u32 s5, $0x1;
	s2 =	sadd.s32 s19, s18  }
0x9c: {  	s6 =	simm.s32 $0x0;
	s20 =	sshll.u32 s4, $0x1;
	s4 =	sadd.s32 s21, s2  }
0x9d: {  	[timem:s6], [sflag:s22] =	dma.local [hbm:s4], s20  }
0x9e: {  	_ =	swait.ge [sflag:s22], s20  }
0x9f: {  	s3 =	ssub.s32 $0x0, s20;
	[sflag:s22] =	ssyncset.done $0x0  }
0xa0: {  	[sflag:s22] =	ssyncadd.s32 s3;
	_ =	sdelay $0x1  }
0xa1: {  	s23 =	simm.s32 $0x1B8B  }
0xa2: {  	_ =	swait.ge [sflag:s23], $0x1  }
0xa3: {  	[sflag:s23] =	ssyncset.done $0x0  }
0xa4: {  	s25 =	simm.s32 $0x1B8E;
	s24 =	sld [smem:$0x3FFE];
	[sflag:s23] =	ssyncadd.s32 $0xFFFFFFFF  }
0xa5: {  	s26 =	simm.s32 $execute0_lowered;
	[smem:$0x3FD2] =	sst s25  }
0xa6: {  	s4 =	sshll.u32 s26, $0x1;
	_ =	strace $0x8000004C;
	[dreg:$0x1] =	wrdreg $0xFFFFFFFF  }
0xa7: {  	s28 =	simm.s32 $_size_execute0_lowered;
	s2 =	sadd.s32 s2, s4;
	[dreg:$0x0] =	wrdreg $0x0  }
0xa8: {  	s4 =	sshll.u32 s28, $0x1;
	[dreg:$0x2] =	wrdreg s2  }
0xa9: {  	[dreg:$0x3] =	wrdreg s4  }
0xaa: {  	[dreg:$0x4] =	wrdreg $0xC0  }
0xab: {  	_ =	task [dreg:s6], $0x5FFFF  }
0xac: {  	[dreg:$0x1] =	wrdreg $0xFFFFFFFF  }
0xad: {  	[dreg:$0x0] =	wrdreg $0x60  }
0xae: {  	[dreg:$0x2] =	wrdreg s24  }
0xaf: {  	[dreg:$0x3] =	wrdreg $0x9  }
0xb0: {  	_ =	task.clear_ibuf [dreg:s6], $0x4FFFF;
	_ =	strace $0x9000004C  }
0xb1: {  	s29 =	simm.s32 $0x9;
	_ =	strace $0x8000004E  }
0xb2: {  	_ =	swait.ge [sflag:s29], $0x1  }
0xb3: {  	[sflag:s29] =	ssyncadd.s32 $0xFFFFFFFF  }
0xb4: {  	_ =	strace $0x9000004E  }
0xb5: {  	_ =	sfence  }
0xb6: {  	s30 =	sld [smem:$0x0];
	_ =	sdelay $0x2  }
0xb7: {  	s31 =	sshll.u32 s1, $0xD;
	s1 =	sshrl.u32 s1, $0x2  }
0xb8: {  	s3 =	sand.u32 $0x4000, s31;
	s1 =	sadd.s32 s1, s30  }
0xb9: {  	s0 =	sor.u32 s3, s0;
	s1 =	sshll.u32 s1, $0x11  }
0xba: {  	s0 =	sor.u32 s1, s0  }
0xbb: {  	s0 =	sadd.s32 $0x8F2B, s0  }
0xbc: {  	[sflag:s0] =	ssyncadd.remote.s32 $0x1  }
0xbd: {  	_ =	sfence.sel $0xFFFF  }
0xbe: {  	[dreg:$0x0] =	wrdreg $0xFFFFFFFF;
	(pc) =	sbr.abs _section_cstart, $3  }
0xbf: {  	[dreg:$0x1] =	wrdreg $0xFFFFFFFF  }
0xc0: {  	_ =	task.clear_ibuf [dreg:s6], $0x2FFFF;
	_ =	strace $0x9FFFFFFF  }
0xc1: {  	(tm) =	ssettm $0x7FFFFFFF  }
tec
execute0_lowered:
.L_overlay_start_1:
0x0: {  	(tag) =	ssettag $0x1  }
0x1: {  	v0 =	vlaneseq.u32  }
0x2: {  	s5 =	rddreg [dreg:$0x0];
	s2 =	simm.s32 $0x0;
	v4 =	vmul.u32 $0x80, v0  }
0x3: {  	s1 =	srdreg.scid;
	[smem:$0x7FF] =	sst s2  }
0x4: {  	s3 =	sand.u32 $0x1, s1;
	s1 =	rddreg [dreg:$0x1];
	_ =	strace $0x8000004D;
	v5 =	vor.u32 $0x1, v4;
	[tilespmem:$0x1FF00] =	vst v4  }
0x5: {  	v6 =	vor.u32 $0x2, v4;
	[tilespmem:$0x1FF10] =	vst v5  }
0x6: {  	v7 =	vor.u32 $0x3, v4;
	[tilespmem:$0x1FF20] =	vst v6  }
0x7: {  	v8 =	vor.u32 $0x4, v4;
	[tilespmem:$0x1FF30] =	vst v7  }
0x8: {  	v9 =	vor.u32 $0x5, v4;
	[tilespmem:$0x1FF40] =	vst v8  }
0x9: {  	v10 =	vor.u32 $0x6, v4;
	[tilespmem:$0x1FF50] =	vst v9  }
0xa: {  	v11 =	vor.u32 $0x7, v4;
	[tilespmem:$0x1FF60] =	vst v10  }
0xb: {  	s0 =	stileid.u32;
	s10 =	simm.s32 $0x1100;
	v12 =	vor.u32 $0x8, v4;
	[tilespmem:$0x1FF70] =	vst v11  }
0xc: {  	s11 =	simm.s32 $0x2;
	s12 =	simm.s32 $0x10;
	s13 =	simm.s32 $0x100;
	v13 =	vor.u32 $0x9, v4;
	[tilespmem:$0x1FF80] =	vst v12  }
0xd: {  	s14 =	simm.s32 $0x1;
	s15 =	simm.s32 $0x80;
	s4 =	smul.u32 $0x30E0, s0;
	v14 =	vor.u32 $0xA, v4;
	[tilespmem:$0x1FF90] =	vst v13  }
0xe: {  	s16 =	simm.s32 $0x900;
	s17 =	simm.s32 $0x1280;
	s6 =	smul.u32 $0x1870, s3;
	v15 =	vor.u32 $0xB, v4;
	[tilespmem:$0x1FFA0] =	vst v14  }
0xf: {  	s18 =	simm.s32 $0x1200;
	s19 =	simm.s32 $0x0;
	s31 =	ssub.s32 $0x2, s3;
	v16 =	vor.u32 $0xC, v4;
	[tilespmem:$0x1FFB0] =	vst v15  }
0x10: {  	s3 =	sadd.s32 $0x2200, s5;
	s8 =	sshrl.u32 s31, $0x1;
	v17 =	vor.u32 $0xD, v4;
	s4 =	sadd.s32 s6, s4;
	[tilespmem:$0x1FFC0] =	vst v16  }
0x11: {  	v18 =	vor.u32 $0xE, v4;
	s6 =	ssub.s32 s31, s8;
	[tilespmem:$0x1FFD0] =	vst v17;
	s7 =	sshrl.u32 s4, $0x3;
	s4 =	sadd.s32 $0x29400, s5  }
0x12: {  	v19 =	vor.u32 $0xF, v4;
	[tilespmem:$0x1FFE0] =	vst v18;
	s6 =	smax.u32 s6, $0x1;
	s9 =	sadd.s32 s7, s5;
	s5 =	sadd.s32 $0x9B800, s5  }
0x13: {  	[tilespmem:$0x1FFF0] =	vst v19;
	s7 =	sadd.s32 $0x50600, s9;
	s8 =	sadd.s32 $0x95600, s9;
	s9 =	sadd.s32 $0x8F400, s9  }
.LBB2_1:
0x14: {  	[tilespmem:s10], [sflag:$0x2] =	stream.linear.gather [hbm4b:s5+s2], $0x100, $0x38;
	[tilespmem:$0x1A80] =	vst v63  }
0x15: {  	_ =	swait.ge [sflag:s11], $0x100  }
0x16: {  	[sflag:s11] =	ssyncset.done $0x0  }
0x17: {  	s20 =	simm.s32 $0x0;
	[sflag:s11] =	ssyncadd.s32 $0xFFFFFF00  }
.LBB2_2:
0x18: {  	s21 =	sadd.s32 s20, s9  }
0x19: {  	[tilespmem:s2], [sflag:$0x2] =	stream.linear.gather [hbm4b:s21+s2], $0x10, $0x38;
	[tilespmem:$0x1A80] =	vst v63  }
0x1a: {  	_ =	swait.ge [sflag:s11], $0x10  }
0x1b: {  	[sflag:s11] =	ssyncset.done $0x0  }
0x1c: {  	[sflag:s11] =	ssyncadd.s32 $0xFFFFFFF0  }
0x1d: {  	[tilespmem:s13], [sflag:$0x1] =	stream.indirect.gather [hbm4b:s3+s12], $0x80, s2, s12, $0xb8;
	[tilespmem:$0x1A80] =	vst v63  }
0x1e: {  	_ =	swait.ge [sflag:s14], $0x800  }
0x1f: {  	[sflag:s14] =	ssyncset.done $0x0  }
0x20: {  	s30 =	sadd.s32 s20, s8;
	[sflag:s14] =	ssyncadd.s32 $0xFFFFF800  }
0x21: {  	[tilespmem:s15], [sflag:$0x2] =	stream.linear.gather [hbm4b:s30+s2], $0x10, $0x38;
	[tilespmem:$0x1A80] =	vst v63  }
0x22: {  	_ =	swait.ge [sflag:s11], $0x10  }
0x23: {  	[sflag:s11] =	ssyncset.done $0x0  }
0x24: {  	[sflag:s11] =	ssyncadd.s32 $0xFFFFFFF0  }
0x25: {  	[tilespmem:s16], [sflag:$0x1] =	stream.indirect.gather [hbm4b:s4+s12], $0x80, s15, s12, $0xb8;
	[tilespmem:$0x1A80] =	vst v63  }
0x26: {  	_ =	swait.ge [sflag:s14], $0x800  }
0x27: {  	[sflag:s14] =	ssyncset.done $0x0  }
0x28: {  	[sflag:s14] =	ssyncadd.s32 $0xFFFFF800  }
0x29: {  	v63 =	vld [tilespmem:$0xA60];
	_ =	sdelay $0x4  }
0x2a: {  	[tilespmem:$0x1F290] =	vst v63;
	v63 =	vld [tilespmem:$0x1120];
	_ =	sdelay $0x4  }
0x2b: {  	[tilespmem:$0x1F2F0] =	vst v63;
	v63 =	vld [tilespmem:$0x2B0];
	_ =	sdelay $0x4  }
0x2c: {  	[tilespmem:$0x1F2C0] =	vst v63;
	v63 =	vld [tilespmem:$0xAB0];
	_ =	sdelay $0x4  }
0x2d: {  	[tilespmem:$0x1F2D0] =	vst v63;
	v63 =	vld [tilespmem:$0x1130];
	_ =	sdelay $0x4  }
0x2e: {  	[tilespmem:$0x1F320] =	vst v63;
	v63 =	vld [tilespmem:$0x2C0];
	_ =	sdelay $0x4  }
0x2f: {  	[tilespmem:$0x1F300] =	vst v63;
	v63 =	vld [tilespmem:$0xAC0];
	_ =	sdelay $0x4  }
0x30: {  	[tilespmem:$0x1F310] =	vst v63;
	v63 =	vld [tilespmem:$0x1140];
	_ =	sdelay $0x4  }
0x31: {  	[tilespmem:$0x1F370] =	vst v63;
	v63 =	vld [tilespmem:$0x2D0];
	_ =	sdelay $0x4  }
0x32: {  	[tilespmem:$0x1F380] =	vst v63;
	v63 =	vld [tilespmem:$0xAD0];
	_ =	sdelay $0x4  }
0x33: {  	[tilespmem:$0x1F390] =	vst v63;
	v63 =	vld [tilespmem:$0x1150];
	_ =	sdelay $0x4  }
0x34: {  	[tilespmem:$0x1F400] =	vst v63;
	v63 =	vld [tilespmem:$0x2E0];
	_ =	sdelay $0x4  }
0x35: {  	[tilespmem:$0x1F420] =	vst v63;
	v63 =	vld [tilespmem:$0xAE0];
	_ =	sdelay $0x4  }
0x36: {  	[tilespmem:$0x1F430] =	vst v63;
	v63 =	vld [tilespmem:$0x1160];
	_ =	sdelay $0x4  }
0x37: {  	[tilespmem:$0x1F490] =	vst v63;
	v63 =	vld [tilespmem:$0x2F0];
	_ =	sdelay $0x4  }
0x38: {  	[tilespmem:$0x1F4E0] =	vst v63;
	v63 =	vld [tilespmem:$0xAF0];
	_ =	sdelay $0x4  }
0x39: {  	[tilespmem:$0x1F4F0] =	vst v63;
	v63 =	vld [tilespmem:$0x1170];
	_ =	sdelay $0x4  }
0x3a: {  	[tilespmem:$0x1F570] =	vst v63;
	v63 =	vld [tilespmem:$0x300];
	_ =	sdelay $0x4  }
0x3b: {  	[tilespmem:$0x1F350] =	vst v63;
	v63 =	vld [tilespmem:$0xB00];
	_ =	sdelay $0x4  }
0x3c: {  	[tilespmem:$0x1F360] =	vst v63;
	v63 =	vld [tilespmem:$0x1100];
	_ =	sdelay $0x4  }
0x3d: {  	[tilespmem:$0x1F3D0] =	vst v63;
	v63 =	vld [tilespmem:$0x310];
	_ =	sdelay $0x4  }
0x3e: {  	[tilespmem:$0x1F3A0] =	vst v63;
	v63 =	vld [tilespmem:$0xB10];
	_ =	sdelay $0x4  }
0x3f: {  	[tilespmem:$0x1F3B0] =	vst v63;
	v63 =	vld [tilespmem:$0x1110];
	_ =	sdelay $0x4  }
0x40: {  	[tilespmem:$0x1F410] =	vst v63;
	v63 =	vld [tilespmem:$0x320];
	_ =	sdelay $0x4  }
0x41: {  	[tilespmem:$0x1F3E0] =	vst v63;
	v63 =	vld [tilespmem:$0xB20];
	_ =	sdelay $0x4  }
0x42: {  	[tilespmem:$0x1F3F0] =	vst v63;
	v63 =	vld [tilespmem:$0x1120];
	_ =	sdelay $0x4  }
0x43: {  	[tilespmem:$0x1F460] =	vst v63;
	v63 =	vld [tilespmem:$0x330];
	_ =	sdelay $0x4  }
0x44: {  	[tilespmem:$0x1F440] =	vst v63;
	v63 =	vld [tilespmem:$0xB30];
	_ =	sdelay $0x4  }
0x45: {  	[tilespmem:$0x1F450] =	vst v63;
	v63 =	vld [tilespmem:$0x1130];
	_ =	sdelay $0x4  }
0x46: {  	[tilespmem:$0x1F4A0] =	vst v63;
	v63 =	vld [tilespmem:$0x340];
	_ =	sdelay $0x4  }
0x47: {  	[tilespmem:$0x1F470] =	vst v63;
	v63 =	vld [tilespmem:$0xB40];
	_ =	sdelay $0x4  }
0x48: {  	[tilespmem:$0x1F480] =	vst v63;
	v63 =	vld [tilespmem:$0x1140];
	_ =	sdelay $0x4  }
0x49: {  	[tilespmem:$0x1F4D0] =	vst v63;
	v63 =	vld [tilespmem:$0x350];
	_ =	sdelay $0x4  }
0x4a: {  	[tilespmem:$0x1F4B0] =	vst v63;
	v63 =	vld [tilespmem:$0xB50];
	_ =	sdelay $0x4  }
0x4b: {  	[tilespmem:$0x1F4C0] =	vst v63;
	v63 =	vld [tilespmem:$0x1150];
	_ =	sdelay $0x4  }
0x4c: {  	[tilespmem:$0x1F520] =	vst v63;
	v63 =	vld [tilespmem:$0x360];
	_ =	sdelay $0x4  }
0x4d: {  	[tilespmem:$0x1F530] =	vst v63;
	v63 =	vld [tilespmem:$0xB60];
	_ =	sdelay $0x4  }
0x4e: {  	[tilespmem:$0x1F540] =	vst v63;
	v63 =	vld [tilespmem:$0x1160];
	_ =	sdelay $0x4  }
0x4f: {  	[tilespmem:$0x1F5B0] =	vst v63;
	v63 =	vld [tilespmem:$0x370];
	_ =	sdelay $0x4  }
0x50: {  	[tilespmem:$0x1F600] =	vst v63;
	v63 =	vld [tilespmem:$0xB70];
	_ =	sdelay $0x4  }
0x51: {  	[tilespmem:$0x1F610] =	vst v63;
	v63 =	vld [tilespmem:$0x1170];
	_ =	sdelay $0x4  }
0x52: {  	[tilespmem:$0x1F690] =	vst v63;
	v63 =	vld [tilespmem:$0x380];
	_ =	sdelay $0x4  }
0x53: {  	[tilespmem:$0x1F500] =	vst v63;
	v63 =	vld [tilespmem:$0xB80];
	_ =	sdelay $0x4  }
0x54: {  	[tilespmem:$0x1F510] =	vst v63;
	v63 =	vld [tilespmem:$0x1100];
	_ =	sdelay $0x4  }
0x55: {  	[tilespmem:$0x1F580] =	vst v63;
	v63 =	vld [tilespmem:$0x390];
	_ =	sdelay $0x4  }
0x56: {  	[tilespmem:$0x1F550] =	vst v63;
	v63 =	vld [tilespmem:$0xB90];
	_ =	sdelay $0x4  }
0x57: {  	[tilespmem:$0x1F560] =	vst v63;
	v63 =	vld [tilespmem:$0x1110];
	_ =	sdelay $0x4  }
0x58: {  	[tilespmem:$0x1F5C0] =	vst v63;
	v63 =	vld [tilespmem:$0x3A0];
	_ =	sdelay $0x4  }
0x59: {  	[tilespmem:$0x1F590] =	vst v63;
	v63 =	vld [tilespmem:$0xBA0];
	_ =	sdelay $0x4  }
0x5a: {  	[tilespmem:$0x1F5A0] =	vst v63;
	v63 =	vld [tilespmem:$0x1120];
	_ =	sdelay $0x4  }
0x5b: {  	[tilespmem:$0x1F5F0] =	vst v63;
	v63 =	vld [tilespmem:$0x3B0];
	_ =	sdelay $0x4  }
0x5c: {  	[tilespmem:$0x1F5D0] =	vst v63;
	v63 =	vld [tilespmem:$0xBB0];
	_ =	sdelay $0x4  }
0x5d: {  	[tilespmem:$0x1F5E0] =	vst v63;
	v63 =	vld [tilespmem:$0x1130];
	_ =	sdelay $0x4  }
0x5e: {  	[tilespmem:$0x1F640] =	vst v63;
	v63 =	vld [tilespmem:$0x3C0];
	_ =	sdelay $0x4  }
0x5f: {  	[tilespmem:$0x1F620] =	vst v63;
	v63 =	vld [tilespmem:$0xBC0];
	_ =	sdelay $0x4  }
0x60: {  	[tilespmem:$0x1F630] =	vst v63;
	v63 =	vld [tilespmem:$0x1140];
	_ =	sdelay $0x4  }
0x61: {  	[tilespmem:$0x1F6A0] =	vst v63;
	v63 =	vld [tilespmem:$0x3D0];
	_ =	sdelay $0x4  }
0x62: {  	[tilespmem:$0x1F650] =	vst v63;
	v63 =	vld [tilespmem:$0xBD0];
	_ =	sdelay $0x4  }
0x63: {  	[tilespmem:$0x1F660] =	vst v63;
	v63 =	vld [tilespmem:$0x1150];
	_ =	sdelay $0x4  }
0x64: {  	[tilespmem:$0x1F6D0] =	vst v63;
	v63 =	vld [tilespmem:$0x3E0];
	_ =	sdelay $0x4  }
0x65: {  	[tilespmem:$0x1F6F0] =	vst v63;
	v63 =	vld [tilespmem:$0xBE0];
	_ =	sdelay $0x4  }
0x66: {  	[tilespmem:$0x1F700] =	vst v63;
	v63 =	vld [tilespmem:$0x1160];
	_ =	sdelay $0x4  }
0x67: {  	[tilespmem:$0x1F760] =	vst v63;
	v63 =	vld [tilespmem:$0x3F0];
	_ =	sdelay $0x4  }
0x68: {  	[tilespmem:$0x1F7B0] =	vst v63;
	v63 =	vld [tilespmem:$0xBF0];
	_ =	sdelay $0x4  }
0x69: {  	[tilespmem:$0x1F7C0] =	vst v63;
	v63 =	vld [tilespmem:$0x1170];
	_ =	sdelay $0x4  }
0x6a: {  	[tilespmem:$0x1F840] =	vst v63;
	v63 =	vld [tilespmem:$0x400];
	_ =	sdelay $0x4  }
0x6b: {  	[tilespmem:$0x1F670] =	vst v63;
	v63 =	vld [tilespmem:$0xC00];
	_ =	sdelay $0x4  }
0x6c: {  	[tilespmem:$0x1F680] =	vst v63;
	v63 =	vld [tilespmem:$0x1100];
	_ =	sdelay $0x4  }
0x6d: {  	[tilespmem:$0x1F6E0] =	vst v63;
	v63 =	vld [tilespmem:$0x410];
	_ =	sdelay $0x4  }
0x6e: {  	[tilespmem:$0x1F6B0] =	vst v63;
	v63 =	vld [tilespmem:$0xC10];
	_ =	sdelay $0x4  }
0x6f: {  	[tilespmem:$0x1F6C0] =	vst v63;
	v63 =	vld [tilespmem:$0x1110];
	_ =	sdelay $0x4  }
0x70: {  	[tilespmem:$0x1F730] =	vst v63;
	v63 =	vld [tilespmem:$0x420];
	_ =	sdelay $0x4  }
0x71: {  	[tilespmem:$0x1F710] =	vst v63;
	v63 =	vld [tilespmem:$0xC20];
	_ =	sdelay $0x4  }
0x72: {  	[tilespmem:$0x1F720] =	vst v63;
	v63 =	vld [tilespmem:$0x1120];
	_ =	sdelay $0x4  }
0x73: {  	[tilespmem:$0x1F770] =	vst v63;
	v63 =	vld [tilespmem:$0x430];
	_ =	sdelay $0x4  }
0x74: {  	[tilespmem:$0x1F740] =	vst v63;
	v63 =	vld [tilespmem:$0xC30];
	_ =	sdelay $0x4  }
0x75: {  	[tilespmem:$0x1F750] =	vst v63;
	v63 =	vld [tilespmem:$0x1130];
	_ =	sdelay $0x4  }
0x76: {  	[tilespmem:$0x1F7A0] =	vst v63;
	v63 =	vld [tilespmem:$0x440];
	_ =	sdelay $0x4  }
0x77: {  	[tilespmem:$0x1F780] =	vst v63;
	v63 =	vld [tilespmem:$0xC40];
	_ =	sdelay $0x4  }
0x78: {  	[tilespmem:$0x1F790] =	vst v63;
	v63 =	vld [tilespmem:$0x1140];
	_ =	sdelay $0x4  }
0x79: {  	[tilespmem:$0x1F7F0] =	vst v63;
	v63 =	vld [tilespmem:$0x450];
	_ =	sdelay $0x4  }
0x7a: {  	[tilespmem:$0x1F800] =	vst v63;
	v63 =	vld [tilespmem:$0xC50];
	_ =	sdelay $0x4  }
0x7b: {  	[tilespmem:$0x1F810] =	vst v63;
	v63 =	vld [tilespmem:$0x1150];
	_ =	sdelay $0x4  }
0x7c: {  	[tilespmem:$0x1F880] =	vst v63;
	v63 =	vld [tilespmem:$0x460];
	_ =	sdelay $0x4  }
0x7d: {  	[tilespmem:$0x1F8A0] =	vst v63;
	v63 =	vld [tilespmem:$0xC60];
	_ =	sdelay $0x4  }
0x7e: {  	[tilespmem:$0x1F8B0] =	vst v63;
	v63 =	vld [tilespmem:$0x1160];
	_ =	sdelay $0x4  }
0x7f: {  	[tilespmem:$0x1F910] =	vst v63;
	v63 =	vld [tilespmem:$0x470];
	_ =	sdelay $0x4  }
0x80: {  	[tilespmem:$0x1F960] =	vst v63;
	v63 =	vld [tilespmem:$0xC70];
	_ =	sdelay $0x4  }
0x81: {  	[tilespmem:$0x1F970] =	vst v63;
	v63 =	vld [tilespmem:$0x1170];
	_ =	sdelay $0x4  }
0x82: {  	[tilespmem:$0x1F9F0] =	vst v63;
	v63 =	vld [tilespmem:$0x480];
	_ =	sdelay $0x4  }
0x83: {  	[tilespmem:$0x1F7D0] =	vst v63;
	v63 =	vld [tilespmem:$0xC80];
	_ =	sdelay $0x4  }
0x84: {  	[tilespmem:$0x1F7E0] =	vst v63;
	v63 =	vld [tilespmem:$0x1100];
	_ =	sdelay $0x4  }
0x85: {  	[tilespmem:$0x1F850] =	vst v63;
	v63 =	vld [tilespmem:$0x490];
	_ =	sdelay $0x4  }
0x86: {  	[tilespmem:$0x1F820] =	vst v63;
	v63 =	vld [tilespmem:$0xC90];
	_ =	sdelay $0x4  }
0x87: {  	[tilespmem:$0x1F830] =	vst v63;
	v63 =	vld [tilespmem:$0x1110];
	_ =	sdelay $0x4  }
0x88: {  	[tilespmem:$0x1F890] =	vst v63;
	v63 =	vld [tilespmem:$0x4A0];
	_ =	sdelay $0x4  }
0x89: {  	[tilespmem:$0x1F860] =	vst v63;
	v63 =	vld [tilespmem:$0xCA0];
	_ =	sdelay $0x4  }
0x8a: {  	[tilespmem:$0x1F870] =	vst v63;
	v63 =	vld [tilespmem:$0x1120];
	_ =	sdelay $0x4  }
0x8b: {  	[tilespmem:$0x1F8E0] =	vst v63;
	v63 =	vld [tilespmem:$0x4B0];
	_ =	sdelay $0x4  }
0x8c: {  	[tilespmem:$0x1F8C0] =	vst v63;
	v63 =	vld [tilespmem:$0xCB0];
	_ =	sdelay $0x4  }
0x8d: {  	[tilespmem:$0x1F8D0] =	vst v63;
	v63 =	vld [tilespmem:$0x1130];
	_ =	sdelay $0x4  }
0x8e: {  	[tilespmem:$0x1F920] =	vst v63;
	v63 =	vld [tilespmem:$0x4C0];
	_ =	sdelay $0x4  }
0x8f: {  	[tilespmem:$0x1F8F0] =	vst v63;
	v63 =	vld [tilespmem:$0xCC0];
	_ =	sdelay $0x4  }
0x90: {  	[tilespmem:$0x1F900] =	vst v63;
	v63 =	vld [tilespmem:$0x1140];
	_ =	sdelay $0x4  }
0x91: {  	[tilespmem:$0x1F950] =	vst v63;
	v63 =	vld [tilespmem:$0x4D0];
	_ =	sdelay $0x4  }
0x92: {  	[tilespmem:$0x1F930] =	vst v63;
	v63 =	vld [tilespmem:$0xCD0];
	_ =	sdelay $0x4  }
0x93: {  	[tilespmem:$0x1F940] =	vst v63;
	v63 =	vld [tilespmem:$0x1150];
	_ =	sdelay $0x4  }
0x94: {  	[tilespmem:$0x1F9A0] =	vst v63;
	v63 =	vld [tilespmem:$0x4E0];
	_ =	sdelay $0x4  }
0x95: {  	[tilespmem:$0x1F9B0] =	vst v63;
	v63 =	vld [tilespmem:$0xCE0];
	_ =	sdelay $0x4  }
0x96: {  	[tilespmem:$0x1F9C0] =	vst v63;
	v63 =	vld [tilespmem:$0x1160];
	_ =	sdelay $0x1  }
0x97: {  	v3 =	vld [tilespmem:$0x100]  }
0x98: {  	v0 =	vld [tilespmem:$0x900]  }
0x99: {  	v9 =	vld [tilespmem:$0x1100]  }
0x9a: {  	[tilespmem:$0x1FA30] =	vst v63;
	v63 =	vld [tilespmem:$0x4F0]  }
0x9b: {  	v4 =	vld [tilespmem:$0x110]  }
0x9c: {  	v1 =	vld [tilespmem:$0x910]  }
0x9d: {  	v13 =	vld [tilespmem:$0x1110]  }
0x9e: {  	v7 =	vld [tilespmem:$0x120]  }
0x9f: {  	[tilespmem:$0x1FA80] =	vst v63;
	v63 =	vld [tilespmem:$0xCF0]  }
0xa0: {  	v6 =	vld [tilespmem:$0x920]  }
0xa1: {  	v18 =	vld [tilespmem:$0x1120]  }
0xa2: {  	v12 =	vld [tilespmem:$0x130]  }
0xa3: {  	v10 =	vld [tilespmem:$0x930]  }
0xa4: {  	[tilespmem:$0x1FA90] =	vst v63;
	v63 =	vld [tilespmem:$0x1170]  }
0xa5: {  	v20 =	vld [tilespmem:$0x1130]  }
0xa6: {  	v16 =	vld [tilespmem:$0x140]  }
0xa7: {  	v14 =	vld [tilespmem:$0x940]  }
0xa8: {  	v24 =	vld [tilespmem:$0x1140]  }
0xa9: {  	[tilespmem:$0x1FB10] =	vst v63;
	v63 =	vld [tilespmem:$0x500]  }
0xaa: {  	v26 =	vld [tilespmem:$0x150]  }
0xab: {  	v25 =	vld [tilespmem:$0x950]  }
0xac: {  	v36 =	vld [tilespmem:$0x1150]  }
0xad: {  	v40 =	vld [tilespmem:$0x160]  }
0xae: {  	[tilespmem:$0x1F980] =	vst v63;
	v63 =	vld [tilespmem:$0xD00]  }
0xaf: {  	v38 =	vld [tilespmem:$0x960]  }
0xb0: {  	v52 =	vld [tilespmem:$0x1160]  }
0xb1: {  	v2 =	vld [tilespmem:$0x170]  }
0xb2: {  	v49 =	vld [tilespmem:$0x970]  }
0xb3: {  	[tilespmem:$0x1F990] =	vst v63;
	v63 =	vld [tilespmem:$0x1100]  }
0xb4: {  	v50 =	vld [tilespmem:$0x1170]  }
0xb5: {  	v51 =	vld.msk [tilespmem:$0x1180 ss:$0x0], $0xffff  }
0xb6: {  	v5 =	vld [tilespmem:$0x180]  }
0xb7: {  	v19 =	vld [tilespmem:$0x1100]  }
0xb8: {  	[tilespmem:$0x1FA00] =	vst v63;
	v63 =	vld [tilespmem:$0x510]  }
0xb9: {  	v11 =	vld [tilespmem:$0x190]  }
0xba: {  	v8 =	vld [tilespmem:$0x990]  }
0xbb: {  	v22 =	vld [tilespmem:$0x1110]  }
0xbc: {  	v17 =	vld [tilespmem:$0x1A0]  }
0xbd: {  	[tilespmem:$0x1F9D0] =	vst v63;
	v63 =	vld [tilespmem:$0xD10]  }
0xbe: {  	v15 =	vld [tilespmem:$0x9A0]  }
0xbf: {  	v29 =	vld [tilespmem:$0x1120]  }
0xc0: {  	v23 =	vld [tilespmem:$0x1B0]  }
0xc1: {  	v21 =	vld [tilespmem:$0x9B0]  }
0xc2: {  	[tilespmem:$0x1F9E0] =	vst v63;
	v63 =	vld [tilespmem:$0x1110]  }
0xc3: {  	v34 =	vld [tilespmem:$0x1130]  }
0xc4: {  	v28 =	vld [tilespmem:$0x1C0]  }
0xc5: {  	v27 =	vld [tilespmem:$0x9C0]  }
0xc6: {  	v39 =	vld [tilespmem:$0x1140]  }
0xc7: {  	[tilespmem:$0x1FA40] =	vst v63;
	v63 =	vld [tilespmem:$0x520]  }
0xc8: {  	v33 =	vld [tilespmem:$0x1D0]  }
0xc9: {  	v32 =	vld [tilespmem:$0x9D0]  }
0xca: {  	v45 =	vld [tilespmem:$0x1150]  }
0xcb: {  	v46 =	vld [tilespmem:$0x1E0]  }
0xcc: {  	[tilespmem:$0x1FA10] =	vst v63;
	v63 =	vld [tilespmem:$0xD20]  }
0xcd: {  	v43 =	vld [tilespmem:$0x9E0]  }
0xce: {  	v60 =	vld [tilespmem:$0x1160]  }
0xcf: {  	v30 =	vld [tilespmem:$0x1F0]  }
0xd0: {  	v53 =	vld [tilespmem:$0x9F0]  }
0xd1: {  	[tilespmem:$0x1FA20] =	vst v63;
	v63 =	vld [tilespmem:$0x1120]  }
0xd2: {  	v54 =	vld [tilespmem:$0x1170]  }
0xd3: {  	v31 =	vld [tilespmem:$0x200]  }
0xd4: {  	v44 =	vld [tilespmem:$0x1100]  }
0xd5: {  	v37 =	vld [tilespmem:$0x210]  }
0xd6: {  	[tilespmem:$0x1FA70] =	vst v63;
	v63 =	vld [tilespmem:$0x530]  }
0xd7: {  	v35 =	vld [tilespmem:$0xA10]  }
0xd8: {  	v42 =	vld [tilespmem:$0x220]  }
0xd9: {  	v41 =	vld [tilespmem:$0xA20]  }
0xda: {  	v58 =	vld [tilespmem:$0x1120]  }
0xdb: {  	[tilespmem:$0x1FA50] =	vst v63;
	v63 =	vld [tilespmem:$0xD30]  }
0xdc: {  	v48 =	vld [tilespmem:$0xA30]  }
0xdd: {  	v62 =	vld [tilespmem:$0x1130]  }
0xde: {  	v56 =	vld [tilespmem:$0x240]  }
0xdf: {  	v47 =	vld [tilespmem:$0x1140]  }
0xe0: {  	[tilespmem:$0x1FA60] =	vst v63;
	v63 =	vld [tilespmem:$0x1130]  }
0xe1: {  	v59 =	vld [tilespmem:$0x250]  }
0xe2: {  	v57 =	vld [tilespmem:$0xA50]  }
0xe3: {  	v55 =	vld [tilespmem:$0x1150]  }
0xe4: {  	v61 =	vld [tilespmem:$0x260];
	[tilespmem:$0x1F1F0] =	vst v2  }
0xe5: {  	[tilespmem:$0x1FAC0] =	vst v63;
	v63 =	vld [tilespmem:$0x540]  }
0xe6: {  	[tilespmem:$0x1F200] =	vst v49;
	v2 =	vld [tilespmem:$0x980]  }
0xe7: {  	[tilespmem:$0x1F220] =	vst v30;
	v30 =	vld [tilespmem:$0xA00]  }
0xe8: {  	[tilespmem:$0x1FEF0] =	vst v51;
	v51 =	vld [tilespmem:$0x1110]  }
0xe9: {  	[tilespmem:$0x1F280] =	vst v61;
	v61 =	vld [tilespmem:$0x1170]  }
0xea: {  	[tilespmem:$0x1FAA0] =	vst v63;
	v63 =	vld [tilespmem:$0xD40]  }
0xeb: {  	[tilespmem:$0x1F210] =	vst v50;
	v49 =	vld [tilespmem:$0x230]  }
0xec: {  	[tilespmem:$0x1F240] =	vst v54;
	v54 =	vld [tilespmem:$0xA40]  }
0xed: {  	[tilespmem:$0x1F230] =	vst v53;
	v53 =	vld [tilespmem:$0x270]  }
0xee: {  	[tilespmem:$0x1F3C0] =	vst v61;
	v61 =	vld [tilespmem:$0x1110]  }
0xef: {  	[tilespmem:$0x1FAB0] =	vst v63;
	v63 =	vld [tilespmem:$0x1140]  }
0xf0: {  	[tilespmem:$0x1F250] =	vst v47;
	v50 =	vld [tilespmem:$0x1160]  }
0xf1: {  	[tilespmem:$0x1F260] =	vst v55;
	v55 =	vld [tilespmem:$0xA70]  }
0xf2: {  	[tilespmem:$0x1F330] =	vst v53;
	v53 =	vld [tilespmem:$0x1100]  }
0xf3: {  	[tilespmem:$0x1F2B0] =	vst v61;
	v61 =	vld [tilespmem:$0x2A0]  }
0xf4: {  	[tilespmem:$0x1FB20] =	vst v63;
	v63 =	vld [tilespmem:$0x550]  }
0xf5: {  	v47 =	vld [tilespmem:$0xA80];
	[tilespmem:$0x1F2E0] =	vst v50  }
0xf6: {  	[tilespmem:$0x1F340] =	vst v55;
	v50 =	vld [tilespmem:$0x280]  }
0xf7: {  	v55 =	vld [tilespmem:$0x290];
	[tilespmem:$0x1F270] =	vst v53  }
0xf8: {  	v0 =	vadd.f32 v0, v3;
	v53 =	vld [tilespmem:$0xA90];
	[tilespmem:$0x1F2A0] =	vst v61  }
0xf9: {  	v1 =	vadd.f32 v1, v4;
	v61 =	vld [tilespmem:$0xAA0];
	[tilespmem:$0x1FAD0] =	vst v63  }
0xfa: {  	v0 =	vmax.f32 v0, $0.0e+00;
	v63 =	vld [tilespmem:$0xD50]  }
0xfb: {  	v1 =	vmax.f32 v1, $0.0e+00;
	v0 =	vmul.f32 v0, v9;
	v9 =	vld [tilespmem:$0x580]  }
0xfc: {  	v37 =	vadd.f32 v35, v37;
	v1 =	vmul.f32 v1, v13;
	v13 =	vld [tilespmem:$0x1100]  }
0xfd: {  	v3 =	vadd.f32 v6, v7;
	v16 =	vadd.f32 v14, v16;
	v14 =	vld [tilespmem:$0x5A0]  }
0xfe: {  	v25 =	vadd.f32 v25, v26;
	v26 =	vadd.f32 v8, v11;
	v6 =	vmax.f32 v37, $0.0e+00;
	v11 =	vld [tilespmem:$0xDB0]  }
0xff: {  	v6 =	vmul.f32 v6, v51;
	v51 =	vld [tilespmem:$0xE00]  }
0x100: {  	v31 =	vadd.f32 v30, v31;
	v30 =	vld [tilespmem:$0x620]  }
0x101: {  	v35 =	vld [tilespmem:$0x1120]  }
0x102: {  	v37 =	vld [tilespmem:$0x1F290]  }
0x103: {  	[tilespmem:$0x1FAE0] =	vst v63;
	v63 =	vld [tilespmem:$0x1150]  }
0x104: {  	v3 =	vmax.f32 v3, $0.0e+00;
	[tilespmem:$0x1FAF0] =	vst v9;
	v9 =	vadd.f32 v10, v12;
	v10 =	vld [tilespmem:$0x590]  }
0x105: {  	v12 =	vmul.f32 v3, v18;
	v18 =	vld [tilespmem:$0xD90]  }
0x106: {  	v3 =	vmax.f32 v16, $0.0e+00;
	v16 =	vld [tilespmem:$0xDA0]  }
0x107: {  	[tilespmem:$0x1FB70] =	vst v11;
	v11 =	vld [tilespmem:$0x1130]  }
0x108: {  	[tilespmem:$0x1FBD0] =	vst v51;
	v51 =	vld [tilespmem:$0xE40]  }
0x109: {  	[tilespmem:$0x1FC20] =	vst v30;
	v30 =	vld [tilespmem:$0x1F3E0]  }
0x10a: {  	v0 =	vadd.f32 $0.0e+00, v0;
	[tilespmem:$0x1FC90] =	vst v35;
	v35 =	vld [tilespmem:$0x1160]  }
0x10b: {  	v24 =	vmul.f32 v3, v24;
	v3 =	vmax.f32 v25, $0.0e+00;
	v25 =	vadd.f32 v38, v40;
	v38 =	vld [tilespmem:$0xDC0]  }
0x10c: {  	v0 =	vadd.f32 v1, v0;
	v40 =	vadd.f32 v27, v28;
	v27 =	vld [tilespmem:$0x5E0]  }
0x10d: {  	v28 =	vld [tilespmem:$0x1F1F0]  }
0x10e: {  	v0 =	vadd.f32 v12, v0;
	v12 =	vld [tilespmem:$0x1120]  }
0x10f: {  	v3 =	vmul.f32 v3, v36;
	v36 =	vadd.f32 v21, v23;
	v23 =	vld [tilespmem:$0xDD0]  }
0x110: {  	v21 =	vadd.f32 v57, v59;
	v57 =	vld [tilespmem:$0x1F350]  }
0x111: {  	v4 =	vmax.f32 v9, $0.0e+00;
	v59 =	vld [tilespmem:$0x650]  }
0x112: {  	v20 =	vmul.f32 v4, v20;
	v4 =	vmax.f32 v26, $0.0e+00;
	v26 =	vld [tilespmem:$0x5C0]  }
0x113: {  	[tilespmem:$0x1FB40] =	vst v63;
	v63 =	vld [tilespmem:$0x560]  }
0x114: {  	v4 =	vmul.f32 v4, v22;
	v22 =	vld [tilespmem:$0xE10]  }
0x115: {  	v8 =	vmax.f32 v36, $0.0e+00;
	v36 =	vld [tilespmem:$0x1F280]  }
0x116: {  	[tilespmem:$0x1FB30] =	vst v10;
	v10 =	vld [tilespmem:$0x1110]  }
0x117: {  	v0 =	vadd.f32 v20, v0;
	v20 =	vld [tilespmem:$0x5B0]  }
0x118: {  	[tilespmem:$0x1FB50] =	vst v63;
	v63 =	vld [tilespmem:$0xD60]  }
0x119: {  	v9 =	vmul.f32 v8, v34;
	v34 =	vadd.f32 v43, v46;
	v43 =	vld [tilespmem:$0xDF0]  }
0x11a: {  	v46 =	vld [tilespmem:$0x600]  }
0x11b: {  	v8 =	vld [tilespmem:$0xE50]  }
0x11c: {  	[tilespmem:$0x1FCB0] =	vst v51;
	v51 =	vld [tilespmem:$0x1F4A0]  }
0x11d: {  	[tilespmem:$0x1FB60] =	vst v63;
	v63 =	vld [tilespmem:$0x1160]  }
0x11e: {  	[tilespmem:$0x1FD80] =	vst v35;
	v35 =	vld [tilespmem:$0x1F590]  }
0x11f: {  	[tilespmem:$0x1FB90] =	vst v38;
	v38 =	vld [tilespmem:$0x1F210]  }
0x120: {  	[tilespmem:$0x1FC50] =	vst v27;
	v27 =	vld [tilespmem:$0x1110]  }
0x121: {  	v0 =	vadd.f32 v24, v0;
	v24 =	vadd.f32 v32, v33;
	v32 =	vld [tilespmem:$0xDE0]  }
0x122: {  	[tilespmem:$0x1FB80] =	vst v63;
	v63 =	vld [tilespmem:$0x570]  }
0x123: {  	[tilespmem:$0x1FCD0] =	vst v59;
	v59 =	vld [tilespmem:$0x1100]  }
0x124: {  	v16 =	vadd.f32 v16, v14;
	v14 =	vld [tilespmem:$0x1FB90]  }
0x125: {  	v2 =	vadd.f32 v2, v5;
	v5 =	vmax.f32 v24, $0.0e+00;
	v24 =	vld [tilespmem:$0x5F0]  }
0x126: {  	[tilespmem:$0x1FBF0] =	vst v22;
	v22 =	vld [tilespmem:$0x1150]  }
0x127: {  	[tilespmem:$0x1FBA0] =	vst v63;
	v63 =	vld [tilespmem:$0xD70]  }
0x128: {  	v33 =	vmul.f32 v5, v45;
	v45 =	vld [tilespmem:$0x1170]  }
0x129: {  	v5 =	vmax.f32 v34, $0.0e+00;
	v34 =	vld [tilespmem:$0x1F270]  }
0x12a: {  	[tilespmem:$0x1FD00] =	vst v43;
	v43 =	vld [tilespmem:$0x1F2C0]  }
0x12b: {  	[tilespmem:$0x1FBC0] =	vst v46;
	v46 =	vld [tilespmem:$0x1F2E0]  }
0x12c: {  	[tilespmem:$0x1FBB0] =	vst v63;
	v63 =	vld [tilespmem:$0x1170]  }
0x12d: {  	v5 =	vmul.f32 v5, v60;
	v60 =	vld [tilespmem:$0x1F230]  }
0x12e: {  	[tilespmem:$0x1FC40] =	vst v27;
	v27 =	vld [tilespmem:$0x1F3D0]  }
0x12f: {  	[tilespmem:$0x1FC60] =	vst v32;
	v32 =	vld [tilespmem:$0xE20]  }
0x130: {  	[tilespmem:$0x1FD50] =	vst v45;
	v45 =	vld [tilespmem:$0x1130]  }
0x131: {  	[tilespmem:$0x1FC00] =	vst v63;
	v63 =	vld [tilespmem:$0xD80]  }
0x132: {  	[tilespmem:$0x1FD60] =	vst v59;
	v59 =	vld [tilespmem:$0x1F670]  }
0x133: {  	[tilespmem:$0x1FD20] =	vst v22;
	v22 =	vld [tilespmem:$0x1F540]  }
0x134: {  	[tilespmem:$0x1FC30] =	vst v32;
	v32 =	vld [tilespmem:$0xE60]  }
0x135: {  	v2 =	vmax.f32 v2, $0.0e+00;
	[tilespmem:$0x1FCC0] =	vst v45;
	v45 =	vld [tilespmem:$0x1F470]  }
0x136: {  	[tilespmem:$0x1FB00] =	vst v63;
	v63 =	vmul.f32 v2, v19;
	v19 =	vadd.f32 v15, v17;
	v15 =	vld [tilespmem:$0x1140]  }
0x137: {  	v17 =	vld [tilespmem:$0x1150]  }
0x138: {  	v0 =	vadd.f32 v3, v0;
	v3 =	vmax.f32 v40, $0.0e+00;
	v2 =	vmax.f32 v19, $0.0e+00;
	v19 =	vld [tilespmem:$0x5D0]  }
0x139: {  	v1 =	vadd.f32 $0.0e+00, v63;
	v63 =	vmax.f32 v25, $0.0e+00;
	v25 =	vmul.f32 v3, v39;
	v39 =	vld [tilespmem:$0x1160]  }
0x13a: {  	v2 =	vmul.f32 v2, v29;
	v29 =	vld [tilespmem:$0x1F200]  }
0x13b: {  	v1 =	vadd.f32 v4, v1;
	v4 =	vmul.f32 v63, v52;
	v52 =	vld [tilespmem:$0x1100]  }
0x13c: {  	v63 =	vadd.f32 v54, v56;
	v54 =	vld [tilespmem:$0x1140]  }
0x13d: {  	v56 =	vld [tilespmem:$0x1F340]  }
0x13e: {  	v0 =	vadd.f32 v4, v0;
	v4 =	vmax.f32 v31, $0.0e+00;
	v31 =	vadd.f32 v53, v55;
	v55 =	vld [tilespmem:$0x1F330]  }
0x13f: {  	v1 =	vadd.f32 v2, v1;
	v40 =	vmul.f32 v4, v44;
	v44 =	vadd.f32 v41, v42;
	v41 =	vld [tilespmem:$0x1F2B0]  }
0x140: {  	v42 =	vld [tilespmem:$0xE30]  }
0x141: {  	v1 =	vadd.f32 v9, v1;
	v9 =	vld [tilespmem:$0x610]  }
0x142: {  	v3 =	vadd.f32 v29, v28;
	v28 =	vld [tilespmem:$0x1F240]  }
0x143: {  	v29 =	vld [tilespmem:$0x1F250]  }
0x144: {  	v2 =	vadd.f32 $0.0e+00, v40;
	v40 =	vld [tilespmem:$0x630]  }
0x145: {  	v48 =	vadd.f32 v48, v49;
	v49 =	vmax.f32 v44, $0.0e+00;
	v44 =	vld [tilespmem:$0x1F2D0]  }
0x146: {  	[tilespmem:$0x1FC10] =	vst v52;
	v52 =	vld [tilespmem:$0x1F320]  }
0x147: {  	[tilespmem:$0x1FCF0] =	vst v54;
	v54 =	vld [tilespmem:$0x1F4B0]  }
0x148: {  	v1 =	vadd.f32 v25, v1;
	v25 =	vadd.f32 v47, v50;
	v47 =	vld [tilespmem:$0x1F2F0]  }
0x149: {  	v3 =	vmax.f32 v3, $0.0e+00;
	v50 =	vld [tilespmem:$0x1F310]  }
0x14a: {  	v3 =	vmul.f32 v3, v38;
	v38 =	vld [tilespmem:$0x1F2A0]  }
0x14b: {  	v1 =	vadd.f32 v33, v1;
	v33 =	vld [tilespmem:$0x1F260]  }
0x14c: {  	v2 =	vadd.f32 v6, v2;
	v6 =	vmax.f32 v25, $0.0e+00;
	v25 =	vld [tilespmem:$0x1F3C0]  }
0x14d: {  	[tilespmem:$0x1FC80] =	vst v42;
	v42 =	vld [tilespmem:$0x1F460]  }
0x14e: {  	v0 =	vadd.f32 v3, v0;
	v3 =	vmul.f32 v49, v58;
	v58 =	vld [tilespmem:$0x1F220]  }
0x14f: {  	v49 =	vld [tilespmem:$0x1F300]  }
0x150: {  	[tilespmem:$0x1FBE0] =	vst v9;
	v9 =	vld [tilespmem:$0x1F3A0]  }
0x151: {  	v1 =	vadd.f32 v5, v1;
	v5 =	vmax.f32 v63, $0.0e+00;
	v63 =	vld [tilespmem:$0x1F390]  }
0x152: {  	[tilespmem:$0x1FC70] =	vst v40;
	v40 =	vld [tilespmem:$0x1F450]  }
0x153: {  	[tilespmem:$0x1FE70] =	vst v0;
	v0 =	vmax.f32 v48, $0.0e+00;
	v48 =	vld [tilespmem:$0x640]  }
0x154: {  	v2 =	vadd.f32 v3, v2;
	v3 =	vmax.f32 v21, $0.0e+00;
	v21 =	vld [tilespmem:$0x1F3B0]  }
0x155: {  	v0 =	vmul.f32 v0, v62;
	v62 =	vld [tilespmem:$0x1F380]  }
0x156: {  	v7 =	vadd.f32 v61, v38;
	v38 =	vld [tilespmem:$0x1F440]  }
0x157: {  	v4 =	vadd.f32 v60, v58;
	v58 =	vld [tilespmem:$0x1F360]  }
0x158: {  	v60 =	vld [tilespmem:$0x1F370]  }
0x159: {  	v0 =	vadd.f32 v0, v2;
	v2 =	vmul.f32 v5, v29;
	v29 =	vld [tilespmem:$0x660]  }
0x15a: {  	v5 =	vmax.f32 v31, $0.0e+00;
	v31 =	vld [tilespmem:$0x1F3F0]  }
0x15b: {  	v0 =	vadd.f32 v2, v0;
	v2 =	vmul.f32 v3, v33;
	v33 =	vld [tilespmem:$0x1F400]  }
0x15c: {  	v3 =	vmul.f32 v6, v34;
	v34 =	vld [tilespmem:$0x1F410]  }
0x15d: {  	v6 =	vadd.f32 v37, v36;
	v36 =	vld [tilespmem:$0x1F420]  }
0x15e: {  	v37 =	vld [tilespmem:$0x1F430]  }
0x15f: {  	v4 =	vmax.f32 v4, $0.0e+00;
	v0 =	vadd.f32 v2, v0;
	v2 =	vmul.f32 v5, v41;
	v41 =	vld [tilespmem:$0x670]  }
0x160: {  	v4 =	vmul.f32 v4, v28;
	v5 =	vadd.f32 v44, v43;
	v6 =	vmax.f32 v6, $0.0e+00;
	v44 =	vld [tilespmem:$0xE70]  }
0x161: {  	v6 =	vmul.f32 v6, v46;
	v46 =	vld [tilespmem:$0x1F480]  }
0x162: {  	v1 =	vadd.f32 v4, v1;
	v4 =	vadd.f32 v50, v49;
	v49 =	vld [tilespmem:$0x1170]  }
0x163: {  	v3 =	vadd.f32 $0.0e+00, v3;
	v50 =	vld [tilespmem:$0x1F490]  }
0x164: {  	v7 =	vmax.f32 v7, $0.0e+00;
	[tilespmem:$0x1FD30] =	vst v29;
	v29 =	vld [tilespmem:$0xE90]  }
0x165: {  	v2 =	vadd.f32 v2, v3;
	v3 =	vmul.f32 v7, v47;
	v7 =	vadd.f32 v21, v9;
	v21 =	vld [tilespmem:$0x1F530]  }
0x166: {  	v9 =	vadd.f32 v40, v38;
	v38 =	vld [tilespmem:$0x1F5C0]  }
0x167: {  	v5 =	vmax.f32 v5, $0.0e+00;
	v40 =	vld [tilespmem:$0x1120]  }
0x168: {  	v53 =	vmul.f32 v5, v52;
	v5 =	vadd.f32 v56, v55;
	v55 =	vld [tilespmem:$0x1F4C0]  }
0x169: {  	v0 =	vadd.f32 v6, v0;
	v6 =	vadd.f32 v58, v57;
	v57 =	vld [tilespmem:$0x1F4D0]  }
0x16a: {  	[tilespmem:$0x1FCE0] =	vst v8;
	v8 =	vadd.f32 v37, v36;
	v36 =	vld [tilespmem:$0x1F5A0]  }
0x16b: {  	v4 =	vmax.f32 v4, $0.0e+00;
	v37 =	vld [tilespmem:$0x1F5B0]  }
0x16c: {  	v61 =	vmul.f32 v4, v60;
	v60 =	vld [tilespmem:$0x1F4E0]  }
0x16d: {  	v4 =	vadd.f32 v63, v62;
	v62 =	vld [tilespmem:$0x1F500]  }
0x16e: {  	v63 =	vld [tilespmem:$0x1F510]  }
0x16f: {  	[tilespmem:$0x1FCA0] =	vst v48;
	v7 =	vmax.f32 v7, $0.0e+00;
	v48 =	vmax.f32 v9, $0.0e+00;
	v9 =	vld [tilespmem:$0x1F520]  }
0x170: {  	v7 =	vmul.f32 v7, v34;
	v34 =	vld [tilespmem:$0xE80]  }
0x171: {  	[tilespmem:$0x1FDC0] =	vst v41;
	v41 =	vld [tilespmem:$0xEA0]  }
0x172: {  	[tilespmem:$0x1FDD0] =	vst v44;
	v44 =	vld [tilespmem:$0x1F5E0]  }
0x173: {  	v52 =	vmul.f32 v48, v51;
	v48 =	vld [tilespmem:$0x1F5F0]  }
0x174: {  	v2 =	vadd.f32 v3, v2;
	v51 =	vld [tilespmem:$0x1F610]  }
0x175: {  	v47 =	vmax.f32 v8, $0.0e+00;
	v8 =	vld [tilespmem:$0x1140]  }
0x176: {  	v5 =	vmax.f32 v5, $0.0e+00;
	v2 =	vadd.f32 v53, v2;
	v53 =	vld [tilespmem:$0x680]  }
0x177: {  	v6 =	vmax.f32 v6, $0.0e+00;
	v5 =	vmul.f32 v5, v25;
	v25 =	vld [tilespmem:$0x1F550]  }
0x178: {  	v28 =	vmul.f32 v6, v27;
	v27 =	vld [tilespmem:$0x1F560]  }
0x179: {  	v6 =	vadd.f32 v31, v30;
	v30 =	vld [tilespmem:$0x1F570]  }
0x17a: {  	v4 =	vmax.f32 v4, $0.0e+00;
	v31 =	vld [tilespmem:$0x1F580]  }
0x17b: {  	v4 =	vmul.f32 v4, v33;
	v33 =	vld [tilespmem:$0x6A0]  }
0x17c: {  	[tilespmem:$0x1FDB0] =	vst v40;
	v40 =	vld [tilespmem:$0xED0]  }
0x17d: {  	v2 =	vadd.f32 v61, v2;
	v61 =	vld [tilespmem:$0x1F4F0]  }
0x17e: {  	v3 =	vadd.f32 $0.0e+00, v28;
	v6 =	vmax.f32 v6, $0.0e+00;
	v28 =	vld [tilespmem:$0x1110]  }
0x17f: {  	v43 =	vmul.f32 v6, v42;
	v6 =	vadd.f32 v46, v45;
	v45 =	vld [tilespmem:$0x690]  }
0x180: {  	v0 =	vadd.f32 v5, v0;
	v3 =	vadd.f32 v7, v3;
	v7 =	vmul.f32 v47, v50;
	v47 =	vld [tilespmem:$0x6B0]  }
0x181: {  	v50 =	vld [tilespmem:$0x1F600]  }
0x182: {  	[tilespmem:$0x1FE90] =	vst v0;
	v0 =	vadd.f32 v55, v54;
	v54 =	vld [tilespmem:$0x1130]  }
0x183: {  	v55 =	vld [tilespmem:$0x1F640]  }
0x184: {  	v2 =	vadd.f32 v4, v2;
	v4 =	vadd.f32 v22, v21;
	v21 =	vld [tilespmem:$0x1F6C0]  }
0x185: {  	v22 =	vld [tilespmem:$0x1F6D0]  }
0x186: {  	[tilespmem:$0x1FD10] =	vst v53;
	v53 =	vld [tilespmem:$0x1F630]  }
0x187: {  	v56 =	vmax.f32 v6, $0.0e+00;
	v6 =	vadd.f32 v63, v62;
	v62 =	vld [tilespmem:$0x1F6A0]  }
0x188: {  	v3 =	vadd.f32 v43, v3;
	v43 =	vld [tilespmem:$0x1F5D0]  }
0x189: {  	v58 =	vmul.f32 v56, v57;
	v56 =	vld [tilespmem:$0x1F650]  }
0x18a: {  	v57 =	vld [tilespmem:$0x1F660]  }
0x18b: {  	v2 =	vadd.f32 v7, v2;
	v7 =	vadd.f32 v27, v25;
	v27 =	vld [tilespmem:$0x1F6E0]  }
0x18c: {  	[tilespmem:$0x1FD70] =	vst v33;
	v33 =	vld [tilespmem:$0x1F720]  }
0x18d: {  	v5 =	vadd.f32 v61, v60;
	v60 =	vld [tilespmem:$0x1F680]  }
0x18e: {  	v0 =	vmax.f32 v0, $0.0e+00;
	v61 =	vld [tilespmem:$0x1F690]  }
0x18f: {  	v0 =	vmul.f32 v0, v9;
	v9 =	vld [tilespmem:$0x1F6B0]  }
0x190: {  	v6 =	vmax.f32 v6, $0.0e+00;
	v3 =	vadd.f32 v52, v3;
	v52 =	vld [tilespmem:$0x1F620]  }
0x191: {  	[tilespmem:$0x1FD40] =	vst v32;
	v32 =	vmul.f32 v6, v31;
	v31 =	vld [tilespmem:$0x1F700]  }
0x192: {  	v6 =	vadd.f32 v36, v35;
	v35 =	vld [tilespmem:$0x1150]  }
0x193: {  	v7 =	vmax.f32 v7, $0.0e+00;
	v36 =	vld [tilespmem:$0x1F730]  }
0x194: {  	v7 =	vmul.f32 v7, v38;
	v38 =	vld [tilespmem:$0x1F740]  }
0x195: {  	[tilespmem:$0x1FDA0] =	vst v47;
	v47 =	vld [tilespmem:$0x1F760]  }
0x196: {  	v5 =	vmax.f32 v5, $0.0e+00;
	v3 =	vadd.f32 v58, v3;
	v58 =	vld [tilespmem:$0x6C0]  }
0x197: {  	v5 =	vmul.f32 v5, v30;
	v46 =	vmax.f32 v6, $0.0e+00;
	v30 =	vld [tilespmem:$0x1F6F0]  }
0x198: {  	[tilespmem:$0x1FE00] =	vst v49;
	v49 =	vmul.f32 v46, v48;
	v46 =	vld [tilespmem:$0xEB0]  }
0x199: {  	v48 =	vld [tilespmem:$0x1F770]  }
0x19a: {  	v42 =	vadd.f32 v5, v2;
	v2 =	vadd.f32 v44, v43;
	v43 =	vld [tilespmem:$0xEC0]  }
0x19b: {  	v0 =	vadd.f32 v0, v3;
	v3 =	vadd.f32 $0.0e+00, v32;
	v32 =	vld [tilespmem:$0x1F710]  }
0x19c: {  	v44 =	vld [tilespmem:$0x1F750]  }
0x19d: {  	v5 =	vadd.f32 v51, v50;
	v51 =	vld [tilespmem:$0x1160]  }
0x19e: {  	v6 =	vadd.f32 v53, v52;
	v52 =	vld [tilespmem:$0x1F780]  }
0x19f: {  	v4 =	vmax.f32 v4, $0.0e+00;
	v53 =	vld [tilespmem:$0x1F790]  }
0x1a0: {  	v4 =	vmul.f32 v4, v37;
	[tilespmem:$0x1FE20] =	vst v35;
	v35 =	vld [tilespmem:$0x1F8A0]  }
0x1a1: {  	[tilespmem:$0x1FEA0] =	vst v42;
	v42 =	vld [tilespmem:$0x6D0]  }
0x1a2: {  	v0 =	vadd.f32 v4, v0;
	v4 =	vadd.f32 v57, v56;
	v56 =	vld [tilespmem:$0x1F7A0]  }
0x1a3: {  	v3 =	vadd.f32 v7, v3;
	v7 =	vadd.f32 v60, v59;
	v59 =	vld [tilespmem:$0x1F7B0]  }
0x1a4: {  	v2 =	vmax.f32 v2, $0.0e+00;
	v60 =	vld [tilespmem:$0x1F7C0]  }
0x1a5: {  	v2 =	vmul.f32 v2, v55;
	v55 =	vld [tilespmem:$0x6F0]  }
0x1a6: {  	v5 =	vmax.f32 v5, $0.0e+00;
	[tilespmem:$0x1FDE0] =	vst v58;
	v58 =	vld [tilespmem:$0xEF0]  }
0x1a7: {  	v5 =	vmul.f32 v5, v61;
	v61 =	vld [tilespmem:$0x1F7D0]  }
0x1a8: {  	v6 =	vmax.f32 v6, $0.0e+00;
	v3 =	vadd.f32 v49, v3;
	v49 =	vld [tilespmem:$0x6E0]  }
0x1a9: {  	v63 =	vmul.f32 v6, v62;
	v62 =	vld [tilespmem:$0x1F7E0]  }
0x1aa: {  	v6 =	vadd.f32 v21, v9;
	v9 =	vld [tilespmem:$0x1F810]  }
0x1ab: {  	v4 =	vmax.f32 v4, $0.0e+00;
	v21 =	vld [tilespmem:$0x1F820]  }
0x1ac: {  	v7 =	vmax.f32 v7, $0.0e+00;
	v25 =	vmul.f32 v4, v22;
	v22 =	vld [tilespmem:$0x1F830]  }
0x1ad: {  	[tilespmem:$0x1FD90] =	vst v28;
	v28 =	vmul.f32 v7, v27;
	v27 =	vld [tilespmem:$0x1F850]  }
0x1ae: {  	v7 =	vadd.f32 v31, v30;
	v30 =	vld [tilespmem:$0x1F860]  }
0x1af: {  	v31 =	vld [tilespmem:$0x1F870]  }
0x1b0: {  	[tilespmem:$0x1FE10] =	vst v8;
	v8 =	vadd.f32 v33, v32;
	v32 =	vld [tilespmem:$0x1F880]  }
0x1b1: {  	v33 =	vld [tilespmem:$0x1F890]  }
0x1b2: {  	[tilespmem:$0x1FE30] =	vst v51;
	v0 =	vadd.f32 v5, v0;
	v51 =	vld [tilespmem:$0x1110];
	v6 =	vmax.f32 v6, $0.0e+00  }
0x1b3: {  	v37 =	vmul.f32 v6, v36;
	v6 =	vadd.f32 v44, v38;
	v44 =	vld [tilespmem:$0xEE0]  }
0x1b4: {  	[tilespmem:$0x1FEB0] =	vst v0;
	v0 =	vadd.f32 v53, v52;
	v52 =	vld [tilespmem:$0x700]  }
0x1b5: {  	v5 =	vadd.f32 v60, v59;
	v60 =	vld [tilespmem:$0xF10]  }
0x1b6: {  	v36 =	vld [tilespmem:$0x1F8B0]  }
0x1b7: {  	v38 =	vld [tilespmem:$0x1F8D0]  }
0x1b8: {  	v2 =	vadd.f32 v2, v3;
	v59 =	vld [tilespmem:$0x720]  }
0x1b9: {  	v53 =	vld [tilespmem:$0x1F8F0]  }
0x1ba: {  	v8 =	vmax.f32 v8, $0.0e+00;
	v2 =	vadd.f32 v63, v2;
	v63 =	vld [tilespmem:$0x1170]  }
0x1bb: {  	v50 =	vmul.f32 v8, v48;
	v8 =	vld [tilespmem:$0x1F800]  }
0x1bc: {  	[tilespmem:$0x1FE40] =	vst v55;
	v55 =	vld [tilespmem:$0xF00]  }
0x1bd: {  	v4 =	vadd.f32 $0.0e+00, v28;
	v7 =	vmax.f32 v7, $0.0e+00;
	v48 =	vld [tilespmem:$0x1100]  }
0x1be: {  	v7 =	vmul.f32 v7, v47;
	v47 =	vld [tilespmem:$0x1F8E0]  }
0x1bf: {  	v3 =	vadd.f32 v37, v4;
	v37 =	vld [tilespmem:$0x1F8C0]  }
0x1c0: {  	[tilespmem:$0x1FDF0] =	vst v54;
	v54 =	vmax.f32 v6, $0.0e+00;
	v6 =	vadd.f32 v62, v61;
	v62 =	vld [tilespmem:$0x1F910]  }
0x1c1: {  	v61 =	vld [tilespmem:$0x1F9D0]  }
0x1c2: {  	v2 =	vadd.f32 v25, v2;
	v25 =	vld [tilespmem:$0x1F840]  }
0x1c3: {  	v57 =	vmul.f32 v54, v56;
	v56 =	vld [tilespmem:$0x710]  }
0x1c4: {  	v54 =	vld [tilespmem:$0x1F900]  }
0x1c5: {  	v6 =	vmax.f32 v6, $0.0e+00;
	v2 =	vadd.f32 v7, v2;
	v7 =	vld [tilespmem:$0x1F7F0]  }
0x1c6: {  	v28 =	vmul.f32 v6, v27;
	v27 =	vld [tilespmem:$0x1F950]  }
0x1c7: {  	v6 =	vadd.f32 v31, v30;
	v30 =	vld [tilespmem:$0x1FA30]  }
0x1c8: {  	v31 =	vld [tilespmem:$0x1FA40]  }
0x1c9: {  	v44 =	vadd.f32 v44, v49;
	v49 =	vld [tilespmem:$0x1030]  }
0x1ca: {  	[tilespmem:$0x1FE60] =	vst v63;
	v63 =	vld [tilespmem:$0xF20]  }
0x1cb: {  	v4 =	vadd.f32 v9, v8;
	v8 =	vadd.f32 v36, v35;
	v36 =	vld [tilespmem:$0x730]  }
0x1cc: {  	v35 =	vld [tilespmem:$0x1F960]  }
0x1cd: {  	v9 =	vadd.f32 v38, v37;
	v37 =	vld [tilespmem:$0x1F970]  }
0x1ce: {  	v6 =	vmax.f32 v6, $0.0e+00;
	v38 =	vld [tilespmem:$0x1F980]  }
0x1cf: {  	v3 =	vadd.f32 v50, v3;
	v50 =	vmul.f32 v6, v47;
	v6 =	vadd.f32 v54, v53;
	v54 =	vld [tilespmem:$0x1120]  }
0x1d0: {  	v5 =	vmax.f32 v5, $0.0e+00;
	v47 =	vld [tilespmem:$0x1F990]  }
0x1d1: {  	v5 =	vmul.f32 v5, v25;
	v4 =	vmax.f32 v4, $0.0e+00;
	v53 =	vld [tilespmem:$0x1F9B0]  }
0x1d2: {  	[tilespmem:$0x1FE50] =	vst v58;
	v0 =	vmax.f32 v0, $0.0e+00;
	v4 =	vmul.f32 v4, v32;
	v58 =	vmax.f32 v9, $0.0e+00;
	v32 =	vld [tilespmem:$0xF30]  }
0x1d3: {  	v0 =	vmul.f32 v0, v7;
	v7 =	vadd.f32 v22, v21;
	v9 =	vadd.f32 v5, v2;
	v21 =	vld [tilespmem:$0x1F930]  }
0x1d4: {  	v3 =	vadd.f32 v57, v3;
	v22 =	vld [tilespmem:$0x1F940]  }
0x1d5: {  	v25 =	vmax.f32 v6, $0.0e+00;
	[tilespmem:$0x1FEC0] =	vst v9;
	v9 =	vld [tilespmem:$0x1F9F0]  }
0x1d6: {  	v0 =	vadd.f32 v0, v3;
	v3 =	vadd.f32 $0.0e+00, v28;
	v28 =	vmul.f32 v25, v27;
	v25 =	vld [tilespmem:$0x1FA10]  }
0x1d7: {  	v27 =	vld [tilespmem:$0x1FA20]  }
0x1d8: {  	v5 =	vadd.f32 v37, v35;
	v35 =	vld [tilespmem:$0x750]  }
0x1d9: {  	v7 =	vmax.f32 v7, $0.0e+00;
	v37 =	vld [tilespmem:$0x1FA50]  }
0x1da: {  	v7 =	vmul.f32 v7, v33;
	v33 =	vld [tilespmem:$0x740]  }
0x1db: {  	v6 =	vadd.f32 v47, v38;
	v38 =	vld [tilespmem:$0x1140]  }
0x1dc: {  	v47 =	vld [tilespmem:$0x1FA60]  }
0x1dd: {  	v57 =	vmax.f32 v8, $0.0e+00;
	v0 =	vadd.f32 v4, v0;
	v4 =	vld [tilespmem:$0x1F920]  }
0x1de: {  	v3 =	vadd.f32 v7, v3;
	v7 =	vmul.f32 v57, v62;
	v57 =	vld [tilespmem:$0x1F9C0]  }
0x1df: {  	v62 =	vld [tilespmem:$0x1F9E0]  }
0x1e0: {  	v2 =	vadd.f32 v22, v21;
	v21 =	vld [tilespmem:$0x1FA00]  }
0x1e1: {  	v5 =	vmax.f32 v5, $0.0e+00;
	v3 =	vadd.f32 v50, v3;
	v50 =	vld [tilespmem:$0x1F9A0]  }
0x1e2: {  	v5 =	vmul.f32 v5, v9;
	v9 =	vld [tilespmem:$0x1FA90]  }
0x1e3: {  	v8 =	vmul.f32 v58, v4;
	v58 =	vld [tilespmem:$0x1130]  }
0x1e4: {  	v0 =	vadd.f32 v7, v0;
	v7 =	vadd.f32 v62, v61;
	v61 =	vld [tilespmem:$0x1150]  }
0x1e5: {  	v4 =	vadd.f32 v57, v53;
	v53 =	vld [tilespmem:$0x1FA70]  }
0x1e6: {  	v6 =	vmax.f32 v6, $0.0e+00;
	v62 =	vld [tilespmem:$0x760]  }
0x1e7: {  	v22 =	vmul.f32 v6, v21;
	v21 =	vld [tilespmem:$0x1FAA0]  }
0x1e8: {  	v6 =	vadd.f32 v27, v25;
	v25 =	vld [tilespmem:$0x1FAC0];
	v3 =	vadd.f32 v8, v3  }
0x1e9: {  	v2 =	vmax.f32 v2, $0.0e+00;
	v0 =	vadd.f32 v5, v0;
	v27 =	vld [tilespmem:$0x1FAD0]  }
0x1ea: {  	v8 =	vld [tilespmem:$0x1FA80];
	v2 =	vmul.f32 v2, v50;
	v3 =	vadd.f32 v28, v3  }
0x1eb: {  	[tilespmem:$0x1FED0] =	vst v0;
	v0 =	vadd.f32 v47, v37;
	v37 =	vld [tilespmem:$0xF60]  }
0x1ec: {  	v2 =	vadd.f32 v2, v3;
	v3 =	vadd.f32 $0.0e+00, v22;
	v22 =	vld [tilespmem:$0x1FAB0]  }
0x1ed: {  	v47 =	vld [tilespmem:$0x1FAF0];
	v7 =	vmax.f32 v7, $0.0e+00  }
0x1ee: {  	v28 =	vld [tilespmem:$0xF40];
	v7 =	vmul.f32 v7, v31  }
0x1ef: {  	v50 =	vmax.f32 v6, $0.0e+00;
	v5 =	vadd.f32 v9, v8;
	v8 =	vld [tilespmem:$0x1FB20]  }
0x1f0: {  	v4 =	vmax.f32 v4, $0.0e+00;
	v31 =	vld [tilespmem:$0xF50];
	v57 =	vmul.f32 v50, v53;
	v3 =	vadd.f32 v7, v3  }
0x1f1: {  	v4 =	vmul.f32 v4, v30;
	v0 =	vmax.f32 v0, $0.0e+00;
	v30 =	vld [tilespmem:$0x1FAE0];
	v6 =	vadd.f32 v22, v21  }
0x1f2: {  	v0 =	vmul.f32 v0, v25;
	v50 =	vld [tilespmem:$0x1FB00];
	v3 =	vadd.f32 v57, v3  }
0x1f3: {  	v21 =	vld [tilespmem:$0x1FB30];
	v6 =	vmax.f32 v6, $0.0e+00  }
0x1f4: {  	v53 =	vld [tilespmem:$0x1FB10];
	v0 =	vadd.f32 v0, v3;
	v9 =	vmul.f32 v6, v8  }
0x1f5: {  	v25 =	vld [tilespmem:$0x780]  }
0x1f6: {  	v2 =	vadd.f32 v4, v2;
	v0 =	vadd.f32 v9, v0;
	v9 =	vld [tilespmem:$0x1FB40]  }
0x1f7: {  	v4 =	vadd.f32 v30, v27;
	v27 =	vld [tilespmem:$0x1100];
	v7 =	vadd.f32 v50, v47  }
0x1f8: {  	v22 =	vadd.f32 v18, v21;
	v21 =	vld [tilespmem:$0x1FB70]  }
0x1f9: {  	v31 =	vadd.f32 v31, v35;
	v35 =	vld [tilespmem:$0x1150];
	v7 =	vmax.f32 v7, $0.0e+00  }
0x1fa: {  	v4 =	vmax.f32 v4, $0.0e+00;
	v30 =	vmul.f32 v7, v13;
	v13 =	vld [tilespmem:$0x1FB60]  }
0x1fb: {  	v18 =	vmul.f32 v4, v9;
	v9 =	vld [tilespmem:$0x1FB50]  }
0x1fc: {  	v5 =	vmax.f32 v5, $0.0e+00;
	v57 =	vld [tilespmem:$0x1160];
	v6 =	vmax.f32 v22, $0.0e+00;
	v4 =	vadd.f32 $0.0e+00, v30  }
0x1fd: {  	v50 =	vld [tilespmem:$0x770];
	v30 =	vadd.f32 v21, v20;
	v0 =	vadd.f32 v18, v0;
	v18 =	vmul.f32 v6, v10  }
0x1fe: {  	v5 =	vmul.f32 v5, v53;
	v8 =	vmax.f32 v16, $0.0e+00;
	v10 =	vld [tilespmem:$0x1FB80]  }
0x1ff: {  	v53 =	vld [tilespmem:$0xF70];
	v12 =	vmul.f32 v8, v12;
	v20 =	vmax.f32 v30, $0.0e+00;
	v3 =	vadd.f32 v18, v4  }
0x200: {  	v7 =	vadd.f32 v13, v9;
	v13 =	vadd.f32 v5, v2;
	v9 =	vmul.f32 v20, v11;
	v11 =	vld [tilespmem:$0x1FBB0]  }
0x201: {  	v8 =	vadd.f32 v12, v3;
	v12 =	vld [tilespmem:$0x1FBC0]  }
0x202: {  	v7 =	vmax.f32 v7, $0.0e+00;
	[tilespmem:$0x1FEE0] =	vst v13;
	v13 =	vld [tilespmem:$0x1FBD0]  }
0x203: {  	v7 =	vmul.f32 v7, v10;
	v10 =	vld [tilespmem:$0x1FBA0]  }
0x204: {  	v47 =	vld [tilespmem:$0x1170]  }
0x205: {  	v16 =	vadd.f32 v14, v26;
	v26 =	vld [tilespmem:$0x1110]  }
0x206: {  	v30 =	vadd.f32 v7, v0;
	v0 =	vadd.f32 v9, v8;
	v9 =	vld [tilespmem:$0x1FC00]  }
0x207: {  	v5 =	vadd.f32 v13, v12;
	v12 =	vld [tilespmem:$0x1FC30]  }
0x208: {  	v4 =	vadd.f32 v11, v10;
	v11 =	vld [tilespmem:$0x1FC20]  }
0x209: {  	v14 =	vld [tilespmem:$0x1FBE0]  }
0x20a: {  	v10 =	vld [tilespmem:$0x1FC10]  }
0x20b: {  	v22 =	vld [tilespmem:$0xF80];
	v2 =	vmax.f32 v16, $0.0e+00  }
0x20c: {  	v2 =	vmul.f32 v2, v15;
	v3 =	vadd.f32 v23, v19;
	v15 =	vld [tilespmem:$0x1FBF0];
	v4 =	vmax.f32 v4, $0.0e+00  }
0x20d: {  	v9 =	vmul.f32 v4, v9;
	v4 =	vadd.f32 v12, v11;
	v11 =	vld [tilespmem:$0x1FC50]  }
0x20e: {  	v3 =	vmax.f32 v3, $0.0e+00;
	v5 =	vmax.f32 v5, $0.0e+00;
	v12 =	vld [tilespmem:$0x1FC60]  }
0x20f: {  	v8 =	vmul.f32 v3, v17;
	v6 =	vadd.f32 v2, v0;
	v2 =	vmul.f32 v5, v10;
	v10 =	vld [tilespmem:$0x1FC40]  }
0x210: {  	v21 =	vld [tilespmem:$0x790]  }
0x211: {  	v19 =	vadd.f32 v15, v14;
	v6 =	vadd.f32 v8, v6;
	v8 =	vld [tilespmem:$0x1FC90]  }
0x212: {  	v17 =	vld [tilespmem:$0x1FC70]  }
0x213: {  	v13 =	vmax.f32 v19, $0.0e+00;
	v0 =	vadd.f32 v12, v11;
	v11 =	vld [tilespmem:$0x1FCA0]  }
0x214: {  	v2 =	vadd.f32 $0.0e+00, v2;
	v5 =	vmul.f32 v13, v10;
	v12 =	vld [tilespmem:$0x1FCB0]  }
0x215: {  	v7 =	vld [tilespmem:$0x1FC80];
	v4 =	vmax.f32 v4, $0.0e+00  }
0x216: {  	v2 =	vadd.f32 v5, v2;
	v5 =	vmul.f32 v4, v8;
	v0 =	vmax.f32 v0, $0.0e+00;
	v8 =	vld [tilespmem:$0x1FCC0]  }
0x217: {  	v0 =	vmul.f32 v0, v39;
	v39 =	vadd.f32 v9, v30;
	v30 =	vld [tilespmem:$0x1FCF0]  }
0x218: {  	v9 =	vld [tilespmem:$0x1FCD0]  }
0x219: {  	v4 =	vadd.f32 v12, v11;
	v12 =	vld [tilespmem:$0x1FCE0]  }
0x21a: {  	v22 =	vadd.f32 v22, v25;
	v25 =	vld [tilespmem:$0x850]  }
0x21b: {  	[tilespmem:$0x1FE80] =	vst v1;
	v18 =	vld [tilespmem:$0xF90];
	v1 =	vadd.f32 v7, v17;
	v4 =	vmax.f32 v4, $0.0e+00  }
0x21c: {  	v4 =	vmul.f32 v4, v30;
	v30 =	vld [tilespmem:$0x1FD20]  }
0x21d: {  	v20 =	vld [tilespmem:$0x7A0];
	v1 =	vmax.f32 v1, $0.0e+00  }
0x21e: {  	v1 =	vmul.f32 v1, v8;
	v8 =	vld [tilespmem:$0x1FD00];
	v3 =	vadd.f32 v12, v9  }
0x21f: {  	v22 =	vmax.f32 v22, $0.0e+00;
	v16 =	vld [tilespmem:$0xFA0]  }
0x220: {  	v22 =	vmul.f32 v22, v27;
	v27 =	vld [tilespmem:$0x860];
	v3 =	vmax.f32 v3, $0.0e+00  }
0x221: {  	v3 =	vmul.f32 v3, v30;
	v30 =	vld [tilespmem:$0x1FD50]  }
0x222: {  	v23 =	vld [tilespmem:$0x1120];
	v2 =	vadd.f32 v5, v2  }
0x223: {  	v5 =	vadd.f32 v0, v6;
	v0 =	vadd.f32 v8, v24;
	v24 =	vld [tilespmem:$0x1FD10]  }
0x224: {  	v16 =	vadd.f32 v16, v20;
	v20 =	vld [tilespmem:$0x1060]  }
0x225: {  	v45 =	vadd.f32 v29, v45;
	v15 =	vld [tilespmem:$0x7B0];
	v6 =	vadd.f32 v1, v2;
	v29 =	vmax.f32 v0, $0.0e+00  }
0x226: {  	v0 =	vmul.f32 v29, v30;
	v30 =	vld [tilespmem:$0x1FD60]  }
0x227: {  	v18 =	vadd.f32 v18, v21;
	v6 =	vadd.f32 v4, v6;
	v4 =	vld [tilespmem:$0x1FD30]  }
0x228: {  	v34 =	vadd.f32 v34, v24;
	v24 =	vld [tilespmem:$0x1FD40]  }
0x229: {  	v14 =	vld [tilespmem:$0xFB0];
	v18 =	vmax.f32 v18, $0.0e+00  }
0x22a: {  	v18 =	vmul.f32 v18, v26;
	v26 =	vld [tilespmem:$0x1160];
	v34 =	vmax.f32 v34, $0.0e+00  }
0x22b: {  	v22 =	vadd.f32 $0.0e+00, v22;
	v34 =	vmul.f32 v34, v30;
	v30 =	vld [tilespmem:$0x1FD80]  }
0x22c: {  	v19 =	vld [tilespmem:$0x1130]  }
0x22d: {  	v18 =	vadd.f32 v18, v22;
	v22 =	vld [tilespmem:$0x1070];
	v1 =	vadd.f32 v24, v4  }
0x22e: {  	v17 =	vld [tilespmem:$0x1140]  }
0x22f: {  	v7 =	vld [tilespmem:$0xFD0];
	v1 =	vmax.f32 v1, $0.0e+00  }
0x230: {  	v1 =	vmul.f32 v1, v30;
	v30 =	vld [tilespmem:$0x1FD90]  }
0x231: {  	v14 =	vadd.f32 v14, v15;
	v15 =	vld [tilespmem:$0x870]  }
0x232: {  	v13 =	vld [tilespmem:$0x7C0]  }
0x233: {  	v10 =	vld [tilespmem:$0xFC0]  }
0x234: {  	v45 =	vmax.f32 v45, $0.0e+00;
	v3 =	vadd.f32 v3, v6;
	v6 =	vld [tilespmem:$0x1FD70]  }
0x235: {  	v11 =	vld [tilespmem:$0x7D0];
	v34 =	vadd.f32 $0.0e+00, v34;
	v45 =	vmul.f32 v45, v30  }
0x236: {  	v2 =	vld [tilespmem:$0x800]  }
0x237: {  	v1 =	vadd.f32 v1, v3;
	v3 =	vadd.f32 v45, v34;
	v45 =	vld [tilespmem:$0x1FDB0]  }
0x238: {  	v12 =	vld [tilespmem:$0x1150]  }
0x239: {  	v9 =	vld [tilespmem:$0x7E0];
	v41 =	vadd.f32 v41, v6  }
0x23a: {  	v7 =	vadd.f32 v7, v11;
	v11 =	vld [tilespmem:$0x1100]  }
0x23b: {  	v41 =	vmax.f32 v41, $0.0e+00;
	v30 =	vadd.f32 v0, v5;
	v5 =	vld [tilespmem:$0x1FDA0]  }
0x23c: {  	v8 =	vld [tilespmem:$0xFE0];
	v34 =	vmul.f32 v41, v45  }
0x23d: {  	v0 =	vld [tilespmem:$0x1FDC0]  }
0x23e: {  	v3 =	vadd.f32 v34, v3;
	v34 =	vld [tilespmem:$0x1FDF0]  }
0x23f: {  	v45 =	vld [tilespmem:$0x1FDD0]  }
0x240: {  	v29 =	vld [tilespmem:$0xFF0];
	v5 =	vadd.f32 v46, v5  }
0x241: {  	v6 =	vld [tilespmem:$0x1170]  }
0x242: {  	v4 =	vld [tilespmem:$0x1160];
	v5 =	vmax.f32 v5, $0.0e+00  }
0x243: {  	v5 =	vmul.f32 v5, v34;
	v34 =	vadd.f32 v40, v42;
	v42 =	vadd.f32 v55, v52;
	v55 =	vld [tilespmem:$0x1FE00]  }
0x244: {  	v45 =	vadd.f32 v45, v0;
	v0 =	vld [tilespmem:$0x1FDE0]  }
0x245: {  	v46 =	vld [tilespmem:$0x1000]  }
0x246: {  	v41 =	vld [tilespmem:$0x1100]  }
0x247: {  	v40 =	vld [tilespmem:$0x1010];
	v45 =	vmax.f32 v45, $0.0e+00  }
0x248: {  	v45 =	vmul.f32 v45, v55;
	v55 =	vld [tilespmem:$0x1FE10]  }
0x249: {  	v43 =	vadd.f32 v43, v0;
	v0 =	vld [tilespmem:$0x810]  }
0x24a: {  	v24 =	vld [tilespmem:$0x7F0];
	v2 =	vadd.f32 v46, v2  }
0x24b: {  	v46 =	vld [tilespmem:$0x1110]  }
0x24c: {  	v2 =	vmax.f32 v2, $0.0e+00;
	v52 =	vld [tilespmem:$0x1110];
	v43 =	vmax.f32 v43, $0.0e+00  }
0x24d: {  	v3 =	vadd.f32 v5, v3;
	v5 =	vmul.f32 v43, v55;
	v55 =	vadd.f32 v60, v56;
	v60 =	vld [tilespmem:$0x1FE20]  }
0x24e: {  	v2 =	vmul.f32 v2, v41;
	v41 =	vld [tilespmem:$0x8D0];
	v0 =	vadd.f32 v40, v0  }
0x24f: {  	v24 =	vadd.f32 v29, v24;
	v43 =	vld [tilespmem:$0x820]  }
0x250: {  	v34 =	vmax.f32 v34, $0.0e+00;
	v56 =	vld [tilespmem:$0x1020];
	v0 =	vmax.f32 v0, $0.0e+00  }
0x251: {  	v42 =	vmax.f32 v42, $0.0e+00;
	v0 =	vmul.f32 v0, v52;
	v52 =	vmax.f32 v24, $0.0e+00;
	v24 =	vld [tilespmem:$0x1170]  }
0x252: {  	v3 =	vadd.f32 v5, v3;
	v5 =	vmul.f32 v34, v60;
	v34 =	vmul.f32 v42, v48;
	v42 =	vld [tilespmem:$0x1120]  }
0x253: {  	v60 =	vadd.f32 v63, v59;
	v63 =	vmax.f32 v55, $0.0e+00;
	v55 =	vld [tilespmem:$0x830]  }
0x254: {  	v48 =	vld [tilespmem:$0x1130]  }
0x255: {  	v5 =	vadd.f32 v5, v3;
	v3 =	vmul.f32 v63, v51;
	v34 =	vadd.f32 $0.0e+00, v34;
	v63 =	vld [tilespmem:$0x1FE30]  }
0x256: {  	v60 =	vmax.f32 v60, $0.0e+00;
	v51 =	vld [tilespmem:$0x840]  }
0x257: {  	v59 =	vmax.f32 v44, $0.0e+00;
	v44 =	vmul.f32 v60, v54;
	v54 =	vld [tilespmem:$0x1FE50];
	v34 =	vadd.f32 v3, v34  }
0x258: {  	v3 =	vadd.f32 v45, v1;
	v1 =	vadd.f32 v28, v33;
	v33 =	vld [tilespmem:$0x1050]  }
0x259: {  	v45 =	vld [tilespmem:$0x1090]  }
0x25a: {  	v32 =	vadd.f32 v32, v36;
	v16 =	vmax.f32 v16, $0.0e+00;
	v60 =	vadd.f32 v44, v34;
	v34 =	vld [tilespmem:$0x1140]  }
0x25b: {  	v16 =	vmul.f32 v16, v23;
	v44 =	vadd.f32 v53, v50;
	v53 =	vld [tilespmem:$0x8A0]  }
0x25c: {  	v36 =	vmul.f32 v59, v63;
	v59 =	vmax.f32 v32, $0.0e+00;
	v32 =	vld [tilespmem:$0x1040]  }
0x25d: {  	v16 =	vadd.f32 v16, v18;
	v14 =	vmax.f32 v14, $0.0e+00;
	v1 =	vmax.f32 v1, $0.0e+00;
	v63 =	vld [tilespmem:$0x1FE40]  }
0x25e: {  	v14 =	vmul.f32 v14, v19;
	v10 =	vadd.f32 v10, v13;
	v1 =	vmul.f32 v1, v38;
	v38 =	vld [tilespmem:$0x890]  }
0x25f: {  	v7 =	vmax.f32 v7, $0.0e+00;
	v28 =	vmul.f32 v59, v58;
	v59 =	vld [tilespmem:$0x1FE60];
	v50 =	vmax.f32 v44, $0.0e+00  }
0x260: {  	v7 =	vmul.f32 v7, v12;
	v12 =	vmul.f32 v50, v47;
	v47 =	vld [tilespmem:$0x8E0]  }
0x261: {  	v14 =	vadd.f32 v14, v16;
	v10 =	vmax.f32 v10, $0.0e+00;
	v5 =	vadd.f32 v36, v5;
	v50 =	vld [tilespmem:$0x10E0]  }
0x262: {  	v10 =	vmul.f32 v10, v17;
	v36 =	vadd.f32 v54, v63;
	v63 =	vadd.f32 v37, v62;
	v37 =	vld [tilespmem:$0x1080]  }
0x263: {  	v8 =	vadd.f32 v8, v9;
	v54 =	vld [tilespmem:$0x10A0]  }
0x264: {  	v15 =	vadd.f32 v22, v15;
	v10 =	vadd.f32 v10, v14;
	v62 =	vld [tilespmem:$0x10B0]  }
0x265: {  	v8 =	vmax.f32 v8, $0.0e+00;
	v28 =	vadd.f32 v28, v60;
	v16 =	vadd.f32 v45, v38;
	v38 =	vld [tilespmem:$0x1140]  }
0x266: {  	v7 =	vadd.f32 v7, v10;
	v4 =	vmul.f32 v8, v4;
	v60 =	vmax.f32 v31, $0.0e+00;
	v45 =	vld [tilespmem:$0x1150]  }
0x267: {  	v1 =	vadd.f32 v1, v28;
	v28 =	vmul.f32 v60, v61;
	v58 =	vmax.f32 v36, $0.0e+00;
	v36 =	vld [tilespmem:$0x880]  }
0x268: {  	v2 =	vadd.f32 $0.0e+00, v2;
	v61 =	vadd.f32 v49, v55;
	v55 =	vld [tilespmem:$0x10F0]  }
0x269: {  	v4 =	vadd.f32 v4, v7;
	v6 =	vmul.f32 v52, v6;
	v1 =	vadd.f32 v28, v1;
	v28 =	vld [tilespmem:$0x1130]  }
0x26a: {  	v0 =	vadd.f32 v0, v2;
	v31 =	vmax.f32 v63, $0.0e+00;
	v21 =	vmul.f32 v58, v59;
	v58 =	vld [tilespmem:$0x1120]  }
0x26b: {  	v4 =	vadd.f32 v6, v4;
	v23 =	vmul.f32 v31, v57;
	v57 =	vadd.f32 v56, v43;
	v59 =	vld [tilespmem:$0x8B0]  }
0x26c: {  	v16 =	vmax.f32 v16, $0.0e+00;
	v31 =	vadd.f32 v32, v51;
	v32 =	vld [tilespmem:$0x8C0];
	v13 =	vadd.f32 v37, v36  }
0x26d: {  	v43 =	vld [tilespmem:$0x10D0];
	v9 =	vmul.f32 v16, v46;
	v5 =	vadd.f32 v21, v5;
	v1 =	vadd.f32 v23, v1  }
0x26e: {  	v46 =	vld [tilespmem:$0x1FE70];
	v60 =	vmax.f32 v57, $0.0e+00;
	v10 =	vadd.f32 v54, v53;
	v13 =	vmax.f32 v13, $0.0e+00  }
0x26f: {  	v63 =	vmul.f32 v60, v42;
	v42 =	vadd.f32 v33, v25;
	v37 =	vld [tilespmem:$0x10C0];
	v11 =	vmul.f32 v13, v11  }
0x270: {  	v17 =	vmax.f32 v61, $0.0e+00;
	v51 =	vld [tilespmem:$0x1FE90];
	v60 =	vadd.f32 v20, v27;
	v1 =	vadd.f32 v12, v1  }
0x271: {  	v56 =	vld [tilespmem:$0x1FEB0];
	v36 =	vmul.f32 v17, v48;
	v12 =	vmax.f32 v31, $0.0e+00;
	v44 =	vadd.f32 $0.0e+00, v11  }
0x272: {  	[tilespmem:$0x1680] =	vst v39;
	v53 =	vld [tilespmem:$0x8F0];
	v10 =	vmax.f32 v10, $0.0e+00;
	v0 =	vadd.f32 v63, v0;
	v8 =	vadd.f32 v62, v59  }
0x273: {  	[tilespmem:$0x1700] =	vst v30;
	v54 =	vld [tilespmem:$0x1FEA0];
	v40 =	vmul.f32 v12, v34;
	v49 =	vmul.f32 v10, v58;
	v2 =	vadd.f32 v9, v44  }
0x274: {  	[tilespmem:$0x1900] =	vst v4;
	v25 =	vld [tilespmem:$0x1FEE0];
	v12 =	vadd.f32 v43, v41;
	v8 =	vmax.f32 v8, $0.0e+00;
	v17 =	vadd.f32 v37, v32  }
0x275: {  	[tilespmem:$0x1780] =	vst v3;
	v48 =	vld [tilespmem:$0x1FE80];
	v10 =	vadd.f32 v50, v47;
	v7 =	vmul.f32 v8, v28;
	v2 =	vadd.f32 v49, v2  }
0x276: {  	[tilespmem:$0x1800] =	vst v5;
	v58 =	vld [tilespmem:$0x1160];
	v29 =	vmax.f32 v60, $0.0e+00;
	v0 =	vadd.f32 v36, v0;
	v57 =	vmax.f32 v17, $0.0e+00  }
0x277: {  	[tilespmem:$0x1280] =	vst v46;
	v62 =	vld [tilespmem:$0x1170];
	v13 =	vmax.f32 v42, $0.0e+00;
	v61 =	vmul.f32 v57, v38;
	v2 =	vadd.f32 v7, v2  }
0x278: {  	[tilespmem:$0x1380] =	vst v51;
	v59 =	vld [tilespmem:$0x1FEC0];
	v12 =	vmax.f32 v12, $0.0e+00;
	v13 =	vmul.f32 v13, v35;
	v0 =	vadd.f32 v40, v0  }
0x279: {  	[tilespmem:$0x1480] =	vst v56;
	v63 =	vld [tilespmem:$0x1FED0];
	v10 =	vmax.f32 v10, $0.0e+00;
	v27 =	vmul.f32 v12, v45;
	v2 =	vadd.f32 v61, v2  }
0x27a: {  	v46 =	vld [tilespmem:$0x1FF00];
	[tilespmem:$0x1880] =	vst v1;
	v8 =	vadd.f32 v55, v53;
	v11 =	vmul.f32 v29, v26;
	v0 =	vadd.f32 v13, v0  }
0x27b: {  	[tilespmem:$0x1400] =	vst v54;
	v35 =	vmax.f32 v15, $0.0e+00;
	v33 =	vmul.f32 v10, v58;
	v2 =	vadd.f32 v27, v2  }
0x27c: {  	[tilespmem:$0x1300] =	vst v48;
	v48 =	vld [tilespmem:$0x1FF10];
	v8 =	vmax.f32 v8, $0.0e+00;
	v38 =	vmul.f32 v35, v62;
	v0 =	vadd.f32 v11, v0  }
0x27d: {  	[tilespmem:$0x1600] =	vst v25;
	v43 =	vmul.f32 v8, v24;
	v2 =	vadd.f32 v33, v2  }
0x27e: {  	v41 =	vld [tilespmem:$0x1FF20];
	[tilespmem:$0x1500] =	vst v59;
	v0 =	vadd.f32 v38, v0  }
0x27f: {  	[tilespmem:$0x1580] =	vst v63;
	v47 =	vadd.f32 v43, v2  }
0x280: {  	v42 =	vld [tilespmem:$0x1FF30];
	[tilespmem:$0x1980] =	vst v0  }
0x281: {  	v45 =	vld [tilespmem:$0x1FF40];
	[tilespmem:$0x1A00] =	vst v47  }
0x282: {  	v0 =	vld.idx.msk [tilespmem:v46+s17+$0x0], $0xffff  }
0x283: {  	v40 =	vld [tilespmem:$0x1FF50]  }
0x284: {  	v1 =	vld.idx.msk [tilespmem:v48+s17+$0x0], $0xffff  }
0x285: {  	v39 =	vld [tilespmem:$0x1FF60]  }
0x286: {  	v49 =	vld.idx.msk [tilespmem:v41+s17+$0x0], $0xffff  }
0x287: {  	v37 =	vld [tilespmem:$0x1FF70];
	v0 =	vadd.f32 $0.0e+00, v0  }
0x288: {  	v50 =	vld.idx.msk [tilespmem:v42+s17+$0x0], $0xffff  }
0x289: {  	v28 =	vld [tilespmem:$0x1FF80];
	v0 =	vadd.f32 v1, v0  }
0x28a: {  	v51 =	vld.idx.msk [tilespmem:v45+s17+$0x0], $0xffff  }
0x28b: {  	v34 =	vld [tilespmem:$0x1FF90];
	v0 =	vadd.f32 v49, v0  }
0x28c: {  	v52 =	vld.idx.msk [tilespmem:v40+s17+$0x0], $0xffff  }
0x28d: {  	v31 =	vld [tilespmem:$0x1FFA0];
	v0 =	vadd.f32 v50, v0  }
0x28e: {  	v53 =	vld.idx.msk [tilespmem:v39+s17+$0x0], $0xffff  }
0x28f: {  	v36 =	vld [tilespmem:$0x1FFB0];
	v0 =	vadd.f32 v51, v0  }
0x290: {  	v54 =	vld.idx.msk [tilespmem:v37+s17+$0x0], $0xffff  }
0x291: {  	v44 =	vld [tilespmem:$0x1FFC0];
	v0 =	vadd.f32 v52, v0  }
0x292: {  	v55 =	vld.idx.msk [tilespmem:v28+s17+$0x0], $0xffff  }
0x293: {  	v17 =	vld [tilespmem:$0x1FFD0];
	v0 =	vadd.f32 v53, v0  }
0x294: {  	v56 =	vld.idx.msk [tilespmem:v34+s17+$0x0], $0xffff  }
0x295: {  	v32 =	vld [tilespmem:$0x1FFE0];
	v0 =	vadd.f32 v54, v0  }
0x296: {  	v57 =	vld.idx.msk [tilespmem:v31+s17+$0x0], $0xffff  }
0x297: {  	v19 =	vld [tilespmem:$0x1FFF0];
	v0 =	vadd.f32 v55, v0  }
0x298: {  	v58 =	vld.idx.msk [tilespmem:v36+s17+$0x0], $0xffff  }
0x299: {  	v0 =	vadd.f32 v56, v0  }
0x29a: {  	v59 =	vld.idx.msk [tilespmem:v44+s17+$0x0], $0xffff  }
0x29b: {  	v0 =	vadd.f32 v57, v0  }
0x29c: {  	v60 =	vld.idx.msk [tilespmem:v17+s17+$0x0], $0xffff  }
0x29d: {  	v0 =	vadd.f32 v58, v0  }
0x29e: {  	v61 =	vld.idx.msk [tilespmem:v32+s17+$0x0], $0xffff  }
0x29f: {  	v0 =	vadd.f32 v59, v0  }
0x2a0: {  	v62 =	vld.idx.msk [tilespmem:v19+s17+$0x0], $0xffff  }
0x2a1: {  	v0 =	vadd.f32 v60, v0  }
0x2a2: {  	v63 =	vld [tilespmem:$0x1FEF0]  }
0x2a3: {  	v0 =	vadd.f32 v61, v0;
	_ =	sdelay $0x1  }
0x2a4: {  	v0 =	vadd.f32 v62, v0;
	_ =	sdelay $0x1  }
0x2a5: {  	v0 =	vadd.f32 v0, v63  }
0x2a6: {  	p0 =	sne.s32 s20, $0x30C  }
.Ltmp0:
0x2a7: {  	s31 =	sadd.s32 s20, s7;
	[tilespmem:$0x1200] =	vst v0;
	(pc) =	sbr.rel @p0 .LBB2_2-.Ltmp0, $4  }
0x2a8: {  	[hbm4b:s31+s2] =	stream.linear.scatter [tilespmem:s18], [sflag:$0x2], $0x10, $0x38;
	[tilespmem:$0x1A80] =	vst v63  }
0x2a9: {  	_ =	swait.ge [sflag:s11], $0x10  }
0x2aa: {  	[sflag:s11] =	ssyncset.done $0x0  }
0x2ab: {  	s20 =	sadd.s32 $0x2, s20;
	[sflag:s11] =	ssyncadd.s32 $0xFFFFFFF0  }
0x2ac: {  	s19 =	sadd.s32 $0x1, s19  }
0x2ad: {  	p0 =	sne.s32 s19, s6  }
.Ltmp1:
0x2ae: {  	_ = 	snop;
	(pc) =	sbr.rel @p0 .LBB2_1-.Ltmp1, $1  }
0x2af: {  	_ =	sdelay $0x3  }
0x2b0: {  	_ =	sfence.sel $0x180000  }
0x2b1: {  	[bflag:$0x0] =	sbarrier.arrive $0xFFFF  }
0x2b2: {  	p0 =	sne.s32 s0, $0x0;
	_ =	strace $0x9000004D  }
0x2b3: {  	s0 =	sadd.s32 @!p0 $0x100000, s1;
	[bflag:$0x2] =	sbarrier.arrive $0xFFFF  }
0x2b4: {  	[sflag:s0] =	ssyncadd.tile.s32 @!p0 $0x1;
	_ =	shalt  }
.Lfunc_end2:
_tile_overlayer_lowered:
.L_overlay_start_2:
0x2b5: {  	(tag) =	ssettag $0x2  }
0x2b6: {  	s0 =	rddreg [dreg:$0x0];
	s2 =	stileid.u32  }
0x2b7: {  	s1 =	rddreg [dreg:$0x1];
	p0 =	sne.s32 s2, $0x0  }
0x2b8: {  	s3 =	rddreg [dreg:$0x2];
	[bflag:$0x3] =	sbarrier.arrive $0xFFFF;
	s2 =	simm.s32 @!p0 $0x1C02  }
0x2b9: {  	[timem:s3], [sflag:s2] =	dma.local @!p0 [hbm:s0], s1  }
0x2ba: {  	s0 =	simm.s32 @!p0 $0x2  }
0x2bb: {  	_ =	swait.ge @!p0 [sflag:s0], s1  }
0x2bc: {  	s1 =	ssub.s32 @!p0 $0x0, s1;
	[sflag:s0] =	ssyncset.done @!p0 $0x0  }
0x2bd: {  	[sflag:s0] =	ssyncadd.s32 @!p0 s1  }
0x2be: {  	[bflag:$0x3] =	sbarrier.arrive $0xFFFF  }
0x2bf: {  	_ =	shalt  }

// kernel: kernel.7.cloned.1.call-start
scs
__scs_entry_jumppad:
0x0: {  	(pc) =	sbr.rel $0x88, $3  }
0x1: {  	(tag) =	ssettag $0x0;
	lr =	simm.s32 $0x1  }
0x2: {  	[smem:$0x3F93] =	sst lr;
	_ =	strace $0xD0000000  }
0x3: {  	_ = 	snop  }
0x4: {  	_ = 	snop  }
0x5: {  	_ = 	snop  }
0x6: {  	_ = 	snop  }
0x7: {  	_ = 	snop  }
__scs_overlays_trampoline_lowered:
0x8: {  	[smem:$0x3FA2] =	sst s0  }
0x9: {  	[smem:$0x3FA3] =	sst s1  }
0xa: {  	[smem:$0x3FA4] =	sst s2  }
0xb: {  	[smem:$0x3FA5] =	sst s3  }
0xc: {  	[smem:$0x3FA6] =	sst s4  }
0xd: {  	[smem:$0x3FA7] =	sst s5  }
0xe: {  	[smem:$0x3FA8] =	sst s6  }
0xf: {  	[smem:$0x3FA9] =	sst s7  }
0x10: {  	[smem:$0x3FAA] =	sst s8  }
0x11: {  	[smem:$0x3FAB] =	sst s9;
	s0 =	simm.s32 @!p0 $0x0  }
0x12: {  	s1 =	sld [smem:$0x3F91];
	s0 =	simm.s32 @p0 $0x1  }
0x13: {  	[smem:$0x3FAC] =	sst s0;
	s0 =	simm.s32 @!p1 $0x0  }
0x14: {  	s2 =	sld [smem:$0x3F90];
	s0 =	simm.s32 @p1 $0x1  }
0x15: {  	[smem:$0x3FAD] =	sst s0;
	s0 =	simm.s32 @!p2 $0x0  }
0x16: {  	s3 =	sld [smem:$0x3FDB];
	s0 =	simm.s32 @p2 $0x1  }
0x17: {  	s4 =	simm.s32 $0x1BF5;
	[smem:$0x3FAF] =	sst s0  }
0x18: {  	s0 =	sld [smem:$0x3F92];
	_ =	swait.ge [sflag:s4], $0x0  }
0x19: {  	s7 =	sld [smem:$0x3F93]  }
0x1a: {  	s8 =	sadd.s32 $0xFFFFE003, lr  }
0x1b: {  	s9 =	sadd.s32 $0xFFFFFEF7, lr;
	s5 =	simm.s32 $0xFFFFFFFF;
	p2 =	slt.u32 s8, $0xFFFFF086  }
0x1c: {  	p1 =	slt.u32 s9, $0xF7A;
	s5 =	simm.s32 @!p2 $0x0  }
0x1d: {  	s5 =	simm.s32 @p1 $0x1;
	p0 =	seq.s32 s7, s2  }
0x1e: {  	s7 =	smul.u32 @!p0 $0xF7A, s2;
	p2 =	seq.s32 @!p0 s5, $0x0  }
0x1f: {  	s9 =	smul.u32 $0xF7A, s1;
	s8 =	simm.s32 @!p0 $0x1BF5;
	p2 =	por !p2, p0  }
0x20: {  	[sflag:s8] =	ssyncset.s32 @!p0 $0xFFFFF086;
	s6 =	sadd.s32 @!p0 s3, s7;
	s7 =	simm.s32 @!p0 $0x108  }
0x21: {  	s3 =	sadd.s32 s3, s9;
	s6 =	sadd.s32 @!p0 $0x88, s6;
	s7 =	simm.s32 @p2 $0x1082  }
0x22: {  	[simem:s7], [sflag:s8] =	dma.local @!p0 [hbm:s6], $0xF7A  }
0x23: {  	s9 =	sor.u32 $0xD0000000, s2;
	s6 =	simm.s32 $0x108;
	_ =	swait.ge @!p0 [sflag:s8], $0x0  }
0x24: {  	s3 =	sadd.s32 $0x88, s3;
	s6 =	simm.s32 @!p1 $0x1082;
	[sflag:s4] =	ssyncset.s32 $0xFFFFF086  }
0x25: {  	[simem:s6], [sflag:s4] =	dma.local [hbm:s3], $0xF7A  }
0x26: {  	[smem:$0x3F93] =	sst s1;
	(tag) =	ssettag s2;
	_ =	strace s9  }
0x27: {  	s1 =	sld [smem:$0x3FA3]  }
0x28: {  	s2 =	sld [smem:$0x3FA4]  }
0x29: {  	s4 =	sld [smem:$0x3FA6]  }
0x2a: {  	p0 =	seq.s32 s5, $0x0;
	s5 =	sld [smem:$0x3FA7]  }
0x2b: {  	s6 =	sld [smem:$0x3FA8]  }
0x2c: {  	s7 =	sld [smem:$0x3FA9]  }
0x2d: {  	s3 =	simm.s32 $0x108;
	s8 =	sld [smem:$0x3FAA]  }
0x2e: {  	s3 =	simm.s32 @!p0 $0x1082;
	s9 =	sld [smem:$0x3FAB]  }
0x2f: {  	lr =	sadd.s32 s0, s3;
	s0 =	sld [smem:$0x3FA2]  }
0x30: {  	s3 =	sld [smem:$0x3FA5]  }
0x31: {  	[smem:$0x3FAE] =	sst s10  }
0x32: {  	s10 =	sld [smem:$0x3FAC];
	_ =	sdelay $0x3  }
0x33: {  	p0 =	seq.s32 s10, $0x1;
	s10 =	sld [smem:$0x3FAE];
	_ =	sdelay $0x3  }
0x34: {  	[smem:$0x3FAE] =	sst s10  }
0x35: {  	s10 =	sld [smem:$0x3FAD];
	_ =	sdelay $0x3  }
0x36: {  	p1 =	seq.s32 s10, $0x1;
	s10 =	sld [smem:$0x3FAE];
	_ =	sdelay $0x3  }
0x37: {  	[smem:$0x3FAE] =	sst s10  }
0x38: {  	s10 =	sld [smem:$0x3FAF]  }
0x39: {  	_ = 	snop;
	(pc) =	sbr.ind lr, $3  }
0x3a: {  	_ = 	snop  }
0x3b: {  	_ = 	snop  }
0x3c: {  	p2 =	seq.s32 s10, $0x1;
	s10 =	sld [smem:$0x3FAE]  }
0x3d: {  	_ =	shalt  }
0x3e: {  	_ =	shalt  }
0x3f: {  	_ =	shalt  }
0x40: {  	_ =	shalt  }
0x41: {  	_ =	shalt  }
0x42: {  	_ =	shalt  }
0x43: {  	_ =	shalt  }
0x44: {  	_ =	shalt  }
0x45: {  	_ =	shalt  }
0x46: {  	_ =	shalt  }
0x47: {  	_ =	shalt  }
0x48: {  	_ =	shalt  }
0x49: {  	_ =	shalt  }
0x4a: {  	_ =	shalt  }
0x4b: {  	_ =	shalt  }
0x4c: {  	_ =	shalt  }
0x4d: {  	_ =	shalt  }
0x4e: {  	_ =	shalt  }
0x4f: {  	_ =	shalt  }
0x50: {  	_ =	shalt  }
0x51: {  	_ =	shalt  }
0x52: {  	_ =	shalt  }
0x53: {  	_ =	shalt  }
0x54: {  	_ =	shalt  }
0x55: {  	_ =	shalt  }
0x56: {  	_ =	shalt  }
0x57: {  	_ =	shalt  }
0x58: {  	_ =	shalt  }
0x59: {  	_ =	shalt  }
0x5a: {  	_ =	shalt  }
0x5b: {  	_ =	shalt  }
0x5c: {  	_ =	shalt  }
0x5d: {  	_ =	shalt  }
0x5e: {  	_ =	shalt  }
0x5f: {  	_ =	shalt  }
0x60: {  	_ =	shalt  }
0x61: {  	_ =	shalt  }
0x62: {  	_ =	shalt  }
0x63: {  	_ =	shalt  }
0x64: {  	_ =	shalt  }
0x65: {  	_ =	shalt  }
0x66: {  	_ =	shalt  }
0x67: {  	_ =	shalt  }
0x68: {  	_ =	shalt  }
0x69: {  	_ =	shalt  }
0x6a: {  	_ =	shalt  }
0x6b: {  	_ =	shalt  }
0x6c: {  	_ =	shalt  }
0x6d: {  	_ =	shalt  }
0x6e: {  	_ =	shalt  }
0x6f: {  	_ =	shalt  }
0x70: {  	_ =	shalt  }
0x71: {  	_ =	shalt  }
0x72: {  	_ =	shalt  }
0x73: {  	_ =	shalt  }
0x74: {  	_ =	shalt  }
0x75: {  	_ =	shalt  }
0x76: {  	_ =	shalt  }
0x77: {  	_ =	shalt  }
0x78: {  	_ =	shalt  }
0x79: {  	_ =	shalt  }
0x7a: {  	_ =	shalt  }
0x7b: {  	_ =	shalt  }
0x7c: {  	_ =	shalt  }
0x7d: {  	_ =	shalt  }
0x7e: {  	_ =	shalt  }
0x7f: {  	_ =	shalt  }
0x80: {  	_ =	shalt  }
0x81: {  	_ =	shalt  }
0x82: {  	_ =	shalt  }
0x83: {  	_ =	shalt  }
0x84: {  	_ =	shalt  }
0x85: {  	_ =	shalt  }
0x86: {  	_ =	shalt  }
0x87: {  	_ =	shalt  }
.Lfunc_end0:
.L_simem_size_0:
called_computation_lowered:
.L_overlay_start_0:
0x88: {  	s2 =	sld [smem:$0x3FD9]  }
0x89: {  	s3 =	sld [smem:$0x3FFE];
	_ =	sdelay $0x1  }
0x8a: {  	s1 =	srdreg.scid  }
0x8b: {  	s0 =	sand.u32 $0x1, s1  }
0x8c: {  	s14 =	sshll.u32 s0, $0xA;
	s2 =	sadd.s32 s3, s2  }
0x8d: {  	s2 =	sadd.s32 s2, s14  }
0x8e: {  	[smem:$0x3FBA] =	sst s2  }
0x8f: {  	_ = 	snop  }
0x90: {  	s2 =	sld [smem:$0x3FD0];
	_ =	sdelay $0x2  }
0x91: {  	s4 =	simm.s32 $0xA;
	s5 =	simm.s32 $0x10;
	s15 =	sld [smem:$0x3FC9]  }
0x92: {  	[smem:s5], [sflag:s4] =	dma.local [hbm:s2], $0x1  }
0x93: {  	_ =	swait.eq [sflag:s4], $0x1  }
0x94: {  	[sflag:s4] =	ssyncset.done $0x0  }
0x95: {  	s16 =	sld [smem:$0x10];
	[sflag:s4] =	ssyncadd.s32 $0xFFFFFFFF  }
0x96: {  	s17 =	sld [smem:$0x11];
	(tm) =	ssettm $0x1  }
0x97: {  	s18 =	sld [smem:$0x3FFB];
	_ =	sdelay $0x3  }
0x98: {  	_ =	strace s18  }
0x99: {  	s5 =	sld [smem:$0x3FFC];
	_ =	sdelay $0x3  }
0x9a: {  	_ =	strace s5  }
0x9b: {  	s5 =	sld [smem:$0x3FFD];
	_ =	sdelay $0x3  }
0x9c: {  	_ =	strace s5  }
0x9d: {  	_ =	strace $0x8FFFFFFF  }
0x9e: {  	s19 =	sld [smem:$0x3FDB];
	_ =	sdelay $0x1  }
0x9f: {  	s6 =	simm.s32 $_scs_section_size  }
0xa0: {  	s7 =	simm.s32 $_size__tile_overlayer_lowered;
	s8 =	simm.s32 $_tile_overlayer_lowered  }
0xa1: {  	s22 =	simm.s32 $0x1BFF;
	s21 =	sshll.u32 s8, $0x1;
	s5 =	sadd.s32 s6, s19  }
0xa2: {  	s9 =	simm.s32 $0x0;
	s20 =	sshll.u32 s7, $0x1;
	s7 =	sadd.s32 s21, s5  }
0xa3: {  	[timem:s9], [sflag:s22] =	dma.local [hbm:s7], s20  }
0xa4: {  	_ =	swait.ge [sflag:s22], s20  }
0xa5: {  	s6 =	ssub.s32 $0x0, s20;
	[sflag:s22] =	ssyncset.done $0x0  }
0xa6: {  	[sflag:s22] =	ssyncadd.s32 s6;
	_ =	sdelay $0x1  }
0xa7: {  	s23 =	simm.s32 $0x1B8B  }
0xa8: {  	_ =	swait.ge [sflag:s23], $0x1  }
0xa9: {  	[sflag:s23] =	ssyncset.done $0x0  }
0xaa: {  	s25 =	simm.s32 $0x1B8E;
	s24 =	sld [smem:$0x3FFE];
	[sflag:s23] =	ssyncadd.s32 $0xFFFFFFFF  }
0xab: {  	s26 =	simm.s32 $execute0_lowered;
	[smem:$0x3FD2] =	sst s25  }
0xac: {  	s7 =	sshll.u32 s26, $0x1;
	_ =	strace $0x80000046;
	[dreg:$0x1] =	wrdreg $0xFFFFFFFF  }
0xad: {  	s28 =	simm.s32 $_size_execute0_lowered;
	s5 =	sadd.s32 s5, s7;
	[dreg:$0x0] =	wrdreg $0x0  }
0xae: {  	s7 =	sshll.u32 s28, $0x1;
	[dreg:$0x2] =	wrdreg s5  }
0xaf: {  	[dreg:$0x3] =	wrdreg s7  }
0xb0: {  	[dreg:$0x4] =	wrdreg $0xC0  }
0xb1: {  	_ =	task [dreg:s9], $0x5FFFF  }
0xb2: {  	[dreg:$0x1] =	wrdreg $0xFFFFFFFF  }
0xb3: {  	[dreg:$0x0] =	wrdreg $0x60  }
0xb4: {  	[dreg:$0x2] =	wrdreg s15  }
0xb5: {  	[dreg:$0x3] =	wrdreg s24  }
0xb6: {  	[dreg:$0x4] =	wrdreg s17  }
0xb7: {  	[dreg:$0x5] =	wrdreg s16  }
0xb8: {  	[dreg:$0x6] =	wrdreg $0x29800  }
0xb9: {  	[dreg:$0x7] =	wrdreg $0x162000  }
0xba: {  	[dreg:$0x8] =	wrdreg $0x9  }
0xbb: {  	_ =	task.clear_ibuf [dreg:s9], $0x9FFFF;
	_ =	strace $0x90000046  }
0xbc: {  	s29 =	simm.s32 $0x9;
	_ =	strace $0x80000048  }
0xbd: {  	_ =	swait.ge [sflag:s29], $0x1  }
0xbe: {  	[sflag:s29] =	ssyncadd.s32 $0xFFFFFFFF  }
0xbf: {  	_ =	strace $0x90000048  }
0xc0: {  	_ =	sfence  }
0xc1: {  	s30 =	sld [smem:$0x0];
	_ =	sdelay $0x2  }
0xc2: {  	s31 =	sshll.u32 s1, $0xD;
	s1 =	sshrl.u32 s1, $0x2  }
0xc3: {  	s3 =	sand.u32 $0x4000, s31;
	s1 =	sadd.s32 s1, s30  }
0xc4: {  	s0 =	sor.u32 s3, s0;
	s1 =	sshll.u32 s1, $0x11  }
0xc5: {  	s0 =	sor.u32 s1, s0  }
0xc6: {  	s0 =	sadd.s32 $0x8F2B, s0  }
0xc7: {  	[sflag:s0] =	ssyncadd.remote.s32 $0x1  }
0xc8: {  	_ =	sfence.sel $0xFFFF  }
0xc9: {  	[dreg:$0x0] =	wrdreg $0xFFFFFFFF;
	(pc) =	sbr.abs _section_cstart, $3  }
0xca: {  	[dreg:$0x1] =	wrdreg $0xFFFFFFFF  }
0xcb: {  	_ =	task.clear_ibuf [dreg:s9], $0x2FFFF;
	_ =	strace $0x9FFFFFFF  }
0xcc: {  	(tm) =	ssettm $0x7FFFFFFF  }
0xcd: {  	_ =	shalt  }
tec
execute0_lowered:
.L_overlay_start_1:
0x0: {  	(tag) =	ssettag $0x1  }
0x1: {  	s0 =	rddreg [dreg:$0x0]  }
0x2: {  	s8 =	rddreg [dreg:$0x1]  }
0x3: {  	s2 =	rddreg [dreg:$0x2]  }
0x4: {  	s9 =	rddreg [dreg:$0x3]  }
0x5: {  	s3 =	srdreg.scid;
	s4 =	rddreg [dreg:$0x4]  }
0x6: {  	s1 =	stileid.u32;
	s5 =	rddreg [dreg:$0x5];
	s6 =	simm.s32 $0x0  }
0x7: {  	s16 =	simm.s32 $0x2;
	s17 =	simm.s32 $0x50;
	s18 =	simm.s32 $0x100  }
0x8: {  	s19 =	simm.s32 $0x1;
	s20 =	simm.s32 $0x80;
	s7 =	smul.u32 $0x4E20, s1  }
0x9: {  	s21 =	simm.s32 $0x2900;
	s22 =	simm.s32 $0x0;
	s26 =	smul.u32 $0x1F400, s1  }
0xa: {  	s10 =	sand.u32 $0x1, s3;
	s3 =	rddreg [dreg:$0x6];
	s14 =	smul.u32 $0x7D000, s1  }
0xb: {  	[smem:$0x7FF] =	sst s6;
	p0 =	sgt.u32 s1, $0x9;
	s11 =	smul.u32 $0x2710, s10  }
0xc: {  	s12 =	smul.u32 $0x138800, s10;
	_ =	strace $0x80000047;
	s29 =	ssub.s32 $0x2, s10  }
0xd: {  	s10 =	sshll.u32 s10, $0x4;
	p2 =	sne.s32 @!p0 s1, $0x0;
	s30 =	sshrl.u32 s29, $0x1  }
0xe: {  	s31 =	sshrl.u32 s14, $0x2;
	s9 =	sadd.s32 s9, s10;
	s7 =	sadd.s32 s11, s7  }
0xf: {  	p1 =	por p2, p0;
	s28 =	sadd.s32 s26, s12;
	s7 =	sshrl.u32 s7, $0x3  }
0x10: {  	p2 =	por !p2, p0;
	s11 =	sshrl.u32 s28, $0x3;
	s13 =	sadd.s32 s7, s8  }
0x11: {  	s7 =	sadd.s32 $0x15E00, s8;
	s8 =	sadd.s32 s11, s8;
	s11 =	ssub.s32 s29, s30  }
0x12: {  	s14 =	sadd.s32 s31, s4;
	s15 =	sshrl.u32 @!p1 s5, $0x3;
	s10 =	smax.u32 s11, $0x1  }
0x13: {  	s11 =	sadd.s32 $0x2200, s13;
	s12 =	sadd.s32 $0xC000, s13;
	s13 =	sshll.u32 @!p0 s1, $0x6  }
0x14: {  	v0 =	vimm.f32 $1.000000000e+00;
	s14 =	sshrl.u32 @!p0 s14, $0x3;
	s8 =	sadd.s32 $0x19E00, s8;
	s13 =	sor.u32 @!p0 $0x1C02, s13  }
.LBB2_1:
0x15: {  	[tilespmem:$0x2900] =	vst v0  }
0x16: {  	[tilespmem:$0x2910] =	vst v0  }
0x17: {  	[tilespmem:$0x2920] =	vst v0  }
0x18: {  	[tilespmem:$0x2930] =	vst v0  }
0x19: {  	[tilespmem:$0x2940] =	vst v0;
	s23 =	simm.s32 @!p0 $0x2  }
0x1a: {  	[spmem:s14], [sflag:s13] =	dma.local @!p0 [hbm:s7], $0x3E80  }
0x1b: {  	_ =	swait.ge @!p0 [sflag:s23], $0x3E80  }
0x1c: {  	[sflag:s23] =	ssyncset.done @!p0 $0x0  }
0x1d: {  	[sflag:s23] =	ssyncadd.s32 @!p0 $0xFFFFC180;
	s23 =	simm.s32 @!p1 $0x1C02  }
0x1e: {  	[spmem:s15], [sflag:s23] =	dma.local @!p1 [hbm:s2], $0x4F0  }
0x1f: {  	s23 =	simm.s32 @!p1 $0x2  }
0x20: {  	_ =	swait.ge @!p1 [sflag:s23], $0x4F0  }
0x21: {  	[sflag:s23] =	ssyncset.done @!p1 $0x0  }
0x22: {  	[sflag:s23] =	ssyncadd.s32 @!p1 $0xFFFFFB10  }
0x23: {  	s30 =	sadd.s32 $0x0, s12;
	[bflag:$0x0] =	sbarrier.arrive $0xFFFF  }
0x24: {  	[tilespmem:s6], [sflag:$0x2] =	stream.linear.gather [hbm4b:s30+s6], $0x50, $0x38;
	[tilespmem:$0x16478] =	vst v63  }
0x25: {  	_ =	swait.ge [sflag:s16], $0x50  }
0x26: {  	[sflag:s16] =	ssyncset.done $0x0  }
0x27: {  	[sflag:s16] =	ssyncadd.s32 $0xFFFFFFB0  }
0x28: {  	[tilespmem:s18], [sflag:$0x1] =	stream.indirect.gather [hbm4b:s0+s17], $0x80, s6, s17, $0xb8;
	[tilespmem:$0x16478] =	vst v63  }
0x29: {  	_ =	swait.ge [sflag:s19], $0x2800  }
0x2a: {  	[sflag:s19] =	ssyncset.done $0x0  }
0x2b: {  	s31 =	sadd.s32 $0x0, s11;
	[sflag:s19] =	ssyncadd.s32 $0xFFFFD800  }
0x2c: {  	[tilespmem:s20], [sflag:$0x2] =	stream.linear.gather [hbm4b:s31+s6], $0x50, $0x38;
	[tilespmem:$0x16478] =	vst v63  }
0x2d: {  	_ =	swait.ge [sflag:s16], $0x50  }
0x2e: {  	[sflag:s16] =	ssyncset.done $0x0  }
0x2f: {  	[sflag:s16] =	ssyncadd.s32 $0xFFFFFFB0  }
0x30: {  	[spmem:s4] =	stream.indirect.scatter.add.f32 [tilespmem:s18], [sflag:$0x2], $0x80, s20, s17, $0xb8;
	[tilespmem:$0x16478] =	vst v63  }
0x31: {  	_ =	swait.ge [sflag:s16], $0x2800  }
0x32: {  	p3 =	por @!p0 $0x0, $0x0;
	[sflag:s16] =	ssyncset.done $0x0  }
0x33: {  	p4 =	por @!p1 $0x1, $0x1;
	s24 =	simm.s32 $0x14;
	[sflag:s16] =	ssyncadd.s32 $0xFFFFD800  }
0x34: {  	[spmem:s5] =	stream.indirect.scatter.add.f32 [tilespmem:s21], [sflag:$0x2], $0x1, s20, s17, $0xb8;
	[tilespmem:$0x16478] =	vst v63  }
0x35: {  	p4 =	por @!p2 p3, p3;
	p3 =	por $0x0, $0x0;
	_ =	swait.ge [sflag:s16], $0x50  }
0x36: {  	p3 =	por @!p0 p4, p4;
	s23 =	simm.s32 $0xA;
	[sflag:s16] =	ssyncset.done $0x0  }
.LBB2_2:
0x37: {  	s25 =	sadd.s32 s23, s12  }
0x38: {  	[sflag:s16] =	ssyncadd.s32 $0xFFFFFFB0;
	s26 =	smov.u32 s24;
	s28 =	sadd.s32 $0xA, s24  }
0x39: {  	[tilespmem:s6], [sflag:$0x2] =	stream.linear.gather [hbm4b:s25+s6], $0x50, $0x38;
	[tilespmem:$0x16478] =	vst v63  }
0x3a: {  	p4 =	sne.s32 s24, $0x4D8;
	_ =	swait.ge [sflag:s16], $0x50  }
0x3b: {  	[sflag:s16] =	ssyncset.done $0x0  }
0x3c: {  	[sflag:s16] =	ssyncadd.s32 $0xFFFFFFB0  }
0x3d: {  	[tilespmem:s18], [sflag:$0x1] =	stream.indirect.gather [hbm4b:s0+s17], $0x80, s6, s17, $0xb8;
	[tilespmem:$0x16478] =	vst v63  }
0x3e: {  	_ =	swait.ge [sflag:s19], $0x2800  }
0x3f: {  	[sflag:s19] =	ssyncset.done $0x0  }
0x40: {  	s24 =	sadd.s32 s23, s11;
	s23 =	smov.u32 s26;
	[sflag:s19] =	ssyncadd.s32 $0xFFFFD800  }
0x41: {  	[tilespmem:s20], [sflag:$0x2] =	stream.linear.gather [hbm4b:s24+s6], $0x50, $0x38;
	[tilespmem:$0x16478] =	vst v63  }
0x42: {  	_ =	swait.ge [sflag:s16], $0x50  }
0x43: {  	[sflag:s16] =	ssyncset.done $0x0  }
0x44: {  	[sflag:s16] =	ssyncadd.s32 $0xFFFFFFB0  }
0x45: {  	[spmem:s4] =	stream.indirect.scatter.add.f32 [tilespmem:s18], [sflag:$0x2], $0x80, s20, s17, $0xb8;
	[tilespmem:$0x16478] =	vst v63  }
0x46: {  	_ =	swait.ge [sflag:s16], $0x2800  }
.Ltmp0:
0x47: {  	[sflag:s16] =	ssyncset.done $0x0;
	(pc) =	sbr.rel @p4 .LBB2_2-.Ltmp0, $4  }
0x48: {  	[sflag:s16] =	ssyncadd.s32 $0xFFFFD800  }
0x49: {  	[spmem:s5] =	stream.indirect.scatter.add.f32 [tilespmem:s21], [sflag:$0x2], $0x1, s20, s17, $0xb8;
	[tilespmem:$0x16478] =	vst v63  }
0x4a: {  	_ =	swait.ge [sflag:s16], $0x50  }
0x4b: {  	s24 =	smov.u32 s28;
	[sflag:s16] =	ssyncset.done $0x0  }
0x4c: {  	s24 =	sadd.s32 s23, s12;
	[sflag:s16] =	ssyncadd.s32 $0xFFFFFFB0  }
0x4d: {  	[tilespmem:s6], [sflag:$0x2] =	stream.linear.gather [hbm4b:s24+s6], $0x50, $0x38;
	[tilespmem:$0x16478] =	vst v63  }
0x4e: {  	_ =	swait.ge [sflag:s16], $0x50  }
0x4f: {  	[sflag:s16] =	ssyncset.done $0x0  }
0x50: {  	[sflag:s16] =	ssyncadd.s32 $0xFFFFFFB0  }
0x51: {  	[tilespmem:s18], [sflag:$0x1] =	stream.indirect.gather [hbm4b:s0+s17], $0x80, s6, s17, $0xb8;
	[tilespmem:$0x16478] =	vst v63  }
0x52: {  	_ =	swait.ge [sflag:s19], $0x2800  }
0x53: {  	[sflag:s19] =	ssyncset.done $0x0  }
0x54: {  	s31 =	sadd.s32 s23, s11;
	[sflag:s19] =	ssyncadd.s32 $0xFFFFD800  }
0x55: {  	[tilespmem:s20], [sflag:$0x2] =	stream.linear.gather [hbm4b:s31+s6], $0x50, $0x38;
	[tilespmem:$0x16478] =	vst v63  }
0x56: {  	_ =	swait.ge [sflag:s16], $0x50  }
0x57: {  	[sflag:s16] =	ssyncset.done $0x0  }
0x58: {  	[sflag:s16] =	ssyncadd.s32 $0xFFFFFFB0  }
0x59: {  	[spmem:s4] =	stream.indirect.scatter.add.f32 [tilespmem:s18], [sflag:$0x2], $0x80, s20, s17, $0xb8;
	[tilespmem:$0x16478] =	vst v63  }
0x5a: {  	_ =	swait.ge [sflag:s16], $0x2800  }
0x5b: {  	[sflag:s16] =	ssyncset.done $0x0  }
0x5c: {  	[sflag:s16] =	ssyncadd.s32 $0xFFFFD800  }
0x5d: {  	[spmem:s5] =	stream.indirect.scatter.add.f32 [tilespmem:s21], [sflag:$0x2], $0x1, s20, s17, $0xb8;
	[tilespmem:$0x16478] =	vst v63  }
0x5e: {  	_ =	swait.ge [sflag:s16], $0x50  }
0x5f: {  	[sflag:s16] =	ssyncset.done $0x0  }
0x60: {  	s23 =	simm.s32 @!p0 $0x2;
	[sflag:s16] =	ssyncadd.s32 $0xFFFFFFB0  }
0x61: {  	s25 =	simm.s32 @p3 $0x1;
	s26 =	simm.s32 @p3 $0x20;
	[bflag:$0x0] =	sbarrier.arrive $0xFFFF  }
0x62: {  	[hbm:s8], [sflag:s13] =	dma.local @!p0 [spmem:s14], $0x3E80  }
0x63: {  	s28 =	simm.s32 @p3 $0x10;
	s22 =	sadd.s32 $0x1, s22;
	_ =	swait.ge @!p0 [sflag:s23], $0x3E80  }
0x64: {  	s24 =	sshll.u32 @p3 s1, $0x6;
	p4 =	sne.s32 s22, s10;
	[sflag:s23] =	ssyncset.done @!p0 $0x0  }
0x65: {  	[sflag:s23] =	ssyncadd.s32 @!p0 $0xFFFFC180;
	s23 =	sor.u32 @p3 $0x1C02, s24;
	s24 =	sshrl.u32 @p3 s5, $0x3  }
0x66: {  	[hbm:s9@s26], [sflag:s23] =	dma.strided @p3 [spmem:s24@s28], $0x4F0, s25, $0x10   }
.Ltmp1:
0x67: {  	_ = 	snop;
	(pc) =	sbr.rel @p4 .LBB2_1-.Ltmp1, $4  }
0x68: {  	s23 =	simm.s32 @p3 $0x2  }
0x69: {  	_ =	swait.ge @p3 [sflag:s23], $0x4F0  }
0x6a: {  	[sflag:s23] =	ssyncset.done @p3 $0x0  }
0x6b: {  	[sflag:s23] =	ssyncadd.s32 @p3 $0xFFFFFB10  }
0x6c: {  	_ =	sfence.sel $0x180000  }
0x6d: {  	[bflag:$0x0] =	sbarrier.arrive $0xFFFF  }
0x6e: {  	p0 =	sne.s32 s1, $0x0;
	_ =	strace $0x90000047  }
0x6f: {  	s0 =	sadd.s32 @!p0 $0x100000, s3;
	[bflag:$0x2] =	sbarrier.arrive $0xFFFF  }
0x70: {  	[sflag:s0] =	ssyncadd.tile.s32 @!p0 $0x1;
	_ =	shalt  }
.Lfunc_end2:
_tile_overlayer_lowered:
.L_overlay_start_2:
0x71: {  	(tag) =	ssettag $0x2  }
0x72: {  	s0 =	rddreg [dreg:$0x0];
	s2 =	stileid.u32  }
0x73: {  	s1 =	rddreg [dreg:$0x1];
	p0 =	sne.s32 s2, $0x0  }
0x74: {  	s3 =	rddreg [dreg:$0x2];
	[bflag:$0x3] =	sbarrier.arrive $0xFFFF;
	s2 =	simm.s32 @!p0 $0x1C02  }
0x75: {  	[timem:s3], [sflag:s2] =	dma.local @!p0 [hbm:s0], s1  }
0x76: {  	s0 =	simm.s32 @!p0 $0x2  }
0x77: {  	_ =	swait.ge @!p0 [sflag:s0], s1  }
0x78: {  	s1 =	ssub.s32 @!p0 $0x0, s1;
	[sflag:s0] =	ssyncset.done @!p0 $0x0  }
0x79: {  	[sflag:s0] =	ssyncadd.s32 @!p0 s1  }
0x7a: {  	[bflag:$0x3] =	sbarrier.arrive $0xFFFF  }
0x7b: {  	_ =	shalt  }

</sc_bundles>
